<compile_context>
chip_gen: v7x
topology: tpu7x:2x2x1
jax: 0.10.2.dev20260603
libtpu: 0.0.44.dev20260713+nightly
codegen_flags: <defaults>
</compile_context>

<pallas_src>
import functools

import jax
import jax.numpy as jnp
from jax import lax
from jax.experimental import pallas as pl
from jax.experimental.pallas import tpu as pltpu
from jax.experimental.pallas import tpu_sc as plsc

_N = 10000
_NP = 10240
_E = 320000
_NC, _NS = 2, 16
_NW = _NC * _NS
_EPW = 10240
_EPAD = _NW * _EPW
_SCE = 256
_NSC = _EPW // _SCE
_NG = _SCE // 16
_NEG = -1e30


def _edge_kernel_factory(c2, c):
    nwords = _NP * c

    @functools.partial(
        pl.kernel,
        mesh=plsc.VectorSubcoreMesh(
            core_axis_name="c", subcore_axis_name="s",
            num_cores=_NC, num_subcores=_NS),
        out_type=jax.ShapeDtypeStruct((_NW, _NP * c), jnp.float32),
        compiler_params=pltpu.CompilerParams(needs_layout_passes=False),
        scratch_types=(
            [pltpu.VMEM((_SCE,), jnp.int32),
             pltpu.VMEM((_SCE,), jnp.int32)]
            + [pltpu.VMEM((_SCE,), jnp.float32)] * (2 * c2)
            + [pltpu.VMEM((c2 * c * 16,), jnp.float32),
               pltpu.VMEM((nwords,), jnp.float32),
               pltpu.VMEM((32,), jnp.int32),
               pltpu.SemaphoreType.DMA]),
    )
    def ek(a_hbm, p_hbm, src_hbm, dst_hbm, w2s_hbm, out_hbm,
           src_v, dst_v, *rest):
        acols = rest[:c2]
        pcols = rest[c2:2 * c2]
        w2v = rest[2 * c2]
        acc = rest[2 * c2 + 1]
        shbuf = rest[2 * c2 + 2]
        sem = rest[2 * c2 + 3]
        wid = lax.axis_index("s") * _NC + lax.axis_index("c")
        pltpu.sync_copy(w2s_hbm, w2v)
        zeros16 = jnp.zeros((16,), jnp.int32)
        shbuf[pl.ds(0, 16)] = zeros16 - 1

        def initbody(i, carry):
            acc[pl.ds(i * 16, 16)] = jnp.full((16,), _NEG, jnp.float32)
            return carry
        lax.fori_loop(0, nwords // 16, initbody, 0)

        def superchunk(s, carry):
            base = wid * _EPW + s * _SCE
            pltpu.sync_copy(src_hbm.at[pl.ds(base, _SCE)], src_v)
            pltpu.sync_copy(dst_hbm.at[pl.ds(base, _SCE)], dst_v)
            cps = []
            for k in range(c2):
                cps.append(pltpu.async_copy(
                    a_hbm.at[pl.ds(k * _NP, _NP)].at[plsc.Indices(src_v)],
                    acols[k], sem))
                cps.append(pltpu.async_copy(
                    p_hbm.at[pl.ds(k * _NP, _NP)].at[plsc.Indices(dst_v)],
                    pcols[k], sem))
            for cp in cps:
                cp.wait()

            def group(g, gcarry):
                off = g * 16
                dstg = dst_v[pl.ds(off, 16)]
                z = []
                for k in range(c2):
                    zk = jnp.maximum(
                        acols[k][pl.ds(off, 16)] - pcols[k][pl.ds(off, 16)],
                        0.0)
                    z.append(zk)
                ts = []
                for j in range(c):
                    tj = z[0] * w2v[pl.ds(j * 16, 16)]
                    for k in range(1, c2):
                        tj = tj + z[k] * w2v[pl.ds((k * c + j) * 16, 16)]
                    ts.append(tj)

                lanes = lax.iota(jnp.int32, 16)
                cnt = jnp.zeros((16,), jnp.int32)
                for l in range(15):
                    eq = (dstg == dstg[l]) & (lanes > l)
                    cnt = cnt + eq.astype(jnp.int32)
                nrounds = 16

                def body(r, bcarry):
                    m = cnt == r
                    for j in range(c):
                        idxj = dstg + j * _NP
                        old = plsc.load_gather(acc, [idxj], mask=m)
                        plsc.store_scatter(
                            acc, [idxj], jnp.maximum(old, ts[j]), mask=m)
                    return bcarry

                lax.fori_loop(0, nrounds, body, 0)
                return gcarry
            lax.fori_loop(0, _NG, group, 0)
            return carry
        lax.fori_loop(0, _NSC, superchunk, 0)
        pltpu.sync_copy(acc, out_hbm.at[wid])

    return ek


_EK = {3: _edge_kernel_factory(6, 3),
       6: _edge_kernel_factory(12, 6),
       9: _edge_kernel_factory(18, 9)}

_BLK = 1024
_GRID = _NP // _BLK


def _prep0_body(xt_ref, ga_ref, gp_ref, b1_ref, a_ref, p_ref):
    xb = xt_ref[...]
    pv = jnp.dot(gp_ref[...], xb, preferred_element_type=jnp.float32)
    a_ref[...] = jnp.dot(ga_ref[...], xb,
                         preferred_element_type=jnp.float32) + b1_ref[...]
    p_ref[...] = pv


def _prep0(xt, gat, gpt, b1t):
    c2 = gat.shape[0]
    return pl.pallas_call(
        _prep0_body,
        grid=(_GRID,),
        in_specs=[
            pl.BlockSpec((3, _BLK), lambda i: (0, i)),
            pl.BlockSpec((c2, 3), lambda i: (0, 0)),
            pl.BlockSpec((c2, 3), lambda i: (0, 0)),
            pl.BlockSpec((c2, 1), lambda i: (0, 0)),
        ],
        out_specs=[
            pl.BlockSpec((c2, _BLK), lambda i: (0, i)),
            pl.BlockSpec((c2, _BLK), lambda i: (0, i)),
        ],
        out_shape=[
            jax.ShapeDtypeStruct((c2, _NP), jnp.float32),
            jax.ShapeDtypeStruct((c2, _NP), jnp.float32),
        ],
    )(xt, gat, gpt, b1t)


def _prep_body(part_ref, xt_ref, ga_ref, gp_ref, b1_ref, b2_ref,
               a_ref, p_ref):
    h = jnp.maximum(jnp.max(part_ref[...], axis=0) + b2_ref[...], 0.0)
    xb = xt_ref[...]
    pv = jnp.dot(gp_ref[...], xb, preferred_element_type=jnp.float32)
    a_ref[...] = (jnp.dot(ga_ref[...], h, preferred_element_type=jnp.float32)
                  + pv + b1_ref[...])
    p_ref[...] = pv


def _prep(parts, xt, gat, gpt, b1t, b2t):
    cp = parts.shape[1]
    c2 = gat.shape[0]
    return pl.pallas_call(
        _prep_body,
        grid=(_GRID,),
        in_specs=[
            pl.BlockSpec((_NW, cp, _BLK), lambda i: (0, 0, i)),
            pl.BlockSpec((3, _BLK), lambda i: (0, i)),
            pl.BlockSpec((c2, cp), lambda i: (0, 0)),
            pl.BlockSpec((c2, 3), lambda i: (0, 0)),
            pl.BlockSpec((c2, 1), lambda i: (0, 0)),
            pl.BlockSpec((cp, 1), lambda i: (0, 0)),
        ],
        out_specs=[
            pl.BlockSpec((c2, _BLK), lambda i: (0, i)),
            pl.BlockSpec((c2, _BLK), lambda i: (0, i)),
        ],
        out_shape=[
            jax.ShapeDtypeStruct((c2, _NP), jnp.float32),
            jax.ShapeDtypeStruct((c2, _NP), jnp.float32),
        ],
    )(parts, xt, gat, gpt, b1t, b2t)


def _head_body(part_ref, b2_ref, fw_ref, fb_ref, cw_ref, cb_ref,
               o_ref, acc_ref):
    i = pl.program_id(0)
    h = jnp.maximum(jnp.max(part_ref[...], axis=0) + b2_ref[...], 0.0)
    bm = jnp.max(h, axis=1, keepdims=True)

    @pl.when(i == 0)
    def _():
        acc_ref[0:9, 0:1] = bm

    @pl.when(i > 0)
    def _():
        acc_ref[0:9, 0:1] = jnp.maximum(acc_ref[0:9, 0:1], bm)

    hp = acc_ref[0:9, 0:1]
    hf = jnp.maximum(
        jnp.dot(fw_ref[...], hp, preferred_element_type=jnp.float32)
        + fb_ref[...], 0.0)
    logits = (jnp.dot(cw_ref[...], hf, preferred_element_type=jnp.float32)
              + cb_ref[...])
    m = jnp.max(logits, axis=0, keepdims=True)
    e = jnp.exp(logits - m)
    o_ref[...] = e / jnp.sum(e, axis=0, keepdims=True)


def _head(parts, b2t, fwt, fbt, cwt, cbt):
    return pl.pallas_call(
        _head_body,
        grid=(_GRID,),
        in_specs=[
            pl.BlockSpec((_NW, 9, _BLK), lambda i: (0, 0, i)),
            pl.BlockSpec((9, 1), lambda i: (0, 0)),
            pl.BlockSpec((6, 9), lambda i: (0, 0)),
            pl.BlockSpec((6, 1), lambda i: (0, 0)),
            pl.BlockSpec((40, 6), lambda i: (0, 0)),
            pl.BlockSpec((40, 1), lambda i: (0, 0)),
        ],
        out_specs=pl.BlockSpec((40, 1), lambda i: (0, 0)),
        out_shape=jax.ShapeDtypeStruct((40, 1), jnp.float32),
        scratch_shapes=[pltpu.VMEM((16, 128), jnp.float32)],
    )(parts, b2t, fwt, fbt, cwt, cbt)


def _w2splat(w2):
    c2, c = w2.shape
    return jnp.broadcast_to(w2.reshape(c2 * c, 1), (c2 * c, 16)).reshape(-1)


def kernel(x, edge_index, p0_proj, p0_w1, p0_b1, p0_w2, p0_b2,
           p1_proj, p1_w1, p1_b1, p1_w2, p1_b2,
           p2_proj, p2_w1, p2_b1, p2_w2, p2_b2,
           ffw_w, ffw_b, cls_w, cls_b):
    src = edge_index[0]
    dst = edge_index[1]
    pad = _EPAD - _E
    src_p = jnp.concatenate([src, jnp.broadcast_to(src[0], (pad,))])
    dst_p = jnp.concatenate([dst, jnp.broadcast_to(dst[0], (pad,))])
    xt = jnp.pad(x.T, ((0, 0), (0, _NP - _N)))

    layers = []
    for proj, w1, b1, w2, b2 in (
            (p0_proj, p0_w1, p0_b1, p0_w2, p0_b2),
            (p1_proj, p1_w1, p1_b1, p1_w2, p1_b2),
            (p2_proj, p2_w1, p2_b1, p2_w2, p2_b2)):
        gat = (proj @ w1[:128]).T
        gpt = w1[128:].T
        layers.append((gat, gpt, b1.reshape(-1, 1), _w2splat(w2),
                       b2.reshape(-1, 1), w2.shape[1]))

    gat0, gpt0, b1t0, w2s0, b2t0, c0 = layers[0]
    a, p = _prep0(xt, gat0 + gpt0, gpt0, b1t0)
    parts = _EK[c0](a.reshape(-1), p.reshape(-1), src_p, dst_p, w2s0)
    parts = parts.reshape(_NW, c0, _NP)

    for li in (1, 2):
        gat, gpt, b1t, w2s, b2t, c = layers[li]
        b2t_prev = layers[li - 1][4]
        a, p = _prep(parts, xt, gat, gpt, b1t, b2t_prev)
        parts = _EK[c](a.reshape(-1), p.reshape(-1), src_p, dst_p, w2s)
        parts = parts.reshape(_NW, c, _NP)

    out = _head(parts, layers[2][4], ffw_w.T, ffw_b.reshape(-1, 1),
                cls_w.T, cls_b.reshape(-1, 1))
    return out.reshape(40)

# --- scband reference (transcript-rebuilt; emitter-appended) ---
"""Pipeline reference for scband-point-net-88270167868038 (READ-ONLY COPY).

The authoritative reference and input builder live on the scoring server;
editing this copy changes nothing except your own understanding.
"""

import jax, jax.numpy as jnp
import numpy as np

N = 10000
E = 320000
OUT_CHANNELS = 40


def _linear_init(key, fan_in, fan_out):
    k1, k2 = jax.random.split(key)
    bound = 1.0 / np.sqrt(fan_in)
    W = jax.random.uniform(k1, (fan_in, fan_out), minval=-bound, maxval=bound).astype(jnp.float32)
    b = jax.random.uniform(k2, (fan_out,), minval=-bound, maxval=bound).astype(jnp.float32)
    return W, b


def setup_inputs(seed: int = 0):
    key = jax.random.key(seed)
    ks = jax.random.split(key, 16)
    inp = {}
    inp['x'] = jax.random.normal(ks[0], (N, 3), dtype=jnp.float32)
    inp['edge_index'] = jax.random.randint(ks[1], (2, E), 0, N, dtype=jnp.int32)
    # conv dims: conv1 (3->3), conv2[0] (3->6), conv2[1] (6->9)
    dims = [(3, 3), (3, 6), (6, 9)]
    idx = 2
    for li, (cin, cout) in enumerate(dims):
        bound = 1.0 / np.sqrt(cin)
        inp['p%d_proj' % li] = jax.random.uniform(ks[idx], (cin, 128), minval=-bound, maxval=bound).astype(jnp.float32)
        idx += 1
        W1, b1 = _linear_init(ks[idx], 128 + 3, 2 * cout)
        idx += 1
        W2, b2 = _linear_init(ks[idx], 2 * cout, cout)
        idx += 1
        inp['p%d_w1' % li] = W1
        inp['p%d_b1' % li] = b1
        inp['p%d_w2' % li] = W2
        inp['p%d_b2' % li] = b2
    inp['ffw_w'], inp['ffw_b'] = _linear_init(ks[idx], 9, 6)
    idx += 1
    inp['cls_w'], inp['cls_b'] = _linear_init(ks[idx], 6, OUT_CHANNELS)
    return inp


def _pn_conv(h, pos, src, dst, projW, w1, b1, w2, b2, n):
    # message: proj(h_j) concat (pos_j - pos_i) -> 2-layer MLP; aggr='max' at dst
    hj = h[src] @ projW
    inp = jnp.concatenate([hj, pos[src] - pos[dst]], axis=-1)
    m = jnp.maximum(inp @ w1 + b1, 0.0) @ w2 + b2
    agg = jax.ops.segment_max(m, dst, num_segments=n)
    return jnp.where(jnp.isfinite(agg), agg, 0.0)


def reference(x, edge_index, p0_proj, p0_w1, p0_b1, p0_w2, p0_b2,
              p1_proj, p1_w1, p1_b1, p1_w2, p1_b2,
              p2_proj, p2_w1, p2_b1, p2_w2, p2_b2,
              ffw_w, ffw_b, cls_w, cls_b):
    src = edge_index[0]
    dst = edge_index[1]
    n = x.shape[0]
    h = _pn_conv(x, x, src, dst, p0_proj, p0_w1, p0_b1, p0_w2, p0_b2, n)
    h = jnp.maximum(h, 0.0)  # dropout is identity at inference
    h = _pn_conv(h, x, src, dst, p1_proj, p1_w1, p1_b1, p1_w2, p1_b2, n)
    h = jnp.maximum(h, 0.0)
    h = _pn_conv(h, x, src, dst, p2_proj, p2_w1, p2_b1, p2_w2, p2_b2, n)
    h = jnp.maximum(h, 0.0)
    h_pool = jnp.max(h, axis=0)  # global max pool (batch=None) -> [9]
    hf = jnp.maximum(h_pool @ ffw_w + ffw_b, 0.0)
    logits = hf @ cls_w + cls_b
    return jax.nn.softmax(logits, axis=0)

if __name__ == "__main__":
    import jax
    _d = setup_inputs()
    print(jax.jit(kernel)(*tuple(_d.values())))

</pallas_src>

<mosaic_0001>
#map = affine_map<(d0, d1) -> (0)>
#map1 = affine_map<(d0, d1) -> (0, 0)>
module attributes {stable_mosaic.version = 14 : i64} {
  func.func @ek(%arg0: i32, %arg1: i32, %arg2: memref<61440xf32, #tpu.memory_space<hbm>>, %arg3: memref<61440xf32, #tpu.memory_space<hbm>>, %arg4: memref<327680xi32, #tpu.memory_space<hbm>>, %arg5: memref<327680xi32, #tpu.memory_space<hbm>>, %arg6: memref<288xf32, #tpu.memory_space<hbm>>, %arg7: memref<32x30720xf32, #tpu.memory_space<hbm>>, %arg8: memref<256xi32, #tpu.memory_space<vmem>>, %arg9: memref<256xi32, #tpu.memory_space<vmem>>, %arg10: memref<256xf32, #tpu.memory_space<vmem>>, %arg11: memref<256xf32, #tpu.memory_space<vmem>>, %arg12: memref<256xf32, #tpu.memory_space<vmem>>, %arg13: memref<256xf32, #tpu.memory_space<vmem>>, %arg14: memref<256xf32, #tpu.memory_space<vmem>>, %arg15: memref<256xf32, #tpu.memory_space<vmem>>, %arg16: memref<256xf32, #tpu.memory_space<vmem>>, %arg17: memref<256xf32, #tpu.memory_space<vmem>>, %arg18: memref<256xf32, #tpu.memory_space<vmem>>, %arg19: memref<256xf32, #tpu.memory_space<vmem>>, %arg20: memref<256xf32, #tpu.memory_space<vmem>>, %arg21: memref<256xf32, #tpu.memory_space<vmem>>, %arg22: memref<288xf32, #tpu.memory_space<vmem>>, %arg23: memref<30720xf32, #tpu.memory_space<vmem>>, %arg24: memref<32xi32, #tpu.memory_space<vmem>>, %arg25: memref<!tpu.dma_semaphore, #tpu.memory_space<semaphore_mem>>) attributes {dimension_semantics = [#tpu.dimension_semantics<core_parallel>, #tpu.dimension_semantics<subcore_parallel>], iteration_bounds = array<i64: 2, 16>, scalar_prefetch = 0 : i64, scratch_operands = 18 : i64, tpu.core_type = #tpu.core_type<sc_vector_subcore>, window_params = [{transform_indices = #map}, {transform_indices = #map}, {transform_indices = #map}, {transform_indices = #map}, {transform_indices = #map}, {transform_indices = #map1}]} {
    %mul3A = arith.constant 2 : i32
    %mul3A_0 = arith.muli %arg1, %mul3A : i32
    %add3A = arith.addi %mul3A_0, %arg0 : i32
    "tpu.region"() ({
      %run_scoped3A = tpu.sem_alloc : memref<!tpu.dma_semaphore, #tpu.memory_space<semaphore_mem>>
      tpu.enqueue_dma source(%arg6 : memref<288xf32, #tpu.memory_space<hbm>>) target(%arg22 : memref<288xf32, #tpu.memory_space<vmem>>) target_semaphore(%run_scoped3A : memref<!tpu.dma_semaphore, #tpu.memory_space<semaphore_mem>>)
      tpu.wait_dma2 semaphore(%run_scoped3A : memref<!tpu.dma_semaphore, #tpu.memory_space<semaphore_mem>>) src(%arg6 : memref<288xf32, #tpu.memory_space<hbm>>) dst(%arg22 : memref<288xf32, #tpu.memory_space<vmem>>)
      tpu.yield
    }) : () -> ()
    %broadcast_in_dim3A = arith.constant 0 : i32
    %broadcast_in_dim3A_1 = vector.broadcast %broadcast_in_dim3A : i32 to vector<16xi32>
    %sub3A = arith.constant 1 : i32
    %sub3A_2 = vector.broadcast %sub3A : i32 to vector<16xi32>
    %sub3A_3 = arith.subi %broadcast_in_dim3A_1, %sub3A_2 : vector<16xi32>
    %swap3A = arith.constant 0 : index
    %swap3A_4 = tpu.vector_load %arg24[%swap3A] {strides = array<i32>} : memref<32xi32, #tpu.memory_space<vmem>>, vector<16xi32>,
    tpu.vector_store %arg24[%swap3A], %sub3A_3 {strides = array<i32>} : memref<32xi32, #tpu.memory_space<vmem>>, vector<16xi32>,
    %scan3A = arith.constant 0 : i32
    %scan3A_5 = arith.constant 0 : i32
    %scan3A_6 = arith.constant 1920 : i32
    %scan3A_7 = arith.addi %scan3A_5, %scan3A_6 : i32
    %scan3A_8 = arith.constant 1 : i32
    scf.for %scan3A_16 = %scan3A_5 to %scan3A_7 step %scan3A_8  : i32 {
      %broadcast_in_dim3A_17 = arith.constant -1.000000e+30 : f32
      %broadcast_in_dim3A_18 = vector.broadcast %broadcast_in_dim3A_17 : f32 to vector<16xf32>
      %mul3A_19 = arith.constant 16 : i32
      %mul3A_20 = arith.muli %scan3A_16, %mul3A_19 : i32
      %swap3A_21 = arith.index_cast %mul3A_20 : i32 to index
      %swap3A_22 = tpu.vector_load %arg23[%swap3A_21] {strides = array<i32>} : memref<30720xf32, #tpu.memory_space<vmem>>, vector<16xf32>,
      tpu.vector_store %arg23[%swap3A_21], %broadcast_in_dim3A_18 {strides = array<i32>} : memref<30720xf32, #tpu.memory_space<vmem>>, vector<16xf32>,
    }
    %scan3A_9 = arith.constant 1920 : i32
    %scan3A_10 = arith.constant 0 : i32
    %scan3A_11 = arith.constant 0 : i32
    %scan3A_12 = arith.constant 40 : i32
    %scan3A_13 = arith.addi %scan3A_11, %scan3A_12 : i32
    %scan3A_14 = arith.constant 1 : i32
    scf.for %scan3A_16 = %scan3A_11 to %scan3A_13 step %scan3A_14  : i32 {
      %mul3A_17 = arith.constant 10240 : i32
      %mul3A_18 = arith.muli %add3A, %mul3A_17 : i32
      %mul3A_19 = arith.constant 256 : i32
      %mul3A_20 = arith.muli %scan3A_16, %mul3A_19 : i32
      %add3A_21 = arith.addi %mul3A_18, %mul3A_20 : i32
      "tpu.region"() ({
        %run_scoped3A = tpu.sem_alloc : memref<!tpu.dma_semaphore, #tpu.memory_space<semaphore_mem>>
        %dma_start3A_122 = tpu.memref_slice %arg4[%add3A_21] : memref<327680xi32, #tpu.memory_space<hbm>> -> memref<256xi32, #tpu.memory_space<hbm>>
        %dma_start3A_123 = tpu.memref_slice %arg4[%add3A_21] : memref<327680xi32, #tpu.memory_space<hbm>> -> memref<256xi32, #tpu.memory_space<hbm>>
        tpu.enqueue_dma source(%dma_start3A_123 : memref<256xi32, #tpu.memory_space<hbm>>) target(%arg8 : memref<256xi32, #tpu.memory_space<vmem>>) target_semaphore(%run_scoped3A : memref<!tpu.dma_semaphore, #tpu.memory_space<semaphore_mem>>)
        %dma_wait3A_124 = tpu.memref_slice %arg4[%add3A_21] : memref<327680xi32, #tpu.memory_space<hbm>> -> memref<256xi32, #tpu.memory_space<hbm>>
        %dma_wait3A_125 = tpu.memref_slice %arg4[%add3A_21] : memref<327680xi32, #tpu.memory_space<hbm>> -> memref<256xi32, #tpu.memory_space<hbm>>
        tpu.wait_dma2 semaphore(%run_scoped3A : memref<!tpu.dma_semaphore, #tpu.memory_space<semaphore_mem>>) src(%dma_wait3A_125 : memref<256xi32, #tpu.memory_space<hbm>>) dst(%arg8 : memref<256xi32, #tpu.memory_space<vmem>>)
        tpu.yield
      }) : () -> ()
      "tpu.region"() ({
        %run_scoped3A = tpu.sem_alloc : memref<!tpu.dma_semaphore, #tpu.memory_space<semaphore_mem>>
        %dma_start3A_122 = tpu.memref_slice %arg5[%add3A_21] : memref<327680xi32, #tpu.memory_space<hbm>> -> memref<256xi32, #tpu.memory_space<hbm>>
        %dma_start3A_123 = tpu.memref_slice %arg5[%add3A_21] : memref<327680xi32, #tpu.memory_space<hbm>> -> memref<256xi32, #tpu.memory_space<hbm>>
        tpu.enqueue_dma source(%dma_start3A_123 : memref<256xi32, #tpu.memory_space<hbm>>) target(%arg9 : memref<256xi32, #tpu.memory_space<vmem>>) target_semaphore(%run_scoped3A : memref<!tpu.dma_semaphore, #tpu.memory_space<semaphore_mem>>)
        %dma_wait3A_124 = tpu.memref_slice %arg5[%add3A_21] : memref<327680xi32, #tpu.memory_space<hbm>> -> memref<256xi32, #tpu.memory_space<hbm>>
        %dma_wait3A_125 = tpu.memref_slice %arg5[%add3A_21] : memref<327680xi32, #tpu.memory_space<hbm>> -> memref<256xi32, #tpu.memory_space<hbm>>
        tpu.wait_dma2 semaphore(%run_scoped3A : memref<!tpu.dma_semaphore, #tpu.memory_space<semaphore_mem>>) src(%dma_wait3A_125 : memref<256xi32, #tpu.memory_space<hbm>>) dst(%arg9 : memref<256xi32, #tpu.memory_space<vmem>>)
        tpu.yield
      }) : () -> ()
      %dma_start3A = arith.constant 0 : i32
      %dma_start3A_22 = tpu.memref_slice %arg2[%dma_start3A] : memref<61440xf32, #tpu.memory_space<hbm>> -> memref<10240xf32, #tpu.memory_space<hbm>>
      %dma_start3A_23 = arith.constant 0 : i32
      %dma_start3A_24 = tpu.memref_slice %dma_start3A_22[%dma_start3A_23] : memref<10240xf32, #tpu.memory_space<hbm>> -> memref<10240xf32, #tpu.memory_space<hbm>>
      tpu.enqueue_indirect_dma source(%dma_start3A_24 : memref<10240xf32, #tpu.memory_space<hbm>>) target(%arg10 : memref<256xf32, #tpu.memory_space<vmem>>) offsets(%arg8 : memref<256xi32, #tpu.memory_space<vmem>>) semaphore(%arg25 : memref<!tpu.dma_semaphore, #tpu.memory_space<semaphore_mem>>)
      %dma_start3A_25 = arith.constant 0 : i32
      %dma_start3A_26 = tpu.memref_slice %arg3[%dma_start3A_25] : memref<61440xf32, #tpu.memory_space<hbm>> -> memref<10240xf32, #tpu.memory_space<hbm>>
      %dma_start3A_27 = arith.constant 0 : i32
      %dma_start3A_28 = tpu.memref_slice %dma_start3A_26[%dma_start3A_27] : memref<10240xf32, #tpu.memory_space<hbm>> -> memref<10240xf32, #tpu.memory_space<hbm>>
      tpu.enqueue_indirect_dma source(%dma_start3A_28 : memref<10240xf32, #tpu.memory_space<hbm>>) target(%arg16 : memref<256xf32, #tpu.memory_space<vmem>>) offsets(%arg9 : memref<256xi32, #tpu.memory_space<vmem>>) semaphore(%arg25 : memref<!tpu.dma_semaphore, #tpu.memory_space<semaphore_mem>>)
      %dma_start3A_29 = arith.constant 10240 : i32
      %dma_start3A_30 = tpu.memref_slice %arg2[%dma_start3A_29] : memref<61440xf32, #tpu.memory_space<hbm>> -> memref<10240xf32, #tpu.memory_space<hbm>>
      %dma_start3A_31 = arith.constant 0 : i32
      %dma_start3A_32 = tpu.memref_slice %dma_start3A_30[%dma_start3A_31] : memref<10240xf32, #tpu.memory_space<hbm>> -> memref<10240xf32, #tpu.memory_space<hbm>>
      tpu.enqueue_indirect_dma source(%dma_start3A_32 : memref<10240xf32, #tpu.memory_space<hbm>>) target(%arg11 : memref<256xf32, #tpu.memory_space<vmem>>) offsets(%arg8 : memref<256xi32, #tpu.memory_space<vmem>>) semaphore(%arg25 : memref<!tpu.dma_semaphore, #tpu.memory_space<semaphore_mem>>)
      %dma_start3A_33 = arith.constant 10240 : i32
      %dma_start3A_34 = tpu.memref_slice %arg3[%dma_start3A_33] : memref<61440xf32, #tpu.memory_space<hbm>> -> memref<10240xf32, #tpu.memory_space<hbm>>
      %dma_start3A_35 = arith.constant 0 : i32
      %dma_start3A_36 = tpu.memref_slice %dma_start3A_34[%dma_start3A_35] : memref<10240xf32, #tpu.memory_space<hbm>> -> memref<10240xf32, #tpu.memory_space<hbm>>
      tpu.enqueue_indirect_dma source(%dma_start3A_36 : memref<10240xf32, #tpu.memory_space<hbm>>) target(%arg17 : memref<256xf32, #tpu.memory_space<vmem>>) offsets(%arg9 : memref<256xi32, #tpu.memory_space<vmem>>) semaphore(%arg25 : memref<!tpu.dma_semaphore, #tpu.memory_space<semaphore_mem>>)
      %dma_start3A_37 = arith.constant 20480 : i32
      %dma_start3A_38 = tpu.memref_slice %arg2[%dma_start3A_37] : memref<61440xf32, #tpu.memory_space<hbm>> -> memref<10240xf32, #tpu.memory_space<hbm>>
      %dma_start3A_39 = arith.constant 0 : i32
      %dma_start3A_40 = tpu.memref_slice %dma_start3A_38[%dma_start3A_39] : memref<10240xf32, #tpu.memory_space<hbm>> -> memref<10240xf32, #tpu.memory_space<hbm>>
      tpu.enqueue_indirect_dma source(%dma_start3A_40 : memref<10240xf32, #tpu.memory_space<hbm>>) target(%arg12 : memref<256xf32, #tpu.memory_space<vmem>>) offsets(%arg8 : memref<256xi32, #tpu.memory_space<vmem>>) semaphore(%arg25 : memref<!tpu.dma_semaphore, #tpu.memory_space<semaphore_mem>>)
      %dma_start3A_41 = arith.constant 20480 : i32
      %dma_start3A_42 = tpu.memref_slice %arg3[%dma_start3A_41] : memref<61440xf32, #tpu.memory_space<hbm>> -> memref<10240xf32, #tpu.memory_space<hbm>>
      %dma_start3A_43 = arith.constant 0 : i32
      %dma_start3A_44 = tpu.memref_slice %dma_start3A_42[%dma_start3A_43] : memref<10240xf32, #tpu.memory_space<hbm>> -> memref<10240xf32, #tpu.memory_space<hbm>>
      tpu.enqueue_indirect_dma source(%dma_start3A_44 : memref<10240xf32, #tpu.memory_space<hbm>>) target(%arg18 : memref<256xf32, #tpu.memory_space<vmem>>) offsets(%arg9 : memref<256xi32, #tpu.memory_space<vmem>>) semaphore(%arg25 : memref<!tpu.dma_semaphore, #tpu.memory_space<semaphore_mem>>)
      %dma_start3A_45 = arith.constant 30720 : i32
      %dma_start3A_46 = tpu.memref_slice %arg2[%dma_start3A_45] : memref<61440xf32, #tpu.memory_space<hbm>> -> memref<10240xf32, #tpu.memory_space<hbm>>
      %dma_start3A_47 = arith.constant 0 : i32
      %dma_start3A_48 = tpu.memref_slice %dma_start3A_46[%dma_start3A_47] : memref<10240xf32, #tpu.memory_space<hbm>> -> memref<10240xf32, #tpu.memory_space<hbm>>
      tpu.enqueue_indirect_dma source(%dma_start3A_48 : memref<10240xf32, #tpu.memory_space<hbm>>) target(%arg13 : memref<256xf32, #tpu.memory_space<vmem>>) offsets(%arg8 : memref<256xi32, #tpu.memory_space<vmem>>) semaphore(%arg25 : memref<!tpu.dma_semaphore, #tpu.memory_space<semaphore_mem>>)
      %dma_start3A_49 = arith.constant 30720 : i32
      %dma_start3A_50 = tpu.memref_slice %arg3[%dma_start3A_49] : memref<61440xf32, #tpu.memory_space<hbm>> -> memref<10240xf32, #tpu.memory_space<hbm>>
      %dma_start3A_51 = arith.constant 0 : i32
      %dma_start3A_52 = tpu.memref_slice %dma_start3A_50[%dma_start3A_51] : memref<10240xf32, #tpu.memory_space<hbm>> -> memref<10240xf32, #tpu.memory_space<hbm>>
      tpu.enqueue_indirect_dma source(%dma_start3A_52 : memref<10240xf32, #tpu.memory_space<hbm>>) target(%arg19 : memref<256xf32, #tpu.memory_space<vmem>>) offsets(%arg9 : memref<256xi32, #tpu.memory_space<vmem>>) semaphore(%arg25 : memref<!tpu.dma_semaphore, #tpu.memory_space<semaphore_mem>>)
      %dma_start3A_53 = arith.constant 40960 : i32
      %dma_start3A_54 = tpu.memref_slice %arg2[%dma_start3A_53] : memref<61440xf32, #tpu.memory_space<hbm>> -> memref<10240xf32, #tpu.memory_space<hbm>>
      %dma_start3A_55 = arith.constant 0 : i32
      %dma_start3A_56 = tpu.memref_slice %dma_start3A_54[%dma_start3A_55] : memref<10240xf32, #tpu.memory_space<hbm>> -> memref<10240xf32, #tpu.memory_space<hbm>>
      tpu.enqueue_indirect_dma source(%dma_start3A_56 : memref<10240xf32, #tpu.memory_space<hbm>>) target(%arg14 : memref<256xf32, #tpu.memory_space<vmem>>) offsets(%arg8 : memref<256xi32, #tpu.memory_space<vmem>>) semaphore(%arg25 : memref<!tpu.dma_semaphore, #tpu.memory_space<semaphore_mem>>)
      %dma_start3A_57 = arith.constant 40960 : i32
      %dma_start3A_58 = tpu.memref_slice %arg3[%dma_start3A_57] : memref<61440xf32, #tpu.memory_space<hbm>> -> memref<10240xf32, #tpu.memory_space<hbm>>
      %dma_start3A_59 = arith.constant 0 : i32
      %dma_start3A_60 = tpu.memref_slice %dma_start3A_58[%dma_start3A_59] : memref<10240xf32, #tpu.memory_space<hbm>> -> memref<10240xf32, #tpu.memory_space<hbm>>
      tpu.enqueue_indirect_dma source(%dma_start3A_60 : memref<10240xf32, #tpu.memory_space<hbm>>) target(%arg20 : memref<256xf32, #tpu.memory_space<vmem>>) offsets(%arg9 : memref<256xi32, #tpu.memory_space<vmem>>) semaphore(%arg25 : memref<!tpu.dma_semaphore, #tpu.memory_space<semaphore_mem>>)
      %dma_start3A_61 = arith.constant 51200 : i32
      %dma_start3A_62 = tpu.memref_slice %arg2[%dma_start3A_61] : memref<61440xf32, #tpu.memory_space<hbm>> -> memref<10240xf32, #tpu.memory_space<hbm>>
      %dma_start3A_63 = arith.constant 0 : i32
      %dma_start3A_64 = tpu.memref_slice %dma_start3A_62[%dma_start3A_63] : memref<10240xf32, #tpu.memory_space<hbm>> -> memref<10240xf32, #tpu.memory_space<hbm>>
      tpu.enqueue_indirect_dma source(%dma_start3A_64 : memref<10240xf32, #tpu.memory_space<hbm>>) target(%arg15 : memref<256xf32, #tpu.memory_space<vmem>>) offsets(%arg8 : memref<256xi32, #tpu.memory_space<vmem>>) semaphore(%arg25 : memref<!tpu.dma_semaphore, #tpu.memory_space<semaphore_mem>>)
      %dma_start3A_65 = arith.constant 51200 : i32
      %dma_start3A_66 = tpu.memref_slice %arg3[%dma_start3A_65] : memref<61440xf32, #tpu.memory_space<hbm>> -> memref<10240xf32, #tpu.memory_space<hbm>>
      %dma_start3A_67 = arith.constant 0 : i32
      %dma_start3A_68 = tpu.memref_slice %dma_start3A_66[%dma_start3A_67] : memref<10240xf32, #tpu.memory_space<hbm>> -> memref<10240xf32, #tpu.memory_space<hbm>>
      tpu.enqueue_indirect_dma source(%dma_start3A_68 : memref<10240xf32, #tpu.memory_space<hbm>>) target(%arg21 : memref<256xf32, #tpu.memory_space<vmem>>) offsets(%arg9 : memref<256xi32, #tpu.memory_space<vmem>>) semaphore(%arg25 : memref<!tpu.dma_semaphore, #tpu.memory_space<semaphore_mem>>)
      %dma_wait3A = arith.constant 0 : i32
      %dma_wait3A_69 = tpu.memref_slice %arg2[%dma_wait3A] : memref<61440xf32, #tpu.memory_space<hbm>> -> memref<10240xf32, #tpu.memory_space<hbm>>
      %dma_wait3A_70 = arith.constant 0 : i32
      %dma_wait3A_71 = tpu.memref_slice %dma_wait3A_69[%dma_wait3A_70] : memref<10240xf32, #tpu.memory_space<hbm>> -> memref<10240xf32, #tpu.memory_space<hbm>>
      tpu.wait_indirect_dma semaphore(%arg25 : memref<!tpu.dma_semaphore, #tpu.memory_space<semaphore_mem>>) src(%dma_wait3A_71 : memref<10240xf32, #tpu.memory_space<hbm>>) dst(%arg10 : memref<256xf32, #tpu.memory_space<vmem>>)
      %dma_wait3A_72 = arith.constant 0 : i32
      %dma_wait3A_73 = tpu.memref_slice %arg3[%dma_wait3A_72] : memref<61440xf32, #tpu.memory_space<hbm>> -> memref<10240xf32, #tpu.memory_space<hbm>>
      %dma_wait3A_74 = arith.constant 0 : i32
      %dma_wait3A_75 = tpu.memref_slice %dma_wait3A_73[%dma_wait3A_74] : memref<10240xf32, #tpu.memory_space<hbm>> -> memref<10240xf32, #tpu.memory_space<hbm>>
      tpu.wait_indirect_dma semaphore(%arg25 : memref<!tpu.dma_semaphore, #tpu.memory_space<semaphore_mem>>) src(%dma_wait3A_75 : memref<10240xf32, #tpu.memory_space<hbm>>) dst(%arg16 : memref<256xf32, #tpu.memory_space<vmem>>)
      %dma_wait3A_76 = arith.constant 10240 : i32
      %dma_wait3A_77 = tpu.memref_slice %arg2[%dma_wait3A_76] : memref<61440xf32, #tpu.memory_space<hbm>> -> memref<10240xf32, #tpu.memory_space<hbm>>
      %dma_wait3A_78 = arith.constant 0 : i32
      %dma_wait3A_79 = tpu.memref_slice %dma_wait3A_77[%dma_wait3A_78] : memref<10240xf32, #tpu.memory_space<hbm>> -> memref<10240xf32, #tpu.memory_space<hbm>>
      tpu.wait_indirect_dma semaphore(%arg25 : memref<!tpu.dma_semaphore, #tpu.memory_space<semaphore_mem>>) src(%dma_wait3A_79 : memref<10240xf32, #tpu.memory_space<hbm>>) dst(%arg11 : memref<256xf32, #tpu.memory_space<vmem>>)
      %dma_wait3A_80 = arith.constant 10240 : i32
      %dma_wait3A_81 = tpu.memref_slice %arg3[%dma_wait3A_80] : memref<61440xf32, #tpu.memory_space<hbm>> -> memref<10240xf32, #tpu.memory_space<hbm>>
      %dma_wait3A_82 = arith.constant 0 : i32
      %dma_wait3A_83 = tpu.memref_slice %dma_wait3A_81[%dma_wait3A_82] : memref<10240xf32, #tpu.memory_space<hbm>> -> memref<10240xf32, #tpu.memory_space<hbm>>
      tpu.wait_indirect_dma semaphore(%arg25 : memref<!tpu.dma_semaphore, #tpu.memory_space<semaphore_mem>>) src(%dma_wait3A_83 : memref<10240xf32, #tpu.memory_space<hbm>>) dst(%arg17 : memref<256xf32, #tpu.memory_space<vmem>>)
      %dma_wait3A_84 = arith.constant 20480 : i32
      %dma_wait3A_85 = tpu.memref_slice %arg2[%dma_wait3A_84] : memref<61440xf32, #tpu.memory_space<hbm>> -> memref<10240xf32, #tpu.memory_space<hbm>>
      %dma_wait3A_86 = arith.constant 0 : i32
      %dma_wait3A_87 = tpu.memref_slice %dma_wait3A_85[%dma_wait3A_86] : memref<10240xf32, #tpu.memory_space<hbm>> -> memref<10240xf32, #tpu.memory_space<hbm>>
      tpu.wait_indirect_dma semaphore(%arg25 : memref<!tpu.dma_semaphore, #tpu.memory_space<semaphore_mem>>) src(%dma_wait3A_87 : memref<10240xf32, #tpu.memory_space<hbm>>) dst(%arg12 : memref<256xf32, #tpu.memory_space<vmem>>)
      %dma_wait3A_88 = arith.constant 20480 : i32
      %dma_wait3A_89 = tpu.memref_slice %arg3[%dma_wait3A_88] : memref<61440xf32, #tpu.memory_space<hbm>> -> memref<10240xf32, #tpu.memory_space<hbm>>
      %dma_wait3A_90 = arith.constant 0 : i32
      %dma_wait3A_91 = tpu.memref_slice %dma_wait3A_89[%dma_wait3A_90] : memref<10240xf32, #tpu.memory_space<hbm>> -> memref<10240xf32, #tpu.memory_space<hbm>>
      tpu.wait_indirect_dma semaphore(%arg25 : memref<!tpu.dma_semaphore, #tpu.memory_space<semaphore_mem>>) src(%dma_wait3A_91 : memref<10240xf32, #tpu.memory_space<hbm>>) dst(%arg18 : memref<256xf32, #tpu.memory_space<vmem>>)
      %dma_wait3A_92 = arith.constant 30720 : i32
      %dma_wait3A_93 = tpu.memref_slice %arg2[%dma_wait3A_92] : memref<61440xf32, #tpu.memory_space<hbm>> -> memref<10240xf32, #tpu.memory_space<hbm>>
      %dma_wait3A_94 = arith.constant 0 : i32
      %dma_wait3A_95 = tpu.memref_slice %dma_wait3A_93[%dma_wait3A_94] : memref<10240xf32, #tpu.memory_space<hbm>> -> memref<10240xf32, #tpu.memory_space<hbm>>
      tpu.wait_indirect_dma semaphore(%arg25 : memref<!tpu.dma_semaphore, #tpu.memory_space<semaphore_mem>>) src(%dma_wait3A_95 : memref<10240xf32, #tpu.memory_space<hbm>>) dst(%arg13 : memref<256xf32, #tpu.memory_space<vmem>>)
      %dma_wait3A_96 = arith.constant 30720 : i32
      %dma_wait3A_97 = tpu.memref_slice %arg3[%dma_wait3A_96] : memref<61440xf32, #tpu.memory_space<hbm>> -> memref<10240xf32, #tpu.memory_space<hbm>>
      %dma_wait3A_98 = arith.constant 0 : i32
      %dma_wait3A_99 = tpu.memref_slice %dma_wait3A_97[%dma_wait3A_98] : memref<10240xf32, #tpu.memory_space<hbm>> -> memref<10240xf32, #tpu.memory_space<hbm>>
      tpu.wait_indirect_dma semaphore(%arg25 : memref<!tpu.dma_semaphore, #tpu.memory_space<semaphore_mem>>) src(%dma_wait3A_99 : memref<10240xf32, #tpu.memory_space<hbm>>) dst(%arg19 : memref<256xf32, #tpu.memory_space<vmem>>)
      %dma_wait3A_100 = arith.constant 40960 : i32
      %dma_wait3A_101 = tpu.memref_slice %arg2[%dma_wait3A_100] : memref<61440xf32, #tpu.memory_space<hbm>> -> memref<10240xf32, #tpu.memory_space<hbm>>
      %dma_wait3A_102 = arith.constant 0 : i32
      %dma_wait3A_103 = tpu.memref_slice %dma_wait3A_101[%dma_wait3A_102] : memref<10240xf32, #tpu.memory_space<hbm>> -> memref<10240xf32, #tpu.memory_space<hbm>>
      tpu.wait_indirect_dma semaphore(%arg25 : memref<!tpu.dma_semaphore, #tpu.memory_space<semaphore_mem>>) src(%dma_wait3A_103 : memref<10240xf32, #tpu.memory_space<hbm>>) dst(%arg14 : memref<256xf32, #tpu.memory_space<vmem>>)
      %dma_wait3A_104 = arith.constant 40960 : i32
      %dma_wait3A_105 = tpu.memref_slice %arg3[%dma_wait3A_104] : memref<61440xf32, #tpu.memory_space<hbm>> -> memref<10240xf32, #tpu.memory_space<hbm>>
      %dma_wait3A_106 = arith.constant 0 : i32
      %dma_wait3A_107 = tpu.memref_slice %dma_wait3A_105[%dma_wait3A_106] : memref<10240xf32, #tpu.memory_space<hbm>> -> memref<10240xf32, #tpu.memory_space<hbm>>
      tpu.wait_indirect_dma semaphore(%arg25 : memref<!tpu.dma_semaphore, #tpu.memory_space<semaphore_mem>>) src(%dma_wait3A_107 : memref<10240xf32, #tpu.memory_space<hbm>>) dst(%arg20 : memref<256xf32, #tpu.memory_space<vmem>>)
      %dma_wait3A_108 = arith.constant 51200 : i32
      %dma_wait3A_109 = tpu.memref_slice %arg2[%dma_wait3A_108] : memref<61440xf32, #tpu.memory_space<hbm>> -> memref<10240xf32, #tpu.memory_space<hbm>>
      %dma_wait3A_110 = arith.constant 0 : i32
      %dma_wait3A_111 = tpu.memref_slice %dma_wait3A_109[%dma_wait3A_110] : memref<10240xf32, #tpu.memory_space<hbm>> -> memref<10240xf32, #tpu.memory_space<hbm>>
      tpu.wait_indirect_dma semaphore(%arg25 : memref<!tpu.dma_semaphore, #tpu.memory_space<semaphore_mem>>) src(%dma_wait3A_111 : memref<10240xf32, #tpu.memory_space<hbm>>) dst(%arg15 : memref<256xf32, #tpu.memory_space<vmem>>)
      %dma_wait3A_112 = arith.constant 51200 : i32
      %dma_wait3A_113 = tpu.memref_slice %arg3[%dma_wait3A_112] : memref<61440xf32, #tpu.memory_space<hbm>> -> memref<10240xf32, #tpu.memory_space<hbm>>
      %dma_wait3A_114 = arith.constant 0 : i32
      %dma_wait3A_115 = tpu.memref_slice %dma_wait3A_113[%dma_wait3A_114] : memref<10240xf32, #tpu.memory_space<hbm>> -> memref<10240xf32, #tpu.memory_space<hbm>>
      tpu.wait_indirect_dma semaphore(%arg25 : memref<!tpu.dma_semaphore, #tpu.memory_space<semaphore_mem>>) src(%dma_wait3A_115 : memref<10240xf32, #tpu.memory_space<hbm>>) dst(%arg21 : memref<256xf32, #tpu.memory_space<vmem>>)
      %scan3A_116 = arith.constant 0 : i32
      %scan3A_117 = arith.constant 0 : i32
      %scan3A_118 = arith.constant 16 : i32
      %scan3A_119 = arith.addi %scan3A_117, %scan3A_118 : i32
      %scan3A_120 = arith.constant 1 : i32
      scf.for %scan3A_122 = %scan3A_117 to %scan3A_119 step %scan3A_120  : i32 {
        %mul3A_123 = arith.constant 16 : i32
        %mul3A_124 = arith.muli %scan3A_122, %mul3A_123 : i32
        %get3A = arith.index_cast %mul3A_124 : i32 to index
        %get3A_125 = tpu.vector_load %arg9[%get3A] {strides = array<i32>} : memref<256xi32, #tpu.memory_space<vmem>>, vector<16xi32>,
        %get3A_126 = arith.index_cast %mul3A_124 : i32 to index
        %get3A_127 = tpu.vector_load %arg10[%get3A_126] {strides = array<i32>} : memref<256xf32, #tpu.memory_space<vmem>>, vector<16xf32>,
        %get3A_128 = arith.index_cast %mul3A_124 : i32 to index
        %get3A_129 = tpu.vector_load %arg16[%get3A_128] {strides = array<i32>} : memref<256xf32, #tpu.memory_space<vmem>>, vector<16xf32>,
        %sub3A_130 = arith.subf %get3A_127, %get3A_129 : vector<16xf32>
        %max3A = arith.constant 0.000000e+00 : f32
        %max3A_131 = vector.broadcast %max3A : f32 to vector<16xf32>
        %max3A_132 = arith.maximumf %sub3A_130, %max3A_131 : vector<16xf32>
        %get3A_133 = arith.index_cast %mul3A_124 : i32 to index
        %get3A_134 = tpu.vector_load %arg11[%get3A_133] {strides = array<i32>} : memref<256xf32, #tpu.memory_space<vmem>>, vector<16xf32>,
        %get3A_135 = arith.index_cast %mul3A_124 : i32 to index
        %get3A_136 = tpu.vector_load %arg17[%get3A_135] {strides = array<i32>} : memref<256xf32, #tpu.memory_space<vmem>>, vector<16xf32>,
        %sub3A_137 = arith.subf %get3A_134, %get3A_136 : vector<16xf32>
        %max3A_138 = arith.constant 0.000000e+00 : f32
        %max3A_139 = vector.broadcast %max3A_138 : f32 to vector<16xf32>
        %max3A_140 = arith.maximumf %sub3A_137, %max3A_139 : vector<16xf32>
        %get3A_141 = arith.index_cast %mul3A_124 : i32 to index
        %get3A_142 = tpu.vector_load %arg12[%get3A_141] {strides = array<i32>} : memref<256xf32, #tpu.memory_space<vmem>>, vector<16xf32>,
        %get3A_143 = arith.index_cast %mul3A_124 : i32 to index
        %get3A_144 = tpu.vector_load %arg18[%get3A_143] {strides = array<i32>} : memref<256xf32, #tpu.memory_space<vmem>>, vector<16xf32>,
        %sub3A_145 = arith.subf %get3A_142, %get3A_144 : vector<16xf32>
        %max3A_146 = arith.constant 0.000000e+00 : f32
        %max3A_147 = vector.broadcast %max3A_146 : f32 to vector<16xf32>
        %max3A_148 = arith.maximumf %sub3A_145, %max3A_147 : vector<16xf32>
        %get3A_149 = arith.index_cast %mul3A_124 : i32 to index
        %get3A_150 = tpu.vector_load %arg13[%get3A_149] {strides = array<i32>} : memref<256xf32, #tpu.memory_space<vmem>>, vector<16xf32>,
        %get3A_151 = arith.index_cast %mul3A_124 : i32 to index
        %get3A_152 = tpu.vector_load %arg19[%get3A_151] {strides = array<i32>} : memref<256xf32, #tpu.memory_space<vmem>>, vector<16xf32>,
        %sub3A_153 = arith.subf %get3A_150, %get3A_152 : vector<16xf32>
        %max3A_154 = arith.constant 0.000000e+00 : f32
        %max3A_155 = vector.broadcast %max3A_154 : f32 to vector<16xf32>
        %max3A_156 = arith.maximumf %sub3A_153, %max3A_155 : vector<16xf32>
        %get3A_157 = arith.index_cast %mul3A_124 : i32 to index
        %get3A_158 = tpu.vector_load %arg14[%get3A_157] {strides = array<i32>} : memref<256xf32, #tpu.memory_space<vmem>>, vector<16xf32>,
        %get3A_159 = arith.index_cast %mul3A_124 : i32 to index
        %get3A_160 = tpu.vector_load %arg20[%get3A_159] {strides = array<i32>} : memref<256xf32, #tpu.memory_space<vmem>>, vector<16xf32>,
        %sub3A_161 = arith.subf %get3A_158, %get3A_160 : vector<16xf32>
        %max3A_162 = arith.constant 0.000000e+00 : f32
        %max3A_163 = vector.broadcast %max3A_162 : f32 to vector<16xf32>
        %max3A_164 = arith.maximumf %sub3A_161, %max3A_163 : vector<16xf32>
        %get3A_165 = arith.index_cast %mul3A_124 : i32 to index
        %get3A_166 = tpu.vector_load %arg15[%get3A_165] {strides = array<i32>} : memref<256xf32, #tpu.memory_space<vmem>>, vector<16xf32>,
        %get3A_167 = arith.index_cast %mul3A_124 : i32 to index
        %get3A_168 = tpu.vector_load %arg21[%get3A_167] {strides = array<i32>} : memref<256xf32, #tpu.memory_space<vmem>>, vector<16xf32>,
        %sub3A_169 = arith.subf %get3A_166, %get3A_168 : vector<16xf32>
        %max3A_170 = arith.constant 0.000000e+00 : f32
        %max3A_171 = vector.broadcast %max3A_170 : f32 to vector<16xf32>
        %max3A_172 = arith.maximumf %sub3A_169, %max3A_171 : vector<16xf32>
        %get3A_173 = arith.constant 0 : index
        %get3A_174 = tpu.vector_load %arg22[%get3A_173] {strides = array<i32>} : memref<288xf32, #tpu.memory_space<vmem>>, vector<16xf32>,
        %mul3A_175 = arith.mulf %max3A_132, %get3A_174 : vector<16xf32>
        %get3A_176 = arith.constant 48 : index
        %get3A_177 = tpu.vector_load %arg22[%get3A_176] {strides = array<i32>} : memref<288xf32, #tpu.memory_space<vmem>>, vector<16xf32>,
        %mul3A_178 = arith.mulf %max3A_140, %get3A_177 : vector<16xf32>
        %add3A_179 = arith.addf %mul3A_175, %mul3A_178 : vector<16xf32>
        %get3A_180 = arith.constant 96 : index
        %get3A_181 = tpu.vector_load %arg22[%get3A_180] {strides = array<i32>} : memref<288xf32, #tpu.memory_space<vmem>>, vector<16xf32>,
        %mul3A_182 = arith.mulf %max3A_148, %get3A_181 : vector<16xf32>
        %add3A_183 = arith.addf %add3A_179, %mul3A_182 : vector<16xf32>
        %get3A_184 = arith.constant 144 : index
        %get3A_185 = tpu.vector_load %arg22[%get3A_184] {strides = array<i32>} : memref<288xf32, #tpu.memory_space<vmem>>, vector<16xf32>,
        %mul3A_186 = arith.mulf %max3A_156, %get3A_185 : vector<16xf32>
        %add3A_187 = arith.addf %add3A_183, %mul3A_186 : vector<16xf32>
        %get3A_188 = arith.constant 192 : index
        %get3A_189 = tpu.vector_load %arg22[%get3A_188] {strides = array<i32>} : memref<288xf32, #tpu.memory_space<vmem>>, vector<16xf32>,
        %mul3A_190 = arith.mulf %max3A_164, %get3A_189 : vector<16xf32>
        %add3A_191 = arith.addf %add3A_187, %mul3A_190 : vector<16xf32>
        %get3A_192 = arith.constant 240 : index
        %get3A_193 = tpu.vector_load %arg22[%get3A_192] {strides = array<i32>} : memref<288xf32, #tpu.memory_space<vmem>>, vector<16xf32>,
        %mul3A_194 = arith.mulf %max3A_172, %get3A_193 : vector<16xf32>
        %add3A_195 = arith.addf %add3A_191, %mul3A_194 : vector<16xf32>
        %get3A_196 = arith.constant 16 : index
        %get3A_197 = tpu.vector_load %arg22[%get3A_196] {strides = array<i32>} : memref<288xf32, #tpu.memory_space<vmem>>, vector<16xf32>,
        %mul3A_198 = arith.mulf %max3A_132, %get3A_197 : vector<16xf32>
        %get3A_199 = arith.constant 64 : index
        %get3A_200 = tpu.vector_load %arg22[%get3A_199] {strides = array<i32>} : memref<288xf32, #tpu.memory_space<vmem>>, vector<16xf32>,
        %mul3A_201 = arith.mulf %max3A_140, %get3A_200 : vector<16xf32>
        %add3A_202 = arith.addf %mul3A_198, %mul3A_201 : vector<16xf32>
        %get3A_203 = arith.constant 112 : index
        %get3A_204 = tpu.vector_load %arg22[%get3A_203] {strides = array<i32>} : memref<288xf32, #tpu.memory_space<vmem>>, vector<16xf32>,
        %mul3A_205 = arith.mulf %max3A_148, %get3A_204 : vector<16xf32>
        %add3A_206 = arith.addf %add3A_202, %mul3A_205 : vector<16xf32>
        %get3A_207 = arith.constant 160 : index
        %get3A_208 = tpu.vector_load %arg22[%get3A_207] {strides = array<i32>} : memref<288xf32, #tpu.memory_space<vmem>>, vector<16xf32>,
        %mul3A_209 = arith.mulf %max3A_156, %get3A_208 : vector<16xf32>
        %add3A_210 = arith.addf %add3A_206, %mul3A_209 : vector<16xf32>
        %get3A_211 = arith.constant 208 : index
        %get3A_212 = tpu.vector_load %arg22[%get3A_211] {strides = array<i32>} : memref<288xf32, #tpu.memory_space<vmem>>, vector<16xf32>,
        %mul3A_213 = arith.mulf %max3A_164, %get3A_212 : vector<16xf32>
        %add3A_214 = arith.addf %add3A_210, %mul3A_213 : vector<16xf32>
        %get3A_215 = arith.constant 256 : index
        %get3A_216 = tpu.vector_load %arg22[%get3A_215] {strides = array<i32>} : memref<288xf32, #tpu.memory_space<vmem>>, vector<16xf32>,
        %mul3A_217 = arith.mulf %max3A_172, %get3A_216 : vector<16xf32>
        %add3A_218 = arith.addf %add3A_214, %mul3A_217 : vector<16xf32>
        %get3A_219 = arith.constant 32 : index
        %get3A_220 = tpu.vector_load %arg22[%get3A_219] {strides = array<i32>} : memref<288xf32, #tpu.memory_space<vmem>>, vector<16xf32>,
        %mul3A_221 = arith.mulf %max3A_132, %get3A_220 : vector<16xf32>
        %get3A_222 = arith.constant 80 : index
        %get3A_223 = tpu.vector_load %arg22[%get3A_222] {strides = array<i32>} : memref<288xf32, #tpu.memory_space<vmem>>, vector<16xf32>,
        %mul3A_224 = arith.mulf %max3A_140, %get3A_223 : vector<16xf32>
        %add3A_225 = arith.addf %mul3A_221, %mul3A_224 : vector<16xf32>
        %get3A_226 = arith.constant 128 : index
        %get3A_227 = tpu.vector_load %arg22[%get3A_226] {strides = array<i32>} : memref<288xf32, #tpu.memory_space<vmem>>, vector<16xf32>,
        %mul3A_228 = arith.mulf %max3A_148, %get3A_227 : vector<16xf32>
        %add3A_229 = arith.addf %add3A_225, %mul3A_228 : vector<16xf32>
        %get3A_230 = arith.constant 176 : index
        %get3A_231 = tpu.vector_load %arg22[%get3A_230] {strides = array<i32>} : memref<288xf32, #tpu.memory_space<vmem>>, vector<16xf32>,
        %mul3A_232 = arith.mulf %max3A_156, %get3A_231 : vector<16xf32>
        %add3A_233 = arith.addf %add3A_229, %mul3A_232 : vector<16xf32>
        %get3A_234 = arith.constant 224 : index
        %get3A_235 = tpu.vector_load %arg22[%get3A_234] {strides = array<i32>} : memref<288xf32, #tpu.memory_space<vmem>>, vector<16xf32>,
        %mul3A_236 = arith.mulf %max3A_164, %get3A_235 : vector<16xf32>
        %add3A_237 = arith.addf %add3A_233, %mul3A_236 : vector<16xf32>
        %get3A_238 = arith.constant 272 : index
        %get3A_239 = tpu.vector_load %arg22[%get3A_238] {strides = array<i32>} : memref<288xf32, #tpu.memory_space<vmem>>, vector<16xf32>,
        %mul3A_240 = arith.mulf %max3A_172, %get3A_239 : vector<16xf32>
        %add3A_241 = arith.addf %add3A_237, %mul3A_240 : vector<16xf32>
        %iota3A = tpu.iota {dimensions = array<i32: 0>} : vector<16xi32>
        %broadcast_in_dim3A_242 = arith.constant 0 : i32
        %broadcast_in_dim3A_243 = vector.broadcast %broadcast_in_dim3A_242 : i32 to vector<16xi32>
        %slice3A = vector.extract_strided_slice %get3A_125 {offsets = [0], sizes = [1], strides = [1]} : vector<16xi32> to vector<1xi32>
        %squeeze3A = vector.extract %slice3A[0] : i32 from vector<1xi32>
        %eq3A = vector.broadcast %squeeze3A : i32 to vector<16xi32>
        %eq3A_244 = arith.cmpi eq, %get3A_125, %eq3A : vector<16xi32>
        %gt3A = arith.constant 0 : i32
        %gt3A_245 = vector.broadcast %gt3A : i32 to vector<16xi32>
        %gt3A_246 = arith.cmpi sgt, %iota3A, %gt3A_245 : vector<16xi32>
        %and3A = arith.andi %eq3A_244, %gt3A_246 : vector<16xi1>
        %convert_element_type3A = arith.extui %and3A : vector<16xi1> to vector<16xi32>
        %add3A_247 = arith.addi %broadcast_in_dim3A_243, %convert_element_type3A : vector<16xi32>
        %slice3A_248 = vector.extract_strided_slice %get3A_125 {offsets = [1], sizes = [1], strides = [1]} : vector<16xi32> to vector<1xi32>
        %squeeze3A_249 = vector.extract %slice3A_248[0] : i32 from vector<1xi32>
        %eq3A_250 = vector.broadcast %squeeze3A_249 : i32 to vector<16xi32>
        %eq3A_251 = arith.cmpi eq, %get3A_125, %eq3A_250 : vector<16xi32>
        %gt3A_252 = arith.constant 1 : i32
        %gt3A_253 = vector.broadcast %gt3A_252 : i32 to vector<16xi32>
        %gt3A_254 = arith.cmpi sgt, %iota3A, %gt3A_253 : vector<16xi32>
        %and3A_255 = arith.andi %eq3A_251, %gt3A_254 : vector<16xi1>
        %convert_element_type3A_256 = arith.extui %and3A_255 : vector<16xi1> to vector<16xi32>
        %add3A_257 = arith.addi %add3A_247, %convert_element_type3A_256 : vector<16xi32>
        %slice3A_258 = vector.extract_strided_slice %get3A_125 {offsets = [2], sizes = [1], strides = [1]} : vector<16xi32> to vector<1xi32>
        %squeeze3A_259 = vector.extract %slice3A_258[0] : i32 from vector<1xi32>
        %eq3A_260 = vector.broadcast %squeeze3A_259 : i32 to vector<16xi32>
        %eq3A_261 = arith.cmpi eq, %get3A_125, %eq3A_260 : vector<16xi32>
        %gt3A_262 = arith.constant 2 : i32
        %gt3A_263 = vector.broadcast %gt3A_262 : i32 to vector<16xi32>
        %gt3A_264 = arith.cmpi sgt, %iota3A, %gt3A_263 : vector<16xi32>
        %and3A_265 = arith.andi %eq3A_261, %gt3A_264 : vector<16xi1>
        %convert_element_type3A_266 = arith.extui %and3A_265 : vector<16xi1> to vector<16xi32>
        %add3A_267 = arith.addi %add3A_257, %convert_element_type3A_266 : vector<16xi32>
        %slice3A_268 = vector.extract_strided_slice %get3A_125 {offsets = [3], sizes = [1], strides = [1]} : vector<16xi32> to vector<1xi32>
        %squeeze3A_269 = vector.extract %slice3A_268[0] : i32 from vector<1xi32>
        %eq3A_270 = vector.broadcast %squeeze3A_269 : i32 to vector<16xi32>
        %eq3A_271 = arith.cmpi eq, %get3A_125, %eq3A_270 : vector<16xi32>
        %gt3A_272 = arith.constant 3 : i32
        %gt3A_273 = vector.broadcast %gt3A_272 : i32 to vector<16xi32>
        %gt3A_274 = arith.cmpi sgt, %iota3A, %gt3A_273 : vector<16xi32>
        %and3A_275 = arith.andi %eq3A_271, %gt3A_274 : vector<16xi1>
        %convert_element_type3A_276 = arith.extui %and3A_275 : vector<16xi1> to vector<16xi32>
        %add3A_277 = arith.addi %add3A_267, %convert_element_type3A_276 : vector<16xi32>
        %slice3A_278 = vector.extract_strided_slice %get3A_125 {offsets = [4], sizes = [1], strides = [1]} : vector<16xi32> to vector<1xi32>
        %squeeze3A_279 = vector.extract %slice3A_278[0] : i32 from vector<1xi32>
        %eq3A_280 = vector.broadcast %squeeze3A_279 : i32 to vector<16xi32>
        %eq3A_281 = arith.cmpi eq, %get3A_125, %eq3A_280 : vector<16xi32>
        %gt3A_282 = arith.constant 4 : i32
        %gt3A_283 = vector.broadcast %gt3A_282 : i32 to vector<16xi32>
        %gt3A_284 = arith.cmpi sgt, %iota3A, %gt3A_283 : vector<16xi32>
        %and3A_285 = arith.andi %eq3A_281, %gt3A_284 : vector<16xi1>
        %convert_element_type3A_286 = arith.extui %and3A_285 : vector<16xi1> to vector<16xi32>
        %add3A_287 = arith.addi %add3A_277, %convert_element_type3A_286 : vector<16xi32>
        %slice3A_288 = vector.extract_strided_slice %get3A_125 {offsets = [5], sizes = [1], strides = [1]} : vector<16xi32> to vector<1xi32>
        %squeeze3A_289 = vector.extract %slice3A_288[0] : i32 from vector<1xi32>
        %eq3A_290 = vector.broadcast %squeeze3A_289 : i32 to vector<16xi32>
        %eq3A_291 = arith.cmpi eq, %get3A_125, %eq3A_290 : vector<16xi32>
        %gt3A_292 = arith.constant 5 : i32
        %gt3A_293 = vector.broadcast %gt3A_292 : i32 to vector<16xi32>
        %gt3A_294 = arith.cmpi sgt, %iota3A, %gt3A_293 : vector<16xi32>
        %and3A_295 = arith.andi %eq3A_291, %gt3A_294 : vector<16xi1>
        %convert_element_type3A_296 = arith.extui %and3A_295 : vector<16xi1> to vector<16xi32>
        %add3A_297 = arith.addi %add3A_287, %convert_element_type3A_296 : vector<16xi32>
        %slice3A_298 = vector.extract_strided_slice %get3A_125 {offsets = [6], sizes = [1], strides = [1]} : vector<16xi32> to vector<1xi32>
        %squeeze3A_299 = vector.extract %slice3A_298[0] : i32 from vector<1xi32>
        %eq3A_300 = vector.broadcast %squeeze3A_299 : i32 to vector<16xi32>
        %eq3A_301 = arith.cmpi eq, %get3A_125, %eq3A_300 : vector<16xi32>
        %gt3A_302 = arith.constant 6 : i32
        %gt3A_303 = vector.broadcast %gt3A_302 : i32 to vector<16xi32>
        %gt3A_304 = arith.cmpi sgt, %iota3A, %gt3A_303 : vector<16xi32>
        %and3A_305 = arith.andi %eq3A_301, %gt3A_304 : vector<16xi1>
        %convert_element_type3A_306 = arith.extui %and3A_305 : vector<16xi1> to vector<16xi32>
        %add3A_307 = arith.addi %add3A_297, %convert_element_type3A_306 : vector<16xi32>
        %slice3A_308 = vector.extract_strided_slice %get3A_125 {offsets = [7], sizes = [1], strides = [1]} : vector<16xi32> to vector<1xi32>
        %squeeze3A_309 = vector.extract %slice3A_308[0] : i32 from vector<1xi32>
        %eq3A_310 = vector.broadcast %squeeze3A_309 : i32 to vector<16xi32>
        %eq3A_311 = arith.cmpi eq, %get3A_125, %eq3A_310 : vector<16xi32>
        %gt3A_312 = arith.constant 7 : i32
        %gt3A_313 = vector.broadcast %gt3A_312 : i32 to vector<16xi32>
        %gt3A_314 = arith.cmpi sgt, %iota3A, %gt3A_313 : vector<16xi32>
        %and3A_315 = arith.andi %eq3A_311, %gt3A_314 : vector<16xi1>
        %convert_element_type3A_316 = arith.extui %and3A_315 : vector<16xi1> to vector<16xi32>
        %add3A_317 = arith.addi %add3A_307, %convert_element_type3A_316 : vector<16xi32>
        %slice3A_318 = vector.extract_strided_slice %get3A_125 {offsets = [8], sizes = [1], strides = [1]} : vector<16xi32> to vector<1xi32>
        %squeeze3A_319 = vector.extract %slice3A_318[0] : i32 from vector<1xi32>
        %eq3A_320 = vector.broadcast %squeeze3A_319 : i32 to vector<16xi32>
        %eq3A_321 = arith.cmpi eq, %get3A_125, %eq3A_320 : vector<16xi32>
        %gt3A_322 = arith.constant 8 : i32
        %gt3A_323 = vector.broadcast %gt3A_322 : i32 to vector<16xi32>
        %gt3A_324 = arith.cmpi sgt, %iota3A, %gt3A_323 : vector<16xi32>
        %and3A_325 = arith.andi %eq3A_321, %gt3A_324 : vector<16xi1>
        %convert_element_type3A_326 = arith.extui %and3A_325 : vector<16xi1> to vector<16xi32>
        %add3A_327 = arith.addi %add3A_317, %convert_element_type3A_326 : vector<16xi32>
        %slice3A_328 = vector.extract_strided_slice %get3A_125 {offsets = [9], sizes = [1], strides = [1]} : vector<16xi32> to vector<1xi32>
        %squeeze3A_329 = vector.extract %slice3A_328[0] : i32 from vector<1xi32>
        %eq3A_330 = vector.broadcast %squeeze3A_329 : i32 to vector<16xi32>
        %eq3A_331 = arith.cmpi eq, %get3A_125, %eq3A_330 : vector<16xi32>
        %gt3A_332 = arith.constant 9 : i32
        %gt3A_333 = vector.broadcast %gt3A_332 : i32 to vector<16xi32>
        %gt3A_334 = arith.cmpi sgt, %iota3A, %gt3A_333 : vector<16xi32>
        %and3A_335 = arith.andi %eq3A_331, %gt3A_334 : vector<16xi1>
        %convert_element_type3A_336 = arith.extui %and3A_335 : vector<16xi1> to vector<16xi32>
        %add3A_337 = arith.addi %add3A_327, %convert_element_type3A_336 : vector<16xi32>
        %slice3A_338 = vector.extract_strided_slice %get3A_125 {offsets = [10], sizes = [1], strides = [1]} : vector<16xi32> to vector<1xi32>
        %squeeze3A_339 = vector.extract %slice3A_338[0] : i32 from vector<1xi32>
        %eq3A_340 = vector.broadcast %squeeze3A_339 : i32 to vector<16xi32>
        %eq3A_341 = arith.cmpi eq, %get3A_125, %eq3A_340 : vector<16xi32>
        %gt3A_342 = arith.constant 10 : i32
        %gt3A_343 = vector.broadcast %gt3A_342 : i32 to vector<16xi32>
        %gt3A_344 = arith.cmpi sgt, %iota3A, %gt3A_343 : vector<16xi32>
        %and3A_345 = arith.andi %eq3A_341, %gt3A_344 : vector<16xi1>
        %convert_element_type3A_346 = arith.extui %and3A_345 : vector<16xi1> to vector<16xi32>
        %add3A_347 = arith.addi %add3A_337, %convert_element_type3A_346 : vector<16xi32>
        %slice3A_348 = vector.extract_strided_slice %get3A_125 {offsets = [11], sizes = [1], strides = [1]} : vector<16xi32> to vector<1xi32>
        %squeeze3A_349 = vector.extract %slice3A_348[0] : i32 from vector<1xi32>
        %eq3A_350 = vector.broadcast %squeeze3A_349 : i32 to vector<16xi32>
        %eq3A_351 = arith.cmpi eq, %get3A_125, %eq3A_350 : vector<16xi32>
        %gt3A_352 = arith.constant 11 : i32
        %gt3A_353 = vector.broadcast %gt3A_352 : i32 to vector<16xi32>
        %gt3A_354 = arith.cmpi sgt, %iota3A, %gt3A_353 : vector<16xi32>
        %and3A_355 = arith.andi %eq3A_351, %gt3A_354 : vector<16xi1>
        %convert_element_type3A_356 = arith.extui %and3A_355 : vector<16xi1> to vector<16xi32>
        %add3A_357 = arith.addi %add3A_347, %convert_element_type3A_356 : vector<16xi32>
        %slice3A_358 = vector.extract_strided_slice %get3A_125 {offsets = [12], sizes = [1], strides = [1]} : vector<16xi32> to vector<1xi32>
        %squeeze3A_359 = vector.extract %slice3A_358[0] : i32 from vector<1xi32>
        %eq3A_360 = vector.broadcast %squeeze3A_359 : i32 to vector<16xi32>
        %eq3A_361 = arith.cmpi eq, %get3A_125, %eq3A_360 : vector<16xi32>
        %gt3A_362 = arith.constant 12 : i32
        %gt3A_363 = vector.broadcast %gt3A_362 : i32 to vector<16xi32>
        %gt3A_364 = arith.cmpi sgt, %iota3A, %gt3A_363 : vector<16xi32>
        %and3A_365 = arith.andi %eq3A_361, %gt3A_364 : vector<16xi1>
        %convert_element_type3A_366 = arith.extui %and3A_365 : vector<16xi1> to vector<16xi32>
        %add3A_367 = arith.addi %add3A_357, %convert_element_type3A_366 : vector<16xi32>
        %slice3A_368 = vector.extract_strided_slice %get3A_125 {offsets = [13], sizes = [1], strides = [1]} : vector<16xi32> to vector<1xi32>
        %squeeze3A_369 = vector.extract %slice3A_368[0] : i32 from vector<1xi32>
        %eq3A_370 = vector.broadcast %squeeze3A_369 : i32 to vector<16xi32>
        %eq3A_371 = arith.cmpi eq, %get3A_125, %eq3A_370 : vector<16xi32>
        %gt3A_372 = arith.constant 13 : i32
        %gt3A_373 = vector.broadcast %gt3A_372 : i32 to vector<16xi32>
        %gt3A_374 = arith.cmpi sgt, %iota3A, %gt3A_373 : vector<16xi32>
        %and3A_375 = arith.andi %eq3A_371, %gt3A_374 : vector<16xi1>
        %convert_element_type3A_376 = arith.extui %and3A_375 : vector<16xi1> to vector<16xi32>
        %add3A_377 = arith.addi %add3A_367, %convert_element_type3A_376 : vector<16xi32>
        %slice3A_378 = vector.extract_strided_slice %get3A_125 {offsets = [14], sizes = [1], strides = [1]} : vector<16xi32> to vector<1xi32>
        %squeeze3A_379 = vector.extract %slice3A_378[0] : i32 from vector<1xi32>
        %eq3A_380 = vector.broadcast %squeeze3A_379 : i32 to vector<16xi32>
        %eq3A_381 = arith.cmpi eq, %get3A_125, %eq3A_380 : vector<16xi32>
        %gt3A_382 = arith.constant 14 : i32
        %gt3A_383 = vector.broadcast %gt3A_382 : i32 to vector<16xi32>
        %gt3A_384 = arith.cmpi sgt, %iota3A, %gt3A_383 : vector<16xi32>
        %and3A_385 = arith.andi %eq3A_381, %gt3A_384 : vector<16xi1>
        %convert_element_type3A_386 = arith.extui %and3A_385 : vector<16xi1> to vector<16xi32>
        %add3A_387 = arith.addi %add3A_377, %convert_element_type3A_386 : vector<16xi32>
        %scan3A_388 = arith.constant 0 : i32
        %scan3A_389 = arith.constant 0 : i32
        %scan3A_390 = arith.constant 16 : i32
        %scan3A_391 = arith.addi %scan3A_389, %scan3A_390 : i32
        %scan3A_392 = arith.constant 1 : i32
        scf.for %scan3A_394 = %scan3A_389 to %scan3A_391 step %scan3A_392  : i32 {
          %eq3A_395 = vector.broadcast %scan3A_394 : i32 to vector<16xi32>
          %eq3A_396 = arith.cmpi eq, %add3A_387, %eq3A_395 : vector<16xi32>
          %add3A_397 = arith.constant 0 : i32
          %add3A_398 = vector.broadcast %add3A_397 : i32 to vector<16xi32>
          %add3A_399 = arith.addi %get3A_125, %add3A_398 : vector<16xi32>
          %gather3A = tpu.vector_load_idx %arg23[%add3A_399] masked %eq3A_396 : memref<30720xf32, #tpu.memory_space<vmem>>[vector<16xi32>], vector<16xf32>, vector<16xi1>
          %max3A_400 = arith.maximumf %gather3A, %add3A_195 : vector<16xf32>
          tpu.vector_store_idx %arg23[%add3A_399], %max3A_400 masked %eq3A_396 : memref<30720xf32, #tpu.memory_space<vmem>>[vector<16xi32>], vector<16xf32>, vector<16xi1>
          %add3A_401 = arith.constant 10240 : i32
          %add3A_402 = vector.broadcast %add3A_401 : i32 to vector<16xi32>
          %add3A_403 = arith.addi %get3A_125, %add3A_402 : vector<16xi32>
          %gather3A_404 = tpu.vector_load_idx %arg23[%add3A_403] masked %eq3A_396 : memref<30720xf32, #tpu.memory_space<vmem>>[vector<16xi32>], vector<16xf32>, vector<16xi1>
          %max3A_405 = arith.maximumf %gather3A_404, %add3A_218 : vector<16xf32>
          tpu.vector_store_idx %arg23[%add3A_403], %max3A_405 masked %eq3A_396 : memref<30720xf32, #tpu.memory_space<vmem>>[vector<16xi32>], vector<16xf32>, vector<16xi1>
          %add3A_406 = arith.constant 20480 : i32
          %add3A_407 = vector.broadcast %add3A_406 : i32 to vector<16xi32>
          %add3A_408 = arith.addi %get3A_125, %add3A_407 : vector<16xi32>
          %gather3A_409 = tpu.vector_load_idx %arg23[%add3A_408] masked %eq3A_396 : memref<30720xf32, #tpu.memory_space<vmem>>[vector<16xi32>], vector<16xf32>, vector<16xi1>
          %max3A_410 = arith.maximumf %gather3A_409, %add3A_241 : vector<16xf32>
          tpu.vector_store_idx %arg23[%add3A_408], %max3A_410 masked %eq3A_396 : memref<30720xf32, #tpu.memory_space<vmem>>[vector<16xi32>], vector<16xf32>, vector<16xi1>
        }
        %scan3A_393 = arith.constant 16 : i32
      }
      %scan3A_121 = arith.constant 16 : i32
    }
    %scan3A_15 = arith.constant 40 : i32
    "tpu.region"() ({
      %run_scoped3A = tpu.sem_alloc : memref<!tpu.dma_semaphore, #tpu.memory_space<semaphore_mem>>
      %dma_start3A = arith.constant 0 : i32
      %dma_start3A_16 = tpu.memref_slice %arg7[%add3A, %dma_start3A] : memref<32x30720xf32, #tpu.memory_space<hbm>> -> memref<1x30720xf32, #tpu.memory_space<hbm>>
      %dma_start3A_17 = tpu.memref_squeeze %dma_start3A_16 : memref<1x30720xf32, #tpu.memory_space<hbm>> -> memref<30720xf32, #tpu.memory_space<hbm>>
      %dma_start3A_18 = arith.constant 0 : i32
      %dma_start3A_19 = tpu.memref_slice %arg7[%add3A, %dma_start3A_18] : memref<32x30720xf32, #tpu.memory_space<hbm>> -> memref<1x30720xf32, #tpu.memory_space<hbm>>
      %dma_start3A_20 = tpu.memref_squeeze %dma_start3A_19 : memref<1x30720xf32, #tpu.memory_space<hbm>> -> memref<30720xf32, #tpu.memory_space<hbm>>
      tpu.enqueue_dma source(%arg23 : memref<30720xf32, #tpu.memory_space<vmem>>) target(%dma_start3A_20 : memref<30720xf32, #tpu.memory_space<hbm>>) target_semaphore(%run_scoped3A : memref<!tpu.dma_semaphore, #tpu.memory_space<semaphore_mem>>)
      %dma_wait3A = arith.constant 0 : i32
      %dma_wait3A_21 = tpu.memref_slice %arg7[%add3A, %dma_wait3A] : memref<32x30720xf32, #tpu.memory_space<hbm>> -> memref<1x30720xf32, #tpu.memory_space<hbm>>
      %dma_wait3A_22 = tpu.memref_squeeze %dma_wait3A_21 : memref<1x30720xf32, #tpu.memory_space<hbm>> -> memref<30720xf32, #tpu.memory_space<hbm>>
      %dma_wait3A_23 = arith.constant 0 : i32
      %dma_wait3A_24 = tpu.memref_slice %arg7[%add3A, %dma_wait3A_23] : memref<32x30720xf32, #tpu.memory_space<hbm>> -> memref<1x30720xf32, #tpu.memory_space<hbm>>
      %dma_wait3A_25 = tpu.memref_squeeze %dma_wait3A_24 : memref<1x30720xf32, #tpu.memory_space<hbm>> -> memref<30720xf32, #tpu.memory_space<hbm>>
      tpu.wait_dma2 semaphore(%run_scoped3A : memref<!tpu.dma_semaphore, #tpu.memory_space<semaphore_mem>>) src(%arg23 : memref<30720xf32, #tpu.memory_space<vmem>>) dst(%dma_wait3A_25 : memref<30720xf32, #tpu.memory_space<hbm>>)
      tpu.yield
    }) : () -> ()
    return
  }
}

#map = affine_map<(d0, d1) -> (0)>
#map1 = affine_map<(d0, d1) -> (0, 0)>
module attributes {stable_mosaic.version = 14 : i64} {
  func.func @ek(%arg0: i32, %arg1: i32, %arg2: memref<184320xf32, #tpu.memory_space<hbm>>, %arg3: memref<184320xf32, #tpu.memory_space<hbm>>, %arg4: memref<327680xi32, #tpu.memory_space<hbm>>, %arg5: memref<327680xi32, #tpu.memory_space<hbm>>, %arg6: memref<2592xf32, #tpu.memory_space<hbm>>, %arg7: memref<32x92160xf32, #tpu.memory_space<hbm>>, %arg8: memref<256xi32, #tpu.memory_space<vmem>>, %arg9: memref<256xi32, #tpu.memory_space<vmem>>, %arg10: memref<256xf32, #tpu.memory_space<vmem>>, %arg11: memref<256xf32, #tpu.memory_space<vmem>>, %arg12: memref<256xf32, #tpu.memory_space<vmem>>, %arg13: memref<256xf32, #tpu.memory_space<vmem>>, %arg14: memref<256xf32, #tpu.memory_space<vmem>>, %arg15: memref<256xf32, #tpu.memory_space<vmem>>, %arg16: memref<256xf32, #tpu.memory_space<vmem>>, %arg17: memref<256xf32, #tpu.memory_space<vmem>>, %arg18: memref<256xf32, #tpu.memory_space<vmem>>, %arg19: memref<256xf32, #tpu.memory_space<vmem>>, %arg20: memref<256xf32, #tpu.memory_space<vmem>>, %arg21: memref<256xf32, #tpu.memory_space<vmem>>, %arg22: memref<256xf32, #tpu.memory_space<vmem>>, %arg23: memref<256xf32, #tpu.memory_space<vmem>>, %arg24: memref<256xf32, #tpu.memory_space<vmem>>, %arg25: memref<256xf32, #tpu.memory_space<vmem>>, %arg26: memref<256xf32, #tpu.memory_space<vmem>>, %arg27: memref<256xf32, #tpu.memory_space<vmem>>, %arg28: memref<256xf32, #tpu.memory_space<vmem>>, %arg29: memref<256xf32, #tpu.memory_space<vmem>>, %arg30: memref<256xf32, #tpu.memory_space<vmem>>, %arg31: memref<256xf32, #tpu.memory_space<vmem>>, %arg32: memref<256xf32, #tpu.memory_space<vmem>>, %arg33: memref<256xf32, #tpu.memory_space<vmem>>, %arg34: memref<256xf32, #tpu.memory_space<vmem>>, %arg35: memref<256xf32, #tpu.memory_space<vmem>>, %arg36: memref<256xf32, #tpu.memory_space<vmem>>, %arg37: memref<256xf32, #tpu.memory_space<vmem>>, %arg38: memref<256xf32, #tpu.memory_space<vmem>>, %arg39: memref<256xf32, #tpu.memory_space<vmem>>, %arg40: memref<256xf32, #tpu.memory_space<vmem>>, %arg41: memref<256xf32, #tpu.memory_space<vmem>>, %arg42: memref<256xf32, #tpu.memory_space<vmem>>, %arg43: memref<256xf32, #tpu.memory_space<vmem>>, %arg44: memref<256xf32, #tpu.memory_space<vmem>>, %arg45: memref<256xf32, #tpu.memory_space<vmem>>, %arg46: memref<2592xf32, #tpu.memory_space<vmem>>, %arg47: memref<92160xf32, #tpu.memory_space<vmem>>, %arg48: memref<32xi32, #tpu.memory_space<vmem>>, %arg49: memref<!tpu.dma_semaphore, #tpu.memory_space<semaphore_mem>>) attributes {dimension_semantics = [#tpu.dimension_semantics<core_parallel>, #tpu.dimension_semantics<subcore_parallel>], iteration_bounds = array<i64: 2, 16>, scalar_prefetch = 0 : i64, scratch_operands = 42 : i64, tpu.core_type = #tpu.core_type<sc_vector_subcore>, window_params = [{transform_indices = #map}, {transform_indices = #map}, {transform_indices = #map}, {transform_indices = #map}, {transform_indices = #map}, {transform_indices = #map1}]} {
    %mul3A = arith.constant 2 : i32
    %mul3A_0 = arith.muli %arg1, %mul3A : i32
    %add3A = arith.addi %mul3A_0, %arg0 : i32
    "tpu.region"() ({
      %run_scoped3A = tpu.sem_alloc : memref<!tpu.dma_semaphore, #tpu.memory_space<semaphore_mem>>
      tpu.enqueue_dma source(%arg6 : memref<2592xf32, #tpu.memory_space<hbm>>) target(%arg46 : memref<2592xf32, #tpu.memory_space<vmem>>) target_semaphore(%run_scoped3A : memref<!tpu.dma_semaphore, #tpu.memory_space<semaphore_mem>>)
      tpu.wait_dma2 semaphore(%run_scoped3A : memref<!tpu.dma_semaphore, #tpu.memory_space<semaphore_mem>>) src(%arg6 : memref<2592xf32, #tpu.memory_space<hbm>>) dst(%arg46 : memref<2592xf32, #tpu.memory_space<vmem>>)
      tpu.yield
    }) : () -> ()
    %broadcast_in_dim3A = arith.constant 0 : i32
    %broadcast_in_dim3A_1 = vector.broadcast %broadcast_in_dim3A : i32 to vector<16xi32>
    %sub3A = arith.constant 1 : i32
    %sub3A_2 = vector.broadcast %sub3A : i32 to vector<16xi32>
    %sub3A_3 = arith.subi %broadcast_in_dim3A_1, %sub3A_2 : vector<16xi32>
    %swap3A = arith.constant 0 : index
    %swap3A_4 = tpu.vector_load %arg48[%swap3A] {strides = array<i32>} : memref<32xi32, #tpu.memory_space<vmem>>, vector<16xi32>,
    tpu.vector_store %arg48[%swap3A], %sub3A_3 {strides = array<i32>} : memref<32xi32, #tpu.memory_space<vmem>>, vector<16xi32>,
    %scan3A = arith.constant 0 : i32
    %scan3A_5 = arith.constant 0 : i32
    %scan3A_6 = arith.constant 5760 : i32
    %scan3A_7 = arith.addi %scan3A_5, %scan3A_6 : i32
    %scan3A_8 = arith.constant 1 : i32
    scf.for %scan3A_16 = %scan3A_5 to %scan3A_7 step %scan3A_8  : i32 {
      %broadcast_in_dim3A_17 = arith.constant -1.000000e+30 : f32
      %broadcast_in_dim3A_18 = vector.broadcast %broadcast_in_dim3A_17 : f32 to vector<16xf32>
      %mul3A_19 = arith.constant 16 : i32
      %mul3A_20 = arith.muli %scan3A_16, %mul3A_19 : i32
      %swap3A_21 = arith.index_cast %mul3A_20 : i32 to index
      %swap3A_22 = tpu.vector_load %arg47[%swap3A_21] {strides = array<i32>} : memref<92160xf32, #tpu.memory_space<vmem>>, vector<16xf32>,
      tpu.vector_store %arg47[%swap3A_21], %broadcast_in_dim3A_18 {strides = array<i32>} : memref<92160xf32, #tpu.memory_space<vmem>>, vector<16xf32>,
    }
    %scan3A_9 = arith.constant 5760 : i32
    %scan3A_10 = arith.constant 0 : i32
    %scan3A_11 = arith.constant 0 : i32
    %scan3A_12 = arith.constant 40 : i32
    %scan3A_13 = arith.addi %scan3A_11, %scan3A_12 : i32
    %scan3A_14 = arith.constant 1 : i32
    scf.for %scan3A_16 = %scan3A_11 to %scan3A_13 step %scan3A_14  : i32 {
      %mul3A_17 = arith.constant 10240 : i32
      %mul3A_18 = arith.muli %add3A, %mul3A_17 : i32
      %mul3A_19 = arith.constant 256 : i32
      %mul3A_20 = arith.muli %scan3A_16, %mul3A_19 : i32
      %add3A_21 = arith.addi %mul3A_18, %mul3A_20 : i32
      "tpu.region"() ({
        %run_scoped3A = tpu.sem_alloc : memref<!tpu.dma_semaphore, #tpu.memory_space<semaphore_mem>>
        %dma_start3A_314 = tpu.memref_slice %arg4[%add3A_21] : memref<327680xi32, #tpu.memory_space<hbm>> -> memref<256xi32, #tpu.memory_space<hbm>>
        %dma_start3A_315 = tpu.memref_slice %arg4[%add3A_21] : memref<327680xi32, #tpu.memory_space<hbm>> -> memref<256xi32, #tpu.memory_space<hbm>>
        tpu.enqueue_dma source(%dma_start3A_315 : memref<256xi32, #tpu.memory_space<hbm>>) target(%arg8 : memref<256xi32, #tpu.memory_space<vmem>>) target_semaphore(%run_scoped3A : memref<!tpu.dma_semaphore, #tpu.memory_space<semaphore_mem>>)
        %dma_wait3A_316 = tpu.memref_slice %arg4[%add3A_21] : memref<327680xi32, #tpu.memory_space<hbm>> -> memref<256xi32, #tpu.memory_space<hbm>>
        %dma_wait3A_317 = tpu.memref_slice %arg4[%add3A_21] : memref<327680xi32, #tpu.memory_space<hbm>> -> memref<256xi32, #tpu.memory_space<hbm>>
        tpu.wait_dma2 semaphore(%run_scoped3A : memref<!tpu.dma_semaphore, #tpu.memory_space<semaphore_mem>>) src(%dma_wait3A_317 : memref<256xi32, #tpu.memory_space<hbm>>) dst(%arg8 : memref<256xi32, #tpu.memory_space<vmem>>)
        tpu.yield
      }) : () -> ()
      "tpu.region"() ({
        %run_scoped3A = tpu.sem_alloc : memref<!tpu.dma_semaphore, #tpu.memory_space<semaphore_mem>>
        %dma_start3A_314 = tpu.memref_slice %arg5[%add3A_21] : memref<327680xi32, #tpu.memory_space<hbm>> -> memref<256xi32, #tpu.memory_space<hbm>>
        %dma_start3A_315 = tpu.memref_slice %arg5[%add3A_21] : memref<327680xi32, #tpu.memory_space<hbm>> -> memref<256xi32, #tpu.memory_space<hbm>>
        tpu.enqueue_dma source(%dma_start3A_315 : memref<256xi32, #tpu.memory_space<hbm>>) target(%arg9 : memref<256xi32, #tpu.memory_space<vmem>>) target_semaphore(%run_scoped3A : memref<!tpu.dma_semaphore, #tpu.memory_space<semaphore_mem>>)
        %dma_wait3A_316 = tpu.memref_slice %arg5[%add3A_21] : memref<327680xi32, #tpu.memory_space<hbm>> -> memref<256xi32, #tpu.memory_space<hbm>>
        %dma_wait3A_317 = tpu.memref_slice %arg5[%add3A_21] : memref<327680xi32, #tpu.memory_space<hbm>> -> memref<256xi32, #tpu.memory_space<hbm>>
        tpu.wait_dma2 semaphore(%run_scoped3A : memref<!tpu.dma_semaphore, #tpu.memory_space<semaphore_mem>>) src(%dma_wait3A_317 : memref<256xi32, #tpu.memory_space<hbm>>) dst(%arg9 : memref<256xi32, #tpu.memory_space<vmem>>)
        tpu.yield
      }) : () -> ()
      %dma_start3A = arith.constant 0 : i32
      %dma_start3A_22 = tpu.memref_slice %arg2[%dma_start3A] : memref<184320xf32, #tpu.memory_space<hbm>> -> memref<10240xf32, #tpu.memory_space<hbm>>
      %dma_start3A_23 = arith.constant 0 : i32
      %dma_start3A_24 = tpu.memref_slice %dma_start3A_22[%dma_start3A_23] : memref<10240xf32, #tpu.memory_space<hbm>> -> memref<10240xf32, #tpu.memory_space<hbm>>
      tpu.enqueue_indirect_dma source(%dma_start3A_24 : memref<10240xf32, #tpu.memory_space<hbm>>) target(%arg10 : memref<256xf32, #tpu.memory_space<vmem>>) offsets(%arg8 : memref<256xi32, #tpu.memory_space<vmem>>) semaphore(%arg49 : memref<!tpu.dma_semaphore, #tpu.memory_space<semaphore_mem>>)
      %dma_start3A_25 = arith.constant 0 : i32
      %dma_start3A_26 = tpu.memref_slice %arg3[%dma_start3A_25] : memref<184320xf32, #tpu.memory_space<hbm>> -> memref<10240xf32, #tpu.memory_space<hbm>>
      %dma_start3A_27 = arith.constant 0 : i32
      %dma_start3A_28 = tpu.memref_slice %dma_start3A_26[%dma_start3A_27] : memref<10240xf32, #tpu.memory_space<hbm>> -> memref<10240xf32, #tpu.memory_space<hbm>>
      tpu.enqueue_indirect_dma source(%dma_start3A_28 : memref<10240xf32, #tpu.memory_space<hbm>>) target(%arg28 : memref<256xf32, #tpu.memory_space<vmem>>) offsets(%arg9 : memref<256xi32, #tpu.memory_space<vmem>>) semaphore(%arg49 : memref<!tpu.dma_semaphore, #tpu.memory_space<semaphore_mem>>)
      %dma_start3A_29 = arith.constant 10240 : i32
      %dma_start3A_30 = tpu.memref_slice %arg2[%dma_start3A_29] : memref<184320xf32, #tpu.memory_space<hbm>> -> memref<10240xf32, #tpu.memory_space<hbm>>
      %dma_start3A_31 = arith.constant 0 : i32
      %dma_start3A_32 = tpu.memref_slice %dma_start3A_30[%dma_start3A_31] : memref<10240xf32, #tpu.memory_space<hbm>> -> memref<10240xf32, #tpu.memory_space<hbm>>
      tpu.enqueue_indirect_dma source(%dma_start3A_32 : memref<10240xf32, #tpu.memory_space<hbm>>) target(%arg11 : memref<256xf32, #tpu.memory_space<vmem>>) offsets(%arg8 : memref<256xi32, #tpu.memory_space<vmem>>) semaphore(%arg49 : memref<!tpu.dma_semaphore, #tpu.memory_space<semaphore_mem>>)
      %dma_start3A_33 = arith.constant 10240 : i32
      %dma_start3A_34 = tpu.memref_slice %arg3[%dma_start3A_33] : memref<184320xf32, #tpu.memory_space<hbm>> -> memref<10240xf32, #tpu.memory_space<hbm>>
      %dma_start3A_35 = arith.constant 0 : i32
      %dma_start3A_36 = tpu.memref_slice %dma_start3A_34[%dma_start3A_35] : memref<10240xf32, #tpu.memory_space<hbm>> -> memref<10240xf32, #tpu.memory_space<hbm>>
      tpu.enqueue_indirect_dma source(%dma_start3A_36 : memref<10240xf32, #tpu.memory_space<hbm>>) target(%arg29 : memref<256xf32, #tpu.memory_space<vmem>>) offsets(%arg9 : memref<256xi32, #tpu.memory_space<vmem>>) semaphore(%arg49 : memref<!tpu.dma_semaphore, #tpu.memory_space<semaphore_mem>>)
      %dma_start3A_37 = arith.constant 20480 : i32
      %dma_start3A_38 = tpu.memref_slice %arg2[%dma_start3A_37] : memref<184320xf32, #tpu.memory_space<hbm>> -> memref<10240xf32, #tpu.memory_space<hbm>>
      %dma_start3A_39 = arith.constant 0 : i32
      %dma_start3A_40 = tpu.memref_slice %dma_start3A_38[%dma_start3A_39] : memref<10240xf32, #tpu.memory_space<hbm>> -> memref<10240xf32, #tpu.memory_space<hbm>>
      tpu.enqueue_indirect_dma source(%dma_start3A_40 : memref<10240xf32, #tpu.memory_space<hbm>>) target(%arg12 : memref<256xf32, #tpu.memory_space<vmem>>) offsets(%arg8 : memref<256xi32, #tpu.memory_space<vmem>>) semaphore(%arg49 : memref<!tpu.dma_semaphore, #tpu.memory_space<semaphore_mem>>)
      %dma_start3A_41 = arith.constant 20480 : i32
      %dma_start3A_42 = tpu.memref_slice %arg3[%dma_start3A_41] : memref<184320xf32, #tpu.memory_space<hbm>> -> memref<10240xf32, #tpu.memory_space<hbm>>
      %dma_start3A_43 = arith.constant 0 : i32
      %dma_start3A_44 = tpu.memref_slice %dma_start3A_42[%dma_start3A_43] : memref<10240xf32, #tpu.memory_space<hbm>> -> memref<10240xf32, #tpu.memory_space<hbm>>
      tpu.enqueue_indirect_dma source(%dma_start3A_44 : memref<10240xf32, #tpu.memory_space<hbm>>) target(%arg30 : memref<256xf32, #tpu.memory_space<vmem>>) offsets(%arg9 : memref<256xi32, #tpu.memory_space<vmem>>) semaphore(%arg49 : memref<!tpu.dma_semaphore, #tpu.memory_space<semaphore_mem>>)
      %dma_start3A_45 = arith.constant 30720 : i32
      %dma_start3A_46 = tpu.memref_slice %arg2[%dma_start3A_45] : memref<184320xf32, #tpu.memory_space<hbm>> -> memref<10240xf32, #tpu.memory_space<hbm>>
      %dma_start3A_47 = arith.constant 0 : i32
      %dma_start3A_48 = tpu.memref_slice %dma_start3A_46[%dma_start3A_47] : memref<10240xf32, #tpu.memory_space<hbm>> -> memref<10240xf32, #tpu.memory_space<hbm>>
      tpu.enqueue_indirect_dma source(%dma_start3A_48 : memref<10240xf32, #tpu.memory_space<hbm>>) target(%arg13 : memref<256xf32, #tpu.memory_space<vmem>>) offsets(%arg8 : memref<256xi32, #tpu.memory_space<vmem>>) semaphore(%arg49 : memref<!tpu.dma_semaphore, #tpu.memory_space<semaphore_mem>>)
      %dma_start3A_49 = arith.constant 30720 : i32
      %dma_start3A_50 = tpu.memref_slice %arg3[%dma_start3A_49] : memref<184320xf32, #tpu.memory_space<hbm>> -> memref<10240xf32, #tpu.memory_space<hbm>>
      %dma_start3A_51 = arith.constant 0 : i32
      %dma_start3A_52 = tpu.memref_slice %dma_start3A_50[%dma_start3A_51] : memref<10240xf32, #tpu.memory_space<hbm>> -> memref<10240xf32, #tpu.memory_space<hbm>>
      tpu.enqueue_indirect_dma source(%dma_start3A_52 : memref<10240xf32, #tpu.memory_space<hbm>>) target(%arg31 : memref<256xf32, #tpu.memory_space<vmem>>) offsets(%arg9 : memref<256xi32, #tpu.memory_space<vmem>>) semaphore(%arg49 : memref<!tpu.dma_semaphore, #tpu.memory_space<semaphore_mem>>)
      %dma_start3A_53 = arith.constant 40960 : i32
      %dma_start3A_54 = tpu.memref_slice %arg2[%dma_start3A_53] : memref<184320xf32, #tpu.memory_space<hbm>> -> memref<10240xf32, #tpu.memory_space<hbm>>
      %dma_start3A_55 = arith.constant 0 : i32
      %dma_start3A_56 = tpu.memref_slice %dma_start3A_54[%dma_start3A_55] : memref<10240xf32, #tpu.memory_space<hbm>> -> memref<10240xf32, #tpu.memory_space<hbm>>
      tpu.enqueue_indirect_dma source(%dma_start3A_56 : memref<10240xf32, #tpu.memory_space<hbm>>) target(%arg14 : memref<256xf32, #tpu.memory_space<vmem>>) offsets(%arg8 : memref<256xi32, #tpu.memory_space<vmem>>) semaphore(%arg49 : memref<!tpu.dma_semaphore, #tpu.memory_space<semaphore_mem>>)
      %dma_start3A_57 = arith.constant 40960 : i32
      %dma_start3A_58 = tpu.memref_slice %arg3[%dma_start3A_57] : memref<184320xf32, #tpu.memory_space<hbm>> -> memref<10240xf32, #tpu.memory_space<hbm>>
      %dma_start3A_59 = arith.constant 0 : i32
      %dma_start3A_60 = tpu.memref_slice %dma_start3A_58[%dma_start3A_59] : memref<10240xf32, #tpu.memory_space<hbm>> -> memref<10240xf32, #tpu.memory_space<hbm>>
      tpu.enqueue_indirect_dma source(%dma_start3A_60 : memref<10240xf32, #tpu.memory_space<hbm>>) target(%arg32 : memref<256xf32, #tpu.memory_space<vmem>>) offsets(%arg9 : memref<256xi32, #tpu.memory_space<vmem>>) semaphore(%arg49 : memref<!tpu.dma_semaphore, #tpu.memory_space<semaphore_mem>>)
      %dma_start3A_61 = arith.constant 51200 : i32
      %dma_start3A_62 = tpu.memref_slice %arg2[%dma_start3A_61] : memref<184320xf32, #tpu.memory_space<hbm>> -> memref<10240xf32, #tpu.memory_space<hbm>>
      %dma_start3A_63 = arith.constant 0 : i32
      %dma_start3A_64 = tpu.memref_slice %dma_start3A_62[%dma_start3A_63] : memref<10240xf32, #tpu.memory_space<hbm>> -> memref<10240xf32, #tpu.memory_space<hbm>>
      tpu.enqueue_indirect_dma source(%dma_start3A_64 : memref<10240xf32, #tpu.memory_space<hbm>>) target(%arg15 : memref<256xf32, #tpu.memory_space<vmem>>) offsets(%arg8 : memref<256xi32, #tpu.memory_space<vmem>>) semaphore(%arg49 : memref<!tpu.dma_semaphore, #tpu.memory_space<semaphore_mem>>)
      %dma_start3A_65 = arith.constant 51200 : i32
      %dma_start3A_66 = tpu.memref_slice %arg3[%dma_start3A_65] : memref<184320xf32, #tpu.memory_space<hbm>> -> memref<10240xf32, #tpu.memory_space<hbm>>
      %dma_start3A_67 = arith.constant 0 : i32
      %dma_start3A_68 = tpu.memref_slice %dma_start3A_66[%dma_start3A_67] : memref<10240xf32, #tpu.memory_space<hbm>> -> memref<10240xf32, #tpu.memory_space<hbm>>
      tpu.enqueue_indirect_dma source(%dma_start3A_68 : memref<10240xf32, #tpu.memory_space<hbm>>) target(%arg33 : memref<256xf32, #tpu.memory_space<vmem>>) offsets(%arg9 : memref<256xi32, #tpu.memory_space<vmem>>) semaphore(%arg49 : memref<!tpu.dma_semaphore, #tpu.memory_space<semaphore_mem>>)
      %dma_start3A_69 = arith.constant 61440 : i32
      %dma_start3A_70 = tpu.memref_slice %arg2[%dma_start3A_69] : memref<184320xf32, #tpu.memory_space<hbm>> -> memref<10240xf32, #tpu.memory_space<hbm>>
      %dma_start3A_71 = arith.constant 0 : i32
      %dma_start3A_72 = tpu.memref_slice %dma_start3A_70[%dma_start3A_71] : memref<10240xf32, #tpu.memory_space<hbm>> -> memref<10240xf32, #tpu.memory_space<hbm>>
      tpu.enqueue_indirect_dma source(%dma_start3A_72 : memref<10240xf32, #tpu.memory_space<hbm>>) target(%arg16 : memref<256xf32, #tpu.memory_space<vmem>>) offsets(%arg8 : memref<256xi32, #tpu.memory_space<vmem>>) semaphore(%arg49 : memref<!tpu.dma_semaphore, #tpu.memory_space<semaphore_mem>>)
      %dma_start3A_73 = arith.constant 61440 : i32
      %dma_start3A_74 = tpu.memref_slice %arg3[%dma_start3A_73] : memref<184320xf32, #tpu.memory_space<hbm>> -> memref<10240xf32, #tpu.memory_space<hbm>>
      %dma_start3A_75 = arith.constant 0 : i32
      %dma_start3A_76 = tpu.memref_slice %dma_start3A_74[%dma_start3A_75] : memref<10240xf32, #tpu.memory_space<hbm>> -> memref<10240xf32, #tpu.memory_space<hbm>>
      tpu.enqueue_indirect_dma source(%dma_start3A_76 : memref<10240xf32, #tpu.memory_space<hbm>>) target(%arg34 : memref<256xf32, #tpu.memory_space<vmem>>) offsets(%arg9 : memref<256xi32, #tpu.memory_space<vmem>>) semaphore(%arg49 : memref<!tpu.dma_semaphore, #tpu.memory_space<semaphore_mem>>)
      %dma_start3A_77 = arith.constant 71680 : i32
      %dma_start3A_78 = tpu.memref_slice %arg2[%dma_start3A_77] : memref<184320xf32, #tpu.memory_space<hbm>> -> memref<10240xf32, #tpu.memory_space<hbm>>
      %dma_start3A_79 = arith.constant 0 : i32
      %dma_start3A_80 = tpu.memref_slice %dma_start3A_78[%dma_start3A_79] : memref<10240xf32, #tpu.memory_space<hbm>> -> memref<10240xf32, #tpu.memory_space<hbm>>
      tpu.enqueue_indirect_dma source(%dma_start3A_80 : memref<10240xf32, #tpu.memory_space<hbm>>) target(%arg17 : memref<256xf32, #tpu.memory_space<vmem>>) offsets(%arg8 : memref<256xi32, #tpu.memory_space<vmem>>) semaphore(%arg49 : memref<!tpu.dma_semaphore, #tpu.memory_space<semaphore_mem>>)
      %dma_start3A_81 = arith.constant 71680 : i32
      %dma_start3A_82 = tpu.memref_slice %arg3[%dma_start3A_81] : memref<184320xf32, #tpu.memory_space<hbm>> -> memref<10240xf32, #tpu.memory_space<hbm>>
      %dma_start3A_83 = arith.constant 0 : i32
      %dma_start3A_84 = tpu.memref_slice %dma_start3A_82[%dma_start3A_83] : memref<10240xf32, #tpu.memory_space<hbm>> -> memref<10240xf32, #tpu.memory_space<hbm>>
      tpu.enqueue_indirect_dma source(%dma_start3A_84 : memref<10240xf32, #tpu.memory_space<hbm>>) target(%arg35 : memref<256xf32, #tpu.memory_space<vmem>>) offsets(%arg9 : memref<256xi32, #tpu.memory_space<vmem>>) semaphore(%arg49 : memref<!tpu.dma_semaphore, #tpu.memory_space<semaphore_mem>>)
      %dma_start3A_85 = arith.constant 81920 : i32
      %dma_start3A_86 = tpu.memref_slice %arg2[%dma_start3A_85] : memref<184320xf32, #tpu.memory_space<hbm>> -> memref<10240xf32, #tpu.memory_space<hbm>>
      %dma_start3A_87 = arith.constant 0 : i32
      %dma_start3A_88 = tpu.memref_slice %dma_start3A_86[%dma_start3A_87] : memref<10240xf32, #tpu.memory_space<hbm>> -> memref<10240xf32, #tpu.memory_space<hbm>>
      tpu.enqueue_indirect_dma source(%dma_start3A_88 : memref<10240xf32, #tpu.memory_space<hbm>>) target(%arg18 : memref<256xf32, #tpu.memory_space<vmem>>) offsets(%arg8 : memref<256xi32, #tpu.memory_space<vmem>>) semaphore(%arg49 : memref<!tpu.dma_semaphore, #tpu.memory_space<semaphore_mem>>)
      %dma_start3A_89 = arith.constant 81920 : i32
      %dma_start3A_90 = tpu.memref_slice %arg3[%dma_start3A_89] : memref<184320xf32, #tpu.memory_space<hbm>> -> memref<10240xf32, #tpu.memory_space<hbm>>
      %dma_start3A_91 = arith.constant 0 : i32
      %dma_start3A_92 = tpu.memref_slice %dma_start3A_90[%dma_start3A_91] : memref<10240xf32, #tpu.memory_space<hbm>> -> memref<10240xf32, #tpu.memory_space<hbm>>
      tpu.enqueue_indirect_dma source(%dma_start3A_92 : memref<10240xf32, #tpu.memory_space<hbm>>) target(%arg36 : memref<256xf32, #tpu.memory_space<vmem>>) offsets(%arg9 : memref<256xi32, #tpu.memory_space<vmem>>) semaphore(%arg49 : memref<!tpu.dma_semaphore, #tpu.memory_space<semaphore_mem>>)
      %dma_start3A_93 = arith.constant 92160 : i32
      %dma_start3A_94 = tpu.memref_slice %arg2[%dma_start3A_93] : memref<184320xf32, #tpu.memory_space<hbm>> -> memref<10240xf32, #tpu.memory_space<hbm>>
      %dma_start3A_95 = arith.constant 0 : i32
      %dma_start3A_96 = tpu.memref_slice %dma_start3A_94[%dma_start3A_95] : memref<10240xf32, #tpu.memory_space<hbm>> -> memref<10240xf32, #tpu.memory_space<hbm>>
      tpu.enqueue_indirect_dma source(%dma_start3A_96 : memref<10240xf32, #tpu.memory_space<hbm>>) target(%arg19 : memref<256xf32, #tpu.memory_space<vmem>>) offsets(%arg8 : memref<256xi32, #tpu.memory_space<vmem>>) semaphore(%arg49 : memref<!tpu.dma_semaphore, #tpu.memory_space<semaphore_mem>>)
      %dma_start3A_97 = arith.constant 92160 : i32
      %dma_start3A_98 = tpu.memref_slice %arg3[%dma_start3A_97] : memref<184320xf32, #tpu.memory_space<hbm>> -> memref<10240xf32, #tpu.memory_space<hbm>>
      %dma_start3A_99 = arith.constant 0 : i32
      %dma_start3A_100 = tpu.memref_slice %dma_start3A_98[%dma_start3A_99] : memref<10240xf32, #tpu.memory_space<hbm>> -> memref<10240xf32, #tpu.memory_space<hbm>>
      tpu.enqueue_indirect_dma source(%dma_start3A_100 : memref<10240xf32, #tpu.memory_space<hbm>>) target(%arg37 : memref<256xf32, #tpu.memory_space<vmem>>) offsets(%arg9 : memref<256xi32, #tpu.memory_space<vmem>>) semaphore(%arg49 : memref<!tpu.dma_semaphore, #tpu.memory_space<semaphore_mem>>)
      %dma_start3A_101 = arith.constant 102400 : i32
      %dma_start3A_102 = tpu.memref_slice %arg2[%dma_start3A_101] : memref<184320xf32, #tpu.memory_space<hbm>> -> memref<10240xf32, #tpu.memory_space<hbm>>
      %dma_start3A_103 = arith.constant 0 : i32
      %dma_start3A_104 = tpu.memref_slice %dma_start3A_102[%dma_start3A_103] : memref<10240xf32, #tpu.memory_space<hbm>> -> memref<10240xf32, #tpu.memory_space<hbm>>
      tpu.enqueue_indirect_dma source(%dma_start3A_104 : memref<10240xf32, #tpu.memory_space<hbm>>) target(%arg20 : memref<256xf32, #tpu.memory_space<vmem>>) offsets(%arg8 : memref<256xi32, #tpu.memory_space<vmem>>) semaphore(%arg49 : memref<!tpu.dma_semaphore, #tpu.memory_space<semaphore_mem>>)
      %dma_start3A_105 = arith.constant 102400 : i32
      %dma_start3A_106 = tpu.memref_slice %arg3[%dma_start3A_105] : memref<184320xf32, #tpu.memory_space<hbm>> -> memref<10240xf32, #tpu.memory_space<hbm>>
      %dma_start3A_107 = arith.constant 0 : i32
      %dma_start3A_108 = tpu.memref_slice %dma_start3A_106[%dma_start3A_107] : memref<10240xf32, #tpu.memory_space<hbm>> -> memref<10240xf32, #tpu.memory_space<hbm>>
      tpu.enqueue_indirect_dma source(%dma_start3A_108 : memref<10240xf32, #tpu.memory_space<hbm>>) target(%arg38 : memref<256xf32, #tpu.memory_space<vmem>>) offsets(%arg9 : memref<256xi32, #tpu.memory_space<vmem>>) semaphore(%arg49 : memref<!tpu.dma_semaphore, #tpu.memory_space<semaphore_mem>>)
      %dma_start3A_109 = arith.constant 112640 : i32
      %dma_start3A_110 = tpu.memref_slice %arg2[%dma_start3A_109] : memref<184320xf32, #tpu.memory_space<hbm>> -> memref<10240xf32, #tpu.memory_space<hbm>>
      %dma_start3A_111 = arith.constant 0 : i32
      %dma_start3A_112 = tpu.memref_slice %dma_start3A_110[%dma_start3A_111] : memref<10240xf32, #tpu.memory_space<hbm>> -> memref<10240xf32, #tpu.memory_space<hbm>>
      tpu.enqueue_indirect_dma source(%dma_start3A_112 : memref<10240xf32, #tpu.memory_space<hbm>>) target(%arg21 : memref<256xf32, #tpu.memory_space<vmem>>) offsets(%arg8 : memref<256xi32, #tpu.memory_space<vmem>>) semaphore(%arg49 : memref<!tpu.dma_semaphore, #tpu.memory_space<semaphore_mem>>)
      %dma_start3A_113 = arith.constant 112640 : i32
      %dma_start3A_114 = tpu.memref_slice %arg3[%dma_start3A_113] : memref<184320xf32, #tpu.memory_space<hbm>> -> memref<10240xf32, #tpu.memory_space<hbm>>
      %dma_start3A_115 = arith.constant 0 : i32
      %dma_start3A_116 = tpu.memref_slice %dma_start3A_114[%dma_start3A_115] : memref<10240xf32, #tpu.memory_space<hbm>> -> memref<10240xf32, #tpu.memory_space<hbm>>
      tpu.enqueue_indirect_dma source(%dma_start3A_116 : memref<10240xf32, #tpu.memory_space<hbm>>) target(%arg39 : memref<256xf32, #tpu.memory_space<vmem>>) offsets(%arg9 : memref<256xi32, #tpu.memory_space<vmem>>) semaphore(%arg49 : memref<!tpu.dma_semaphore, #tpu.memory_space<semaphore_mem>>)
      %dma_start3A_117 = arith.constant 122880 : i32
      %dma_start3A_118 = tpu.memref_slice %arg2[%dma_start3A_117] : memref<184320xf32, #tpu.memory_space<hbm>> -> memref<10240xf32, #tpu.memory_space<hbm>>
      %dma_start3A_119 = arith.constant 0 : i32
      %dma_start3A_120 = tpu.memref_slice %dma_start3A_118[%dma_start3A_119] : memref<10240xf32, #tpu.memory_space<hbm>> -> memref<10240xf32, #tpu.memory_space<hbm>>
      tpu.enqueue_indirect_dma source(%dma_start3A_120 : memref<10240xf32, #tpu.memory_space<hbm>>) target(%arg22 : memref<256xf32, #tpu.memory_space<vmem>>) offsets(%arg8 : memref<256xi32, #tpu.memory_space<vmem>>) semaphore(%arg49 : memref<!tpu.dma_semaphore, #tpu.memory_space<semaphore_mem>>)
      %dma_start3A_121 = arith.constant 122880 : i32
      %dma_start3A_122 = tpu.memref_slice %arg3[%dma_start3A_121] : memref<184320xf32, #tpu.memory_space<hbm>> -> memref<10240xf32, #tpu.memory_space<hbm>>
      %dma_start3A_123 = arith.constant 0 : i32
      %dma_start3A_124 = tpu.memref_slice %dma_start3A_122[%dma_start3A_123] : memref<10240xf32, #tpu.memory_space<hbm>> -> memref<10240xf32, #tpu.memory_space<hbm>>
      tpu.enqueue_indirect_dma source(%dma_start3A_124 : memref<10240xf32, #tpu.memory_space<hbm>>) target(%arg40 : memref<256xf32, #tpu.memory_space<vmem>>) offsets(%arg9 : memref<256xi32, #tpu.memory_space<vmem>>) semaphore(%arg49 : memref<!tpu.dma_semaphore, #tpu.memory_space<semaphore_mem>>)
      %dma_start3A_125 = arith.constant 133120 : i32
      %dma_start3A_126 = tpu.memref_slice %arg2[%dma_start3A_125] : memref<184320xf32, #tpu.memory_space<hbm>> -> memref<10240xf32, #tpu.memory_space<hbm>>
      %dma_start3A_127 = arith.constant 0 : i32
      %dma_start3A_128 = tpu.memref_slice %dma_start3A_126[%dma_start3A_127] : memref<10240xf32, #tpu.memory_space<hbm>> -> memref<10240xf32, #tpu.memory_space<hbm>>
      tpu.enqueue_indirect_dma source(%dma_start3A_128 : memref<10240xf32, #tpu.memory_space<hbm>>) target(%arg23 : memref<256xf32, #tpu.memory_space<vmem>>) offsets(%arg8 : memref<256xi32, #tpu.memory_space<vmem>>) semaphore(%arg49 : memref<!tpu.dma_semaphore, #tpu.memory_space<semaphore_mem>>)
      %dma_start3A_129 = arith.constant 133120 : i32
      %dma_start3A_130 = tpu.memref_slice %arg3[%dma_start3A_129] : memref<184320xf32, #tpu.memory_space<hbm>> -> memref<10240xf32, #tpu.memory_space<hbm>>
      %dma_start3A_131 = arith.constant 0 : i32
      %dma_start3A_132 = tpu.memref_slice %dma_start3A_130[%dma_start3A_131] : memref<10240xf32, #tpu.memory_space<hbm>> -> memref<10240xf32, #tpu.memory_space<hbm>>
      tpu.enqueue_indirect_dma source(%dma_start3A_132 : memref<10240xf32, #tpu.memory_space<hbm>>) target(%arg41 : memref<256xf32, #tpu.memory_space<vmem>>) offsets(%arg9 : memref<256xi32, #tpu.memory_space<vmem>>) semaphore(%arg49 : memref<!tpu.dma_semaphore, #tpu.memory_space<semaphore_mem>>)
      %dma_start3A_133 = arith.constant 143360 : i32
      %dma_start3A_134 = tpu.memref_slice %arg2[%dma_start3A_133] : memref<184320xf32, #tpu.memory_space<hbm>> -> memref<10240xf32, #tpu.memory_space<hbm>>
      %dma_start3A_135 = arith.constant 0 : i32
      %dma_start3A_136 = tpu.memref_slice %dma_start3A_134[%dma_start3A_135] : memref<10240xf32, #tpu.memory_space<hbm>> -> memref<10240xf32, #tpu.memory_space<hbm>>
      tpu.enqueue_indirect_dma source(%dma_start3A_136 : memref<10240xf32, #tpu.memory_space<hbm>>) target(%arg24 : memref<256xf32, #tpu.memory_space<vmem>>) offsets(%arg8 : memref<256xi32, #tpu.memory_space<vmem>>) semaphore(%arg49 : memref<!tpu.dma_semaphore, #tpu.memory_space<semaphore_mem>>)
      %dma_start3A_137 = arith.constant 143360 : i32
      %dma_start3A_138 = tpu.memref_slice %arg3[%dma_start3A_137] : memref<184320xf32, #tpu.memory_space<hbm>> -> memref<10240xf32, #tpu.memory_space<hbm>>
      %dma_start3A_139 = arith.constant 0 : i32
      %dma_start3A_140 = tpu.memref_slice %dma_start3A_138[%dma_start3A_139] : memref<10240xf32, #tpu.memory_space<hbm>> -> memref<10240xf32, #tpu.memory_space<hbm>>
      tpu.enqueue_indirect_dma source(%dma_start3A_140 : memref<10240xf32, #tpu.memory_space<hbm>>) target(%arg42 : memref<256xf32, #tpu.memory_space<vmem>>) offsets(%arg9 : memref<256xi32, #tpu.memory_space<vmem>>) semaphore(%arg49 : memref<!tpu.dma_semaphore, #tpu.memory_space<semaphore_mem>>)
      %dma_start3A_141 = arith.constant 153600 : i32
      %dma_start3A_142 = tpu.memref_slice %arg2[%dma_start3A_141] : memref<184320xf32, #tpu.memory_space<hbm>> -> memref<10240xf32, #tpu.memory_space<hbm>>
      %dma_start3A_143 = arith.constant 0 : i32
      %dma_start3A_144 = tpu.memref_slice %dma_start3A_142[%dma_start3A_143] : memref<10240xf32, #tpu.memory_space<hbm>> -> memref<10240xf32, #tpu.memory_space<hbm>>
      tpu.enqueue_indirect_dma source(%dma_start3A_144 : memref<10240xf32, #tpu.memory_space<hbm>>) target(%arg25 : memref<256xf32, #tpu.memory_space<vmem>>) offsets(%arg8 : memref<256xi32, #tpu.memory_space<vmem>>) semaphore(%arg49 : memref<!tpu.dma_semaphore, #tpu.memory_space<semaphore_mem>>)
      %dma_start3A_145 = arith.constant 153600 : i32
      %dma_start3A_146 = tpu.memref_slice %arg3[%dma_start3A_145] : memref<184320xf32, #tpu.memory_space<hbm>> -> memref<10240xf32, #tpu.memory_space<hbm>>
      %dma_start3A_147 = arith.constant 0 : i32
      %dma_start3A_148 = tpu.memref_slice %dma_start3A_146[%dma_start3A_147] : memref<10240xf32, #tpu.memory_space<hbm>> -> memref<10240xf32, #tpu.memory_space<hbm>>
      tpu.enqueue_indirect_dma source(%dma_start3A_148 : memref<10240xf32, #tpu.memory_space<hbm>>) target(%arg43 : memref<256xf32, #tpu.memory_space<vmem>>) offsets(%arg9 : memref<256xi32, #tpu.memory_space<vmem>>) semaphore(%arg49 : memref<!tpu.dma_semaphore, #tpu.memory_space<semaphore_mem>>)
      %dma_start3A_149 = arith.constant 163840 : i32
      %dma_start3A_150 = tpu.memref_slice %arg2[%dma_start3A_149] : memref<184320xf32, #tpu.memory_space<hbm>> -> memref<10240xf32, #tpu.memory_space<hbm>>
      %dma_start3A_151 = arith.constant 0 : i32
      %dma_start3A_152 = tpu.memref_slice %dma_start3A_150[%dma_start3A_151] : memref<10240xf32, #tpu.memory_space<hbm>> -> memref<10240xf32, #tpu.memory_space<hbm>>
      tpu.enqueue_indirect_dma source(%dma_start3A_152 : memref<10240xf32, #tpu.memory_space<hbm>>) target(%arg26 : memref<256xf32, #tpu.memory_space<vmem>>) offsets(%arg8 : memref<256xi32, #tpu.memory_space<vmem>>) semaphore(%arg49 : memref<!tpu.dma_semaphore, #tpu.memory_space<semaphore_mem>>)
      %dma_start3A_153 = arith.constant 163840 : i32
      %dma_start3A_154 = tpu.memref_slice %arg3[%dma_start3A_153] : memref<184320xf32, #tpu.memory_space<hbm>> -> memref<10240xf32, #tpu.memory_space<hbm>>
      %dma_start3A_155 = arith.constant 0 : i32
      %dma_start3A_156 = tpu.memref_slice %dma_start3A_154[%dma_start3A_155] : memref<10240xf32, #tpu.memory_space<hbm>> -> memref<10240xf32, #tpu.memory_space<hbm>>
      tpu.enqueue_indirect_dma source(%dma_start3A_156 : memref<10240xf32, #tpu.memory_space<hbm>>) target(%arg44 : memref<256xf32, #tpu.memory_space<vmem>>) offsets(%arg9 : memref<256xi32, #tpu.memory_space<vmem>>) semaphore(%arg49 : memref<!tpu.dma_semaphore, #tpu.memory_space<semaphore_mem>>)
      %dma_start3A_157 = arith.constant 174080 : i32
      %dma_start3A_158 = tpu.memref_slice %arg2[%dma_start3A_157] : memref<184320xf32, #tpu.memory_space<hbm>> -> memref<10240xf32, #tpu.memory_space<hbm>>
      %dma_start3A_159 = arith.constant 0 : i32
      %dma_start3A_160 = tpu.memref_slice %dma_start3A_158[%dma_start3A_159] : memref<10240xf32, #tpu.memory_space<hbm>> -> memref<10240xf32, #tpu.memory_space<hbm>>
      tpu.enqueue_indirect_dma source(%dma_start3A_160 : memref<10240xf32, #tpu.memory_space<hbm>>) target(%arg27 : memref<256xf32, #tpu.memory_space<vmem>>) offsets(%arg8 : memref<256xi32, #tpu.memory_space<vmem>>) semaphore(%arg49 : memref<!tpu.dma_semaphore, #tpu.memory_space<semaphore_mem>>)
      %dma_start3A_161 = arith.constant 174080 : i32
      %dma_start3A_162 = tpu.memref_slice %arg3[%dma_start3A_161] : memref<184320xf32, #tpu.memory_space<hbm>> -> memref<10240xf32, #tpu.memory_space<hbm>>
      %dma_start3A_163 = arith.constant 0 : i32
      %dma_start3A_164 = tpu.memref_slice %dma_start3A_162[%dma_start3A_163] : memref<10240xf32, #tpu.memory_space<hbm>> -> memref<10240xf32, #tpu.memory_space<hbm>>
      tpu.enqueue_indirect_dma source(%dma_start3A_164 : memref<10240xf32, #tpu.memory_space<hbm>>) target(%arg45 : memref<256xf32, #tpu.memory_space<vmem>>) offsets(%arg9 : memref<256xi32, #tpu.memory_space<vmem>>) semaphore(%arg49 : memref<!tpu.dma_semaphore, #tpu.memory_space<semaphore_mem>>)
      %dma_wait3A = arith.constant 0 : i32
      %dma_wait3A_165 = tpu.memref_slice %arg2[%dma_wait3A] : memref<184320xf32, #tpu.memory_space<hbm>> -> memref<10240xf32, #tpu.memory_space<hbm>>
      %dma_wait3A_166 = arith.constant 0 : i32
      %dma_wait3A_167 = tpu.memref_slice %dma_wait3A_165[%dma_wait3A_166] : memref<10240xf32, #tpu.memory_space<hbm>> -> memref<10240xf32, #tpu.memory_space<hbm>>
      tpu.wait_indirect_dma semaphore(%arg49 : memref<!tpu.dma_semaphore, #tpu.memory_space<semaphore_mem>>) src(%dma_wait3A_167 : memref<10240xf32, #tpu.memory_space<hbm>>) dst(%arg10 : memref<256xf32, #tpu.memory_space<vmem>>)
      %dma_wait3A_168 = arith.constant 0 : i32
      %dma_wait3A_169 = tpu.memref_slice %arg3[%dma_wait3A_168] : memref<184320xf32, #tpu.memory_space<hbm>> -> memref<10240xf32, #tpu.memory_space<hbm>>
      %dma_wait3A_170 = arith.constant 0 : i32
      %dma_wait3A_171 = tpu.memref_slice %dma_wait3A_169[%dma_wait3A_170] : memref<10240xf32, #tpu.memory_space<hbm>> -> memref<10240xf32, #tpu.memory_space<hbm>>
      tpu.wait_indirect_dma semaphore(%arg49 : memref<!tpu.dma_semaphore, #tpu.memory_space<semaphore_mem>>) src(%dma_wait3A_171 : memref<10240xf32, #tpu.memory_space<hbm>>) dst(%arg28 : memref<256xf32, #tpu.memory_space<vmem>>)
      %dma_wait3A_172 = arith.constant 10240 : i32
      %dma_wait3A_173 = tpu.memref_slice %arg2[%dma_wait3A_172] : memref<184320xf32, #tpu.memory_space<hbm>> -> memref<10240xf32, #tpu.memory_space<hbm>>
      %dma_wait3A_174 = arith.constant 0 : i32
      %dma_wait3A_175 = tpu.memref_slice %dma_wait3A_173[%dma_wait3A_174] : memref<10240xf32, #tpu.memory_space<hbm>> -> memref<10240xf32, #tpu.memory_space<hbm>>
      tpu.wait_indirect_dma semaphore(%arg49 : memref<!tpu.dma_semaphore, #tpu.memory_space<semaphore_mem>>) src(%dma_wait3A_175 : memref<10240xf32, #tpu.memory_space<hbm>>) dst(%arg11 : memref<256xf32, #tpu.memory_space<vmem>>)
      %dma_wait3A_176 = arith.constant 10240 : i32
      %dma_wait3A_177 = tpu.memref_slice %arg3[%dma_wait3A_176] : memref<184320xf32, #tpu.memory_space<hbm>> -> memref<10240xf32, #tpu.memory_space<hbm>>
      %dma_wait3A_178 = arith.constant 0 : i32
      %dma_wait3A_179 = tpu.memref_slice %dma_wait3A_177[%dma_wait3A_178] : memref<10240xf32, #tpu.memory_space<hbm>> -> memref<10240xf32, #tpu.memory_space<hbm>>
      tpu.wait_indirect_dma semaphore(%arg49 : memref<!tpu.dma_semaphore, #tpu.memory_space<semaphore_mem>>) src(%dma_wait3A_179 : memref<10240xf32, #tpu.memory_space<hbm>>) dst(%arg29 : memref<256xf32, #tpu.memory_space<vmem>>)
      %dma_wait3A_180 = arith.constant 20480 : i32
      %dma_wait3A_181 = tpu.memref_slice %arg2[%dma_wait3A_180] : memref<184320xf32, #tpu.memory_space<hbm>> -> memref<10240xf32, #tpu.memory_space<hbm>>
      %dma_wait3A_182 = arith.constant 0 : i32
      %dma_wait3A_183 = tpu.memref_slice %dma_wait3A_181[%dma_wait3A_182] : memref<10240xf32, #tpu.memory_space<hbm>> -> memref<10240xf32, #tpu.memory_space<hbm>>
      tpu.wait_indirect_dma semaphore(%arg49 : memref<!tpu.dma_semaphore, #tpu.memory_space<semaphore_mem>>) src(%dma_wait3A_183 : memref<10240xf32, #tpu.memory_space<hbm>>) dst(%arg12 : memref<256xf32, #tpu.memory_space<vmem>>)
      %dma_wait3A_184 = arith.constant 20480 : i32
      %dma_wait3A_185 = tpu.memref_slice %arg3[%dma_wait3A_184] : memref<184320xf32, #tpu.memory_space<hbm>> -> memref<10240xf32, #tpu.memory_space<hbm>>
      %dma_wait3A_186 = arith.constant 0 : i32
      %dma_wait3A_187 = tpu.memref_slice %dma_wait3A_185[%dma_wait3A_186] : memref<10240xf32, #tpu.memory_space<hbm>> -> memref<10240xf32, #tpu.memory_space<hbm>>
      tpu.wait_indirect_dma semaphore(%arg49 : memref<!tpu.dma_semaphore, #tpu.memory_space<semaphore_mem>>) src(%dma_wait3A_187 : memref<10240xf32, #tpu.memory_space<hbm>>) dst(%arg30 : memref<256xf32, #tpu.memory_space<vmem>>)
      %dma_wait3A_188 = arith.constant 30720 : i32
      %dma_wait3A_189 = tpu.memref_slice %arg2[%dma_wait3A_188] : memref<184320xf32, #tpu.memory_space<hbm>> -> memref<10240xf32, #tpu.memory_space<hbm>>
      %dma_wait3A_190 = arith.constant 0 : i32
      %dma_wait3A_191 = tpu.memref_slice %dma_wait3A_189[%dma_wait3A_190] : memref<10240xf32, #tpu.memory_space<hbm>> -> memref<10240xf32, #tpu.memory_space<hbm>>
      tpu.wait_indirect_dma semaphore(%arg49 : memref<!tpu.dma_semaphore, #tpu.memory_space<semaphore_mem>>) src(%dma_wait3A_191 : memref<10240xf32, #tpu.memory_space<hbm>>) dst(%arg13 : memref<256xf32, #tpu.memory_space<vmem>>)
      %dma_wait3A_192 = arith.constant 30720 : i32
      %dma_wait3A_193 = tpu.memref_slice %arg3[%dma_wait3A_192] : memref<184320xf32, #tpu.memory_space<hbm>> -> memref<10240xf32, #tpu.memory_space<hbm>>
      %dma_wait3A_194 = arith.constant 0 : i32
      %dma_wait3A_195 = tpu.memref_slice %dma_wait3A_193[%dma_wait3A_194] : memref<10240xf32, #tpu.memory_space<hbm>> -> memref<10240xf32, #tpu.memory_space<hbm>>
      tpu.wait_indirect_dma semaphore(%arg49 : memref<!tpu.dma_semaphore, #tpu.memory_space<semaphore_mem>>) src(%dma_wait3A_195 : memref<10240xf32, #tpu.memory_space<hbm>>) dst(%arg31 : memref<256xf32, #tpu.memory_space<vmem>>)
      %dma_wait3A_196 = arith.constant 40960 : i32
      %dma_wait3A_197 = tpu.memref_slice %arg2[%dma_wait3A_196] : memref<184320xf32, #tpu.memory_space<hbm>> -> memref<10240xf32, #tpu.memory_space<hbm>>
      %dma_wait3A_198 = arith.constant 0 : i32
      %dma_wait3A_199 = tpu.memref_slice %dma_wait3A_197[%dma_wait3A_198] : memref<10240xf32, #tpu.memory_space<hbm>> -> memref<10240xf32, #tpu.memory_space<hbm>>
      tpu.wait_indirect_dma semaphore(%arg49 : memref<!tpu.dma_semaphore, #tpu.memory_space<semaphore_mem>>) src(%dma_wait3A_199 : memref<10240xf32, #tpu.memory_space<hbm>>) dst(%arg14 : memref<256xf32, #tpu.memory_space<vmem>>)
      %dma_wait3A_200 = arith.constant 40960 : i32
      %dma_wait3A_201 = tpu.memref_slice %arg3[%dma_wait3A_200] : memref<184320xf32, #tpu.memory_space<hbm>> -> memref<10240xf32, #tpu.memory_space<hbm>>
      %dma_wait3A_202 = arith.constant 0 : i32
      %dma_wait3A_203 = tpu.memref_slice %dma_wait3A_201[%dma_wait3A_202] : memref<10240xf32, #tpu.memory_space<hbm>> -> memref<10240xf32, #tpu.memory_space<hbm>>
      tpu.wait_indirect_dma semaphore(%arg49 : memref<!tpu.dma_semaphore, #tpu.memory_space<semaphore_mem>>) src(%dma_wait3A_203 : memref<10240xf32, #tpu.memory_space<hbm>>) dst(%arg32 : memref<256xf32, #tpu.memory_space<vmem>>)
      %dma_wait3A_204 = arith.constant 51200 : i32
      %dma_wait3A_205 = tpu.memref_slice %arg2[%dma_wait3A_204] : memref<184320xf32, #tpu.memory_space<hbm>> -> memref<10240xf32, #tpu.memory_space<hbm>>
      %dma_wait3A_206 = arith.constant 0 : i32
      %dma_wait3A_207 = tpu.memref_slice %dma_wait3A_205[%dma_wait3A_206] : memref<10240xf32, #tpu.memory_space<hbm>> -> memref<10240xf32, #tpu.memory_space<hbm>>
      tpu.wait_indirect_dma semaphore(%arg49 : memref<!tpu.dma_semaphore, #tpu.memory_space<semaphore_mem>>) src(%dma_wait3A_207 : memref<10240xf32, #tpu.memory_space<hbm>>) dst(%arg15 : memref<256xf32, #tpu.memory_space<vmem>>)
      %dma_wait3A_208 = arith.constant 51200 : i32
      %dma_wait3A_209 = tpu.memref_slice %arg3[%dma_wait3A_208] : memref<184320xf32, #tpu.memory_space<hbm>> -> memref<10240xf32, #tpu.memory_space<hbm>>
      %dma_wait3A_210 = arith.constant 0 : i32
      %dma_wait3A_211 = tpu.memref_slice %dma_wait3A_209[%dma_wait3A_210] : memref<10240xf32, #tpu.memory_space<hbm>> -> memref<10240xf32, #tpu.memory_space<hbm>>
      tpu.wait_indirect_dma semaphore(%arg49 : memref<!tpu.dma_semaphore, #tpu.memory_space<semaphore_mem>>) src(%dma_wait3A_211 : memref<10240xf32, #tpu.memory_space<hbm>>) dst(%arg33 : memref<256xf32, #tpu.memory_space<vmem>>)
      %dma_wait3A_212 = arith.constant 61440 : i32
      %dma_wait3A_213 = tpu.memref_slice %arg2[%dma_wait3A_212] : memref<184320xf32, #tpu.memory_space<hbm>> -> memref<10240xf32, #tpu.memory_space<hbm>>
      %dma_wait3A_214 = arith.constant 0 : i32
      %dma_wait3A_215 = tpu.memref_slice %dma_wait3A_213[%dma_wait3A_214] : memref<10240xf32, #tpu.memory_space<hbm>> -> memref<10240xf32, #tpu.memory_space<hbm>>
      tpu.wait_indirect_dma semaphore(%arg49 : memref<!tpu.dma_semaphore, #tpu.memory_space<semaphore_mem>>) src(%dma_wait3A_215 : memref<10240xf32, #tpu.memory_space<hbm>>) dst(%arg16 : memref<256xf32, #tpu.memory_space<vmem>>)
      %dma_wait3A_216 = arith.constant 61440 : i32
      %dma_wait3A_217 = tpu.memref_slice %arg3[%dma_wait3A_216] : memref<184320xf32, #tpu.memory_space<hbm>> -> memref<10240xf32, #tpu.memory_space<hbm>>
      %dma_wait3A_218 = arith.constant 0 : i32
      %dma_wait3A_219 = tpu.memref_slice %dma_wait3A_217[%dma_wait3A_218] : memref<10240xf32, #tpu.memory_space<hbm>> -> memref<10240xf32, #tpu.memory_space<hbm>>
      tpu.wait_indirect_dma semaphore(%arg49 : memref<!tpu.dma_semaphore, #tpu.memory_space<semaphore_mem>>) src(%dma_wait3A_219 : memref<10240xf32, #tpu.memory_space<hbm>>) dst(%arg34 : memref<256xf32, #tpu.memory_space<vmem>>)
      %dma_wait3A_220 = arith.constant 71680 : i32
      %dma_wait3A_221 = tpu.memref_slice %arg2[%dma_wait3A_220] : memref<184320xf32, #tpu.memory_space<hbm>> -> memref<10240xf32, #tpu.memory_space<hbm>>
      %dma_wait3A_222 = arith.constant 0 : i32
      %dma_wait3A_223 = tpu.memref_slice %dma_wait3A_221[%dma_wait3A_222] : memref<10240xf32, #tpu.memory_space<hbm>> -> memref<10240xf32, #tpu.memory_space<hbm>>
      tpu.wait_indirect_dma semaphore(%arg49 : memref<!tpu.dma_semaphore, #tpu.memory_space<semaphore_mem>>) src(%dma_wait3A_223 : memref<10240xf32, #tpu.memory_space<hbm>>) dst(%arg17 : memref<256xf32, #tpu.memory_space<vmem>>)
      %dma_wait3A_224 = arith.constant 71680 : i32
      %dma_wait3A_225 = tpu.memref_slice %arg3[%dma_wait3A_224] : memref<184320xf32, #tpu.memory_space<hbm>> -> memref<10240xf32, #tpu.memory_space<hbm>>
      %dma_wait3A_226 = arith.constant 0 : i32
      %dma_wait3A_227 = tpu.memref_slice %dma_wait3A_225[%dma_wait3A_226] : memref<10240xf32, #tpu.memory_space<hbm>> -> memref<10240xf32, #tpu.memory_space<hbm>>
      tpu.wait_indirect_dma semaphore(%arg49 : memref<!tpu.dma_semaphore, #tpu.memory_space<semaphore_mem>>) src(%dma_wait3A_227 : memref<10240xf32, #tpu.memory_space<hbm>>) dst(%arg35 : memref<256xf32, #tpu.memory_space<vmem>>)
      %dma_wait3A_228 = arith.constant 81920 : i32
      %dma_wait3A_229 = tpu.memref_slice %arg2[%dma_wait3A_228] : memref<184320xf32, #tpu.memory_space<hbm>> -> memref<10240xf32, #tpu.memory_space<hbm>>
      %dma_wait3A_230 = arith.constant 0 : i32
      %dma_wait3A_231 = tpu.memref_slice %dma_wait3A_229[%dma_wait3A_230] : memref<10240xf32, #tpu.memory_space<hbm>> -> memref<10240xf32, #tpu.memory_space<hbm>>
      tpu.wait_indirect_dma semaphore(%arg49 : memref<!tpu.dma_semaphore, #tpu.memory_space<semaphore_mem>>) src(%dma_wait3A_231 : memref<10240xf32, #tpu.memory_space<hbm>>) dst(%arg18 : memref<256xf32, #tpu.memory_space<vmem>>)
      %dma_wait3A_232 = arith.constant 81920 : i32
      %dma_wait3A_233 = tpu.memref_slice %arg3[%dma_wait3A_232] : memref<184320xf32, #tpu.memory_space<hbm>> -> memref<10240xf32, #tpu.memory_space<hbm>>
      %dma_wait3A_234 = arith.constant 0 : i32
      %dma_wait3A_235 = tpu.memref_slice %dma_wait3A_233[%dma_wait3A_234] : memref<10240xf32, #tpu.memory_space<hbm>> -> memref<10240xf32, #tpu.memory_space<hbm>>
      tpu.wait_indirect_dma semaphore(%arg49 : memref<!tpu.dma_semaphore, #tpu.memory_space<semaphore_mem>>) src(%dma_wait3A_235 : memref<10240xf32, #tpu.memory_space<hbm>>) dst(%arg36 : memref<256xf32, #tpu.memory_space<vmem>>)
      %dma_wait3A_236 = arith.constant 92160 : i32
      %dma_wait3A_237 = tpu.memref_slice %arg2[%dma_wait3A_236] : memref<184320xf32, #tpu.memory_space<hbm>> -> memref<10240xf32, #tpu.memory_space<hbm>>
      %dma_wait3A_238 = arith.constant 0 : i32
      %dma_wait3A_239 = tpu.memref_slice %dma_wait3A_237[%dma_wait3A_238] : memref<10240xf32, #tpu.memory_space<hbm>> -> memref<10240xf32, #tpu.memory_space<hbm>>
      tpu.wait_indirect_dma semaphore(%arg49 : memref<!tpu.dma_semaphore, #tpu.memory_space<semaphore_mem>>) src(%dma_wait3A_239 : memref<10240xf32, #tpu.memory_space<hbm>>) dst(%arg19 : memref<256xf32, #tpu.memory_space<vmem>>)
      %dma_wait3A_240 = arith.constant 92160 : i32
      %dma_wait3A_241 = tpu.memref_slice %arg3[%dma_wait3A_240] : memref<184320xf32, #tpu.memory_space<hbm>> -> memref<10240xf32, #tpu.memory_space<hbm>>
      %dma_wait3A_242 = arith.constant 0 : i32
      %dma_wait3A_243 = tpu.memref_slice %dma_wait3A_241[%dma_wait3A_242] : memref<10240xf32, #tpu.memory_space<hbm>> -> memref<10240xf32, #tpu.memory_space<hbm>>
      tpu.wait_indirect_dma semaphore(%arg49 : memref<!tpu.dma_semaphore, #tpu.memory_space<semaphore_mem>>) src(%dma_wait3A_243 : memref<10240xf32, #tpu.memory_space<hbm>>) dst(%arg37 : memref<256xf32, #tpu.memory_space<vmem>>)
      %dma_wait3A_244 = arith.constant 102400 : i32
      %dma_wait3A_245 = tpu.memref_slice %arg2[%dma_wait3A_244] : memref<184320xf32, #tpu.memory_space<hbm>> -> memref<10240xf32, #tpu.memory_space<hbm>>
      %dma_wait3A_246 = arith.constant 0 : i32
      %dma_wait3A_247 = tpu.memref_slice %dma_wait3A_245[%dma_wait3A_246] : memref<10240xf32, #tpu.memory_space<hbm>> -> memref<10240xf32, #tpu.memory_space<hbm>>
      tpu.wait_indirect_dma semaphore(%arg49 : memref<!tpu.dma_semaphore, #tpu.memory_space<semaphore_mem>>) src(%dma_wait3A_247 : memref<10240xf32, #tpu.memory_space<hbm>>) dst(%arg20 : memref<256xf32, #tpu.memory_space<vmem>>)
      %dma_wait3A_248 = arith.constant 102400 : i32
      %dma_wait3A_249 = tpu.memref_slice %arg3[%dma_wait3A_248] : memref<184320xf32, #tpu.memory_space<hbm>> -> memref<10240xf32, #tpu.memory_space<hbm>>
      %dma_wait3A_250 = arith.constant 0 : i32
      %dma_wait3A_251 = tpu.memref_slice %dma_wait3A_249[%dma_wait3A_250] : memref<10240xf32, #tpu.memory_space<hbm>> -> memref<10240xf32, #tpu.memory_space<hbm>>
      tpu.wait_indirect_dma semaphore(%arg49 : memref<!tpu.dma_semaphore, #tpu.memory_space<semaphore_mem>>) src(%dma_wait3A_251 : memref<10240xf32, #tpu.memory_space<hbm>>) dst(%arg38 : memref<256xf32, #tpu.memory_space<vmem>>)
      %dma_wait3A_252 = arith.constant 112640 : i32
      %dma_wait3A_253 = tpu.memref_slice %arg2[%dma_wait3A_252] : memref<184320xf32, #tpu.memory_space<hbm>> -> memref<10240xf32, #tpu.memory_space<hbm>>
      %dma_wait3A_254 = arith.constant 0 : i32
      %dma_wait3A_255 = tpu.memref_slice %dma_wait3A_253[%dma_wait3A_254] : memref<10240xf32, #tpu.memory_space<hbm>> -> memref<10240xf32, #tpu.memory_space<hbm>>
      tpu.wait_indirect_dma semaphore(%arg49 : memref<!tpu.dma_semaphore, #tpu.memory_space<semaphore_mem>>) src(%dma_wait3A_255 : memref<10240xf32, #tpu.memory_space<hbm>>) dst(%arg21 : memref<256xf32, #tpu.memory_space<vmem>>)
      %dma_wait3A_256 = arith.constant 112640 : i32
      %dma_wait3A_257 = tpu.memref_slice %arg3[%dma_wait3A_256] : memref<184320xf32, #tpu.memory_space<hbm>> -> memref<10240xf32, #tpu.memory_space<hbm>>
      %dma_wait3A_258 = arith.constant 0 : i32
      %dma_wait3A_259 = tpu.memref_slice %dma_wait3A_257[%dma_wait3A_258] : memref<10240xf32, #tpu.memory_space<hbm>> -> memref<10240xf32, #tpu.memory_space<hbm>>
      tpu.wait_indirect_dma semaphore(%arg49 : memref<!tpu.dma_semaphore, #tpu.memory_space<semaphore_mem>>) src(%dma_wait3A_259 : memref<10240xf32, #tpu.memory_space<hbm>>) dst(%arg39 : memref<256xf32, #tpu.memory_space<vmem>>)
      %dma_wait3A_260 = arith.constant 122880 : i32
      %dma_wait3A_261 = tpu.memref_slice %arg2[%dma_wait3A_260] : memref<184320xf32, #tpu.memory_space<hbm>> -> memref<10240xf32, #tpu.memory_space<hbm>>
      %dma_wait3A_262 = arith.constant 0 : i32
      %dma_wait3A_263 = tpu.memref_slice %dma_wait3A_261[%dma_wait3A_262] : memref<10240xf32, #tpu.memory_space<hbm>> -> memref<10240xf32, #tpu.memory_space<hbm>>
      tpu.wait_indirect_dma semaphore(%arg49 : memref<!tpu.dma_semaphore, #tpu.memory_space<semaphore_mem>>) src(%dma_wait3A_263 : memref<10240xf32, #tpu.memory_space<hbm>>) dst(%arg22 : memref<256xf32, #tpu.memory_space<vmem>>)
      %dma_wait3A_264 = arith.constant 122880 : i32
      %dma_wait3A_265 = tpu.memref_slice %arg3[%dma_wait3A_264] : memref<184320xf32, #tpu.memory_space<hbm>> -> memref<10240xf32, #tpu.memory_space<hbm>>
      %dma_wait3A_266 = arith.constant 0 : i32
      %dma_wait3A_267 = tpu.memref_slice %dma_wait3A_265[%dma_wait3A_266] : memref<10240xf32, #tpu.memory_space<hbm>> -> memref<10240xf32, #tpu.memory_space<hbm>>
      tpu.wait_indirect_dma semaphore(%arg49 : memref<!tpu.dma_semaphore, #tpu.memory_space<semaphore_mem>>) src(%dma_wait3A_267 : memref<10240xf32, #tpu.memory_space<hbm>>) dst(%arg40 : memref<256xf32, #tpu.memory_space<vmem>>)
      %dma_wait3A_268 = arith.constant 133120 : i32
      %dma_wait3A_269 = tpu.memref_slice %arg2[%dma_wait3A_268] : memref<184320xf32, #tpu.memory_space<hbm>> -> memref<10240xf32, #tpu.memory_space<hbm>>
      %dma_wait3A_270 = arith.constant 0 : i32
      %dma_wait3A_271 = tpu.memref_slice %dma_wait3A_269[%dma_wait3A_270] : memref<10240xf32, #tpu.memory_space<hbm>> -> memref<10240xf32, #tpu.memory_space<hbm>>
      tpu.wait_indirect_dma semaphore(%arg49 : memref<!tpu.dma_semaphore, #tpu.memory_space<semaphore_mem>>) src(%dma_wait3A_271 : memref<10240xf32, #tpu.memory_space<hbm>>) dst(%arg23 : memref<256xf32, #tpu.memory_space<vmem>>)
      %dma_wait3A_272 = arith.constant 133120 : i32
      %dma_wait3A_273 = tpu.memref_slice %arg3[%dma_wait3A_272] : memref<184320xf32, #tpu.memory_space<hbm>> -> memref<10240xf32, #tpu.memory_space<hbm>>
      %dma_wait3A_274 = arith.constant 0 : i32
      %dma_wait3A_275 = tpu.memref_slice %dma_wait3A_273[%dma_wait3A_274] : memref<10240xf32, #tpu.memory_space<hbm>> -> memref<10240xf32, #tpu.memory_space<hbm>>
      tpu.wait_indirect_dma semaphore(%arg49 : memref<!tpu.dma_semaphore, #tpu.memory_space<semaphore_mem>>) src(%dma_wait3A_275 : memref<10240xf32, #tpu.memory_space<hbm>>) dst(%arg41 : memref<256xf32, #tpu.memory_space<vmem>>)
      %dma_wait3A_276 = arith.constant 143360 : i32
      %dma_wait3A_277 = tpu.memref_slice %arg2[%dma_wait3A_276] : memref<184320xf32, #tpu.memory_space<hbm>> -> memref<10240xf32, #tpu.memory_space<hbm>>
      %dma_wait3A_278 = arith.constant 0 : i32
      %dma_wait3A_279 = tpu.memref_slice %dma_wait3A_277[%dma_wait3A_278] : memref<10240xf32, #tpu.memory_space<hbm>> -> memref<10240xf32, #tpu.memory_space<hbm>>
      tpu.wait_indirect_dma semaphore(%arg49 : memref<!tpu.dma_semaphore, #tpu.memory_space<semaphore_mem>>) src(%dma_wait3A_279 : memref<10240xf32, #tpu.memory_space<hbm>>) dst(%arg24 : memref<256xf32, #tpu.memory_space<vmem>>)
      %dma_wait3A_280 = arith.constant 143360 : i32
      %dma_wait3A_281 = tpu.memref_slice %arg3[%dma_wait3A_280] : memref<184320xf32, #tpu.memory_space<hbm>> -> memref<10240xf32, #tpu.memory_space<hbm>>
      %dma_wait3A_282 = arith.constant 0 : i32
      %dma_wait3A_283 = tpu.memref_slice %dma_wait3A_281[%dma_wait3A_282] : memref<10240xf32, #tpu.memory_space<hbm>> -> memref<10240xf32, #tpu.memory_space<hbm>>
      tpu.wait_indirect_dma semaphore(%arg49 : memref<!tpu.dma_semaphore, #tpu.memory_space<semaphore_mem>>) src(%dma_wait3A_283 : memref<10240xf32, #tpu.memory_space<hbm>>) dst(%arg42 : memref<256xf32, #tpu.memory_space<vmem>>)
      %dma_wait3A_284 = arith.constant 153600 : i32
      %dma_wait3A_285 = tpu.memref_slice %arg2[%dma_wait3A_284] : memref<184320xf32, #tpu.memory_space<hbm>> -> memref<10240xf32, #tpu.memory_space<hbm>>
      %dma_wait3A_286 = arith.constant 0 : i32
      %dma_wait3A_287 = tpu.memref_slice %dma_wait3A_285[%dma_wait3A_286] : memref<10240xf32, #tpu.memory_space<hbm>> -> memref<10240xf32, #tpu.memory_space<hbm>>
      tpu.wait_indirect_dma semaphore(%arg49 : memref<!tpu.dma_semaphore, #tpu.memory_space<semaphore_mem>>) src(%dma_wait3A_287 : memref<10240xf32, #tpu.memory_space<hbm>>) dst(%arg25 : memref<256xf32, #tpu.memory_space<vmem>>)
      %dma_wait3A_288 = arith.constant 153600 : i32
      %dma_wait3A_289 = tpu.memref_slice %arg3[%dma_wait3A_288] : memref<184320xf32, #tpu.memory_space<hbm>> -> memref<10240xf32, #tpu.memory_space<hbm>>
      %dma_wait3A_290 = arith.constant 0 : i32
      %dma_wait3A_291 = tpu.memref_slice %dma_wait3A_289[%dma_wait3A_290] : memref<10240xf32, #tpu.memory_space<hbm>> -> memref<10240xf32, #tpu.memory_space<hbm>>
      tpu.wait_indirect_dma semaphore(%arg49 : memref<!tpu.dma_semaphore, #tpu.memory_space<semaphore_mem>>) src(%dma_wait3A_291 : memref<10240xf32, #tpu.memory_space<hbm>>) dst(%arg43 : memref<256xf32, #tpu.memory_space<vmem>>)
      %dma_wait3A_292 = arith.constant 163840 : i32
      %dma_wait3A_293 = tpu.memref_slice %arg2[%dma_wait3A_292] : memref<184320xf32, #tpu.memory_space<hbm>> -> memref<10240xf32, #tpu.memory_space<hbm>>
      %dma_wait3A_294 = arith.constant 0 : i32
      %dma_wait3A_295 = tpu.memref_slice %dma_wait3A_293[%dma_wait3A_294] : memref<10240xf32, #tpu.memory_space<hbm>> -> memref<10240xf32, #tpu.memory_space<hbm>>
      tpu.wait_indirect_dma semaphore(%arg49 : memref<!tpu.dma_semaphore, #tpu.memory_space<semaphore_mem>>) src(%dma_wait3A_295 : memref<10240xf32, #tpu.memory_space<hbm>>) dst(%arg26 : memref<256xf32, #tpu.memory_space<vmem>>)
      %dma_wait3A_296 = arith.constant 163840 : i32
      %dma_wait3A_297 = tpu.memref_slice %arg3[%dma_wait3A_296] : memref<184320xf32, #tpu.memory_space<hbm>> -> memref<10240xf32, #tpu.memory_space<hbm>>
      %dma_wait3A_298 = arith.constant 0 : i32
      %dma_wait3A_299 = tpu.memref_slice %dma_wait3A_297[%dma_wait3A_298] : memref<10240xf32, #tpu.memory_space<hbm>> -> memref<10240xf32, #tpu.memory_space<hbm>>
      tpu.wait_indirect_dma semaphore(%arg49 : memref<!tpu.dma_semaphore, #tpu.memory_space<semaphore_mem>>) src(%dma_wait3A_299 : memref<10240xf32, #tpu.memory_space<hbm>>) dst(%arg44 : memref<256xf32, #tpu.memory_space<vmem>>)
      %dma_wait3A_300 = arith.constant 174080 : i32
      %dma_wait3A_301 = tpu.memref_slice %arg2[%dma_wait3A_300] : memref<184320xf32, #tpu.memory_space<hbm>> -> memref<10240xf32, #tpu.memory_space<hbm>>
      %dma_wait3A_302 = arith.constant 0 : i32
      %dma_wait3A_303 = tpu.memref_slice %dma_wait3A_301[%dma_wait3A_302] : memref<10240xf32, #tpu.memory_space<hbm>> -> memref<10240xf32, #tpu.memory_space<hbm>>
      tpu.wait_indirect_dma semaphore(%arg49 : memref<!tpu.dma_semaphore, #tpu.memory_space<semaphore_mem>>) src(%dma_wait3A_303 : memref<10240xf32, #tpu.memory_space<hbm>>) dst(%arg27 : memref<256xf32, #tpu.memory_space<vmem>>)
      %dma_wait3A_304 = arith.constant 174080 : i32
      %dma_wait3A_305 = tpu.memref_slice %arg3[%dma_wait3A_304] : memref<184320xf32, #tpu.memory_space<hbm>> -> memref<10240xf32, #tpu.memory_space<hbm>>
      %dma_wait3A_306 = arith.constant 0 : i32
      %dma_wait3A_307 = tpu.memref_slice %dma_wait3A_305[%dma_wait3A_306] : memref<10240xf32, #tpu.memory_space<hbm>> -> memref<10240xf32, #tpu.memory_space<hbm>>
      tpu.wait_indirect_dma semaphore(%arg49 : memref<!tpu.dma_semaphore, #tpu.memory_space<semaphore_mem>>) src(%dma_wait3A_307 : memref<10240xf32, #tpu.memory_space<hbm>>) dst(%arg45 : memref<256xf32, #tpu.memory_space<vmem>>)
      %scan3A_308 = arith.constant 0 : i32
      %scan3A_309 = arith.constant 0 : i32
      %scan3A_310 = arith.constant 16 : i32
      %scan3A_311 = arith.addi %scan3A_309, %scan3A_310 : i32
      %scan3A_312 = arith.constant 1 : i32
      scf.for %scan3A_314 = %scan3A_309 to %scan3A_311 step %scan3A_312  : i32 {
        %mul3A_315 = arith.constant 16 : i32
        %mul3A_316 = arith.muli %scan3A_314, %mul3A_315 : i32
        %get3A = arith.index_cast %mul3A_316 : i32 to index
        %get3A_317 = tpu.vector_load %arg9[%get3A] {strides = array<i32>} : memref<256xi32, #tpu.memory_space<vmem>>, vector<16xi32>,
        %get3A_318 = arith.index_cast %mul3A_316 : i32 to index
        %get3A_319 = tpu.vector_load %arg10[%get3A_318] {strides = array<i32>} : memref<256xf32, #tpu.memory_space<vmem>>, vector<16xf32>,
        %get3A_320 = arith.index_cast %mul3A_316 : i32 to index
        %get3A_321 = tpu.vector_load %arg28[%get3A_320] {strides = array<i32>} : memref<256xf32, #tpu.memory_space<vmem>>, vector<16xf32>,
        %sub3A_322 = arith.subf %get3A_319, %get3A_321 : vector<16xf32>
        %max3A = arith.constant 0.000000e+00 : f32
        %max3A_323 = vector.broadcast %max3A : f32 to vector<16xf32>
        %max3A_324 = arith.maximumf %sub3A_322, %max3A_323 : vector<16xf32>
        %get3A_325 = arith.index_cast %mul3A_316 : i32 to index
        %get3A_326 = tpu.vector_load %arg11[%get3A_325] {strides = array<i32>} : memref<256xf32, #tpu.memory_space<vmem>>, vector<16xf32>,
        %get3A_327 = arith.index_cast %mul3A_316 : i32 to index
        %get3A_328 = tpu.vector_load %arg29[%get3A_327] {strides = array<i32>} : memref<256xf32, #tpu.memory_space<vmem>>, vector<16xf32>,
        %sub3A_329 = arith.subf %get3A_326, %get3A_328 : vector<16xf32>
        %max3A_330 = arith.constant 0.000000e+00 : f32
        %max3A_331 = vector.broadcast %max3A_330 : f32 to vector<16xf32>
        %max3A_332 = arith.maximumf %sub3A_329, %max3A_331 : vector<16xf32>
        %get3A_333 = arith.index_cast %mul3A_316 : i32 to index
        %get3A_334 = tpu.vector_load %arg12[%get3A_333] {strides = array<i32>} : memref<256xf32, #tpu.memory_space<vmem>>, vector<16xf32>,
        %get3A_335 = arith.index_cast %mul3A_316 : i32 to index
        %get3A_336 = tpu.vector_load %arg30[%get3A_335] {strides = array<i32>} : memref<256xf32, #tpu.memory_space<vmem>>, vector<16xf32>,
        %sub3A_337 = arith.subf %get3A_334, %get3A_336 : vector<16xf32>
        %max3A_338 = arith.constant 0.000000e+00 : f32
        %max3A_339 = vector.broadcast %max3A_338 : f32 to vector<16xf32>
        %max3A_340 = arith.maximumf %sub3A_337, %max3A_339 : vector<16xf32>
        %get3A_341 = arith.index_cast %mul3A_316 : i32 to index
        %get3A_342 = tpu.vector_load %arg13[%get3A_341] {strides = array<i32>} : memref<256xf32, #tpu.memory_space<vmem>>, vector<16xf32>,
        %get3A_343 = arith.index_cast %mul3A_316 : i32 to index
        %get3A_344 = tpu.vector_load %arg31[%get3A_343] {strides = array<i32>} : memref<256xf32, #tpu.memory_space<vmem>>, vector<16xf32>,
        %sub3A_345 = arith.subf %get3A_342, %get3A_344 : vector<16xf32>
        %max3A_346 = arith.constant 0.000000e+00 : f32
        %max3A_347 = vector.broadcast %max3A_346 : f32 to vector<16xf32>
        %max3A_348 = arith.maximumf %sub3A_345, %max3A_347 : vector<16xf32>
        %get3A_349 = arith.index_cast %mul3A_316 : i32 to index
        %get3A_350 = tpu.vector_load %arg14[%get3A_349] {strides = array<i32>} : memref<256xf32, #tpu.memory_space<vmem>>, vector<16xf32>,
        %get3A_351 = arith.index_cast %mul3A_316 : i32 to index
        %get3A_352 = tpu.vector_load %arg32[%get3A_351] {strides = array<i32>} : memref<256xf32, #tpu.memory_space<vmem>>, vector<16xf32>,
        %sub3A_353 = arith.subf %get3A_350, %get3A_352 : vector<16xf32>
        %max3A_354 = arith.constant 0.000000e+00 : f32
        %max3A_355 = vector.broadcast %max3A_354 : f32 to vector<16xf32>
        %max3A_356 = arith.maximumf %sub3A_353, %max3A_355 : vector<16xf32>
        %get3A_357 = arith.index_cast %mul3A_316 : i32 to index
        %get3A_358 = tpu.vector_load %arg15[%get3A_357] {strides = array<i32>} : memref<256xf32, #tpu.memory_space<vmem>>, vector<16xf32>,
        %get3A_359 = arith.index_cast %mul3A_316 : i32 to index
        %get3A_360 = tpu.vector_load %arg33[%get3A_359] {strides = array<i32>} : memref<256xf32, #tpu.memory_space<vmem>>, vector<16xf32>,
        %sub3A_361 = arith.subf %get3A_358, %get3A_360 : vector<16xf32>
        %max3A_362 = arith.constant 0.000000e+00 : f32
        %max3A_363 = vector.broadcast %max3A_362 : f32 to vector<16xf32>
        %max3A_364 = arith.maximumf %sub3A_361, %max3A_363 : vector<16xf32>
        %get3A_365 = arith.index_cast %mul3A_316 : i32 to index
        %get3A_366 = tpu.vector_load %arg16[%get3A_365] {strides = array<i32>} : memref<256xf32, #tpu.memory_space<vmem>>, vector<16xf32>,
        %get3A_367 = arith.index_cast %mul3A_316 : i32 to index
        %get3A_368 = tpu.vector_load %arg34[%get3A_367] {strides = array<i32>} : memref<256xf32, #tpu.memory_space<vmem>>, vector<16xf32>,
        %sub3A_369 = arith.subf %get3A_366, %get3A_368 : vector<16xf32>
        %max3A_370 = arith.constant 0.000000e+00 : f32
        %max3A_371 = vector.broadcast %max3A_370 : f32 to vector<16xf32>
        %max3A_372 = arith.maximumf %sub3A_369, %max3A_371 : vector<16xf32>
        %get3A_373 = arith.index_cast %mul3A_316 : i32 to index
        %get3A_374 = tpu.vector_load %arg17[%get3A_373] {strides = array<i32>} : memref<256xf32, #tpu.memory_space<vmem>>, vector<16xf32>,
        %get3A_375 = arith.index_cast %mul3A_316 : i32 to index
        %get3A_376 = tpu.vector_load %arg35[%get3A_375] {strides = array<i32>} : memref<256xf32, #tpu.memory_space<vmem>>, vector<16xf32>,
        %sub3A_377 = arith.subf %get3A_374, %get3A_376 : vector<16xf32>
        %max3A_378 = arith.constant 0.000000e+00 : f32
        %max3A_379 = vector.broadcast %max3A_378 : f32 to vector<16xf32>
        %max3A_380 = arith.maximumf %sub3A_377, %max3A_379 : vector<16xf32>
        %get3A_381 = arith.index_cast %mul3A_316 : i32 to index
        %get3A_382 = tpu.vector_load %arg18[%get3A_381] {strides = array<i32>} : memref<256xf32, #tpu.memory_space<vmem>>, vector<16xf32>,
        %get3A_383 = arith.index_cast %mul3A_316 : i32 to index
        %get3A_384 = tpu.vector_load %arg36[%get3A_383] {strides = array<i32>} : memref<256xf32, #tpu.memory_space<vmem>>, vector<16xf32>,
        %sub3A_385 = arith.subf %get3A_382, %get3A_384 : vector<16xf32>
        %max3A_386 = arith.constant 0.000000e+00 : f32
        %max3A_387 = vector.broadcast %max3A_386 : f32 to vector<16xf32>
        %max3A_388 = arith.maximumf %sub3A_385, %max3A_387 : vector<16xf32>
        %get3A_389 = arith.index_cast %mul3A_316 : i32 to index
        %get3A_390 = tpu.vector_load %arg19[%get3A_389] {strides = array<i32>} : memref<256xf32, #tpu.memory_space<vmem>>, vector<16xf32>,
        %get3A_391 = arith.index_cast %mul3A_316 : i32 to index
        %get3A_392 = tpu.vector_load %arg37[%get3A_391] {strides = array<i32>} : memref<256xf32, #tpu.memory_space<vmem>>, vector<16xf32>,
        %sub3A_393 = arith.subf %get3A_390, %get3A_392 : vector<16xf32>
        %max3A_394 = arith.constant 0.000000e+00 : f32
        %max3A_395 = vector.broadcast %max3A_394 : f32 to vector<16xf32>
        %max3A_396 = arith.maximumf %sub3A_393, %max3A_395 : vector<16xf32>
        %get3A_397 = arith.index_cast %mul3A_316 : i32 to index
        %get3A_398 = tpu.vector_load %arg20[%get3A_397] {strides = array<i32>} : memref<256xf32, #tpu.memory_space<vmem>>, vector<16xf32>,
        %get3A_399 = arith.index_cast %mul3A_316 : i32 to index
        %get3A_400 = tpu.vector_load %arg38[%get3A_399] {strides = array<i32>} : memref<256xf32, #tpu.memory_space<vmem>>, vector<16xf32>,
        %sub3A_401 = arith.subf %get3A_398, %get3A_400 : vector<16xf32>
        %max3A_402 = arith.constant 0.000000e+00 : f32
        %max3A_403 = vector.broadcast %max3A_402 : f32 to vector<16xf32>
        %max3A_404 = arith.maximumf %sub3A_401, %max3A_403 : vector<16xf32>
        %get3A_405 = arith.index_cast %mul3A_316 : i32 to index
        %get3A_406 = tpu.vector_load %arg21[%get3A_405] {strides = array<i32>} : memref<256xf32, #tpu.memory_space<vmem>>, vector<16xf32>,
        %get3A_407 = arith.index_cast %mul3A_316 : i32 to index
        %get3A_408 = tpu.vector_load %arg39[%get3A_407] {strides = array<i32>} : memref<256xf32, #tpu.memory_space<vmem>>, vector<16xf32>,
        %sub3A_409 = arith.subf %get3A_406, %get3A_408 : vector<16xf32>
        %max3A_410 = arith.constant 0.000000e+00 : f32
        %max3A_411 = vector.broadcast %max3A_410 : f32 to vector<16xf32>
        %max3A_412 = arith.maximumf %sub3A_409, %max3A_411 : vector<16xf32>
        %get3A_413 = arith.index_cast %mul3A_316 : i32 to index
        %get3A_414 = tpu.vector_load %arg22[%get3A_413] {strides = array<i32>} : memref<256xf32, #tpu.memory_space<vmem>>, vector<16xf32>,
        %get3A_415 = arith.index_cast %mul3A_316 : i32 to index
        %get3A_416 = tpu.vector_load %arg40[%get3A_415] {strides = array<i32>} : memref<256xf32, #tpu.memory_space<vmem>>, vector<16xf32>,
        %sub3A_417 = arith.subf %get3A_414, %get3A_416 : vector<16xf32>
        %max3A_418 = arith.constant 0.000000e+00 : f32
        %max3A_419 = vector.broadcast %max3A_418 : f32 to vector<16xf32>
        %max3A_420 = arith.maximumf %sub3A_417, %max3A_419 : vector<16xf32>
        %get3A_421 = arith.index_cast %mul3A_316 : i32 to index
        %get3A_422 = tpu.vector_load %arg23[%get3A_421] {strides = array<i32>} : memref<256xf32, #tpu.memory_space<vmem>>, vector<16xf32>,
        %get3A_423 = arith.index_cast %mul3A_316 : i32 to index
        %get3A_424 = tpu.vector_load %arg41[%get3A_423] {strides = array<i32>} : memref<256xf32, #tpu.memory_space<vmem>>, vector<16xf32>,
        %sub3A_425 = arith.subf %get3A_422, %get3A_424 : vector<16xf32>
        %max3A_426 = arith.constant 0.000000e+00 : f32
        %max3A_427 = vector.broadcast %max3A_426 : f32 to vector<16xf32>
        %max3A_428 = arith.maximumf %sub3A_425, %max3A_427 : vector<16xf32>
        %get3A_429 = arith.index_cast %mul3A_316 : i32 to index
        %get3A_430 = tpu.vector_load %arg24[%get3A_429] {strides = array<i32>} : memref<256xf32, #tpu.memory_space<vmem>>, vector<16xf32>,
        %get3A_431 = arith.index_cast %mul3A_316 : i32 to index
        %get3A_432 = tpu.vector_load %arg42[%get3A_431] {strides = array<i32>} : memref<256xf32, #tpu.memory_space<vmem>>, vector<16xf32>,
        %sub3A_433 = arith.subf %get3A_430, %get3A_432 : vector<16xf32>
        %max3A_434 = arith.constant 0.000000e+00 : f32
        %max3A_435 = vector.broadcast %max3A_434 : f32 to vector<16xf32>
        %max3A_436 = arith.maximumf %sub3A_433, %max3A_435 : vector<16xf32>
        %get3A_437 = arith.index_cast %mul3A_316 : i32 to index
        %get3A_438 = tpu.vector_load %arg25[%get3A_437] {strides = array<i32>} : memref<256xf32, #tpu.memory_space<vmem>>, vector<16xf32>,
        %get3A_439 = arith.index_cast %mul3A_316 : i32 to index
        %get3A_440 = tpu.vector_load %arg43[%get3A_439] {strides = array<i32>} : memref<256xf32, #tpu.memory_space<vmem>>, vector<16xf32>,
        %sub3A_441 = arith.subf %get3A_438, %get3A_440 : vector<16xf32>
        %max3A_442 = arith.constant 0.000000e+00 : f32
        %max3A_443 = vector.broadcast %max3A_442 : f32 to vector<16xf32>
        %max3A_444 = arith.maximumf %sub3A_441, %max3A_443 : vector<16xf32>
        %get3A_445 = arith.index_cast %mul3A_316 : i32 to index
        %get3A_446 = tpu.vector_load %arg26[%get3A_445] {strides = array<i32>} : memref<256xf32, #tpu.memory_space<vmem>>, vector<16xf32>,
        %get3A_447 = arith.index_cast %mul3A_316 : i32 to index
        %get3A_448 = tpu.vector_load %arg44[%get3A_447] {strides = array<i32>} : memref<256xf32, #tpu.memory_space<vmem>>, vector<16xf32>,
        %sub3A_449 = arith.subf %get3A_446, %get3A_448 : vector<16xf32>
        %max3A_450 = arith.constant 0.000000e+00 : f32
        %max3A_451 = vector.broadcast %max3A_450 : f32 to vector<16xf32>
        %max3A_452 = arith.maximumf %sub3A_449, %max3A_451 : vector<16xf32>
        %get3A_453 = arith.index_cast %mul3A_316 : i32 to index
        %get3A_454 = tpu.vector_load %arg27[%get3A_453] {strides = array<i32>} : memref<256xf32, #tpu.memory_space<vmem>>, vector<16xf32>,
        %get3A_455 = arith.index_cast %mul3A_316 : i32 to index
        %get3A_456 = tpu.vector_load %arg45[%get3A_455] {strides = array<i32>} : memref<256xf32, #tpu.memory_space<vmem>>, vector<16xf32>,
        %sub3A_457 = arith.subf %get3A_454, %get3A_456 : vector<16xf32>
        %max3A_458 = arith.constant 0.000000e+00 : f32
        %max3A_459 = vector.broadcast %max3A_458 : f32 to vector<16xf32>
        %max3A_460 = arith.maximumf %sub3A_457, %max3A_459 : vector<16xf32>
        %get3A_461 = arith.constant 0 : index
        %get3A_462 = tpu.vector_load %arg46[%get3A_461] {strides = array<i32>} : memref<2592xf32, #tpu.memory_space<vmem>>, vector<16xf32>,
        %mul3A_463 = arith.mulf %max3A_324, %get3A_462 : vector<16xf32>
        %get3A_464 = arith.constant 144 : index
        %get3A_465 = tpu.vector_load %arg46[%get3A_464] {strides = array<i32>} : memref<2592xf32, #tpu.memory_space<vmem>>, vector<16xf32>,
        %mul3A_466 = arith.mulf %max3A_332, %get3A_465 : vector<16xf32>
        %add3A_467 = arith.addf %mul3A_463, %mul3A_466 : vector<16xf32>
        %get3A_468 = arith.constant 288 : index
        %get3A_469 = tpu.vector_load %arg46[%get3A_468] {strides = array<i32>} : memref<2592xf32, #tpu.memory_space<vmem>>, vector<16xf32>,
        %mul3A_470 = arith.mulf %max3A_340, %get3A_469 : vector<16xf32>
        %add3A_471 = arith.addf %add3A_467, %mul3A_470 : vector<16xf32>
        %get3A_472 = arith.constant 432 : index
        %get3A_473 = tpu.vector_load %arg46[%get3A_472] {strides = array<i32>} : memref<2592xf32, #tpu.memory_space<vmem>>, vector<16xf32>,
        %mul3A_474 = arith.mulf %max3A_348, %get3A_473 : vector<16xf32>
        %add3A_475 = arith.addf %add3A_471, %mul3A_474 : vector<16xf32>
        %get3A_476 = arith.constant 576 : index
        %get3A_477 = tpu.vector_load %arg46[%get3A_476] {strides = array<i32>} : memref<2592xf32, #tpu.memory_space<vmem>>, vector<16xf32>,
        %mul3A_478 = arith.mulf %max3A_356, %get3A_477 : vector<16xf32>
        %add3A_479 = arith.addf %add3A_475, %mul3A_478 : vector<16xf32>
        %get3A_480 = arith.constant 720 : index
        %get3A_481 = tpu.vector_load %arg46[%get3A_480] {strides = array<i32>} : memref<2592xf32, #tpu.memory_space<vmem>>, vector<16xf32>,
        %mul3A_482 = arith.mulf %max3A_364, %get3A_481 : vector<16xf32>
        %add3A_483 = arith.addf %add3A_479, %mul3A_482 : vector<16xf32>
        %get3A_484 = arith.constant 864 : index
        %get3A_485 = tpu.vector_load %arg46[%get3A_484] {strides = array<i32>} : memref<2592xf32, #tpu.memory_space<vmem>>, vector<16xf32>,
        %mul3A_486 = arith.mulf %max3A_372, %get3A_485 : vector<16xf32>
        %add3A_487 = arith.addf %add3A_483, %mul3A_486 : vector<16xf32>
        %get3A_488 = arith.constant 1008 : index
        %get3A_489 = tpu.vector_load %arg46[%get3A_488] {strides = array<i32>} : memref<2592xf32, #tpu.memory_space<vmem>>, vector<16xf32>,
        %mul3A_490 = arith.mulf %max3A_380, %get3A_489 : vector<16xf32>
        %add3A_491 = arith.addf %add3A_487, %mul3A_490 : vector<16xf32>
        %get3A_492 = arith.constant 1152 : index
        %get3A_493 = tpu.vector_load %arg46[%get3A_492] {strides = array<i32>} : memref<2592xf32, #tpu.memory_space<vmem>>, vector<16xf32>,
        %mul3A_494 = arith.mulf %max3A_388, %get3A_493 : vector<16xf32>
        %add3A_495 = arith.addf %add3A_491, %mul3A_494 : vector<16xf32>
        %get3A_496 = arith.constant 1296 : index
        %get3A_497 = tpu.vector_load %arg46[%get3A_496] {strides = array<i32>} : memref<2592xf32, #tpu.memory_space<vmem>>, vector<16xf32>,
        %mul3A_498 = arith.mulf %max3A_396, %get3A_497 : vector<16xf32>
        %add3A_499 = arith.addf %add3A_495, %mul3A_498 : vector<16xf32>
        %get3A_500 = arith.constant 1440 : index
        %get3A_501 = tpu.vector_load %arg46[%get3A_500] {strides = array<i32>} : memref<2592xf32, #tpu.memory_space<vmem>>, vector<16xf32>,
        %mul3A_502 = arith.mulf %max3A_404, %get3A_501 : vector<16xf32>
        %add3A_503 = arith.addf %add3A_499, %mul3A_502 : vector<16xf32>
        %get3A_504 = arith.constant 1584 : index
        %get3A_505 = tpu.vector_load %arg46[%get3A_504] {strides = array<i32>} : memref<2592xf32, #tpu.memory_space<vmem>>, vector<16xf32>,
        %mul3A_506 = arith.mulf %max3A_412, %get3A_505 : vector<16xf32>
        %add3A_507 = arith.addf %add3A_503, %mul3A_506 : vector<16xf32>
        %get3A_508 = arith.constant 1728 : index
        %get3A_509 = tpu.vector_load %arg46[%get3A_508] {strides = array<i32>} : memref<2592xf32, #tpu.memory_space<vmem>>, vector<16xf32>,
        %mul3A_510 = arith.mulf %max3A_420, %get3A_509 : vector<16xf32>
        %add3A_511 = arith.addf %add3A_507, %mul3A_510 : vector<16xf32>
        %get3A_512 = arith.constant 1872 : index
        %get3A_513 = tpu.vector_load %arg46[%get3A_512] {strides = array<i32>} : memref<2592xf32, #tpu.memory_space<vmem>>, vector<16xf32>,
        %mul3A_514 = arith.mulf %max3A_428, %get3A_513 : vector<16xf32>
        %add3A_515 = arith.addf %add3A_511, %mul3A_514 : vector<16xf32>
        %get3A_516 = arith.constant 2016 : index
        %get3A_517 = tpu.vector_load %arg46[%get3A_516] {strides = array<i32>} : memref<2592xf32, #tpu.memory_space<vmem>>, vector<16xf32>,
        %mul3A_518 = arith.mulf %max3A_436, %get3A_517 : vector<16xf32>
        %add3A_519 = arith.addf %add3A_515, %mul3A_518 : vector<16xf32>
        %get3A_520 = arith.constant 2160 : index
        %get3A_521 = tpu.vector_load %arg46[%get3A_520] {strides = array<i32>} : memref<2592xf32, #tpu.memory_space<vmem>>, vector<16xf32>,
        %mul3A_522 = arith.mulf %max3A_444, %get3A_521 : vector<16xf32>
        %add3A_523 = arith.addf %add3A_519, %mul3A_522 : vector<16xf32>
        %get3A_524 = arith.constant 2304 : index
        %get3A_525 = tpu.vector_load %arg46[%get3A_524] {strides = array<i32>} : memref<2592xf32, #tpu.memory_space<vmem>>, vector<16xf32>,
        %mul3A_526 = arith.mulf %max3A_452, %get3A_525 : vector<16xf32>
        %add3A_527 = arith.addf %add3A_523, %mul3A_526 : vector<16xf32>
        %get3A_528 = arith.constant 2448 : index
        %get3A_529 = tpu.vector_load %arg46[%get3A_528] {strides = array<i32>} : memref<2592xf32, #tpu.memory_space<vmem>>, vector<16xf32>,
        %mul3A_530 = arith.mulf %max3A_460, %get3A_529 : vector<16xf32>
        %add3A_531 = arith.addf %add3A_527, %mul3A_530 : vector<16xf32>
        %get3A_532 = arith.constant 16 : index
        %get3A_533 = tpu.vector_load %arg46[%get3A_532] {strides = array<i32>} : memref<2592xf32, #tpu.memory_space<vmem>>, vector<16xf32>,
        %mul3A_534 = arith.mulf %max3A_324, %get3A_533 : vector<16xf32>
        %get3A_535 = arith.constant 160 : index
        %get3A_536 = tpu.vector_load %arg46[%get3A_535] {strides = array<i32>} : memref<2592xf32, #tpu.memory_space<vmem>>, vector<16xf32>,
        %mul3A_537 = arith.mulf %max3A_332, %get3A_536 : vector<16xf32>
        %add3A_538 = arith.addf %mul3A_534, %mul3A_537 : vector<16xf32>
        %get3A_539 = arith.constant 304 : index
        %get3A_540 = tpu.vector_load %arg46[%get3A_539] {strides = array<i32>} : memref<2592xf32, #tpu.memory_space<vmem>>, vector<16xf32>,
        %mul3A_541 = arith.mulf %max3A_340, %get3A_540 : vector<16xf32>
        %add3A_542 = arith.addf %add3A_538, %mul3A_541 : vector<16xf32>
        %get3A_543 = arith.constant 448 : index
        %get3A_544 = tpu.vector_load %arg46[%get3A_543] {strides = array<i32>} : memref<2592xf32, #tpu.memory_space<vmem>>, vector<16xf32>,
        %mul3A_545 = arith.mulf %max3A_348, %get3A_544 : vector<16xf32>
        %add3A_546 = arith.addf %add3A_542, %mul3A_545 : vector<16xf32>
        %get3A_547 = arith.constant 592 : index
        %get3A_548 = tpu.vector_load %arg46[%get3A_547] {strides = array<i32>} : memref<2592xf32, #tpu.memory_space<vmem>>, vector<16xf32>,
        %mul3A_549 = arith.mulf %max3A_356, %get3A_548 : vector<16xf32>
        %add3A_550 = arith.addf %add3A_546, %mul3A_549 : vector<16xf32>
        %get3A_551 = arith.constant 736 : index
        %get3A_552 = tpu.vector_load %arg46[%get3A_551] {strides = array<i32>} : memref<2592xf32, #tpu.memory_space<vmem>>, vector<16xf32>,
        %mul3A_553 = arith.mulf %max3A_364, %get3A_552 : vector<16xf32>
        %add3A_554 = arith.addf %add3A_550, %mul3A_553 : vector<16xf32>
        %get3A_555 = arith.constant 880 : index
        %get3A_556 = tpu.vector_load %arg46[%get3A_555] {strides = array<i32>} : memref<2592xf32, #tpu.memory_space<vmem>>, vector<16xf32>,
        %mul3A_557 = arith.mulf %max3A_372, %get3A_556 : vector<16xf32>
        %add3A_558 = arith.addf %add3A_554, %mul3A_557 : vector<16xf32>
        %get3A_559 = arith.constant 1024 : index
        %get3A_560 = tpu.vector_load %arg46[%get3A_559] {strides = array<i32>} : memref<2592xf32, #tpu.memory_space<vmem>>, vector<16xf32>,
        %mul3A_561 = arith.mulf %max3A_380, %get3A_560 : vector<16xf32>
        %add3A_562 = arith.addf %add3A_558, %mul3A_561 : vector<16xf32>
        %get3A_563 = arith.constant 1168 : index
        %get3A_564 = tpu.vector_load %arg46[%get3A_563] {strides = array<i32>} : memref<2592xf32, #tpu.memory_space<vmem>>, vector<16xf32>,
        %mul3A_565 = arith.mulf %max3A_388, %get3A_564 : vector<16xf32>
        %add3A_566 = arith.addf %add3A_562, %mul3A_565 : vector<16xf32>
        %get3A_567 = arith.constant 1312 : index
        %get3A_568 = tpu.vector_load %arg46[%get3A_567] {strides = array<i32>} : memref<2592xf32, #tpu.memory_space<vmem>>, vector<16xf32>,
        %mul3A_569 = arith.mulf %max3A_396, %get3A_568 : vector<16xf32>
        %add3A_570 = arith.addf %add3A_566, %mul3A_569 : vector<16xf32>
        %get3A_571 = arith.constant 1456 : index
        %get3A_572 = tpu.vector_load %arg46[%get3A_571] {strides = array<i32>} : memref<2592xf32, #tpu.memory_space<vmem>>, vector<16xf32>,
        %mul3A_573 = arith.mulf %max3A_404, %get3A_572 : vector<16xf32>
        %add3A_574 = arith.addf %add3A_570, %mul3A_573 : vector<16xf32>
        %get3A_575 = arith.constant 1600 : index
        %get3A_576 = tpu.vector_load %arg46[%get3A_575] {strides = array<i32>} : memref<2592xf32, #tpu.memory_space<vmem>>, vector<16xf32>,
        %mul3A_577 = arith.mulf %max3A_412, %get3A_576 : vector<16xf32>
        %add3A_578 = arith.addf %add3A_574, %mul3A_577 : vector<16xf32>
        %get3A_579 = arith.constant 1744 : index
        %get3A_580 = tpu.vector_load %arg46[%get3A_579] {strides = array<i32>} : memref<2592xf32, #tpu.memory_space<vmem>>, vector<16xf32>,
        %mul3A_581 = arith.mulf %max3A_420, %get3A_580 : vector<16xf32>
        %add3A_582 = arith.addf %add3A_578, %mul3A_581 : vector<16xf32>
        %get3A_583 = arith.constant 1888 : index
        %get3A_584 = tpu.vector_load %arg46[%get3A_583] {strides = array<i32>} : memref<2592xf32, #tpu.memory_space<vmem>>, vector<16xf32>,
        %mul3A_585 = arith.mulf %max3A_428, %get3A_584 : vector<16xf32>
        %add3A_586 = arith.addf %add3A_582, %mul3A_585 : vector<16xf32>
        %get3A_587 = arith.constant 2032 : index
        %get3A_588 = tpu.vector_load %arg46[%get3A_587] {strides = array<i32>} : memref<2592xf32, #tpu.memory_space<vmem>>, vector<16xf32>,
        %mul3A_589 = arith.mulf %max3A_436, %get3A_588 : vector<16xf32>
        %add3A_590 = arith.addf %add3A_586, %mul3A_589 : vector<16xf32>
        %get3A_591 = arith.constant 2176 : index
        %get3A_592 = tpu.vector_load %arg46[%get3A_591] {strides = array<i32>} : memref<2592xf32, #tpu.memory_space<vmem>>, vector<16xf32>,
        %mul3A_593 = arith.mulf %max3A_444, %get3A_592 : vector<16xf32>
        %add3A_594 = arith.addf %add3A_590, %mul3A_593 : vector<16xf32>
        %get3A_595 = arith.constant 2320 : index
        %get3A_596 = tpu.vector_load %arg46[%get3A_595] {strides = array<i32>} : memref<2592xf32, #tpu.memory_space<vmem>>, vector<16xf32>,
        %mul3A_597 = arith.mulf %max3A_452, %get3A_596 : vector<16xf32>
        %add3A_598 = arith.addf %add3A_594, %mul3A_597 : vector<16xf32>
        %get3A_599 = arith.constant 2464 : index
        %get3A_600 = tpu.vector_load %arg46[%get3A_599] {strides = array<i32>} : memref<2592xf32, #tpu.memory_space<vmem>>, vector<16xf32>,
        %mul3A_601 = arith.mulf %max3A_460, %get3A_600 : vector<16xf32>
        %add3A_602 = arith.addf %add3A_598, %mul3A_601 : vector<16xf32>
        %get3A_603 = arith.constant 32 : index
        %get3A_604 = tpu.vector_load %arg46[%get3A_603] {strides = array<i32>} : memref<2592xf32, #tpu.memory_space<vmem>>, vector<16xf32>,
        %mul3A_605 = arith.mulf %max3A_324, %get3A_604 : vector<16xf32>
        %get3A_606 = arith.constant 176 : index
        %get3A_607 = tpu.vector_load %arg46[%get3A_606] {strides = array<i32>} : memref<2592xf32, #tpu.memory_space<vmem>>, vector<16xf32>,
        %mul3A_608 = arith.mulf %max3A_332, %get3A_607 : vector<16xf32>
        %add3A_609 = arith.addf %mul3A_605, %mul3A_608 : vector<16xf32>
        %get3A_610 = arith.constant 320 : index
        %get3A_611 = tpu.vector_load %arg46[%get3A_610] {strides = array<i32>} : memref<2592xf32, #tpu.memory_space<vmem>>, vector<16xf32>,
        %mul3A_612 = arith.mulf %max3A_340, %get3A_611 : vector<16xf32>
        %add3A_613 = arith.addf %add3A_609, %mul3A_612 : vector<16xf32>
        %get3A_614 = arith.constant 464 : index
        %get3A_615 = tpu.vector_load %arg46[%get3A_614] {strides = array<i32>} : memref<2592xf32, #tpu.memory_space<vmem>>, vector<16xf32>,
        %mul3A_616 = arith.mulf %max3A_348, %get3A_615 : vector<16xf32>
        %add3A_617 = arith.addf %add3A_613, %mul3A_616 : vector<16xf32>
        %get3A_618 = arith.constant 608 : index
        %get3A_619 = tpu.vector_load %arg46[%get3A_618] {strides = array<i32>} : memref<2592xf32, #tpu.memory_space<vmem>>, vector<16xf32>,
        %mul3A_620 = arith.mulf %max3A_356, %get3A_619 : vector<16xf32>
        %add3A_621 = arith.addf %add3A_617, %mul3A_620 : vector<16xf32>
        %get3A_622 = arith.constant 752 : index
        %get3A_623 = tpu.vector_load %arg46[%get3A_622] {strides = array<i32>} : memref<2592xf32, #tpu.memory_space<vmem>>, vector<16xf32>,
        %mul3A_624 = arith.mulf %max3A_364, %get3A_623 : vector<16xf32>
        %add3A_625 = arith.addf %add3A_621, %mul3A_624 : vector<16xf32>
        %get3A_626 = arith.constant 896 : index
        %get3A_627 = tpu.vector_load %arg46[%get3A_626] {strides = array<i32>} : memref<2592xf32, #tpu.memory_space<vmem>>, vector<16xf32>,
        %mul3A_628 = arith.mulf %max3A_372, %get3A_627 : vector<16xf32>
        %add3A_629 = arith.addf %add3A_625, %mul3A_628 : vector<16xf32>
        %get3A_630 = arith.constant 1040 : index
        %get3A_631 = tpu.vector_load %arg46[%get3A_630] {strides = array<i32>} : memref<2592xf32, #tpu.memory_space<vmem>>, vector<16xf32>,
        %mul3A_632 = arith.mulf %max3A_380, %get3A_631 : vector<16xf32>
        %add3A_633 = arith.addf %add3A_629, %mul3A_632 : vector<16xf32>
        %get3A_634 = arith.constant 1184 : index
        %get3A_635 = tpu.vector_load %arg46[%get3A_634] {strides = array<i32>} : memref<2592xf32, #tpu.memory_space<vmem>>, vector<16xf32>,
        %mul3A_636 = arith.mulf %max3A_388, %get3A_635 : vector<16xf32>
        %add3A_637 = arith.addf %add3A_633, %mul3A_636 : vector<16xf32>
        %get3A_638 = arith.constant 1328 : index
        %get3A_639 = tpu.vector_load %arg46[%get3A_638] {strides = array<i32>} : memref<2592xf32, #tpu.memory_space<vmem>>, vector<16xf32>,
        %mul3A_640 = arith.mulf %max3A_396, %get3A_639 : vector<16xf32>
        %add3A_641 = arith.addf %add3A_637, %mul3A_640 : vector<16xf32>
        %get3A_642 = arith.constant 1472 : index
        %get3A_643 = tpu.vector_load %arg46[%get3A_642] {strides = array<i32>} : memref<2592xf32, #tpu.memory_space<vmem>>, vector<16xf32>,
        %mul3A_644 = arith.mulf %max3A_404, %get3A_643 : vector<16xf32>
        %add3A_645 = arith.addf %add3A_641, %mul3A_644 : vector<16xf32>
        %get3A_646 = arith.constant 1616 : index
        %get3A_647 = tpu.vector_load %arg46[%get3A_646] {strides = array<i32>} : memref<2592xf32, #tpu.memory_space<vmem>>, vector<16xf32>,
        %mul3A_648 = arith.mulf %max3A_412, %get3A_647 : vector<16xf32>
        %add3A_649 = arith.addf %add3A_645, %mul3A_648 : vector<16xf32>
        %get3A_650 = arith.constant 1760 : index
        %get3A_651 = tpu.vector_load %arg46[%get3A_650] {strides = array<i32>} : memref<2592xf32, #tpu.memory_space<vmem>>, vector<16xf32>,
        %mul3A_652 = arith.mulf %max3A_420, %get3A_651 : vector<16xf32>
        %add3A_653 = arith.addf %add3A_649, %mul3A_652 : vector<16xf32>
        %get3A_654 = arith.constant 1904 : index
        %get3A_655 = tpu.vector_load %arg46[%get3A_654] {strides = array<i32>} : memref<2592xf32, #tpu.memory_space<vmem>>, vector<16xf32>,
        %mul3A_656 = arith.mulf %max3A_428, %get3A_655 : vector<16xf32>
        %add3A_657 = arith.addf %add3A_653, %mul3A_656 : vector<16xf32>
        %get3A_658 = arith.constant 2048 : index
        %get3A_659 = tpu.vector_load %arg46[%get3A_658] {strides = array<i32>} : memref<2592xf32, #tpu.memory_space<vmem>>, vector<16xf32>,
        %mul3A_660 = arith.mulf %max3A_436, %get3A_659 : vector<16xf32>
        %add3A_661 = arith.addf %add3A_657, %mul3A_660 : vector<16xf32>
        %get3A_662 = arith.constant 2192 : index
        %get3A_663 = tpu.vector_load %arg46[%get3A_662] {strides = array<i32>} : memref<2592xf32, #tpu.memory_space<vmem>>, vector<16xf32>,
        %mul3A_664 = arith.mulf %max3A_444, %get3A_663 : vector<16xf32>
        %add3A_665 = arith.addf %add3A_661, %mul3A_664 : vector<16xf32>
        %get3A_666 = arith.constant 2336 : index
        %get3A_667 = tpu.vector_load %arg46[%get3A_666] {strides = array<i32>} : memref<2592xf32, #tpu.memory_space<vmem>>, vector<16xf32>,
        %mul3A_668 = arith.mulf %max3A_452, %get3A_667 : vector<16xf32>
        %add3A_669 = arith.addf %add3A_665, %mul3A_668 : vector<16xf32>
        %get3A_670 = arith.constant 2480 : index
        %get3A_671 = tpu.vector_load %arg46[%get3A_670] {strides = array<i32>} : memref<2592xf32, #tpu.memory_space<vmem>>, vector<16xf32>,
        %mul3A_672 = arith.mulf %max3A_460, %get3A_671 : vector<16xf32>
        %add3A_673 = arith.addf %add3A_669, %mul3A_672 : vector<16xf32>
        %get3A_674 = arith.constant 48 : index
        %get3A_675 = tpu.vector_load %arg46[%get3A_674] {strides = array<i32>} : memref<2592xf32, #tpu.memory_space<vmem>>, vector<16xf32>,
        %mul3A_676 = arith.mulf %max3A_324, %get3A_675 : vector<16xf32>
        %get3A_677 = arith.constant 192 : index
        %get3A_678 = tpu.vector_load %arg46[%get3A_677] {strides = array<i32>} : memref<2592xf32, #tpu.memory_space<vmem>>, vector<16xf32>,
        %mul3A_679 = arith.mulf %max3A_332, %get3A_678 : vector<16xf32>
        %add3A_680 = arith.addf %mul3A_676, %mul3A_679 : vector<16xf32>
        %get3A_681 = arith.constant 336 : index
        %get3A_682 = tpu.vector_load %arg46[%get3A_681] {strides = array<i32>} : memref<2592xf32, #tpu.memory_space<vmem>>, vector<16xf32>,
        %mul3A_683 = arith.mulf %max3A_340, %get3A_682 : vector<16xf32>
        %add3A_684 = arith.addf %add3A_680, %mul3A_683 : vector<16xf32>
        %get3A_685 = arith.constant 480 : index
        %get3A_686 = tpu.vector_load %arg46[%get3A_685] {strides = array<i32>} : memref<2592xf32, #tpu.memory_space<vmem>>, vector<16xf32>,
        %mul3A_687 = arith.mulf %max3A_348, %get3A_686 : vector<16xf32>
        %add3A_688 = arith.addf %add3A_684, %mul3A_687 : vector<16xf32>
        %get3A_689 = arith.constant 624 : index
        %get3A_690 = tpu.vector_load %arg46[%get3A_689] {strides = array<i32>} : memref<2592xf32, #tpu.memory_space<vmem>>, vector<16xf32>,
        %mul3A_691 = arith.mulf %max3A_356, %get3A_690 : vector<16xf32>
        %add3A_692 = arith.addf %add3A_688, %mul3A_691 : vector<16xf32>
        %get3A_693 = arith.constant 768 : index
        %get3A_694 = tpu.vector_load %arg46[%get3A_693] {strides = array<i32>} : memref<2592xf32, #tpu.memory_space<vmem>>, vector<16xf32>,
        %mul3A_695 = arith.mulf %max3A_364, %get3A_694 : vector<16xf32>
        %add3A_696 = arith.addf %add3A_692, %mul3A_695 : vector<16xf32>
        %get3A_697 = arith.constant 912 : index
        %get3A_698 = tpu.vector_load %arg46[%get3A_697] {strides = array<i32>} : memref<2592xf32, #tpu.memory_space<vmem>>, vector<16xf32>,
        %mul3A_699 = arith.mulf %max3A_372, %get3A_698 : vector<16xf32>
        %add3A_700 = arith.addf %add3A_696, %mul3A_699 : vector<16xf32>
        %get3A_701 = arith.constant 1056 : index
        %get3A_702 = tpu.vector_load %arg46[%get3A_701] {strides = array<i32>} : memref<2592xf32, #tpu.memory_space<vmem>>, vector<16xf32>,
        %mul3A_703 = arith.mulf %max3A_380, %get3A_702 : vector<16xf32>
        %add3A_704 = arith.addf %add3A_700, %mul3A_703 : vector<16xf32>
        %get3A_705 = arith.constant 1200 : index
        %get3A_706 = tpu.vector_load %arg46[%get3A_705] {strides = array<i32>} : memref<2592xf32, #tpu.memory_space<vmem>>, vector<16xf32>,
        %mul3A_707 = arith.mulf %max3A_388, %get3A_706 : vector<16xf32>
        %add3A_708 = arith.addf %add3A_704, %mul3A_707 : vector<16xf32>
        %get3A_709 = arith.constant 1344 : index
        %get3A_710 = tpu.vector_load %arg46[%get3A_709] {strides = array<i32>} : memref<2592xf32, #tpu.memory_space<vmem>>, vector<16xf32>,
        %mul3A_711 = arith.mulf %max3A_396, %get3A_710 : vector<16xf32>
        %add3A_712 = arith.addf %add3A_708, %mul3A_711 : vector<16xf32>
        %get3A_713 = arith.constant 1488 : index
        %get3A_714 = tpu.vector_load %arg46[%get3A_713] {strides = array<i32>} : memref<2592xf32, #tpu.memory_space<vmem>>, vector<16xf32>,
        %mul3A_715 = arith.mulf %max3A_404, %get3A_714 : vector<16xf32>
        %add3A_716 = arith.addf %add3A_712, %mul3A_715 : vector<16xf32>
        %get3A_717 = arith.constant 1632 : index
        %get3A_718 = tpu.vector_load %arg46[%get3A_717] {strides = array<i32>} : memref<2592xf32, #tpu.memory_space<vmem>>, vector<16xf32>,
        %mul3A_719 = arith.mulf %max3A_412, %get3A_718 : vector<16xf32>
        %add3A_720 = arith.addf %add3A_716, %mul3A_719 : vector<16xf32>
        %get3A_721 = arith.constant 1776 : index
        %get3A_722 = tpu.vector_load %arg46[%get3A_721] {strides = array<i32>} : memref<2592xf32, #tpu.memory_space<vmem>>, vector<16xf32>,
        %mul3A_723 = arith.mulf %max3A_420, %get3A_722 : vector<16xf32>
        %add3A_724 = arith.addf %add3A_720, %mul3A_723 : vector<16xf32>
        %get3A_725 = arith.constant 1920 : index
        %get3A_726 = tpu.vector_load %arg46[%get3A_725] {strides = array<i32>} : memref<2592xf32, #tpu.memory_space<vmem>>, vector<16xf32>,
        %mul3A_727 = arith.mulf %max3A_428, %get3A_726 : vector<16xf32>
        %add3A_728 = arith.addf %add3A_724, %mul3A_727 : vector<16xf32>
        %get3A_729 = arith.constant 2064 : index
        %get3A_730 = tpu.vector_load %arg46[%get3A_729] {strides = array<i32>} : memref<2592xf32, #tpu.memory_space<vmem>>, vector<16xf32>,
        %mul3A_731 = arith.mulf %max3A_436, %get3A_730 : vector<16xf32>
        %add3A_732 = arith.addf %add3A_728, %mul3A_731 : vector<16xf32>
        %get3A_733 = arith.constant 2208 : index
        %get3A_734 = tpu.vector_load %arg46[%get3A_733] {strides = array<i32>} : memref<2592xf32, #tpu.memory_space<vmem>>, vector<16xf32>,
        %mul3A_735 = arith.mulf %max3A_444, %get3A_734 : vector<16xf32>
        %add3A_736 = arith.addf %add3A_732, %mul3A_735 : vector<16xf32>
        %get3A_737 = arith.constant 2352 : index
        %get3A_738 = tpu.vector_load %arg46[%get3A_737] {strides = array<i32>} : memref<2592xf32, #tpu.memory_space<vmem>>, vector<16xf32>,
        %mul3A_739 = arith.mulf %max3A_452, %get3A_738 : vector<16xf32>
        %add3A_740 = arith.addf %add3A_736, %mul3A_739 : vector<16xf32>
        %get3A_741 = arith.constant 2496 : index
        %get3A_742 = tpu.vector_load %arg46[%get3A_741] {strides = array<i32>} : memref<2592xf32, #tpu.memory_space<vmem>>, vector<16xf32>,
        %mul3A_743 = arith.mulf %max3A_460, %get3A_742 : vector<16xf32>
        %add3A_744 = arith.addf %add3A_740, %mul3A_743 : vector<16xf32>
        %get3A_745 = arith.constant 64 : index
        %get3A_746 = tpu.vector_load %arg46[%get3A_745] {strides = array<i32>} : memref<2592xf32, #tpu.memory_space<vmem>>, vector<16xf32>,
        %mul3A_747 = arith.mulf %max3A_324, %get3A_746 : vector<16xf32>
        %get3A_748 = arith.constant 208 : index
        %get3A_749 = tpu.vector_load %arg46[%get3A_748] {strides = array<i32>} : memref<2592xf32, #tpu.memory_space<vmem>>, vector<16xf32>,
        %mul3A_750 = arith.mulf %max3A_332, %get3A_749 : vector<16xf32>
        %add3A_751 = arith.addf %mul3A_747, %mul3A_750 : vector<16xf32>
        %get3A_752 = arith.constant 352 : index
        %get3A_753 = tpu.vector_load %arg46[%get3A_752] {strides = array<i32>} : memref<2592xf32, #tpu.memory_space<vmem>>, vector<16xf32>,
        %mul3A_754 = arith.mulf %max3A_340, %get3A_753 : vector<16xf32>
        %add3A_755 = arith.addf %add3A_751, %mul3A_754 : vector<16xf32>
        %get3A_756 = arith.constant 496 : index
        %get3A_757 = tpu.vector_load %arg46[%get3A_756] {strides = array<i32>} : memref<2592xf32, #tpu.memory_space<vmem>>, vector<16xf32>,
        %mul3A_758 = arith.mulf %max3A_348, %get3A_757 : vector<16xf32>
        %add3A_759 = arith.addf %add3A_755, %mul3A_758 : vector<16xf32>
        %get3A_760 = arith.constant 640 : index
        %get3A_761 = tpu.vector_load %arg46[%get3A_760] {strides = array<i32>} : memref<2592xf32, #tpu.memory_space<vmem>>, vector<16xf32>,
        %mul3A_762 = arith.mulf %max3A_356, %get3A_761 : vector<16xf32>
        %add3A_763 = arith.addf %add3A_759, %mul3A_762 : vector<16xf32>
        %get3A_764 = arith.constant 784 : index
        %get3A_765 = tpu.vector_load %arg46[%get3A_764] {strides = array<i32>} : memref<2592xf32, #tpu.memory_space<vmem>>, vector<16xf32>,
        %mul3A_766 = arith.mulf %max3A_364, %get3A_765 : vector<16xf32>
        %add3A_767 = arith.addf %add3A_763, %mul3A_766 : vector<16xf32>
        %get3A_768 = arith.constant 928 : index
        %get3A_769 = tpu.vector_load %arg46[%get3A_768] {strides = array<i32>} : memref<2592xf32, #tpu.memory_space<vmem>>, vector<16xf32>,
        %mul3A_770 = arith.mulf %max3A_372, %get3A_769 : vector<16xf32>
        %add3A_771 = arith.addf %add3A_767, %mul3A_770 : vector<16xf32>
        %get3A_772 = arith.constant 1072 : index
        %get3A_773 = tpu.vector_load %arg46[%get3A_772] {strides = array<i32>} : memref<2592xf32, #tpu.memory_space<vmem>>, vector<16xf32>,
        %mul3A_774 = arith.mulf %max3A_380, %get3A_773 : vector<16xf32>
        %add3A_775 = arith.addf %add3A_771, %mul3A_774 : vector<16xf32>
        %get3A_776 = arith.constant 1216 : index
        %get3A_777 = tpu.vector_load %arg46[%get3A_776] {strides = array<i32>} : memref<2592xf32, #tpu.memory_space<vmem>>, vector<16xf32>,
        %mul3A_778 = arith.mulf %max3A_388, %get3A_777 : vector<16xf32>
        %add3A_779 = arith.addf %add3A_775, %mul3A_778 : vector<16xf32>
        %get3A_780 = arith.constant 1360 : index
        %get3A_781 = tpu.vector_load %arg46[%get3A_780] {strides = array<i32>} : memref<2592xf32, #tpu.memory_space<vmem>>, vector<16xf32>,
        %mul3A_782 = arith.mulf %max3A_396, %get3A_781 : vector<16xf32>
        %add3A_783 = arith.addf %add3A_779, %mul3A_782 : vector<16xf32>
        %get3A_784 = arith.constant 1504 : index
        %get3A_785 = tpu.vector_load %arg46[%get3A_784] {strides = array<i32>} : memref<2592xf32, #tpu.memory_space<vmem>>, vector<16xf32>,
        %mul3A_786 = arith.mulf %max3A_404, %get3A_785 : vector<16xf32>
        %add3A_787 = arith.addf %add3A_783, %mul3A_786 : vector<16xf32>
        %get3A_788 = arith.constant 1648 : index
        %get3A_789 = tpu.vector_load %arg46[%get3A_788] {strides = array<i32>} : memref<2592xf32, #tpu.memory_space<vmem>>, vector<16xf32>,
        %mul3A_790 = arith.mulf %max3A_412, %get3A_789 : vector<16xf32>
        %add3A_791 = arith.addf %add3A_787, %mul3A_790 : vector<16xf32>
        %get3A_792 = arith.constant 1792 : index
        %get3A_793 = tpu.vector_load %arg46[%get3A_792] {strides = array<i32>} : memref<2592xf32, #tpu.memory_space<vmem>>, vector<16xf32>,
        %mul3A_794 = arith.mulf %max3A_420, %get3A_793 : vector<16xf32>
        %add3A_795 = arith.addf %add3A_791, %mul3A_794 : vector<16xf32>
        %get3A_796 = arith.constant 1936 : index
        %get3A_797 = tpu.vector_load %arg46[%get3A_796] {strides = array<i32>} : memref<2592xf32, #tpu.memory_space<vmem>>, vector<16xf32>,
        %mul3A_798 = arith.mulf %max3A_428, %get3A_797 : vector<16xf32>
        %add3A_799 = arith.addf %add3A_795, %mul3A_798 : vector<16xf32>
        %get3A_800 = arith.constant 2080 : index
        %get3A_801 = tpu.vector_load %arg46[%get3A_800] {strides = array<i32>} : memref<2592xf32, #tpu.memory_space<vmem>>, vector<16xf32>,
        %mul3A_802 = arith.mulf %max3A_436, %get3A_801 : vector<16xf32>
        %add3A_803 = arith.addf %add3A_799, %mul3A_802 : vector<16xf32>
        %get3A_804 = arith.constant 2224 : index
        %get3A_805 = tpu.vector_load %arg46[%get3A_804] {strides = array<i32>} : memref<2592xf32, #tpu.memory_space<vmem>>, vector<16xf32>,
        %mul3A_806 = arith.mulf %max3A_444, %get3A_805 : vector<16xf32>
        %add3A_807 = arith.addf %add3A_803, %mul3A_806 : vector<16xf32>
        %get3A_808 = arith.constant 2368 : index
        %get3A_809 = tpu.vector_load %arg46[%get3A_808] {strides = array<i32>} : memref<2592xf32, #tpu.memory_space<vmem>>, vector<16xf32>,
        %mul3A_810 = arith.mulf %max3A_452, %get3A_809 : vector<16xf32>
        %add3A_811 = arith.addf %add3A_807, %mul3A_810 : vector<16xf32>
        %get3A_812 = arith.constant 2512 : index
        %get3A_813 = tpu.vector_load %arg46[%get3A_812] {strides = array<i32>} : memref<2592xf32, #tpu.memory_space<vmem>>, vector<16xf32>,
        %mul3A_814 = arith.mulf %max3A_460, %get3A_813 : vector<16xf32>
        %add3A_815 = arith.addf %add3A_811, %mul3A_814 : vector<16xf32>
        %get3A_816 = arith.constant 80 : index
        %get3A_817 = tpu.vector_load %arg46[%get3A_816] {strides = array<i32>} : memref<2592xf32, #tpu.memory_space<vmem>>, vector<16xf32>,
        %mul3A_818 = arith.mulf %max3A_324, %get3A_817 : vector<16xf32>
        %get3A_819 = arith.constant 224 : index
        %get3A_820 = tpu.vector_load %arg46[%get3A_819] {strides = array<i32>} : memref<2592xf32, #tpu.memory_space<vmem>>, vector<16xf32>,
        %mul3A_821 = arith.mulf %max3A_332, %get3A_820 : vector<16xf32>
        %add3A_822 = arith.addf %mul3A_818, %mul3A_821 : vector<16xf32>
        %get3A_823 = arith.constant 368 : index
        %get3A_824 = tpu.vector_load %arg46[%get3A_823] {strides = array<i32>} : memref<2592xf32, #tpu.memory_space<vmem>>, vector<16xf32>,
        %mul3A_825 = arith.mulf %max3A_340, %get3A_824 : vector<16xf32>
        %add3A_826 = arith.addf %add3A_822, %mul3A_825 : vector<16xf32>
        %get3A_827 = arith.constant 512 : index
        %get3A_828 = tpu.vector_load %arg46[%get3A_827] {strides = array<i32>} : memref<2592xf32, #tpu.memory_space<vmem>>, vector<16xf32>,
        %mul3A_829 = arith.mulf %max3A_348, %get3A_828 : vector<16xf32>
        %add3A_830 = arith.addf %add3A_826, %mul3A_829 : vector<16xf32>
        %get3A_831 = arith.constant 656 : index
        %get3A_832 = tpu.vector_load %arg46[%get3A_831] {strides = array<i32>} : memref<2592xf32, #tpu.memory_space<vmem>>, vector<16xf32>,
        %mul3A_833 = arith.mulf %max3A_356, %get3A_832 : vector<16xf32>
        %add3A_834 = arith.addf %add3A_830, %mul3A_833 : vector<16xf32>
        %get3A_835 = arith.constant 800 : index
        %get3A_836 = tpu.vector_load %arg46[%get3A_835] {strides = array<i32>} : memref<2592xf32, #tpu.memory_space<vmem>>, vector<16xf32>,
        %mul3A_837 = arith.mulf %max3A_364, %get3A_836 : vector<16xf32>
        %add3A_838 = arith.addf %add3A_834, %mul3A_837 : vector<16xf32>
        %get3A_839 = arith.constant 944 : index
        %get3A_840 = tpu.vector_load %arg46[%get3A_839] {strides = array<i32>} : memref<2592xf32, #tpu.memory_space<vmem>>, vector<16xf32>,
        %mul3A_841 = arith.mulf %max3A_372, %get3A_840 : vector<16xf32>
        %add3A_842 = arith.addf %add3A_838, %mul3A_841 : vector<16xf32>
        %get3A_843 = arith.constant 1088 : index
        %get3A_844 = tpu.vector_load %arg46[%get3A_843] {strides = array<i32>} : memref<2592xf32, #tpu.memory_space<vmem>>, vector<16xf32>,
        %mul3A_845 = arith.mulf %max3A_380, %get3A_844 : vector<16xf32>
        %add3A_846 = arith.addf %add3A_842, %mul3A_845 : vector<16xf32>
        %get3A_847 = arith.constant 1232 : index
        %get3A_848 = tpu.vector_load %arg46[%get3A_847] {strides = array<i32>} : memref<2592xf32, #tpu.memory_space<vmem>>, vector<16xf32>,
        %mul3A_849 = arith.mulf %max3A_388, %get3A_848 : vector<16xf32>
        %add3A_850 = arith.addf %add3A_846, %mul3A_849 : vector<16xf32>
        %get3A_851 = arith.constant 1376 : index
        %get3A_852 = tpu.vector_load %arg46[%get3A_851] {strides = array<i32>} : memref<2592xf32, #tpu.memory_space<vmem>>, vector<16xf32>,
        %mul3A_853 = arith.mulf %max3A_396, %get3A_852 : vector<16xf32>
        %add3A_854 = arith.addf %add3A_850, %mul3A_853 : vector<16xf32>
        %get3A_855 = arith.constant 1520 : index
        %get3A_856 = tpu.vector_load %arg46[%get3A_855] {strides = array<i32>} : memref<2592xf32, #tpu.memory_space<vmem>>, vector<16xf32>,
        %mul3A_857 = arith.mulf %max3A_404, %get3A_856 : vector<16xf32>
        %add3A_858 = arith.addf %add3A_854, %mul3A_857 : vector<16xf32>
        %get3A_859 = arith.constant 1664 : index
        %get3A_860 = tpu.vector_load %arg46[%get3A_859] {strides = array<i32>} : memref<2592xf32, #tpu.memory_space<vmem>>, vector<16xf32>,
        %mul3A_861 = arith.mulf %max3A_412, %get3A_860 : vector<16xf32>
        %add3A_862 = arith.addf %add3A_858, %mul3A_861 : vector<16xf32>
        %get3A_863 = arith.constant 1808 : index
        %get3A_864 = tpu.vector_load %arg46[%get3A_863] {strides = array<i32>} : memref<2592xf32, #tpu.memory_space<vmem>>, vector<16xf32>,
        %mul3A_865 = arith.mulf %max3A_420, %get3A_864 : vector<16xf32>
        %add3A_866 = arith.addf %add3A_862, %mul3A_865 : vector<16xf32>
        %get3A_867 = arith.constant 1952 : index
        %get3A_868 = tpu.vector_load %arg46[%get3A_867] {strides = array<i32>} : memref<2592xf32, #tpu.memory_space<vmem>>, vector<16xf32>,
        %mul3A_869 = arith.mulf %max3A_428, %get3A_868 : vector<16xf32>
        %add3A_870 = arith.addf %add3A_866, %mul3A_869 : vector<16xf32>
        %get3A_871 = arith.constant 2096 : index
        %get3A_872 = tpu.vector_load %arg46[%get3A_871] {strides = array<i32>} : memref<2592xf32, #tpu.memory_space<vmem>>, vector<16xf32>,
        %mul3A_873 = arith.mulf %max3A_436, %get3A_872 : vector<16xf32>
        %add3A_874 = arith.addf %add3A_870, %mul3A_873 : vector<16xf32>
        %get3A_875 = arith.constant 2240 : index
        %get3A_876 = tpu.vector_load %arg46[%get3A_875] {strides = array<i32>} : memref<2592xf32, #tpu.memory_space<vmem>>, vector<16xf32>,
        %mul3A_877 = arith.mulf %max3A_444, %get3A_876 : vector<16xf32>
        %add3A_878 = arith.addf %add3A_874, %mul3A_877 : vector<16xf32>
        %get3A_879 = arith.constant 2384 : index
        %get3A_880 = tpu.vector_load %arg46[%get3A_879] {strides = array<i32>} : memref<2592xf32, #tpu.memory_space<vmem>>, vector<16xf32>,
        %mul3A_881 = arith.mulf %max3A_452, %get3A_880 : vector<16xf32>
        %add3A_882 = arith.addf %add3A_878, %mul3A_881 : vector<16xf32>
        %get3A_883 = arith.constant 2528 : index
        %get3A_884 = tpu.vector_load %arg46[%get3A_883] {strides = array<i32>} : memref<2592xf32, #tpu.memory_space<vmem>>, vector<16xf32>,
        %mul3A_885 = arith.mulf %max3A_460, %get3A_884 : vector<16xf32>
        %add3A_886 = arith.addf %add3A_882, %mul3A_885 : vector<16xf32>
        %get3A_887 = arith.constant 96 : index
        %get3A_888 = tpu.vector_load %arg46[%get3A_887] {strides = array<i32>} : memref<2592xf32, #tpu.memory_space<vmem>>, vector<16xf32>,
        %mul3A_889 = arith.mulf %max3A_324, %get3A_888 : vector<16xf32>
        %get3A_890 = arith.constant 240 : index
        %get3A_891 = tpu.vector_load %arg46[%get3A_890] {strides = array<i32>} : memref<2592xf32, #tpu.memory_space<vmem>>, vector<16xf32>,
        %mul3A_892 = arith.mulf %max3A_332, %get3A_891 : vector<16xf32>
        %add3A_893 = arith.addf %mul3A_889, %mul3A_892 : vector<16xf32>
        %get3A_894 = arith.constant 384 : index
        %get3A_895 = tpu.vector_load %arg46[%get3A_894] {strides = array<i32>} : memref<2592xf32, #tpu.memory_space<vmem>>, vector<16xf32>,
        %mul3A_896 = arith.mulf %max3A_340, %get3A_895 : vector<16xf32>
        %add3A_897 = arith.addf %add3A_893, %mul3A_896 : vector<16xf32>
        %get3A_898 = arith.constant 528 : index
        %get3A_899 = tpu.vector_load %arg46[%get3A_898] {strides = array<i32>} : memref<2592xf32, #tpu.memory_space<vmem>>, vector<16xf32>,
        %mul3A_900 = arith.mulf %max3A_348, %get3A_899 : vector<16xf32>
        %add3A_901 = arith.addf %add3A_897, %mul3A_900 : vector<16xf32>
        %get3A_902 = arith.constant 672 : index
        %get3A_903 = tpu.vector_load %arg46[%get3A_902] {strides = array<i32>} : memref<2592xf32, #tpu.memory_space<vmem>>, vector<16xf32>,
        %mul3A_904 = arith.mulf %max3A_356, %get3A_903 : vector<16xf32>
        %add3A_905 = arith.addf %add3A_901, %mul3A_904 : vector<16xf32>
        %get3A_906 = arith.constant 816 : index
        %get3A_907 = tpu.vector_load %arg46[%get3A_906] {strides = array<i32>} : memref<2592xf32, #tpu.memory_space<vmem>>, vector<16xf32>,
        %mul3A_908 = arith.mulf %max3A_364, %get3A_907 : vector<16xf32>
        %add3A_909 = arith.addf %add3A_905, %mul3A_908 : vector<16xf32>
        %get3A_910 = arith.constant 960 : index
        %get3A_911 = tpu.vector_load %arg46[%get3A_910] {strides = array<i32>} : memref<2592xf32, #tpu.memory_space<vmem>>, vector<16xf32>,
        %mul3A_912 = arith.mulf %max3A_372, %get3A_911 : vector<16xf32>
        %add3A_913 = arith.addf %add3A_909, %mul3A_912 : vector<16xf32>
        %get3A_914 = arith.constant 1104 : index
        %get3A_915 = tpu.vector_load %arg46[%get3A_914] {strides = array<i32>} : memref<2592xf32, #tpu.memory_space<vmem>>, vector<16xf32>,
        %mul3A_916 = arith.mulf %max3A_380, %get3A_915 : vector<16xf32>
        %add3A_917 = arith.addf %add3A_913, %mul3A_916 : vector<16xf32>
        %get3A_918 = arith.constant 1248 : index
        %get3A_919 = tpu.vector_load %arg46[%get3A_918] {strides = array<i32>} : memref<2592xf32, #tpu.memory_space<vmem>>, vector<16xf32>,
        %mul3A_920 = arith.mulf %max3A_388, %get3A_919 : vector<16xf32>
        %add3A_921 = arith.addf %add3A_917, %mul3A_920 : vector<16xf32>
        %get3A_922 = arith.constant 1392 : index
        %get3A_923 = tpu.vector_load %arg46[%get3A_922] {strides = array<i32>} : memref<2592xf32, #tpu.memory_space<vmem>>, vector<16xf32>,
        %mul3A_924 = arith.mulf %max3A_396, %get3A_923 : vector<16xf32>
        %add3A_925 = arith.addf %add3A_921, %mul3A_924 : vector<16xf32>
        %get3A_926 = arith.constant 1536 : index
        %get3A_927 = tpu.vector_load %arg46[%get3A_926] {strides = array<i32>} : memref<2592xf32, #tpu.memory_space<vmem>>, vector<16xf32>,
        %mul3A_928 = arith.mulf %max3A_404, %get3A_927 : vector<16xf32>
        %add3A_929 = arith.addf %add3A_925, %mul3A_928 : vector<16xf32>
        %get3A_930 = arith.constant 1680 : index
        %get3A_931 = tpu.vector_load %arg46[%get3A_930] {strides = array<i32>} : memref<2592xf32, #tpu.memory_space<vmem>>, vector<16xf32>,
        %mul3A_932 = arith.mulf %max3A_412, %get3A_931 : vector<16xf32>
        %add3A_933 = arith.addf %add3A_929, %mul3A_932 : vector<16xf32>
        %get3A_934 = arith.constant 1824 : index
        %get3A_935 = tpu.vector_load %arg46[%get3A_934] {strides = array<i32>} : memref<2592xf32, #tpu.memory_space<vmem>>, vector<16xf32>,
        %mul3A_936 = arith.mulf %max3A_420, %get3A_935 : vector<16xf32>
        %add3A_937 = arith.addf %add3A_933, %mul3A_936 : vector<16xf32>
        %get3A_938 = arith.constant 1968 : index
        %get3A_939 = tpu.vector_load %arg46[%get3A_938] {strides = array<i32>} : memref<2592xf32, #tpu.memory_space<vmem>>, vector<16xf32>,
        %mul3A_940 = arith.mulf %max3A_428, %get3A_939 : vector<16xf32>
        %add3A_941 = arith.addf %add3A_937, %mul3A_940 : vector<16xf32>
        %get3A_942 = arith.constant 2112 : index
        %get3A_943 = tpu.vector_load %arg46[%get3A_942] {strides = array<i32>} : memref<2592xf32, #tpu.memory_space<vmem>>, vector<16xf32>,
        %mul3A_944 = arith.mulf %max3A_436, %get3A_943 : vector<16xf32>
        %add3A_945 = arith.addf %add3A_941, %mul3A_944 : vector<16xf32>
        %get3A_946 = arith.constant 2256 : index
        %get3A_947 = tpu.vector_load %arg46[%get3A_946] {strides = array<i32>} : memref<2592xf32, #tpu.memory_space<vmem>>, vector<16xf32>,
        %mul3A_948 = arith.mulf %max3A_444, %get3A_947 : vector<16xf32>
        %add3A_949 = arith.addf %add3A_945, %mul3A_948 : vector<16xf32>
        %get3A_950 = arith.constant 2400 : index
        %get3A_951 = tpu.vector_load %arg46[%get3A_950] {strides = array<i32>} : memref<2592xf32, #tpu.memory_space<vmem>>, vector<16xf32>,
        %mul3A_952 = arith.mulf %max3A_452, %get3A_951 : vector<16xf32>
        %add3A_953 = arith.addf %add3A_949, %mul3A_952 : vector<16xf32>
        %get3A_954 = arith.constant 2544 : index
        %get3A_955 = tpu.vector_load %arg46[%get3A_954] {strides = array<i32>} : memref<2592xf32, #tpu.memory_space<vmem>>, vector<16xf32>,
        %mul3A_956 = arith.mulf %max3A_460, %get3A_955 : vector<16xf32>
        %add3A_957 = arith.addf %add3A_953, %mul3A_956 : vector<16xf32>
        %get3A_958 = arith.constant 112 : index
        %get3A_959 = tpu.vector_load %arg46[%get3A_958] {strides = array<i32>} : memref<2592xf32, #tpu.memory_space<vmem>>, vector<16xf32>,
        %mul3A_960 = arith.mulf %max3A_324, %get3A_959 : vector<16xf32>
        %get3A_961 = arith.constant 256 : index
        %get3A_962 = tpu.vector_load %arg46[%get3A_961] {strides = array<i32>} : memref<2592xf32, #tpu.memory_space<vmem>>, vector<16xf32>,
        %mul3A_963 = arith.mulf %max3A_332, %get3A_962 : vector<16xf32>
        %add3A_964 = arith.addf %mul3A_960, %mul3A_963 : vector<16xf32>
        %get3A_965 = arith.constant 400 : index
        %get3A_966 = tpu.vector_load %arg46[%get3A_965] {strides = array<i32>} : memref<2592xf32, #tpu.memory_space<vmem>>, vector<16xf32>,
        %mul3A_967 = arith.mulf %max3A_340, %get3A_966 : vector<16xf32>
        %add3A_968 = arith.addf %add3A_964, %mul3A_967 : vector<16xf32>
        %get3A_969 = arith.constant 544 : index
        %get3A_970 = tpu.vector_load %arg46[%get3A_969] {strides = array<i32>} : memref<2592xf32, #tpu.memory_space<vmem>>, vector<16xf32>,
        %mul3A_971 = arith.mulf %max3A_348, %get3A_970 : vector<16xf32>
        %add3A_972 = arith.addf %add3A_968, %mul3A_971 : vector<16xf32>
        %get3A_973 = arith.constant 688 : index
        %get3A_974 = tpu.vector_load %arg46[%get3A_973] {strides = array<i32>} : memref<2592xf32, #tpu.memory_space<vmem>>, vector<16xf32>,
        %mul3A_975 = arith.mulf %max3A_356, %get3A_974 : vector<16xf32>
        %add3A_976 = arith.addf %add3A_972, %mul3A_975 : vector<16xf32>
        %get3A_977 = arith.constant 832 : index
        %get3A_978 = tpu.vector_load %arg46[%get3A_977] {strides = array<i32>} : memref<2592xf32, #tpu.memory_space<vmem>>, vector<16xf32>,
        %mul3A_979 = arith.mulf %max3A_364, %get3A_978 : vector<16xf32>
        %add3A_980 = arith.addf %add3A_976, %mul3A_979 : vector<16xf32>
        %get3A_981 = arith.constant 976 : index
        %get3A_982 = tpu.vector_load %arg46[%get3A_981] {strides = array<i32>} : memref<2592xf32, #tpu.memory_space<vmem>>, vector<16xf32>,
        %mul3A_983 = arith.mulf %max3A_372, %get3A_982 : vector<16xf32>
        %add3A_984 = arith.addf %add3A_980, %mul3A_983 : vector<16xf32>
        %get3A_985 = arith.constant 1120 : index
        %get3A_986 = tpu.vector_load %arg46[%get3A_985] {strides = array<i32>} : memref<2592xf32, #tpu.memory_space<vmem>>, vector<16xf32>,
        %mul3A_987 = arith.mulf %max3A_380, %get3A_986 : vector<16xf32>
        %add3A_988 = arith.addf %add3A_984, %mul3A_987 : vector<16xf32>
        %get3A_989 = arith.constant 1264 : index
        %get3A_990 = tpu.vector_load %arg46[%get3A_989] {strides = array<i32>} : memref<2592xf32, #tpu.memory_space<vmem>>, vector<16xf32>,
        %mul3A_991 = arith.mulf %max3A_388, %get3A_990 : vector<16xf32>
        %add3A_992 = arith.addf %add3A_988, %mul3A_991 : vector<16xf32>
        %get3A_993 = arith.constant 1408 : index
        %get3A_994 = tpu.vector_load %arg46[%get3A_993] {strides = array<i32>} : memref<2592xf32, #tpu.memory_space<vmem>>, vector<16xf32>,
        %mul3A_995 = arith.mulf %max3A_396, %get3A_994 : vector<16xf32>
        %add3A_996 = arith.addf %add3A_992, %mul3A_995 : vector<16xf32>
        %get3A_997 = arith.constant 1552 : index
        %get3A_998 = tpu.vector_load %arg46[%get3A_997] {strides = array<i32>} : memref<2592xf32, #tpu.memory_space<vmem>>, vector<16xf32>,
        %mul3A_999 = arith.mulf %max3A_404, %get3A_998 : vector<16xf32>
        %add3A_1000 = arith.addf %add3A_996, %mul3A_999 : vector<16xf32>
        %get3A_1001 = arith.constant 1696 : index
        %get3A_1002 = tpu.vector_load %arg46[%get3A_1001] {strides = array<i32>} : memref<2592xf32, #tpu.memory_space<vmem>>, vector<16xf32>,
        %mul3A_1003 = arith.mulf %max3A_412, %get3A_1002 : vector<16xf32>
        %add3A_1004 = arith.addf %add3A_1000, %mul3A_1003 : vector<16xf32>
        %get3A_1005 = arith.constant 1840 : index
        %get3A_1006 = tpu.vector_load %arg46[%get3A_1005] {strides = array<i32>} : memref<2592xf32, #tpu.memory_space<vmem>>, vector<16xf32>,
        %mul3A_1007 = arith.mulf %max3A_420, %get3A_1006 : vector<16xf32>
        %add3A_1008 = arith.addf %add3A_1004, %mul3A_1007 : vector<16xf32>
        %get3A_1009 = arith.constant 1984 : index
        %get3A_1010 = tpu.vector_load %arg46[%get3A_1009] {strides = array<i32>} : memref<2592xf32, #tpu.memory_space<vmem>>, vector<16xf32>,
        %mul3A_1011 = arith.mulf %max3A_428, %get3A_1010 : vector<16xf32>
        %add3A_1012 = arith.addf %add3A_1008, %mul3A_1011 : vector<16xf32>
        %get3A_1013 = arith.constant 2128 : index
        %get3A_1014 = tpu.vector_load %arg46[%get3A_1013] {strides = array<i32>} : memref<2592xf32, #tpu.memory_space<vmem>>, vector<16xf32>,
        %mul3A_1015 = arith.mulf %max3A_436, %get3A_1014 : vector<16xf32>
        %add3A_1016 = arith.addf %add3A_1012, %mul3A_1015 : vector<16xf32>
        %get3A_1017 = arith.constant 2272 : index
        %get3A_1018 = tpu.vector_load %arg46[%get3A_1017] {strides = array<i32>} : memref<2592xf32, #tpu.memory_space<vmem>>, vector<16xf32>,
        %mul3A_1019 = arith.mulf %max3A_444, %get3A_1018 : vector<16xf32>
        %add3A_1020 = arith.addf %add3A_1016, %mul3A_1019 : vector<16xf32>
        %get3A_1021 = arith.constant 2416 : index
        %get3A_1022 = tpu.vector_load %arg46[%get3A_1021] {strides = array<i32>} : memref<2592xf32, #tpu.memory_space<vmem>>, vector<16xf32>,
        %mul3A_1023 = arith.mulf %max3A_452, %get3A_1022 : vector<16xf32>
        %add3A_1024 = arith.addf %add3A_1020, %mul3A_1023 : vector<16xf32>
        %get3A_1025 = arith.constant 2560 : index
        %get3A_1026 = tpu.vector_load %arg46[%get3A_1025] {strides = array<i32>} : memref<2592xf32, #tpu.memory_space<vmem>>, vector<16xf32>,
        %mul3A_1027 = arith.mulf %max3A_460, %get3A_1026 : vector<16xf32>
        %add3A_1028 = arith.addf %add3A_1024, %mul3A_1027 : vector<16xf32>
        %get3A_1029 = arith.constant 128 : index
        %get3A_1030 = tpu.vector_load %arg46[%get3A_1029] {strides = array<i32>} : memref<2592xf32, #tpu.memory_space<vmem>>, vector<16xf32>,
        %mul3A_1031 = arith.mulf %max3A_324, %get3A_1030 : vector<16xf32>
        %get3A_1032 = arith.constant 272 : index
        %get3A_1033 = tpu.vector_load %arg46[%get3A_1032] {strides = array<i32>} : memref<2592xf32, #tpu.memory_space<vmem>>, vector<16xf32>,
        %mul3A_1034 = arith.mulf %max3A_332, %get3A_1033 : vector<16xf32>
        %add3A_1035 = arith.addf %mul3A_1031, %mul3A_1034 : vector<16xf32>
        %get3A_1036 = arith.constant 416 : index
        %get3A_1037 = tpu.vector_load %arg46[%get3A_1036] {strides = array<i32>} : memref<2592xf32, #tpu.memory_space<vmem>>, vector<16xf32>,
        %mul3A_1038 = arith.mulf %max3A_340, %get3A_1037 : vector<16xf32>
        %add3A_1039 = arith.addf %add3A_1035, %mul3A_1038 : vector<16xf32>
        %get3A_1040 = arith.constant 560 : index
        %get3A_1041 = tpu.vector_load %arg46[%get3A_1040] {strides = array<i32>} : memref<2592xf32, #tpu.memory_space<vmem>>, vector<16xf32>,
        %mul3A_1042 = arith.mulf %max3A_348, %get3A_1041 : vector<16xf32>
        %add3A_1043 = arith.addf %add3A_1039, %mul3A_1042 : vector<16xf32>
        %get3A_1044 = arith.constant 704 : index
        %get3A_1045 = tpu.vector_load %arg46[%get3A_1044] {strides = array<i32>} : memref<2592xf32, #tpu.memory_space<vmem>>, vector<16xf32>,
        %mul3A_1046 = arith.mulf %max3A_356, %get3A_1045 : vector<16xf32>
        %add3A_1047 = arith.addf %add3A_1043, %mul3A_1046 : vector<16xf32>
        %get3A_1048 = arith.constant 848 : index
        %get3A_1049 = tpu.vector_load %arg46[%get3A_1048] {strides = array<i32>} : memref<2592xf32, #tpu.memory_space<vmem>>, vector<16xf32>,
        %mul3A_1050 = arith.mulf %max3A_364, %get3A_1049 : vector<16xf32>
        %add3A_1051 = arith.addf %add3A_1047, %mul3A_1050 : vector<16xf32>
        %get3A_1052 = arith.constant 992 : index
        %get3A_1053 = tpu.vector_load %arg46[%get3A_1052] {strides = array<i32>} : memref<2592xf32, #tpu.memory_space<vmem>>, vector<16xf32>,
        %mul3A_1054 = arith.mulf %max3A_372, %get3A_1053 : vector<16xf32>
        %add3A_1055 = arith.addf %add3A_1051, %mul3A_1054 : vector<16xf32>
        %get3A_1056 = arith.constant 1136 : index
        %get3A_1057 = tpu.vector_load %arg46[%get3A_1056] {strides = array<i32>} : memref<2592xf32, #tpu.memory_space<vmem>>, vector<16xf32>,
        %mul3A_1058 = arith.mulf %max3A_380, %get3A_1057 : vector<16xf32>
        %add3A_1059 = arith.addf %add3A_1055, %mul3A_1058 : vector<16xf32>
        %get3A_1060 = arith.constant 1280 : index
        %get3A_1061 = tpu.vector_load %arg46[%get3A_1060] {strides = array<i32>} : memref<2592xf32, #tpu.memory_space<vmem>>, vector<16xf32>,
        %mul3A_1062 = arith.mulf %max3A_388, %get3A_1061 : vector<16xf32>
        %add3A_1063 = arith.addf %add3A_1059, %mul3A_1062 : vector<16xf32>
        %get3A_1064 = arith.constant 1424 : index
        %get3A_1065 = tpu.vector_load %arg46[%get3A_1064] {strides = array<i32>} : memref<2592xf32, #tpu.memory_space<vmem>>, vector<16xf32>,
        %mul3A_1066 = arith.mulf %max3A_396, %get3A_1065 : vector<16xf32>
        %add3A_1067 = arith.addf %add3A_1063, %mul3A_1066 : vector<16xf32>
        %get3A_1068 = arith.constant 1568 : index
        %get3A_1069 = tpu.vector_load %arg46[%get3A_1068] {strides = array<i32>} : memref<2592xf32, #tpu.memory_space<vmem>>, vector<16xf32>,
        %mul3A_1070 = arith.mulf %max3A_404, %get3A_1069 : vector<16xf32>
        %add3A_1071 = arith.addf %add3A_1067, %mul3A_1070 : vector<16xf32>
        %get3A_1072 = arith.constant 1712 : index
        %get3A_1073 = tpu.vector_load %arg46[%get3A_1072] {strides = array<i32>} : memref<2592xf32, #tpu.memory_space<vmem>>, vector<16xf32>,
        %mul3A_1074 = arith.mulf %max3A_412, %get3A_1073 : vector<16xf32>
        %add3A_1075 = arith.addf %add3A_1071, %mul3A_1074 : vector<16xf32>
        %get3A_1076 = arith.constant 1856 : index
        %get3A_1077 = tpu.vector_load %arg46[%get3A_1076] {strides = array<i32>} : memref<2592xf32, #tpu.memory_space<vmem>>, vector<16xf32>,
        %mul3A_1078 = arith.mulf %max3A_420, %get3A_1077 : vector<16xf32>
        %add3A_1079 = arith.addf %add3A_1075, %mul3A_1078 : vector<16xf32>
        %get3A_1080 = arith.constant 2000 : index
        %get3A_1081 = tpu.vector_load %arg46[%get3A_1080] {strides = array<i32>} : memref<2592xf32, #tpu.memory_space<vmem>>, vector<16xf32>,
        %mul3A_1082 = arith.mulf %max3A_428, %get3A_1081 : vector<16xf32>
        %add3A_1083 = arith.addf %add3A_1079, %mul3A_1082 : vector<16xf32>
        %get3A_1084 = arith.constant 2144 : index
        %get3A_1085 = tpu.vector_load %arg46[%get3A_1084] {strides = array<i32>} : memref<2592xf32, #tpu.memory_space<vmem>>, vector<16xf32>,
        %mul3A_1086 = arith.mulf %max3A_436, %get3A_1085 : vector<16xf32>
        %add3A_1087 = arith.addf %add3A_1083, %mul3A_1086 : vector<16xf32>
        %get3A_1088 = arith.constant 2288 : index
        %get3A_1089 = tpu.vector_load %arg46[%get3A_1088] {strides = array<i32>} : memref<2592xf32, #tpu.memory_space<vmem>>, vector<16xf32>,
        %mul3A_1090 = arith.mulf %max3A_444, %get3A_1089 : vector<16xf32>
        %add3A_1091 = arith.addf %add3A_1087, %mul3A_1090 : vector<16xf32>
        %get3A_1092 = arith.constant 2432 : index
        %get3A_1093 = tpu.vector_load %arg46[%get3A_1092] {strides = array<i32>} : memref<2592xf32, #tpu.memory_space<vmem>>, vector<16xf32>,
        %mul3A_1094 = arith.mulf %max3A_452, %get3A_1093 : vector<16xf32>
        %add3A_1095 = arith.addf %add3A_1091, %mul3A_1094 : vector<16xf32>
        %get3A_1096 = arith.constant 2576 : index
        %get3A_1097 = tpu.vector_load %arg46[%get3A_1096] {strides = array<i32>} : memref<2592xf32, #tpu.memory_space<vmem>>, vector<16xf32>,
        %mul3A_1098 = arith.mulf %max3A_460, %get3A_1097 : vector<16xf32>
        %add3A_1099 = arith.addf %add3A_1095, %mul3A_1098 : vector<16xf32>
        %iota3A = tpu.iota {dimensions = array<i32: 0>} : vector<16xi32>
        %broadcast_in_dim3A_1100 = arith.constant 0 : i32
        %broadcast_in_dim3A_1101 = vector.broadcast %broadcast_in_dim3A_1100 : i32 to vector<16xi32>
        %slice3A = vector.extract_strided_slice %get3A_317 {offsets = [0], sizes = [1], strides = [1]} : vector<16xi32> to vector<1xi32>
        %squeeze3A = vector.extract %slice3A[0] : i32 from vector<1xi32>
        %eq3A = vector.broadcast %squeeze3A : i32 to vector<16xi32>
        %eq3A_1102 = arith.cmpi eq, %get3A_317, %eq3A : vector<16xi32>
        %gt3A = arith.constant 0 : i32
        %gt3A_1103 = vector.broadcast %gt3A : i32 to vector<16xi32>
        %gt3A_1104 = arith.cmpi sgt, %iota3A, %gt3A_1103 : vector<16xi32>
        %and3A = arith.andi %eq3A_1102, %gt3A_1104 : vector<16xi1>
        %convert_element_type3A = arith.extui %and3A : vector<16xi1> to vector<16xi32>
        %add3A_1105 = arith.addi %broadcast_in_dim3A_1101, %convert_element_type3A : vector<16xi32>
        %slice3A_1106 = vector.extract_strided_slice %get3A_317 {offsets = [1], sizes = [1], strides = [1]} : vector<16xi32> to vector<1xi32>
        %squeeze3A_1107 = vector.extract %slice3A_1106[0] : i32 from vector<1xi32>
        %eq3A_1108 = vector.broadcast %squeeze3A_1107 : i32 to vector<16xi32>
        %eq3A_1109 = arith.cmpi eq, %get3A_317, %eq3A_1108 : vector<16xi32>
        %gt3A_1110 = arith.constant 1 : i32
        %gt3A_1111 = vector.broadcast %gt3A_1110 : i32 to vector<16xi32>
        %gt3A_1112 = arith.cmpi sgt, %iota3A, %gt3A_1111 : vector<16xi32>
        %and3A_1113 = arith.andi %eq3A_1109, %gt3A_1112 : vector<16xi1>
        %convert_element_type3A_1114 = arith.extui %and3A_1113 : vector<16xi1> to vector<16xi32>
        %add3A_1115 = arith.addi %add3A_1105, %convert_element_type3A_1114 : vector<16xi32>
        %slice3A_1116 = vector.extract_strided_slice %get3A_317 {offsets = [2], sizes = [1], strides = [1]} : vector<16xi32> to vector<1xi32>
        %squeeze3A_1117 = vector.extract %slice3A_1116[0] : i32 from vector<1xi32>
        %eq3A_1118 = vector.broadcast %squeeze3A_1117 : i32 to vector<16xi32>
        %eq3A_1119 = arith.cmpi eq, %get3A_317, %eq3A_1118 : vector<16xi32>
        %gt3A_1120 = arith.constant 2 : i32
        %gt3A_1121 = vector.broadcast %gt3A_1120 : i32 to vector<16xi32>
        %gt3A_1122 = arith.cmpi sgt, %iota3A, %gt3A_1121 : vector<16xi32>
        %and3A_1123 = arith.andi %eq3A_1119, %gt3A_1122 : vector<16xi1>
        %convert_element_type3A_1124 = arith.extui %and3A_1123 : vector<16xi1> to vector<16xi32>
        %add3A_1125 = arith.addi %add3A_1115, %convert_element_type3A_1124 : vector<16xi32>
        %slice3A_1126 = vector.extract_strided_slice %get3A_317 {offsets = [3], sizes = [1], strides = [1]} : vector<16xi32> to vector<1xi32>
        %squeeze3A_1127 = vector.extract %slice3A_1126[0] : i32 from vector<1xi32>
        %eq3A_1128 = vector.broadcast %squeeze3A_1127 : i32 to vector<16xi32>
        %eq3A_1129 = arith.cmpi eq, %get3A_317, %eq3A_1128 : vector<16xi32>
        %gt3A_1130 = arith.constant 3 : i32
        %gt3A_1131 = vector.broadcast %gt3A_1130 : i32 to vector<16xi32>
        %gt3A_1132 = arith.cmpi sgt, %iota3A, %gt3A_1131 : vector<16xi32>
        %and3A_1133 = arith.andi %eq3A_1129, %gt3A_1132 : vector<16xi1>
        %convert_element_type3A_1134 = arith.extui %and3A_1133 : vector<16xi1> to vector<16xi32>
        %add3A_1135 = arith.addi %add3A_1125, %convert_element_type3A_1134 : vector<16xi32>
        %slice3A_1136 = vector.extract_strided_slice %get3A_317 {offsets = [4], sizes = [1], strides = [1]} : vector<16xi32> to vector<1xi32>
        %squeeze3A_1137 = vector.extract %slice3A_1136[0] : i32 from vector<1xi32>
        %eq3A_1138 = vector.broadcast %squeeze3A_1137 : i32 to vector<16xi32>
        %eq3A_1139 = arith.cmpi eq, %get3A_317, %eq3A_1138 : vector<16xi32>
        %gt3A_1140 = arith.constant 4 : i32
        %gt3A_1141 = vector.broadcast %gt3A_1140 : i32 to vector<16xi32>
        %gt3A_1142 = arith.cmpi sgt, %iota3A, %gt3A_1141 : vector<16xi32>
        %and3A_1143 = arith.andi %eq3A_1139, %gt3A_1142 : vector<16xi1>
        %convert_element_type3A_1144 = arith.extui %and3A_1143 : vector<16xi1> to vector<16xi32>
        %add3A_1145 = arith.addi %add3A_1135, %convert_element_type3A_1144 : vector<16xi32>
        %slice3A_1146 = vector.extract_strided_slice %get3A_317 {offsets = [5], sizes = [1], strides = [1]} : vector<16xi32> to vector<1xi32>
        %squeeze3A_1147 = vector.extract %slice3A_1146[0] : i32 from vector<1xi32>
        %eq3A_1148 = vector.broadcast %squeeze3A_1147 : i32 to vector<16xi32>
        %eq3A_1149 = arith.cmpi eq, %get3A_317, %eq3A_1148 : vector<16xi32>
        %gt3A_1150 = arith.constant 5 : i32
        %gt3A_1151 = vector.broadcast %gt3A_1150 : i32 to vector<16xi32>
        %gt3A_1152 = arith.cmpi sgt, %iota3A, %gt3A_1151 : vector<16xi32>
        %and3A_1153 = arith.andi %eq3A_1149, %gt3A_1152 : vector<16xi1>
        %convert_element_type3A_1154 = arith.extui %and3A_1153 : vector<16xi1> to vector<16xi32>
        %add3A_1155 = arith.addi %add3A_1145, %convert_element_type3A_1154 : vector<16xi32>
        %slice3A_1156 = vector.extract_strided_slice %get3A_317 {offsets = [6], sizes = [1], strides = [1]} : vector<16xi32> to vector<1xi32>
        %squeeze3A_1157 = vector.extract %slice3A_1156[0] : i32 from vector<1xi32>
        %eq3A_1158 = vector.broadcast %squeeze3A_1157 : i32 to vector<16xi32>
        %eq3A_1159 = arith.cmpi eq, %get3A_317, %eq3A_1158 : vector<16xi32>
        %gt3A_1160 = arith.constant 6 : i32
        %gt3A_1161 = vector.broadcast %gt3A_1160 : i32 to vector<16xi32>
        %gt3A_1162 = arith.cmpi sgt, %iota3A, %gt3A_1161 : vector<16xi32>
        %and3A_1163 = arith.andi %eq3A_1159, %gt3A_1162 : vector<16xi1>
        %convert_element_type3A_1164 = arith.extui %and3A_1163 : vector<16xi1> to vector<16xi32>
        %add3A_1165 = arith.addi %add3A_1155, %convert_element_type3A_1164 : vector<16xi32>
        %slice3A_1166 = vector.extract_strided_slice %get3A_317 {offsets = [7], sizes = [1], strides = [1]} : vector<16xi32> to vector<1xi32>
        %squeeze3A_1167 = vector.extract %slice3A_1166[0] : i32 from vector<1xi32>
        %eq3A_1168 = vector.broadcast %squeeze3A_1167 : i32 to vector<16xi32>
        %eq3A_1169 = arith.cmpi eq, %get3A_317, %eq3A_1168 : vector<16xi32>
        %gt3A_1170 = arith.constant 7 : i32
        %gt3A_1171 = vector.broadcast %gt3A_1170 : i32 to vector<16xi32>
        %gt3A_1172 = arith.cmpi sgt, %iota3A, %gt3A_1171 : vector<16xi32>
        %and3A_1173 = arith.andi %eq3A_1169, %gt3A_1172 : vector<16xi1>
        %convert_element_type3A_1174 = arith.extui %and3A_1173 : vector<16xi1> to vector<16xi32>
        %add3A_1175 = arith.addi %add3A_1165, %convert_element_type3A_1174 : vector<16xi32>
        %slice3A_1176 = vector.extract_strided_slice %get3A_317 {offsets = [8], sizes = [1], strides = [1]} : vector<16xi32> to vector<1xi32>
        %squeeze3A_1177 = vector.extract %slice3A_1176[0] : i32 from vector<1xi32>
        %eq3A_1178 = vector.broadcast %squeeze3A_1177 : i32 to vector<16xi32>
        %eq3A_1179 = arith.cmpi eq, %get3A_317, %eq3A_1178 : vector<16xi32>
        %gt3A_1180 = arith.constant 8 : i32
        %gt3A_1181 = vector.broadcast %gt3A_1180 : i32 to vector<16xi32>
        %gt3A_1182 = arith.cmpi sgt, %iota3A, %gt3A_1181 : vector<16xi32>
        %and3A_1183 = arith.andi %eq3A_1179, %gt3A_1182 : vector<16xi1>
        %convert_element_type3A_1184 = arith.extui %and3A_1183 : vector<16xi1> to vector<16xi32>
        %add3A_1185 = arith.addi %add3A_1175, %convert_element_type3A_1184 : vector<16xi32>
        %slice3A_1186 = vector.extract_strided_slice %get3A_317 {offsets = [9], sizes = [1], strides = [1]} : vector<16xi32> to vector<1xi32>
        %squeeze3A_1187 = vector.extract %slice3A_1186[0] : i32 from vector<1xi32>
        %eq3A_1188 = vector.broadcast %squeeze3A_1187 : i32 to vector<16xi32>
        %eq3A_1189 = arith.cmpi eq, %get3A_317, %eq3A_1188 : vector<16xi32>
        %gt3A_1190 = arith.constant 9 : i32
        %gt3A_1191 = vector.broadcast %gt3A_1190 : i32 to vector<16xi32>
        %gt3A_1192 = arith.cmpi sgt, %iota3A, %gt3A_1191 : vector<16xi32>
        %and3A_1193 = arith.andi %eq3A_1189, %gt3A_1192 : vector<16xi1>
        %convert_element_type3A_1194 = arith.extui %and3A_1193 : vector<16xi1> to vector<16xi32>
        %add3A_1195 = arith.addi %add3A_1185, %convert_element_type3A_1194 : vector<16xi32>
        %slice3A_1196 = vector.extract_strided_slice %get3A_317 {offsets = [10], sizes = [1], strides = [1]} : vector<16xi32> to vector<1xi32>
        %squeeze3A_1197 = vector.extract %slice3A_1196[0] : i32 from vector<1xi32>
        %eq3A_1198 = vector.broadcast %squeeze3A_1197 : i32 to vector<16xi32>
        %eq3A_1199 = arith.cmpi eq, %get3A_317, %eq3A_1198 : vector<16xi32>
        %gt3A_1200 = arith.constant 10 : i32
        %gt3A_1201 = vector.broadcast %gt3A_1200 : i32 to vector<16xi32>
        %gt3A_1202 = arith.cmpi sgt, %iota3A, %gt3A_1201 : vector<16xi32>
        %and3A_1203 = arith.andi %eq3A_1199, %gt3A_1202 : vector<16xi1>
        %convert_element_type3A_1204 = arith.extui %and3A_1203 : vector<16xi1> to vector<16xi32>
        %add3A_1205 = arith.addi %add3A_1195, %convert_element_type3A_1204 : vector<16xi32>
        %slice3A_1206 = vector.extract_strided_slice %get3A_317 {offsets = [11], sizes = [1], strides = [1]} : vector<16xi32> to vector<1xi32>
        %squeeze3A_1207 = vector.extract %slice3A_1206[0] : i32 from vector<1xi32>
        %eq3A_1208 = vector.broadcast %squeeze3A_1207 : i32 to vector<16xi32>
        %eq3A_1209 = arith.cmpi eq, %get3A_317, %eq3A_1208 : vector<16xi32>
        %gt3A_1210 = arith.constant 11 : i32
        %gt3A_1211 = vector.broadcast %gt3A_1210 : i32 to vector<16xi32>
        %gt3A_1212 = arith.cmpi sgt, %iota3A, %gt3A_1211 : vector<16xi32>
        %and3A_1213 = arith.andi %eq3A_1209, %gt3A_1212 : vector<16xi1>
        %convert_element_type3A_1214 = arith.extui %and3A_1213 : vector<16xi1> to vector<16xi32>
        %add3A_1215 = arith.addi %add3A_1205, %convert_element_type3A_1214 : vector<16xi32>
        %slice3A_1216 = vector.extract_strided_slice %get3A_317 {offsets = [12], sizes = [1], strides = [1]} : vector<16xi32> to vector<1xi32>
        %squeeze3A_1217 = vector.extract %slice3A_1216[0] : i32 from vector<1xi32>
        %eq3A_1218 = vector.broadcast %squeeze3A_1217 : i32 to vector<16xi32>
        %eq3A_1219 = arith.cmpi eq, %get3A_317, %eq3A_1218 : vector<16xi32>
        %gt3A_1220 = arith.constant 12 : i32
        %gt3A_1221 = vector.broadcast %gt3A_1220 : i32 to vector<16xi32>
        %gt3A_1222 = arith.cmpi sgt, %iota3A, %gt3A_1221 : vector<16xi32>
        %and3A_1223 = arith.andi %eq3A_1219, %gt3A_1222 : vector<16xi1>
        %convert_element_type3A_1224 = arith.extui %and3A_1223 : vector<16xi1> to vector<16xi32>
        %add3A_1225 = arith.addi %add3A_1215, %convert_element_type3A_1224 : vector<16xi32>
        %slice3A_1226 = vector.extract_strided_slice %get3A_317 {offsets = [13], sizes = [1], strides = [1]} : vector<16xi32> to vector<1xi32>
        %squeeze3A_1227 = vector.extract %slice3A_1226[0] : i32 from vector<1xi32>
        %eq3A_1228 = vector.broadcast %squeeze3A_1227 : i32 to vector<16xi32>
        %eq3A_1229 = arith.cmpi eq, %get3A_317, %eq3A_1228 : vector<16xi32>
        %gt3A_1230 = arith.constant 13 : i32
        %gt3A_1231 = vector.broadcast %gt3A_1230 : i32 to vector<16xi32>
        %gt3A_1232 = arith.cmpi sgt, %iota3A, %gt3A_1231 : vector<16xi32>
        %and3A_1233 = arith.andi %eq3A_1229, %gt3A_1232 : vector<16xi1>
        %convert_element_type3A_1234 = arith.extui %and3A_1233 : vector<16xi1> to vector<16xi32>
        %add3A_1235 = arith.addi %add3A_1225, %convert_element_type3A_1234 : vector<16xi32>
        %slice3A_1236 = vector.extract_strided_slice %get3A_317 {offsets = [14], sizes = [1], strides = [1]} : vector<16xi32> to vector<1xi32>
        %squeeze3A_1237 = vector.extract %slice3A_1236[0] : i32 from vector<1xi32>
        %eq3A_1238 = vector.broadcast %squeeze3A_1237 : i32 to vector<16xi32>
        %eq3A_1239 = arith.cmpi eq, %get3A_317, %eq3A_1238 : vector<16xi32>
        %gt3A_1240 = arith.constant 14 : i32
        %gt3A_1241 = vector.broadcast %gt3A_1240 : i32 to vector<16xi32>
        %gt3A_1242 = arith.cmpi sgt, %iota3A, %gt3A_1241 : vector<16xi32>
        %and3A_1243 = arith.andi %eq3A_1239, %gt3A_1242 : vector<16xi1>
        %convert_element_type3A_1244 = arith.extui %and3A_1243 : vector<16xi1> to vector<16xi32>
        %add3A_1245 = arith.addi %add3A_1235, %convert_element_type3A_1244 : vector<16xi32>
        %scan3A_1246 = arith.constant 0 : i32
        %scan3A_1247 = arith.constant 0 : i32
        %scan3A_1248 = arith.constant 16 : i32
        %scan3A_1249 = arith.addi %scan3A_1247, %scan3A_1248 : i32
        %scan3A_1250 = arith.constant 1 : i32
        scf.for %scan3A_1252 = %scan3A_1247 to %scan3A_1249 step %scan3A_1250  : i32 {
          %eq3A_1253 = vector.broadcast %scan3A_1252 : i32 to vector<16xi32>
          %eq3A_1254 = arith.cmpi eq, %add3A_1245, %eq3A_1253 : vector<16xi32>
          %add3A_1255 = arith.constant 0 : i32
          %add3A_1256 = vector.broadcast %add3A_1255 : i32 to vector<16xi32>
          %add3A_1257 = arith.addi %get3A_317, %add3A_1256 : vector<16xi32>
          %gather3A = tpu.vector_load_idx %arg47[%add3A_1257] masked %eq3A_1254 : memref<92160xf32, #tpu.memory_space<vmem>>[vector<16xi32>], vector<16xf32>, vector<16xi1>
          %max3A_1258 = arith.maximumf %gather3A, %add3A_531 : vector<16xf32>
          tpu.vector_store_idx %arg47[%add3A_1257], %max3A_1258 masked %eq3A_1254 : memref<92160xf32, #tpu.memory_space<vmem>>[vector<16xi32>], vector<16xf32>, vector<16xi1>
          %add3A_1259 = arith.constant 10240 : i32
          %add3A_1260 = vector.broadcast %add3A_1259 : i32 to vector<16xi32>
          %add3A_1261 = arith.addi %get3A_317, %add3A_1260 : vector<16xi32>
          %gather3A_1262 = tpu.vector_load_idx %arg47[%add3A_1261] masked %eq3A_1254 : memref<92160xf32, #tpu.memory_space<vmem>>[vector<16xi32>], vector<16xf32>, vector<16xi1>
          %max3A_1263 = arith.maximumf %gather3A_1262, %add3A_602 : vector<16xf32>
          tpu.vector_store_idx %arg47[%add3A_1261], %max3A_1263 masked %eq3A_1254 : memref<92160xf32, #tpu.memory_space<vmem>>[vector<16xi32>], vector<16xf32>, vector<16xi1>
          %add3A_1264 = arith.constant 20480 : i32
          %add3A_1265 = vector.broadcast %add3A_1264 : i32 to vector<16xi32>
          %add3A_1266 = arith.addi %get3A_317, %add3A_1265 : vector<16xi32>
          %gather3A_1267 = tpu.vector_load_idx %arg47[%add3A_1266] masked %eq3A_1254 : memref<92160xf32, #tpu.memory_space<vmem>>[vector<16xi32>], vector<16xf32>, vector<16xi1>
          %max3A_1268 = arith.maximumf %gather3A_1267, %add3A_673 : vector<16xf32>
          tpu.vector_store_idx %arg47[%add3A_1266], %max3A_1268 masked %eq3A_1254 : memref<92160xf32, #tpu.memory_space<vmem>>[vector<16xi32>], vector<16xf32>, vector<16xi1>
          %add3A_1269 = arith.constant 30720 : i32
          %add3A_1270 = vector.broadcast %add3A_1269 : i32 to vector<16xi32>
          %add3A_1271 = arith.addi %get3A_317, %add3A_1270 : vector<16xi32>
          %gather3A_1272 = tpu.vector_load_idx %arg47[%add3A_1271] masked %eq3A_1254 : memref<92160xf32, #tpu.memory_space<vmem>>[vector<16xi32>], vector<16xf32>, vector<16xi1>
          %max3A_1273 = arith.maximumf %gather3A_1272, %add3A_744 : vector<16xf32>
          tpu.vector_store_idx %arg47[%add3A_1271], %max3A_1273 masked %eq3A_1254 : memref<92160xf32, #tpu.memory_space<vmem>>[vector<16xi32>], vector<16xf32>, vector<16xi1>
          %add3A_1274 = arith.constant 40960 : i32
          %add3A_1275 = vector.broadcast %add3A_1274 : i32 to vector<16xi32>
          %add3A_1276 = arith.addi %get3A_317, %add3A_1275 : vector<16xi32>
          %gather3A_1277 = tpu.vector_load_idx %arg47[%add3A_1276] masked %eq3A_1254 : memref<92160xf32, #tpu.memory_space<vmem>>[vector<16xi32>], vector<16xf32>, vector<16xi1>
          %max3A_1278 = arith.maximumf %gather3A_1277, %add3A_815 : vector<16xf32>
          tpu.vector_store_idx %arg47[%add3A_1276], %max3A_1278 masked %eq3A_1254 : memref<92160xf32, #tpu.memory_space<vmem>>[vector<16xi32>], vector<16xf32>, vector<16xi1>
          %add3A_1279 = arith.constant 51200 : i32
          %add3A_1280 = vector.broadcast %add3A_1279 : i32 to vector<16xi32>
          %add3A_1281 = arith.addi %get3A_317, %add3A_1280 : vector<16xi32>
          %gather3A_1282 = tpu.vector_load_idx %arg47[%add3A_1281] masked %eq3A_1254 : memref<92160xf32, #tpu.memory_space<vmem>>[vector<16xi32>], vector<16xf32>, vector<16xi1>
          %max3A_1283 = arith.maximumf %gather3A_1282, %add3A_886 : vector<16xf32>
          tpu.vector_store_idx %arg47[%add3A_1281], %max3A_1283 masked %eq3A_1254 : memref<92160xf32, #tpu.memory_space<vmem>>[vector<16xi32>], vector<16xf32>, vector<16xi1>
          %add3A_1284 = arith.constant 61440 : i32
          %add3A_1285 = vector.broadcast %add3A_1284 : i32 to vector<16xi32>
          %add3A_1286 = arith.addi %get3A_317, %add3A_1285 : vector<16xi32>
          %gather3A_1287 = tpu.vector_load_idx %arg47[%add3A_1286] masked %eq3A_1254 : memref<92160xf32, #tpu.memory_space<vmem>>[vector<16xi32>], vector<16xf32>, vector<16xi1>
          %max3A_1288 = arith.maximumf %gather3A_1287, %add3A_957 : vector<16xf32>
          tpu.vector_store_idx %arg47[%add3A_1286], %max3A_1288 masked %eq3A_1254 : memref<92160xf32, #tpu.memory_space<vmem>>[vector<16xi32>], vector<16xf32>, vector<16xi1>
          %add3A_1289 = arith.constant 71680 : i32
          %add3A_1290 = vector.broadcast %add3A_1289 : i32 to vector<16xi32>
          %add3A_1291 = arith.addi %get3A_317, %add3A_1290 : vector<16xi32>
          %gather3A_1292 = tpu.vector_load_idx %arg47[%add3A_1291] masked %eq3A_1254 : memref<92160xf32, #tpu.memory_space<vmem>>[vector<16xi32>], vector<16xf32>, vector<16xi1>
          %max3A_1293 = arith.maximumf %gather3A_1292, %add3A_1028 : vector<16xf32>
          tpu.vector_store_idx %arg47[%add3A_1291], %max3A_1293 masked %eq3A_1254 : memref<92160xf32, #tpu.memory_space<vmem>>[vector<16xi32>], vector<16xf32>, vector<16xi1>
          %add3A_1294 = arith.constant 81920 : i32
          %add3A_1295 = vector.broadcast %add3A_1294 : i32 to vector<16xi32>
          %add3A_1296 = arith.addi %get3A_317, %add3A_1295 : vector<16xi32>
          %gather3A_1297 = tpu.vector_load_idx %arg47[%add3A_1296] masked %eq3A_1254 : memref<92160xf32, #tpu.memory_space<vmem>>[vector<16xi32>], vector<16xf32>, vector<16xi1>
          %max3A_1298 = arith.maximumf %gather3A_1297, %add3A_1099 : vector<16xf32>
          tpu.vector_store_idx %arg47[%add3A_1296], %max3A_1298 masked %eq3A_1254 : memref<92160xf32, #tpu.memory_space<vmem>>[vector<16xi32>], vector<16xf32>, vector<16xi1>
        }
        %scan3A_1251 = arith.constant 16 : i32
      }
      %scan3A_313 = arith.constant 16 : i32
    }
    %scan3A_15 = arith.constant 40 : i32
    "tpu.region"() ({
      %run_scoped3A = tpu.sem_alloc : memref<!tpu.dma_semaphore, #tpu.memory_space<semaphore_mem>>
      %dma_start3A = arith.constant 0 : i32
      %dma_start3A_16 = tpu.memref_slice %arg7[%add3A, %dma_start3A] : memref<32x92160xf32, #tpu.memory_space<hbm>> -> memref<1x92160xf32, #tpu.memory_space<hbm>>
      %dma_start3A_17 = tpu.memref_squeeze %dma_start3A_16 : memref<1x92160xf32, #tpu.memory_space<hbm>> -> memref<92160xf32, #tpu.memory_space<hbm>>
      %dma_start3A_18 = arith.constant 0 : i32
      %dma_start3A_19 = tpu.memref_slice %arg7[%add3A, %dma_start3A_18] : memref<32x92160xf32, #tpu.memory_space<hbm>> -> memref<1x92160xf32, #tpu.memory_space<hbm>>
      %dma_start3A_20 = tpu.memref_squeeze %dma_start3A_19 : memref<1x92160xf32, #tpu.memory_space<hbm>> -> memref<92160xf32, #tpu.memory_space<hbm>>
      tpu.enqueue_dma source(%arg47 : memref<92160xf32, #tpu.memory_space<vmem>>) target(%dma_start3A_20 : memref<92160xf32, #tpu.memory_space<hbm>>) target_semaphore(%run_scoped3A : memref<!tpu.dma_semaphore, #tpu.memory_space<semaphore_mem>>)
      %dma_wait3A = arith.constant 0 : i32
      %dma_wait3A_21 = tpu.memref_slice %arg7[%add3A, %dma_wait3A] : memref<32x92160xf32, #tpu.memory_space<hbm>> -> memref<1x92160xf32, #tpu.memory_space<hbm>>
      %dma_wait3A_22 = tpu.memref_squeeze %dma_wait3A_21 : memref<1x92160xf32, #tpu.memory_space<hbm>> -> memref<92160xf32, #tpu.memory_space<hbm>>
      %dma_wait3A_23 = arith.constant 0 : i32
      %dma_wait3A_24 = tpu.memref_slice %arg7[%add3A, %dma_wait3A_23] : memref<32x92160xf32, #tpu.memory_space<hbm>> -> memref<1x92160xf32, #tpu.memory_space<hbm>>
      %dma_wait3A_25 = tpu.memref_squeeze %dma_wait3A_24 : memref<1x92160xf32, #tpu.memory_space<hbm>> -> memref<92160xf32, #tpu.memory_space<hbm>>
      tpu.wait_dma2 semaphore(%run_scoped3A : memref<!tpu.dma_semaphore, #tpu.memory_space<semaphore_mem>>) src(%arg47 : memref<92160xf32, #tpu.memory_space<vmem>>) dst(%dma_wait3A_25 : memref<92160xf32, #tpu.memory_space<hbm>>)
      tpu.yield
    }) : () -> ()
    return
  }
}

#map = affine_map<(d0, d1) -> (0)>
#map1 = affine_map<(d0, d1) -> (0, 0)>
module attributes {stable_mosaic.version = 14 : i64} {
  func.func @ek(%arg0: i32, %arg1: i32, %arg2: memref<122880xf32, #tpu.memory_space<hbm>>, %arg3: memref<122880xf32, #tpu.memory_space<hbm>>, %arg4: memref<327680xi32, #tpu.memory_space<hbm>>, %arg5: memref<327680xi32, #tpu.memory_space<hbm>>, %arg6: memref<1152xf32, #tpu.memory_space<hbm>>, %arg7: memref<32x61440xf32, #tpu.memory_space<hbm>>, %arg8: memref<256xi32, #tpu.memory_space<vmem>>, %arg9: memref<256xi32, #tpu.memory_space<vmem>>, %arg10: memref<256xf32, #tpu.memory_space<vmem>>, %arg11: memref<256xf32, #tpu.memory_space<vmem>>, %arg12: memref<256xf32, #tpu.memory_space<vmem>>, %arg13: memref<256xf32, #tpu.memory_space<vmem>>, %arg14: memref<256xf32, #tpu.memory_space<vmem>>, %arg15: memref<256xf32, #tpu.memory_space<vmem>>, %arg16: memref<256xf32, #tpu.memory_space<vmem>>, %arg17: memref<256xf32, #tpu.memory_space<vmem>>, %arg18: memref<256xf32, #tpu.memory_space<vmem>>, %arg19: memref<256xf32, #tpu.memory_space<vmem>>, %arg20: memref<256xf32, #tpu.memory_space<vmem>>, %arg21: memref<256xf32, #tpu.memory_space<vmem>>, %arg22: memref<256xf32, #tpu.memory_space<vmem>>, %arg23: memref<256xf32, #tpu.memory_space<vmem>>, %arg24: memref<256xf32, #tpu.memory_space<vmem>>, %arg25: memref<256xf32, #tpu.memory_space<vmem>>, %arg26: memref<256xf32, #tpu.memory_space<vmem>>, %arg27: memref<256xf32, #tpu.memory_space<vmem>>, %arg28: memref<256xf32, #tpu.memory_space<vmem>>, %arg29: memref<256xf32, #tpu.memory_space<vmem>>, %arg30: memref<256xf32, #tpu.memory_space<vmem>>, %arg31: memref<256xf32, #tpu.memory_space<vmem>>, %arg32: memref<256xf32, #tpu.memory_space<vmem>>, %arg33: memref<256xf32, #tpu.memory_space<vmem>>, %arg34: memref<1152xf32, #tpu.memory_space<vmem>>, %arg35: memref<61440xf32, #tpu.memory_space<vmem>>, %arg36: memref<32xi32, #tpu.memory_space<vmem>>, %arg37: memref<!tpu.dma_semaphore, #tpu.memory_space<semaphore_mem>>) attributes {dimension_semantics = [#tpu.dimension_semantics<core_parallel>, #tpu.dimension_semantics<subcore_parallel>], iteration_bounds = array<i64: 2, 16>, scalar_prefetch = 0 : i64, scratch_operands = 30 : i64, tpu.core_type = #tpu.core_type<sc_vector_subcore>, window_params = [{transform_indices = #map}, {transform_indices = #map}, {transform_indices = #map}, {transform_indices = #map}, {transform_indices = #map}, {transform_indices = #map1}]} {
    %mul3A = arith.constant 2 : i32
    %mul3A_0 = arith.muli %arg1, %mul3A : i32
    %add3A = arith.addi %mul3A_0, %arg0 : i32
    "tpu.region"() ({
      %run_scoped3A = tpu.sem_alloc : memref<!tpu.dma_semaphore, #tpu.memory_space<semaphore_mem>>
      tpu.enqueue_dma source(%arg6 : memref<1152xf32, #tpu.memory_space<hbm>>) target(%arg34 : memref<1152xf32, #tpu.memory_space<vmem>>) target_semaphore(%run_scoped3A : memref<!tpu.dma_semaphore, #tpu.memory_space<semaphore_mem>>)
      tpu.wait_dma2 semaphore(%run_scoped3A : memref<!tpu.dma_semaphore, #tpu.memory_space<semaphore_mem>>) src(%arg6 : memref<1152xf32, #tpu.memory_space<hbm>>) dst(%arg34 : memref<1152xf32, #tpu.memory_space<vmem>>)
      tpu.yield
    }) : () -> ()
    %broadcast_in_dim3A = arith.constant 0 : i32
    %broadcast_in_dim3A_1 = vector.broadcast %broadcast_in_dim3A : i32 to vector<16xi32>
    %sub3A = arith.constant 1 : i32
    %sub3A_2 = vector.broadcast %sub3A : i32 to vector<16xi32>
    %sub3A_3 = arith.subi %broadcast_in_dim3A_1, %sub3A_2 : vector<16xi32>
    %swap3A = arith.constant 0 : index
    %swap3A_4 = tpu.vector_load %arg36[%swap3A] {strides = array<i32>} : memref<32xi32, #tpu.memory_space<vmem>>, vector<16xi32>,
    tpu.vector_store %arg36[%swap3A], %sub3A_3 {strides = array<i32>} : memref<32xi32, #tpu.memory_space<vmem>>, vector<16xi32>,
    %scan3A = arith.constant 0 : i32
    %scan3A_5 = arith.constant 0 : i32
    %scan3A_6 = arith.constant 3840 : i32
    %scan3A_7 = arith.addi %scan3A_5, %scan3A_6 : i32
    %scan3A_8 = arith.constant 1 : i32
    scf.for %scan3A_16 = %scan3A_5 to %scan3A_7 step %scan3A_8  : i32 {
      %broadcast_in_dim3A_17 = arith.constant -1.000000e+30 : f32
      %broadcast_in_dim3A_18 = vector.broadcast %broadcast_in_dim3A_17 : f32 to vector<16xf32>
      %mul3A_19 = arith.constant 16 : i32
      %mul3A_20 = arith.muli %scan3A_16, %mul3A_19 : i32
      %swap3A_21 = arith.index_cast %mul3A_20 : i32 to index
      %swap3A_22 = tpu.vector_load %arg35[%swap3A_21] {strides = array<i32>} : memref<61440xf32, #tpu.memory_space<vmem>>, vector<16xf32>,
      tpu.vector_store %arg35[%swap3A_21], %broadcast_in_dim3A_18 {strides = array<i32>} : memref<61440xf32, #tpu.memory_space<vmem>>, vector<16xf32>,
    }
    %scan3A_9 = arith.constant 3840 : i32
    %scan3A_10 = arith.constant 0 : i32
    %scan3A_11 = arith.constant 0 : i32
    %scan3A_12 = arith.constant 40 : i32
    %scan3A_13 = arith.addi %scan3A_11, %scan3A_12 : i32
    %scan3A_14 = arith.constant 1 : i32
    scf.for %scan3A_16 = %scan3A_11 to %scan3A_13 step %scan3A_14  : i32 {
      %mul3A_17 = arith.constant 10240 : i32
      %mul3A_18 = arith.muli %add3A, %mul3A_17 : i32
      %mul3A_19 = arith.constant 256 : i32
      %mul3A_20 = arith.muli %scan3A_16, %mul3A_19 : i32
      %add3A_21 = arith.addi %mul3A_18, %mul3A_20 : i32
      "tpu.region"() ({
        %run_scoped3A = tpu.sem_alloc : memref<!tpu.dma_semaphore, #tpu.memory_space<semaphore_mem>>
        %dma_start3A_218 = tpu.memref_slice %arg4[%add3A_21] : memref<327680xi32, #tpu.memory_space<hbm>> -> memref<256xi32, #tpu.memory_space<hbm>>
        %dma_start3A_219 = tpu.memref_slice %arg4[%add3A_21] : memref<327680xi32, #tpu.memory_space<hbm>> -> memref<256xi32, #tpu.memory_space<hbm>>
        tpu.enqueue_dma source(%dma_start3A_219 : memref<256xi32, #tpu.memory_space<hbm>>) target(%arg8 : memref<256xi32, #tpu.memory_space<vmem>>) target_semaphore(%run_scoped3A : memref<!tpu.dma_semaphore, #tpu.memory_space<semaphore_mem>>)
        %dma_wait3A_220 = tpu.memref_slice %arg4[%add3A_21] : memref<327680xi32, #tpu.memory_space<hbm>> -> memref<256xi32, #tpu.memory_space<hbm>>
        %dma_wait3A_221 = tpu.memref_slice %arg4[%add3A_21] : memref<327680xi32, #tpu.memory_space<hbm>> -> memref<256xi32, #tpu.memory_space<hbm>>
        tpu.wait_dma2 semaphore(%run_scoped3A : memref<!tpu.dma_semaphore, #tpu.memory_space<semaphore_mem>>) src(%dma_wait3A_221 : memref<256xi32, #tpu.memory_space<hbm>>) dst(%arg8 : memref<256xi32, #tpu.memory_space<vmem>>)
        tpu.yield
      }) : () -> ()
      "tpu.region"() ({
        %run_scoped3A = tpu.sem_alloc : memref<!tpu.dma_semaphore, #tpu.memory_space<semaphore_mem>>
        %dma_start3A_218 = tpu.memref_slice %arg5[%add3A_21] : memref<327680xi32, #tpu.memory_space<hbm>> -> memref<256xi32, #tpu.memory_space<hbm>>
        %dma_start3A_219 = tpu.memref_slice %arg5[%add3A_21] : memref<327680xi32, #tpu.memory_space<hbm>> -> memref<256xi32, #tpu.memory_space<hbm>>
        tpu.enqueue_dma source(%dma_start3A_219 : memref<256xi32, #tpu.memory_space<hbm>>) target(%arg9 : memref<256xi32, #tpu.memory_space<vmem>>) target_semaphore(%run_scoped3A : memref<!tpu.dma_semaphore, #tpu.memory_space<semaphore_mem>>)
        %dma_wait3A_220 = tpu.memref_slice %arg5[%add3A_21] : memref<327680xi32, #tpu.memory_space<hbm>> -> memref<256xi32, #tpu.memory_space<hbm>>
        %dma_wait3A_221 = tpu.memref_slice %arg5[%add3A_21] : memref<327680xi32, #tpu.memory_space<hbm>> -> memref<256xi32, #tpu.memory_space<hbm>>
        tpu.wait_dma2 semaphore(%run_scoped3A : memref<!tpu.dma_semaphore, #tpu.memory_space<semaphore_mem>>) src(%dma_wait3A_221 : memref<256xi32, #tpu.memory_space<hbm>>) dst(%arg9 : memref<256xi32, #tpu.memory_space<vmem>>)
        tpu.yield
      }) : () -> ()
      %dma_start3A = arith.constant 0 : i32
      %dma_start3A_22 = tpu.memref_slice %arg2[%dma_start3A] : memref<122880xf32, #tpu.memory_space<hbm>> -> memref<10240xf32, #tpu.memory_space<hbm>>
      %dma_start3A_23 = arith.constant 0 : i32
      %dma_start3A_24 = tpu.memref_slice %dma_start3A_22[%dma_start3A_23] : memref<10240xf32, #tpu.memory_space<hbm>> -> memref<10240xf32, #tpu.memory_space<hbm>>
      tpu.enqueue_indirect_dma source(%dma_start3A_24 : memref<10240xf32, #tpu.memory_space<hbm>>) target(%arg10 : memref<256xf32, #tpu.memory_space<vmem>>) offsets(%arg8 : memref<256xi32, #tpu.memory_space<vmem>>) semaphore(%arg37 : memref<!tpu.dma_semaphore, #tpu.memory_space<semaphore_mem>>)
      %dma_start3A_25 = arith.constant 0 : i32
      %dma_start3A_26 = tpu.memref_slice %arg3[%dma_start3A_25] : memref<122880xf32, #tpu.memory_space<hbm>> -> memref<10240xf32, #tpu.memory_space<hbm>>
      %dma_start3A_27 = arith.constant 0 : i32
      %dma_start3A_28 = tpu.memref_slice %dma_start3A_26[%dma_start3A_27] : memref<10240xf32, #tpu.memory_space<hbm>> -> memref<10240xf32, #tpu.memory_space<hbm>>
      tpu.enqueue_indirect_dma source(%dma_start3A_28 : memref<10240xf32, #tpu.memory_space<hbm>>) target(%arg22 : memref<256xf32, #tpu.memory_space<vmem>>) offsets(%arg9 : memref<256xi32, #tpu.memory_space<vmem>>) semaphore(%arg37 : memref<!tpu.dma_semaphore, #tpu.memory_space<semaphore_mem>>)
      %dma_start3A_29 = arith.constant 10240 : i32
      %dma_start3A_30 = tpu.memref_slice %arg2[%dma_start3A_29] : memref<122880xf32, #tpu.memory_space<hbm>> -> memref<10240xf32, #tpu.memory_space<hbm>>
      %dma_start3A_31 = arith.constant 0 : i32
      %dma_start3A_32 = tpu.memref_slice %dma_start3A_30[%dma_start3A_31] : memref<10240xf32, #tpu.memory_space<hbm>> -> memref<10240xf32, #tpu.memory_space<hbm>>
      tpu.enqueue_indirect_dma source(%dma_start3A_32 : memref<10240xf32, #tpu.memory_space<hbm>>) target(%arg11 : memref<256xf32, #tpu.memory_space<vmem>>) offsets(%arg8 : memref<256xi32, #tpu.memory_space<vmem>>) semaphore(%arg37 : memref<!tpu.dma_semaphore, #tpu.memory_space<semaphore_mem>>)
      %dma_start3A_33 = arith.constant 10240 : i32
      %dma_start3A_34 = tpu.memref_slice %arg3[%dma_start3A_33] : memref<122880xf32, #tpu.memory_space<hbm>> -> memref<10240xf32, #tpu.memory_space<hbm>>
      %dma_start3A_35 = arith.constant 0 : i32
      %dma_start3A_36 = tpu.memref_slice %dma_start3A_34[%dma_start3A_35] : memref<10240xf32, #tpu.memory_space<hbm>> -> memref<10240xf32, #tpu.memory_space<hbm>>
      tpu.enqueue_indirect_dma source(%dma_start3A_36 : memref<10240xf32, #tpu.memory_space<hbm>>) target(%arg23 : memref<256xf32, #tpu.memory_space<vmem>>) offsets(%arg9 : memref<256xi32, #tpu.memory_space<vmem>>) semaphore(%arg37 : memref<!tpu.dma_semaphore, #tpu.memory_space<semaphore_mem>>)
      %dma_start3A_37 = arith.constant 20480 : i32
      %dma_start3A_38 = tpu.memref_slice %arg2[%dma_start3A_37] : memref<122880xf32, #tpu.memory_space<hbm>> -> memref<10240xf32, #tpu.memory_space<hbm>>
      %dma_start3A_39 = arith.constant 0 : i32
      %dma_start3A_40 = tpu.memref_slice %dma_start3A_38[%dma_start3A_39] : memref<10240xf32, #tpu.memory_space<hbm>> -> memref<10240xf32, #tpu.memory_space<hbm>>
      tpu.enqueue_indirect_dma source(%dma_start3A_40 : memref<10240xf32, #tpu.memory_space<hbm>>) target(%arg12 : memref<256xf32, #tpu.memory_space<vmem>>) offsets(%arg8 : memref<256xi32, #tpu.memory_space<vmem>>) semaphore(%arg37 : memref<!tpu.dma_semaphore, #tpu.memory_space<semaphore_mem>>)
      %dma_start3A_41 = arith.constant 20480 : i32
      %dma_start3A_42 = tpu.memref_slice %arg3[%dma_start3A_41] : memref<122880xf32, #tpu.memory_space<hbm>> -> memref<10240xf32, #tpu.memory_space<hbm>>
      %dma_start3A_43 = arith.constant 0 : i32
      %dma_start3A_44 = tpu.memref_slice %dma_start3A_42[%dma_start3A_43] : memref<10240xf32, #tpu.memory_space<hbm>> -> memref<10240xf32, #tpu.memory_space<hbm>>
      tpu.enqueue_indirect_dma source(%dma_start3A_44 : memref<10240xf32, #tpu.memory_space<hbm>>) target(%arg24 : memref<256xf32, #tpu.memory_space<vmem>>) offsets(%arg9 : memref<256xi32, #tpu.memory_space<vmem>>) semaphore(%arg37 : memref<!tpu.dma_semaphore, #tpu.memory_space<semaphore_mem>>)
      %dma_start3A_45 = arith.constant 30720 : i32
      %dma_start3A_46 = tpu.memref_slice %arg2[%dma_start3A_45] : memref<122880xf32, #tpu.memory_space<hbm>> -> memref<10240xf32, #tpu.memory_space<hbm>>
      %dma_start3A_47 = arith.constant 0 : i32
      %dma_start3A_48 = tpu.memref_slice %dma_start3A_46[%dma_start3A_47] : memref<10240xf32, #tpu.memory_space<hbm>> -> memref<10240xf32, #tpu.memory_space<hbm>>
      tpu.enqueue_indirect_dma source(%dma_start3A_48 : memref<10240xf32, #tpu.memory_space<hbm>>) target(%arg13 : memref<256xf32, #tpu.memory_space<vmem>>) offsets(%arg8 : memref<256xi32, #tpu.memory_space<vmem>>) semaphore(%arg37 : memref<!tpu.dma_semaphore, #tpu.memory_space<semaphore_mem>>)
      %dma_start3A_49 = arith.constant 30720 : i32
      %dma_start3A_50 = tpu.memref_slice %arg3[%dma_start3A_49] : memref<122880xf32, #tpu.memory_space<hbm>> -> memref<10240xf32, #tpu.memory_space<hbm>>
      %dma_start3A_51 = arith.constant 0 : i32
      %dma_start3A_52 = tpu.memref_slice %dma_start3A_50[%dma_start3A_51] : memref<10240xf32, #tpu.memory_space<hbm>> -> memref<10240xf32, #tpu.memory_space<hbm>>
      tpu.enqueue_indirect_dma source(%dma_start3A_52 : memref<10240xf32, #tpu.memory_space<hbm>>) target(%arg25 : memref<256xf32, #tpu.memory_space<vmem>>) offsets(%arg9 : memref<256xi32, #tpu.memory_space<vmem>>) semaphore(%arg37 : memref<!tpu.dma_semaphore, #tpu.memory_space<semaphore_mem>>)
      %dma_start3A_53 = arith.constant 40960 : i32
      %dma_start3A_54 = tpu.memref_slice %arg2[%dma_start3A_53] : memref<122880xf32, #tpu.memory_space<hbm>> -> memref<10240xf32, #tpu.memory_space<hbm>>
      %dma_start3A_55 = arith.constant 0 : i32
      %dma_start3A_56 = tpu.memref_slice %dma_start3A_54[%dma_start3A_55] : memref<10240xf32, #tpu.memory_space<hbm>> -> memref<10240xf32, #tpu.memory_space<hbm>>
      tpu.enqueue_indirect_dma source(%dma_start3A_56 : memref<10240xf32, #tpu.memory_space<hbm>>) target(%arg14 : memref<256xf32, #tpu.memory_space<vmem>>) offsets(%arg8 : memref<256xi32, #tpu.memory_space<vmem>>) semaphore(%arg37 : memref<!tpu.dma_semaphore, #tpu.memory_space<semaphore_mem>>)
      %dma_start3A_57 = arith.constant 40960 : i32
      %dma_start3A_58 = tpu.memref_slice %arg3[%dma_start3A_57] : memref<122880xf32, #tpu.memory_space<hbm>> -> memref<10240xf32, #tpu.memory_space<hbm>>
      %dma_start3A_59 = arith.constant 0 : i32
      %dma_start3A_60 = tpu.memref_slice %dma_start3A_58[%dma_start3A_59] : memref<10240xf32, #tpu.memory_space<hbm>> -> memref<10240xf32, #tpu.memory_space<hbm>>
      tpu.enqueue_indirect_dma source(%dma_start3A_60 : memref<10240xf32, #tpu.memory_space<hbm>>) target(%arg26 : memref<256xf32, #tpu.memory_space<vmem>>) offsets(%arg9 : memref<256xi32, #tpu.memory_space<vmem>>) semaphore(%arg37 : memref<!tpu.dma_semaphore, #tpu.memory_space<semaphore_mem>>)
      %dma_start3A_61 = arith.constant 51200 : i32
      %dma_start3A_62 = tpu.memref_slice %arg2[%dma_start3A_61] : memref<122880xf32, #tpu.memory_space<hbm>> -> memref<10240xf32, #tpu.memory_space<hbm>>
      %dma_start3A_63 = arith.constant 0 : i32
      %dma_start3A_64 = tpu.memref_slice %dma_start3A_62[%dma_start3A_63] : memref<10240xf32, #tpu.memory_space<hbm>> -> memref<10240xf32, #tpu.memory_space<hbm>>
      tpu.enqueue_indirect_dma source(%dma_start3A_64 : memref<10240xf32, #tpu.memory_space<hbm>>) target(%arg15 : memref<256xf32, #tpu.memory_space<vmem>>) offsets(%arg8 : memref<256xi32, #tpu.memory_space<vmem>>) semaphore(%arg37 : memref<!tpu.dma_semaphore, #tpu.memory_space<semaphore_mem>>)
      %dma_start3A_65 = arith.constant 51200 : i32
      %dma_start3A_66 = tpu.memref_slice %arg3[%dma_start3A_65] : memref<122880xf32, #tpu.memory_space<hbm>> -> memref<10240xf32, #tpu.memory_space<hbm>>
      %dma_start3A_67 = arith.constant 0 : i32
      %dma_start3A_68 = tpu.memref_slice %dma_start3A_66[%dma_start3A_67] : memref<10240xf32, #tpu.memory_space<hbm>> -> memref<10240xf32, #tpu.memory_space<hbm>>
      tpu.enqueue_indirect_dma source(%dma_start3A_68 : memref<10240xf32, #tpu.memory_space<hbm>>) target(%arg27 : memref<256xf32, #tpu.memory_space<vmem>>) offsets(%arg9 : memref<256xi32, #tpu.memory_space<vmem>>) semaphore(%arg37 : memref<!tpu.dma_semaphore, #tpu.memory_space<semaphore_mem>>)
      %dma_start3A_69 = arith.constant 61440 : i32
      %dma_start3A_70 = tpu.memref_slice %arg2[%dma_start3A_69] : memref<122880xf32, #tpu.memory_space<hbm>> -> memref<10240xf32, #tpu.memory_space<hbm>>
      %dma_start3A_71 = arith.constant 0 : i32
      %dma_start3A_72 = tpu.memref_slice %dma_start3A_70[%dma_start3A_71] : memref<10240xf32, #tpu.memory_space<hbm>> -> memref<10240xf32, #tpu.memory_space<hbm>>
      tpu.enqueue_indirect_dma source(%dma_start3A_72 : memref<10240xf32, #tpu.memory_space<hbm>>) target(%arg16 : memref<256xf32, #tpu.memory_space<vmem>>) offsets(%arg8 : memref<256xi32, #tpu.memory_space<vmem>>) semaphore(%arg37 : memref<!tpu.dma_semaphore, #tpu.memory_space<semaphore_mem>>)
      %dma_start3A_73 = arith.constant 61440 : i32
      %dma_start3A_74 = tpu.memref_slice %arg3[%dma_start3A_73] : memref<122880xf32, #tpu.memory_space<hbm>> -> memref<10240xf32, #tpu.memory_space<hbm>>
      %dma_start3A_75 = arith.constant 0 : i32
      %dma_start3A_76 = tpu.memref_slice %dma_start3A_74[%dma_start3A_75] : memref<10240xf32, #tpu.memory_space<hbm>> -> memref<10240xf32, #tpu.memory_space<hbm>>
      tpu.enqueue_indirect_dma source(%dma_start3A_76 : memref<10240xf32, #tpu.memory_space<hbm>>) target(%arg28 : memref<256xf32, #tpu.memory_space<vmem>>) offsets(%arg9 : memref<256xi32, #tpu.memory_space<vmem>>) semaphore(%arg37 : memref<!tpu.dma_semaphore, #tpu.memory_space<semaphore_mem>>)
      %dma_start3A_77 = arith.constant 71680 : i32
      %dma_start3A_78 = tpu.memref_slice %arg2[%dma_start3A_77] : memref<122880xf32, #tpu.memory_space<hbm>> -> memref<10240xf32, #tpu.memory_space<hbm>>
      %dma_start3A_79 = arith.constant 0 : i32
      %dma_start3A_80 = tpu.memref_slice %dma_start3A_78[%dma_start3A_79] : memref<10240xf32, #tpu.memory_space<hbm>> -> memref<10240xf32, #tpu.memory_space<hbm>>
      tpu.enqueue_indirect_dma source(%dma_start3A_80 : memref<10240xf32, #tpu.memory_space<hbm>>) target(%arg17 : memref<256xf32, #tpu.memory_space<vmem>>) offsets(%arg8 : memref<256xi32, #tpu.memory_space<vmem>>) semaphore(%arg37 : memref<!tpu.dma_semaphore, #tpu.memory_space<semaphore_mem>>)
      %dma_start3A_81 = arith.constant 71680 : i32
      %dma_start3A_82 = tpu.memref_slice %arg3[%dma_start3A_81] : memref<122880xf32, #tpu.memory_space<hbm>> -> memref<10240xf32, #tpu.memory_space<hbm>>
      %dma_start3A_83 = arith.constant 0 : i32
      %dma_start3A_84 = tpu.memref_slice %dma_start3A_82[%dma_start3A_83] : memref<10240xf32, #tpu.memory_space<hbm>> -> memref<10240xf32, #tpu.memory_space<hbm>>
      tpu.enqueue_indirect_dma source(%dma_start3A_84 : memref<10240xf32, #tpu.memory_space<hbm>>) target(%arg29 : memref<256xf32, #tpu.memory_space<vmem>>) offsets(%arg9 : memref<256xi32, #tpu.memory_space<vmem>>) semaphore(%arg37 : memref<!tpu.dma_semaphore, #tpu.memory_space<semaphore_mem>>)
      %dma_start3A_85 = arith.constant 81920 : i32
      %dma_start3A_86 = tpu.memref_slice %arg2[%dma_start3A_85] : memref<122880xf32, #tpu.memory_space<hbm>> -> memref<10240xf32, #tpu.memory_space<hbm>>
      %dma_start3A_87 = arith.constant 0 : i32
      %dma_start3A_88 = tpu.memref_slice %dma_start3A_86[%dma_start3A_87] : memref<10240xf32, #tpu.memory_space<hbm>> -> memref<10240xf32, #tpu.memory_space<hbm>>
      tpu.enqueue_indirect_dma source(%dma_start3A_88 : memref<10240xf32, #tpu.memory_space<hbm>>) target(%arg18 : memref<256xf32, #tpu.memory_space<vmem>>) offsets(%arg8 : memref<256xi32, #tpu.memory_space<vmem>>) semaphore(%arg37 : memref<!tpu.dma_semaphore, #tpu.memory_space<semaphore_mem>>)
      %dma_start3A_89 = arith.constant 81920 : i32
      %dma_start3A_90 = tpu.memref_slice %arg3[%dma_start3A_89] : memref<122880xf32, #tpu.memory_space<hbm>> -> memref<10240xf32, #tpu.memory_space<hbm>>
      %dma_start3A_91 = arith.constant 0 : i32
      %dma_start3A_92 = tpu.memref_slice %dma_start3A_90[%dma_start3A_91] : memref<10240xf32, #tpu.memory_space<hbm>> -> memref<10240xf32, #tpu.memory_space<hbm>>
      tpu.enqueue_indirect_dma source(%dma_start3A_92 : memref<10240xf32, #tpu.memory_space<hbm>>) target(%arg30 : memref<256xf32, #tpu.memory_space<vmem>>) offsets(%arg9 : memref<256xi32, #tpu.memory_space<vmem>>) semaphore(%arg37 : memref<!tpu.dma_semaphore, #tpu.memory_space<semaphore_mem>>)
      %dma_start3A_93 = arith.constant 92160 : i32
      %dma_start3A_94 = tpu.memref_slice %arg2[%dma_start3A_93] : memref<122880xf32, #tpu.memory_space<hbm>> -> memref<10240xf32, #tpu.memory_space<hbm>>
      %dma_start3A_95 = arith.constant 0 : i32
      %dma_start3A_96 = tpu.memref_slice %dma_start3A_94[%dma_start3A_95] : memref<10240xf32, #tpu.memory_space<hbm>> -> memref<10240xf32, #tpu.memory_space<hbm>>
      tpu.enqueue_indirect_dma source(%dma_start3A_96 : memref<10240xf32, #tpu.memory_space<hbm>>) target(%arg19 : memref<256xf32, #tpu.memory_space<vmem>>) offsets(%arg8 : memref<256xi32, #tpu.memory_space<vmem>>) semaphore(%arg37 : memref<!tpu.dma_semaphore, #tpu.memory_space<semaphore_mem>>)
      %dma_start3A_97 = arith.constant 92160 : i32
      %dma_start3A_98 = tpu.memref_slice %arg3[%dma_start3A_97] : memref<122880xf32, #tpu.memory_space<hbm>> -> memref<10240xf32, #tpu.memory_space<hbm>>
      %dma_start3A_99 = arith.constant 0 : i32
      %dma_start3A_100 = tpu.memref_slice %dma_start3A_98[%dma_start3A_99] : memref<10240xf32, #tpu.memory_space<hbm>> -> memref<10240xf32, #tpu.memory_space<hbm>>
      tpu.enqueue_indirect_dma source(%dma_start3A_100 : memref<10240xf32, #tpu.memory_space<hbm>>) target(%arg31 : memref<256xf32, #tpu.memory_space<vmem>>) offsets(%arg9 : memref<256xi32, #tpu.memory_space<vmem>>) semaphore(%arg37 : memref<!tpu.dma_semaphore, #tpu.memory_space<semaphore_mem>>)
      %dma_start3A_101 = arith.constant 102400 : i32
      %dma_start3A_102 = tpu.memref_slice %arg2[%dma_start3A_101] : memref<122880xf32, #tpu.memory_space<hbm>> -> memref<10240xf32, #tpu.memory_space<hbm>>
      %dma_start3A_103 = arith.constant 0 : i32
      %dma_start3A_104 = tpu.memref_slice %dma_start3A_102[%dma_start3A_103] : memref<10240xf32, #tpu.memory_space<hbm>> -> memref<10240xf32, #tpu.memory_space<hbm>>
      tpu.enqueue_indirect_dma source(%dma_start3A_104 : memref<10240xf32, #tpu.memory_space<hbm>>) target(%arg20 : memref<256xf32, #tpu.memory_space<vmem>>) offsets(%arg8 : memref<256xi32, #tpu.memory_space<vmem>>) semaphore(%arg37 : memref<!tpu.dma_semaphore, #tpu.memory_space<semaphore_mem>>)
      %dma_start3A_105 = arith.constant 102400 : i32
      %dma_start3A_106 = tpu.memref_slice %arg3[%dma_start3A_105] : memref<122880xf32, #tpu.memory_space<hbm>> -> memref<10240xf32, #tpu.memory_space<hbm>>
      %dma_start3A_107 = arith.constant 0 : i32
      %dma_start3A_108 = tpu.memref_slice %dma_start3A_106[%dma_start3A_107] : memref<10240xf32, #tpu.memory_space<hbm>> -> memref<10240xf32, #tpu.memory_space<hbm>>
      tpu.enqueue_indirect_dma source(%dma_start3A_108 : memref<10240xf32, #tpu.memory_space<hbm>>) target(%arg32 : memref<256xf32, #tpu.memory_space<vmem>>) offsets(%arg9 : memref<256xi32, #tpu.memory_space<vmem>>) semaphore(%arg37 : memref<!tpu.dma_semaphore, #tpu.memory_space<semaphore_mem>>)
      %dma_start3A_109 = arith.constant 112640 : i32
      %dma_start3A_110 = tpu.memref_slice %arg2[%dma_start3A_109] : memref<122880xf32, #tpu.memory_space<hbm>> -> memref<10240xf32, #tpu.memory_space<hbm>>
      %dma_start3A_111 = arith.constant 0 : i32
      %dma_start3A_112 = tpu.memref_slice %dma_start3A_110[%dma_start3A_111] : memref<10240xf32, #tpu.memory_space<hbm>> -> memref<10240xf32, #tpu.memory_space<hbm>>
      tpu.enqueue_indirect_dma source(%dma_start3A_112 : memref<10240xf32, #tpu.memory_space<hbm>>) target(%arg21 : memref<256xf32, #tpu.memory_space<vmem>>) offsets(%arg8 : memref<256xi32, #tpu.memory_space<vmem>>) semaphore(%arg37 : memref<!tpu.dma_semaphore, #tpu.memory_space<semaphore_mem>>)
      %dma_start3A_113 = arith.constant 112640 : i32
      %dma_start3A_114 = tpu.memref_slice %arg3[%dma_start3A_113] : memref<122880xf32, #tpu.memory_space<hbm>> -> memref<10240xf32, #tpu.memory_space<hbm>>
      %dma_start3A_115 = arith.constant 0 : i32
      %dma_start3A_116 = tpu.memref_slice %dma_start3A_114[%dma_start3A_115] : memref<10240xf32, #tpu.memory_space<hbm>> -> memref<10240xf32, #tpu.memory_space<hbm>>
      tpu.enqueue_indirect_dma source(%dma_start3A_116 : memref<10240xf32, #tpu.memory_space<hbm>>) target(%arg33 : memref<256xf32, #tpu.memory_space<vmem>>) offsets(%arg9 : memref<256xi32, #tpu.memory_space<vmem>>) semaphore(%arg37 : memref<!tpu.dma_semaphore, #tpu.memory_space<semaphore_mem>>)
      %dma_wait3A = arith.constant 0 : i32
      %dma_wait3A_117 = tpu.memref_slice %arg2[%dma_wait3A] : memref<122880xf32, #tpu.memory_space<hbm>> -> memref<10240xf32, #tpu.memory_space<hbm>>
      %dma_wait3A_118 = arith.constant 0 : i32
      %dma_wait3A_119 = tpu.memref_slice %dma_wait3A_117[%dma_wait3A_118] : memref<10240xf32, #tpu.memory_space<hbm>> -> memref<10240xf32, #tpu.memory_space<hbm>>
      tpu.wait_indirect_dma semaphore(%arg37 : memref<!tpu.dma_semaphore, #tpu.memory_space<semaphore_mem>>) src(%dma_wait3A_119 : memref<10240xf32, #tpu.memory_space<hbm>>) dst(%arg10 : memref<256xf32, #tpu.memory_space<vmem>>)
      %dma_wait3A_120 = arith.constant 0 : i32
      %dma_wait3A_121 = tpu.memref_slice %arg3[%dma_wait3A_120] : memref<122880xf32, #tpu.memory_space<hbm>> -> memref<10240xf32, #tpu.memory_space<hbm>>
      %dma_wait3A_122 = arith.constant 0 : i32
      %dma_wait3A_123 = tpu.memref_slice %dma_wait3A_121[%dma_wait3A_122] : memref<10240xf32, #tpu.memory_space<hbm>> -> memref<10240xf32, #tpu.memory_space<hbm>>
      tpu.wait_indirect_dma semaphore(%arg37 : memref<!tpu.dma_semaphore, #tpu.memory_space<semaphore_mem>>) src(%dma_wait3A_123 : memref<10240xf32, #tpu.memory_space<hbm>>) dst(%arg22 : memref<256xf32, #tpu.memory_space<vmem>>)
      %dma_wait3A_124 = arith.constant 10240 : i32
      %dma_wait3A_125 = tpu.memref_slice %arg2[%dma_wait3A_124] : memref<122880xf32, #tpu.memory_space<hbm>> -> memref<10240xf32, #tpu.memory_space<hbm>>
      %dma_wait3A_126 = arith.constant 0 : i32
      %dma_wait3A_127 = tpu.memref_slice %dma_wait3A_125[%dma_wait3A_126] : memref<10240xf32, #tpu.memory_space<hbm>> -> memref<10240xf32, #tpu.memory_space<hbm>>
      tpu.wait_indirect_dma semaphore(%arg37 : memref<!tpu.dma_semaphore, #tpu.memory_space<semaphore_mem>>) src(%dma_wait3A_127 : memref<10240xf32, #tpu.memory_space<hbm>>) dst(%arg11 : memref<256xf32, #tpu.memory_space<vmem>>)
      %dma_wait3A_128 = arith.constant 10240 : i32
      %dma_wait3A_129 = tpu.memref_slice %arg3[%dma_wait3A_128] : memref<122880xf32, #tpu.memory_space<hbm>> -> memref<10240xf32, #tpu.memory_space<hbm>>
      %dma_wait3A_130 = arith.constant 0 : i32
      %dma_wait3A_131 = tpu.memref_slice %dma_wait3A_129[%dma_wait3A_130] : memref<10240xf32, #tpu.memory_space<hbm>> -> memref<10240xf32, #tpu.memory_space<hbm>>
      tpu.wait_indirect_dma semaphore(%arg37 : memref<!tpu.dma_semaphore, #tpu.memory_space<semaphore_mem>>) src(%dma_wait3A_131 : memref<10240xf32, #tpu.memory_space<hbm>>) dst(%arg23 : memref<256xf32, #tpu.memory_space<vmem>>)
      %dma_wait3A_132 = arith.constant 20480 : i32
      %dma_wait3A_133 = tpu.memref_slice %arg2[%dma_wait3A_132] : memref<122880xf32, #tpu.memory_space<hbm>> -> memref<10240xf32, #tpu.memory_space<hbm>>
      %dma_wait3A_134 = arith.constant 0 : i32
      %dma_wait3A_135 = tpu.memref_slice %dma_wait3A_133[%dma_wait3A_134] : memref<10240xf32, #tpu.memory_space<hbm>> -> memref<10240xf32, #tpu.memory_space<hbm>>
      tpu.wait_indirect_dma semaphore(%arg37 : memref<!tpu.dma_semaphore, #tpu.memory_space<semaphore_mem>>) src(%dma_wait3A_135 : memref<10240xf32, #tpu.memory_space<hbm>>) dst(%arg12 : memref<256xf32, #tpu.memory_space<vmem>>)
      %dma_wait3A_136 = arith.constant 20480 : i32
      %dma_wait3A_137 = tpu.memref_slice %arg3[%dma_wait3A_136] : memref<122880xf32, #tpu.memory_space<hbm>> -> memref<10240xf32, #tpu.memory_space<hbm>>
      %dma_wait3A_138 = arith.constant 0 : i32
      %dma_wait3A_139 = tpu.memref_slice %dma_wait3A_137[%dma_wait3A_138] : memref<10240xf32, #tpu.memory_space<hbm>> -> memref<10240xf32, #tpu.memory_space<hbm>>
      tpu.wait_indirect_dma semaphore(%arg37 : memref<!tpu.dma_semaphore, #tpu.memory_space<semaphore_mem>>) src(%dma_wait3A_139 : memref<10240xf32, #tpu.memory_space<hbm>>) dst(%arg24 : memref<256xf32, #tpu.memory_space<vmem>>)
      %dma_wait3A_140 = arith.constant 30720 : i32
      %dma_wait3A_141 = tpu.memref_slice %arg2[%dma_wait3A_140] : memref<122880xf32, #tpu.memory_space<hbm>> -> memref<10240xf32, #tpu.memory_space<hbm>>
      %dma_wait3A_142 = arith.constant 0 : i32
      %dma_wait3A_143 = tpu.memref_slice %dma_wait3A_141[%dma_wait3A_142] : memref<10240xf32, #tpu.memory_space<hbm>> -> memref<10240xf32, #tpu.memory_space<hbm>>
      tpu.wait_indirect_dma semaphore(%arg37 : memref<!tpu.dma_semaphore, #tpu.memory_space<semaphore_mem>>) src(%dma_wait3A_143 : memref<10240xf32, #tpu.memory_space<hbm>>) dst(%arg13 : memref<256xf32, #tpu.memory_space<vmem>>)
      %dma_wait3A_144 = arith.constant 30720 : i32
      %dma_wait3A_145 = tpu.memref_slice %arg3[%dma_wait3A_144] : memref<122880xf32, #tpu.memory_space<hbm>> -> memref<10240xf32, #tpu.memory_space<hbm>>
      %dma_wait3A_146 = arith.constant 0 : i32
      %dma_wait3A_147 = tpu.memref_slice %dma_wait3A_145[%dma_wait3A_146] : memref<10240xf32, #tpu.memory_space<hbm>> -> memref<10240xf32, #tpu.memory_space<hbm>>
      tpu.wait_indirect_dma semaphore(%arg37 : memref<!tpu.dma_semaphore, #tpu.memory_space<semaphore_mem>>) src(%dma_wait3A_147 : memref<10240xf32, #tpu.memory_space<hbm>>) dst(%arg25 : memref<256xf32, #tpu.memory_space<vmem>>)
      %dma_wait3A_148 = arith.constant 40960 : i32
      %dma_wait3A_149 = tpu.memref_slice %arg2[%dma_wait3A_148] : memref<122880xf32, #tpu.memory_space<hbm>> -> memref<10240xf32, #tpu.memory_space<hbm>>
      %dma_wait3A_150 = arith.constant 0 : i32
      %dma_wait3A_151 = tpu.memref_slice %dma_wait3A_149[%dma_wait3A_150] : memref<10240xf32, #tpu.memory_space<hbm>> -> memref<10240xf32, #tpu.memory_space<hbm>>
      tpu.wait_indirect_dma semaphore(%arg37 : memref<!tpu.dma_semaphore, #tpu.memory_space<semaphore_mem>>) src(%dma_wait3A_151 : memref<10240xf32, #tpu.memory_space<hbm>>) dst(%arg14 : memref<256xf32, #tpu.memory_space<vmem>>)
      %dma_wait3A_152 = arith.constant 40960 : i32
      %dma_wait3A_153 = tpu.memref_slice %arg3[%dma_wait3A_152] : memref<122880xf32, #tpu.memory_space<hbm>> -> memref<10240xf32, #tpu.memory_space<hbm>>
      %dma_wait3A_154 = arith.constant 0 : i32
      %dma_wait3A_155 = tpu.memref_slice %dma_wait3A_153[%dma_wait3A_154] : memref<10240xf32, #tpu.memory_space<hbm>> -> memref<10240xf32, #tpu.memory_space<hbm>>
      tpu.wait_indirect_dma semaphore(%arg37 : memref<!tpu.dma_semaphore, #tpu.memory_space<semaphore_mem>>) src(%dma_wait3A_155 : memref<10240xf32, #tpu.memory_space<hbm>>) dst(%arg26 : memref<256xf32, #tpu.memory_space<vmem>>)
      %dma_wait3A_156 = arith.constant 51200 : i32
      %dma_wait3A_157 = tpu.memref_slice %arg2[%dma_wait3A_156] : memref<122880xf32, #tpu.memory_space<hbm>> -> memref<10240xf32, #tpu.memory_space<hbm>>
      %dma_wait3A_158 = arith.constant 0 : i32
      %dma_wait3A_159 = tpu.memref_slice %dma_wait3A_157[%dma_wait3A_158] : memref<10240xf32, #tpu.memory_space<hbm>> -> memref<10240xf32, #tpu.memory_space<hbm>>
      tpu.wait_indirect_dma semaphore(%arg37 : memref<!tpu.dma_semaphore, #tpu.memory_space<semaphore_mem>>) src(%dma_wait3A_159 : memref<10240xf32, #tpu.memory_space<hbm>>) dst(%arg15 : memref<256xf32, #tpu.memory_space<vmem>>)
      %dma_wait3A_160 = arith.constant 51200 : i32
      %dma_wait3A_161 = tpu.memref_slice %arg3[%dma_wait3A_160] : memref<122880xf32, #tpu.memory_space<hbm>> -> memref<10240xf32, #tpu.memory_space<hbm>>
      %dma_wait3A_162 = arith.constant 0 : i32
      %dma_wait3A_163 = tpu.memref_slice %dma_wait3A_161[%dma_wait3A_162] : memref<10240xf32, #tpu.memory_space<hbm>> -> memref<10240xf32, #tpu.memory_space<hbm>>
      tpu.wait_indirect_dma semaphore(%arg37 : memref<!tpu.dma_semaphore, #tpu.memory_space<semaphore_mem>>) src(%dma_wait3A_163 : memref<10240xf32, #tpu.memory_space<hbm>>) dst(%arg27 : memref<256xf32, #tpu.memory_space<vmem>>)
      %dma_wait3A_164 = arith.constant 61440 : i32
      %dma_wait3A_165 = tpu.memref_slice %arg2[%dma_wait3A_164] : memref<122880xf32, #tpu.memory_space<hbm>> -> memref<10240xf32, #tpu.memory_space<hbm>>
      %dma_wait3A_166 = arith.constant 0 : i32
      %dma_wait3A_167 = tpu.memref_slice %dma_wait3A_165[%dma_wait3A_166] : memref<10240xf32, #tpu.memory_space<hbm>> -> memref<10240xf32, #tpu.memory_space<hbm>>
      tpu.wait_indirect_dma semaphore(%arg37 : memref<!tpu.dma_semaphore, #tpu.memory_space<semaphore_mem>>) src(%dma_wait3A_167 : memref<10240xf32, #tpu.memory_space<hbm>>) dst(%arg16 : memref<256xf32, #tpu.memory_space<vmem>>)
      %dma_wait3A_168 = arith.constant 61440 : i32
      %dma_wait3A_169 = tpu.memref_slice %arg3[%dma_wait3A_168] : memref<122880xf32, #tpu.memory_space<hbm>> -> memref<10240xf32, #tpu.memory_space<hbm>>
      %dma_wait3A_170 = arith.constant 0 : i32
      %dma_wait3A_171 = tpu.memref_slice %dma_wait3A_169[%dma_wait3A_170] : memref<10240xf32, #tpu.memory_space<hbm>> -> memref<10240xf32, #tpu.memory_space<hbm>>
      tpu.wait_indirect_dma semaphore(%arg37 : memref<!tpu.dma_semaphore, #tpu.memory_space<semaphore_mem>>) src(%dma_wait3A_171 : memref<10240xf32, #tpu.memory_space<hbm>>) dst(%arg28 : memref<256xf32, #tpu.memory_space<vmem>>)
      %dma_wait3A_172 = arith.constant 71680 : i32
      %dma_wait3A_173 = tpu.memref_slice %arg2[%dma_wait3A_172] : memref<122880xf32, #tpu.memory_space<hbm>> -> memref<10240xf32, #tpu.memory_space<hbm>>
      %dma_wait3A_174 = arith.constant 0 : i32
      %dma_wait3A_175 = tpu.memref_slice %dma_wait3A_173[%dma_wait3A_174] : memref<10240xf32, #tpu.memory_space<hbm>> -> memref<10240xf32, #tpu.memory_space<hbm>>
      tpu.wait_indirect_dma semaphore(%arg37 : memref<!tpu.dma_semaphore, #tpu.memory_space<semaphore_mem>>) src(%dma_wait3A_175 : memref<10240xf32, #tpu.memory_space<hbm>>) dst(%arg17 : memref<256xf32, #tpu.memory_space<vmem>>)
      %dma_wait3A_176 = arith.constant 71680 : i32
      %dma_wait3A_177 = tpu.memref_slice %arg3[%dma_wait3A_176] : memref<122880xf32, #tpu.memory_space<hbm>> -> memref<10240xf32, #tpu.memory_space<hbm>>
      %dma_wait3A_178 = arith.constant 0 : i32
      %dma_wait3A_179 = tpu.memref_slice %dma_wait3A_177[%dma_wait3A_178] : memref<10240xf32, #tpu.memory_space<hbm>> -> memref<10240xf32, #tpu.memory_space<hbm>>
      tpu.wait_indirect_dma semaphore(%arg37 : memref<!tpu.dma_semaphore, #tpu.memory_space<semaphore_mem>>) src(%dma_wait3A_179 : memref<10240xf32, #tpu.memory_space<hbm>>) dst(%arg29 : memref<256xf32, #tpu.memory_space<vmem>>)
      %dma_wait3A_180 = arith.constant 81920 : i32
      %dma_wait3A_181 = tpu.memref_slice %arg2[%dma_wait3A_180] : memref<122880xf32, #tpu.memory_space<hbm>> -> memref<10240xf32, #tpu.memory_space<hbm>>
      %dma_wait3A_182 = arith.constant 0 : i32
      %dma_wait3A_183 = tpu.memref_slice %dma_wait3A_181[%dma_wait3A_182] : memref<10240xf32, #tpu.memory_space<hbm>> -> memref<10240xf32, #tpu.memory_space<hbm>>
      tpu.wait_indirect_dma semaphore(%arg37 : memref<!tpu.dma_semaphore, #tpu.memory_space<semaphore_mem>>) src(%dma_wait3A_183 : memref<10240xf32, #tpu.memory_space<hbm>>) dst(%arg18 : memref<256xf32, #tpu.memory_space<vmem>>)
      %dma_wait3A_184 = arith.constant 81920 : i32
      %dma_wait3A_185 = tpu.memref_slice %arg3[%dma_wait3A_184] : memref<122880xf32, #tpu.memory_space<hbm>> -> memref<10240xf32, #tpu.memory_space<hbm>>
      %dma_wait3A_186 = arith.constant 0 : i32
      %dma_wait3A_187 = tpu.memref_slice %dma_wait3A_185[%dma_wait3A_186] : memref<10240xf32, #tpu.memory_space<hbm>> -> memref<10240xf32, #tpu.memory_space<hbm>>
      tpu.wait_indirect_dma semaphore(%arg37 : memref<!tpu.dma_semaphore, #tpu.memory_space<semaphore_mem>>) src(%dma_wait3A_187 : memref<10240xf32, #tpu.memory_space<hbm>>) dst(%arg30 : memref<256xf32, #tpu.memory_space<vmem>>)
      %dma_wait3A_188 = arith.constant 92160 : i32
      %dma_wait3A_189 = tpu.memref_slice %arg2[%dma_wait3A_188] : memref<122880xf32, #tpu.memory_space<hbm>> -> memref<10240xf32, #tpu.memory_space<hbm>>
      %dma_wait3A_190 = arith.constant 0 : i32
      %dma_wait3A_191 = tpu.memref_slice %dma_wait3A_189[%dma_wait3A_190] : memref<10240xf32, #tpu.memory_space<hbm>> -> memref<10240xf32, #tpu.memory_space<hbm>>
      tpu.wait_indirect_dma semaphore(%arg37 : memref<!tpu.dma_semaphore, #tpu.memory_space<semaphore_mem>>) src(%dma_wait3A_191 : memref<10240xf32, #tpu.memory_space<hbm>>) dst(%arg19 : memref<256xf32, #tpu.memory_space<vmem>>)
      %dma_wait3A_192 = arith.constant 92160 : i32
      %dma_wait3A_193 = tpu.memref_slice %arg3[%dma_wait3A_192] : memref<122880xf32, #tpu.memory_space<hbm>> -> memref<10240xf32, #tpu.memory_space<hbm>>
      %dma_wait3A_194 = arith.constant 0 : i32
      %dma_wait3A_195 = tpu.memref_slice %dma_wait3A_193[%dma_wait3A_194] : memref<10240xf32, #tpu.memory_space<hbm>> -> memref<10240xf32, #tpu.memory_space<hbm>>
      tpu.wait_indirect_dma semaphore(%arg37 : memref<!tpu.dma_semaphore, #tpu.memory_space<semaphore_mem>>) src(%dma_wait3A_195 : memref<10240xf32, #tpu.memory_space<hbm>>) dst(%arg31 : memref<256xf32, #tpu.memory_space<vmem>>)
      %dma_wait3A_196 = arith.constant 102400 : i32
      %dma_wait3A_197 = tpu.memref_slice %arg2[%dma_wait3A_196] : memref<122880xf32, #tpu.memory_space<hbm>> -> memref<10240xf32, #tpu.memory_space<hbm>>
      %dma_wait3A_198 = arith.constant 0 : i32
      %dma_wait3A_199 = tpu.memref_slice %dma_wait3A_197[%dma_wait3A_198] : memref<10240xf32, #tpu.memory_space<hbm>> -> memref<10240xf32, #tpu.memory_space<hbm>>
      tpu.wait_indirect_dma semaphore(%arg37 : memref<!tpu.dma_semaphore, #tpu.memory_space<semaphore_mem>>) src(%dma_wait3A_199 : memref<10240xf32, #tpu.memory_space<hbm>>) dst(%arg20 : memref<256xf32, #tpu.memory_space<vmem>>)
      %dma_wait3A_200 = arith.constant 102400 : i32
      %dma_wait3A_201 = tpu.memref_slice %arg3[%dma_wait3A_200] : memref<122880xf32, #tpu.memory_space<hbm>> -> memref<10240xf32, #tpu.memory_space<hbm>>
      %dma_wait3A_202 = arith.constant 0 : i32
      %dma_wait3A_203 = tpu.memref_slice %dma_wait3A_201[%dma_wait3A_202] : memref<10240xf32, #tpu.memory_space<hbm>> -> memref<10240xf32, #tpu.memory_space<hbm>>
      tpu.wait_indirect_dma semaphore(%arg37 : memref<!tpu.dma_semaphore, #tpu.memory_space<semaphore_mem>>) src(%dma_wait3A_203 : memref<10240xf32, #tpu.memory_space<hbm>>) dst(%arg32 : memref<256xf32, #tpu.memory_space<vmem>>)
      %dma_wait3A_204 = arith.constant 112640 : i32
      %dma_wait3A_205 = tpu.memref_slice %arg2[%dma_wait3A_204] : memref<122880xf32, #tpu.memory_space<hbm>> -> memref<10240xf32, #tpu.memory_space<hbm>>
      %dma_wait3A_206 = arith.constant 0 : i32
      %dma_wait3A_207 = tpu.memref_slice %dma_wait3A_205[%dma_wait3A_206] : memref<10240xf32, #tpu.memory_space<hbm>> -> memref<10240xf32, #tpu.memory_space<hbm>>
      tpu.wait_indirect_dma semaphore(%arg37 : memref<!tpu.dma_semaphore, #tpu.memory_space<semaphore_mem>>) src(%dma_wait3A_207 : memref<10240xf32, #tpu.memory_space<hbm>>) dst(%arg21 : memref<256xf32, #tpu.memory_space<vmem>>)
      %dma_wait3A_208 = arith.constant 112640 : i32
      %dma_wait3A_209 = tpu.memref_slice %arg3[%dma_wait3A_208] : memref<122880xf32, #tpu.memory_space<hbm>> -> memref<10240xf32, #tpu.memory_space<hbm>>
      %dma_wait3A_210 = arith.constant 0 : i32
      %dma_wait3A_211 = tpu.memref_slice %dma_wait3A_209[%dma_wait3A_210] : memref<10240xf32, #tpu.memory_space<hbm>> -> memref<10240xf32, #tpu.memory_space<hbm>>
      tpu.wait_indirect_dma semaphore(%arg37 : memref<!tpu.dma_semaphore, #tpu.memory_space<semaphore_mem>>) src(%dma_wait3A_211 : memref<10240xf32, #tpu.memory_space<hbm>>) dst(%arg33 : memref<256xf32, #tpu.memory_space<vmem>>)
      %scan3A_212 = arith.constant 0 : i32
      %scan3A_213 = arith.constant 0 : i32
      %scan3A_214 = arith.constant 16 : i32
      %scan3A_215 = arith.addi %scan3A_213, %scan3A_214 : i32
      %scan3A_216 = arith.constant 1 : i32
      scf.for %scan3A_218 = %scan3A_213 to %scan3A_215 step %scan3A_216  : i32 {
        %mul3A_219 = arith.constant 16 : i32
        %mul3A_220 = arith.muli %scan3A_218, %mul3A_219 : i32
        %get3A = arith.index_cast %mul3A_220 : i32 to index
        %get3A_221 = tpu.vector_load %arg9[%get3A] {strides = array<i32>} : memref<256xi32, #tpu.memory_space<vmem>>, vector<16xi32>,
        %get3A_222 = arith.index_cast %mul3A_220 : i32 to index
        %get3A_223 = tpu.vector_load %arg10[%get3A_222] {strides = array<i32>} : memref<256xf32, #tpu.memory_space<vmem>>, vector<16xf32>,
        %get3A_224 = arith.index_cast %mul3A_220 : i32 to index
        %get3A_225 = tpu.vector_load %arg22[%get3A_224] {strides = array<i32>} : memref<256xf32, #tpu.memory_space<vmem>>, vector<16xf32>,
        %sub3A_226 = arith.subf %get3A_223, %get3A_225 : vector<16xf32>
        %max3A = arith.constant 0.000000e+00 : f32
        %max3A_227 = vector.broadcast %max3A : f32 to vector<16xf32>
        %max3A_228 = arith.maximumf %sub3A_226, %max3A_227 : vector<16xf32>
        %get3A_229 = arith.index_cast %mul3A_220 : i32 to index
        %get3A_230 = tpu.vector_load %arg11[%get3A_229] {strides = array<i32>} : memref<256xf32, #tpu.memory_space<vmem>>, vector<16xf32>,
        %get3A_231 = arith.index_cast %mul3A_220 : i32 to index
        %get3A_232 = tpu.vector_load %arg23[%get3A_231] {strides = array<i32>} : memref<256xf32, #tpu.memory_space<vmem>>, vector<16xf32>,
        %sub3A_233 = arith.subf %get3A_230, %get3A_232 : vector<16xf32>
        %max3A_234 = arith.constant 0.000000e+00 : f32
        %max3A_235 = vector.broadcast %max3A_234 : f32 to vector<16xf32>
        %max3A_236 = arith.maximumf %sub3A_233, %max3A_235 : vector<16xf32>
        %get3A_237 = arith.index_cast %mul3A_220 : i32 to index
        %get3A_238 = tpu.vector_load %arg12[%get3A_237] {strides = array<i32>} : memref<256xf32, #tpu.memory_space<vmem>>, vector<16xf32>,
        %get3A_239 = arith.index_cast %mul3A_220 : i32 to index
        %get3A_240 = tpu.vector_load %arg24[%get3A_239] {strides = array<i32>} : memref<256xf32, #tpu.memory_space<vmem>>, vector<16xf32>,
        %sub3A_241 = arith.subf %get3A_238, %get3A_240 : vector<16xf32>
        %max3A_242 = arith.constant 0.000000e+00 : f32
        %max3A_243 = vector.broadcast %max3A_242 : f32 to vector<16xf32>
        %max3A_244 = arith.maximumf %sub3A_241, %max3A_243 : vector<16xf32>
        %get3A_245 = arith.index_cast %mul3A_220 : i32 to index
        %get3A_246 = tpu.vector_load %arg13[%get3A_245] {strides = array<i32>} : memref<256xf32, #tpu.memory_space<vmem>>, vector<16xf32>,
        %get3A_247 = arith.index_cast %mul3A_220 : i32 to index
        %get3A_248 = tpu.vector_load %arg25[%get3A_247] {strides = array<i32>} : memref<256xf32, #tpu.memory_space<vmem>>, vector<16xf32>,
        %sub3A_249 = arith.subf %get3A_246, %get3A_248 : vector<16xf32>
        %max3A_250 = arith.constant 0.000000e+00 : f32
        %max3A_251 = vector.broadcast %max3A_250 : f32 to vector<16xf32>
        %max3A_252 = arith.maximumf %sub3A_249, %max3A_251 : vector<16xf32>
        %get3A_253 = arith.index_cast %mul3A_220 : i32 to index
        %get3A_254 = tpu.vector_load %arg14[%get3A_253] {strides = array<i32>} : memref<256xf32, #tpu.memory_space<vmem>>, vector<16xf32>,
        %get3A_255 = arith.index_cast %mul3A_220 : i32 to index
        %get3A_256 = tpu.vector_load %arg26[%get3A_255] {strides = array<i32>} : memref<256xf32, #tpu.memory_space<vmem>>, vector<16xf32>,
        %sub3A_257 = arith.subf %get3A_254, %get3A_256 : vector<16xf32>
        %max3A_258 = arith.constant 0.000000e+00 : f32
        %max3A_259 = vector.broadcast %max3A_258 : f32 to vector<16xf32>
        %max3A_260 = arith.maximumf %sub3A_257, %max3A_259 : vector<16xf32>
        %get3A_261 = arith.index_cast %mul3A_220 : i32 to index
        %get3A_262 = tpu.vector_load %arg15[%get3A_261] {strides = array<i32>} : memref<256xf32, #tpu.memory_space<vmem>>, vector<16xf32>,
        %get3A_263 = arith.index_cast %mul3A_220 : i32 to index
        %get3A_264 = tpu.vector_load %arg27[%get3A_263] {strides = array<i32>} : memref<256xf32, #tpu.memory_space<vmem>>, vector<16xf32>,
        %sub3A_265 = arith.subf %get3A_262, %get3A_264 : vector<16xf32>
        %max3A_266 = arith.constant 0.000000e+00 : f32
        %max3A_267 = vector.broadcast %max3A_266 : f32 to vector<16xf32>
        %max3A_268 = arith.maximumf %sub3A_265, %max3A_267 : vector<16xf32>
        %get3A_269 = arith.index_cast %mul3A_220 : i32 to index
        %get3A_270 = tpu.vector_load %arg16[%get3A_269] {strides = array<i32>} : memref<256xf32, #tpu.memory_space<vmem>>, vector<16xf32>,
        %get3A_271 = arith.index_cast %mul3A_220 : i32 to index
        %get3A_272 = tpu.vector_load %arg28[%get3A_271] {strides = array<i32>} : memref<256xf32, #tpu.memory_space<vmem>>, vector<16xf32>,
        %sub3A_273 = arith.subf %get3A_270, %get3A_272 : vector<16xf32>
        %max3A_274 = arith.constant 0.000000e+00 : f32
        %max3A_275 = vector.broadcast %max3A_274 : f32 to vector<16xf32>
        %max3A_276 = arith.maximumf %sub3A_273, %max3A_275 : vector<16xf32>
        %get3A_277 = arith.index_cast %mul3A_220 : i32 to index
        %get3A_278 = tpu.vector_load %arg17[%get3A_277] {strides = array<i32>} : memref<256xf32, #tpu.memory_space<vmem>>, vector<16xf32>,
        %get3A_279 = arith.index_cast %mul3A_220 : i32 to index
        %get3A_280 = tpu.vector_load %arg29[%get3A_279] {strides = array<i32>} : memref<256xf32, #tpu.memory_space<vmem>>, vector<16xf32>,
        %sub3A_281 = arith.subf %get3A_278, %get3A_280 : vector<16xf32>
        %max3A_282 = arith.constant 0.000000e+00 : f32
        %max3A_283 = vector.broadcast %max3A_282 : f32 to vector<16xf32>
        %max3A_284 = arith.maximumf %sub3A_281, %max3A_283 : vector<16xf32>
        %get3A_285 = arith.index_cast %mul3A_220 : i32 to index
        %get3A_286 = tpu.vector_load %arg18[%get3A_285] {strides = array<i32>} : memref<256xf32, #tpu.memory_space<vmem>>, vector<16xf32>,
        %get3A_287 = arith.index_cast %mul3A_220 : i32 to index
        %get3A_288 = tpu.vector_load %arg30[%get3A_287] {strides = array<i32>} : memref<256xf32, #tpu.memory_space<vmem>>, vector<16xf32>,
        %sub3A_289 = arith.subf %get3A_286, %get3A_288 : vector<16xf32>
        %max3A_290 = arith.constant 0.000000e+00 : f32
        %max3A_291 = vector.broadcast %max3A_290 : f32 to vector<16xf32>
        %max3A_292 = arith.maximumf %sub3A_289, %max3A_291 : vector<16xf32>
        %get3A_293 = arith.index_cast %mul3A_220 : i32 to index
        %get3A_294 = tpu.vector_load %arg19[%get3A_293] {strides = array<i32>} : memref<256xf32, #tpu.memory_space<vmem>>, vector<16xf32>,
        %get3A_295 = arith.index_cast %mul3A_220 : i32 to index
        %get3A_296 = tpu.vector_load %arg31[%get3A_295] {strides = array<i32>} : memref<256xf32, #tpu.memory_space<vmem>>, vector<16xf32>,
        %sub3A_297 = arith.subf %get3A_294, %get3A_296 : vector<16xf32>
        %max3A_298 = arith.constant 0.000000e+00 : f32
        %max3A_299 = vector.broadcast %max3A_298 : f32 to vector<16xf32>
        %max3A_300 = arith.maximumf %sub3A_297, %max3A_299 : vector<16xf32>
        %get3A_301 = arith.index_cast %mul3A_220 : i32 to index
        %get3A_302 = tpu.vector_load %arg20[%get3A_301] {strides = array<i32>} : memref<256xf32, #tpu.memory_space<vmem>>, vector<16xf32>,
        %get3A_303 = arith.index_cast %mul3A_220 : i32 to index
        %get3A_304 = tpu.vector_load %arg32[%get3A_303] {strides = array<i32>} : memref<256xf32, #tpu.memory_space<vmem>>, vector<16xf32>,
        %sub3A_305 = arith.subf %get3A_302, %get3A_304 : vector<16xf32>
        %max3A_306 = arith.constant 0.000000e+00 : f32
        %max3A_307 = vector.broadcast %max3A_306 : f32 to vector<16xf32>
        %max3A_308 = arith.maximumf %sub3A_305, %max3A_307 : vector<16xf32>
        %get3A_309 = arith.index_cast %mul3A_220 : i32 to index
        %get3A_310 = tpu.vector_load %arg21[%get3A_309] {strides = array<i32>} : memref<256xf32, #tpu.memory_space<vmem>>, vector<16xf32>,
        %get3A_311 = arith.index_cast %mul3A_220 : i32 to index
        %get3A_312 = tpu.vector_load %arg33[%get3A_311] {strides = array<i32>} : memref<256xf32, #tpu.memory_space<vmem>>, vector<16xf32>,
        %sub3A_313 = arith.subf %get3A_310, %get3A_312 : vector<16xf32>
        %max3A_314 = arith.constant 0.000000e+00 : f32
        %max3A_315 = vector.broadcast %max3A_314 : f32 to vector<16xf32>
        %max3A_316 = arith.maximumf %sub3A_313, %max3A_315 : vector<16xf32>
        %get3A_317 = arith.constant 0 : index
        %get3A_318 = tpu.vector_load %arg34[%get3A_317] {strides = array<i32>} : memref<1152xf32, #tpu.memory_space<vmem>>, vector<16xf32>,
        %mul3A_319 = arith.mulf %max3A_228, %get3A_318 : vector<16xf32>
        %get3A_320 = arith.constant 96 : index
        %get3A_321 = tpu.vector_load %arg34[%get3A_320] {strides = array<i32>} : memref<1152xf32, #tpu.memory_space<vmem>>, vector<16xf32>,
        %mul3A_322 = arith.mulf %max3A_236, %get3A_321 : vector<16xf32>
        %add3A_323 = arith.addf %mul3A_319, %mul3A_322 : vector<16xf32>
        %get3A_324 = arith.constant 192 : index
        %get3A_325 = tpu.vector_load %arg34[%get3A_324] {strides = array<i32>} : memref<1152xf32, #tpu.memory_space<vmem>>, vector<16xf32>,
        %mul3A_326 = arith.mulf %max3A_244, %get3A_325 : vector<16xf32>
        %add3A_327 = arith.addf %add3A_323, %mul3A_326 : vector<16xf32>
        %get3A_328 = arith.constant 288 : index
        %get3A_329 = tpu.vector_load %arg34[%get3A_328] {strides = array<i32>} : memref<1152xf32, #tpu.memory_space<vmem>>, vector<16xf32>,
        %mul3A_330 = arith.mulf %max3A_252, %get3A_329 : vector<16xf32>
        %add3A_331 = arith.addf %add3A_327, %mul3A_330 : vector<16xf32>
        %get3A_332 = arith.constant 384 : index
        %get3A_333 = tpu.vector_load %arg34[%get3A_332] {strides = array<i32>} : memref<1152xf32, #tpu.memory_space<vmem>>, vector<16xf32>,
        %mul3A_334 = arith.mulf %max3A_260, %get3A_333 : vector<16xf32>
        %add3A_335 = arith.addf %add3A_331, %mul3A_334 : vector<16xf32>
        %get3A_336 = arith.constant 480 : index
        %get3A_337 = tpu.vector_load %arg34[%get3A_336] {strides = array<i32>} : memref<1152xf32, #tpu.memory_space<vmem>>, vector<16xf32>,
        %mul3A_338 = arith.mulf %max3A_268, %get3A_337 : vector<16xf32>
        %add3A_339 = arith.addf %add3A_335, %mul3A_338 : vector<16xf32>
        %get3A_340 = arith.constant 576 : index
        %get3A_341 = tpu.vector_load %arg34[%get3A_340] {strides = array<i32>} : memref<1152xf32, #tpu.memory_space<vmem>>, vector<16xf32>,
        %mul3A_342 = arith.mulf %max3A_276, %get3A_341 : vector<16xf32>
        %add3A_343 = arith.addf %add3A_339, %mul3A_342 : vector<16xf32>
        %get3A_344 = arith.constant 672 : index
        %get3A_345 = tpu.vector_load %arg34[%get3A_344] {strides = array<i32>} : memref<1152xf32, #tpu.memory_space<vmem>>, vector<16xf32>,
        %mul3A_346 = arith.mulf %max3A_284, %get3A_345 : vector<16xf32>
        %add3A_347 = arith.addf %add3A_343, %mul3A_346 : vector<16xf32>
        %get3A_348 = arith.constant 768 : index
        %get3A_349 = tpu.vector_load %arg34[%get3A_348] {strides = array<i32>} : memref<1152xf32, #tpu.memory_space<vmem>>, vector<16xf32>,
        %mul3A_350 = arith.mulf %max3A_292, %get3A_349 : vector<16xf32>
        %add3A_351 = arith.addf %add3A_347, %mul3A_350 : vector<16xf32>
        %get3A_352 = arith.constant 864 : index
        %get3A_353 = tpu.vector_load %arg34[%get3A_352] {strides = array<i32>} : memref<1152xf32, #tpu.memory_space<vmem>>, vector<16xf32>,
        %mul3A_354 = arith.mulf %max3A_300, %get3A_353 : vector<16xf32>
        %add3A_355 = arith.addf %add3A_351, %mul3A_354 : vector<16xf32>
        %get3A_356 = arith.constant 960 : index
        %get3A_357 = tpu.vector_load %arg34[%get3A_356] {strides = array<i32>} : memref<1152xf32, #tpu.memory_space<vmem>>, vector<16xf32>,
        %mul3A_358 = arith.mulf %max3A_308, %get3A_357 : vector<16xf32>
        %add3A_359 = arith.addf %add3A_355, %mul3A_358 : vector<16xf32>
        %get3A_360 = arith.constant 1056 : index
        %get3A_361 = tpu.vector_load %arg34[%get3A_360] {strides = array<i32>} : memref<1152xf32, #tpu.memory_space<vmem>>, vector<16xf32>,
        %mul3A_362 = arith.mulf %max3A_316, %get3A_361 : vector<16xf32>
        %add3A_363 = arith.addf %add3A_359, %mul3A_362 : vector<16xf32>
        %get3A_364 = arith.constant 16 : index
        %get3A_365 = tpu.vector_load %arg34[%get3A_364] {strides = array<i32>} : memref<1152xf32, #tpu.memory_space<vmem>>, vector<16xf32>,
        %mul3A_366 = arith.mulf %max3A_228, %get3A_365 : vector<16xf32>
        %get3A_367 = arith.constant 112 : index
        %get3A_368 = tpu.vector_load %arg34[%get3A_367] {strides = array<i32>} : memref<1152xf32, #tpu.memory_space<vmem>>, vector<16xf32>,
        %mul3A_369 = arith.mulf %max3A_236, %get3A_368 : vector<16xf32>
        %add3A_370 = arith.addf %mul3A_366, %mul3A_369 : vector<16xf32>
        %get3A_371 = arith.constant 208 : index
        %get3A_372 = tpu.vector_load %arg34[%get3A_371] {strides = array<i32>} : memref<1152xf32, #tpu.memory_space<vmem>>, vector<16xf32>,
        %mul3A_373 = arith.mulf %max3A_244, %get3A_372 : vector<16xf32>
        %add3A_374 = arith.addf %add3A_370, %mul3A_373 : vector<16xf32>
        %get3A_375 = arith.constant 304 : index
        %get3A_376 = tpu.vector_load %arg34[%get3A_375] {strides = array<i32>} : memref<1152xf32, #tpu.memory_space<vmem>>, vector<16xf32>,
        %mul3A_377 = arith.mulf %max3A_252, %get3A_376 : vector<16xf32>
        %add3A_378 = arith.addf %add3A_374, %mul3A_377 : vector<16xf32>
        %get3A_379 = arith.constant 400 : index
        %get3A_380 = tpu.vector_load %arg34[%get3A_379] {strides = array<i32>} : memref<1152xf32, #tpu.memory_space<vmem>>, vector<16xf32>,
        %mul3A_381 = arith.mulf %max3A_260, %get3A_380 : vector<16xf32>
        %add3A_382 = arith.addf %add3A_378, %mul3A_381 : vector<16xf32>
        %get3A_383 = arith.constant 496 : index
        %get3A_384 = tpu.vector_load %arg34[%get3A_383] {strides = array<i32>} : memref<1152xf32, #tpu.memory_space<vmem>>, vector<16xf32>,
        %mul3A_385 = arith.mulf %max3A_268, %get3A_384 : vector<16xf32>
        %add3A_386 = arith.addf %add3A_382, %mul3A_385 : vector<16xf32>
        %get3A_387 = arith.constant 592 : index
        %get3A_388 = tpu.vector_load %arg34[%get3A_387] {strides = array<i32>} : memref<1152xf32, #tpu.memory_space<vmem>>, vector<16xf32>,
        %mul3A_389 = arith.mulf %max3A_276, %get3A_388 : vector<16xf32>
        %add3A_390 = arith.addf %add3A_386, %mul3A_389 : vector<16xf32>
        %get3A_391 = arith.constant 688 : index
        %get3A_392 = tpu.vector_load %arg34[%get3A_391] {strides = array<i32>} : memref<1152xf32, #tpu.memory_space<vmem>>, vector<16xf32>,
        %mul3A_393 = arith.mulf %max3A_284, %get3A_392 : vector<16xf32>
        %add3A_394 = arith.addf %add3A_390, %mul3A_393 : vector<16xf32>
        %get3A_395 = arith.constant 784 : index
        %get3A_396 = tpu.vector_load %arg34[%get3A_395] {strides = array<i32>} : memref<1152xf32, #tpu.memory_space<vmem>>, vector<16xf32>,
        %mul3A_397 = arith.mulf %max3A_292, %get3A_396 : vector<16xf32>
        %add3A_398 = arith.addf %add3A_394, %mul3A_397 : vector<16xf32>
        %get3A_399 = arith.constant 880 : index
        %get3A_400 = tpu.vector_load %arg34[%get3A_399] {strides = array<i32>} : memref<1152xf32, #tpu.memory_space<vmem>>, vector<16xf32>,
        %mul3A_401 = arith.mulf %max3A_300, %get3A_400 : vector<16xf32>
        %add3A_402 = arith.addf %add3A_398, %mul3A_401 : vector<16xf32>
        %get3A_403 = arith.constant 976 : index
        %get3A_404 = tpu.vector_load %arg34[%get3A_403] {strides = array<i32>} : memref<1152xf32, #tpu.memory_space<vmem>>, vector<16xf32>,
        %mul3A_405 = arith.mulf %max3A_308, %get3A_404 : vector<16xf32>
        %add3A_406 = arith.addf %add3A_402, %mul3A_405 : vector<16xf32>
        %get3A_407 = arith.constant 1072 : index
        %get3A_408 = tpu.vector_load %arg34[%get3A_407] {strides = array<i32>} : memref<1152xf32, #tpu.memory_space<vmem>>, vector<16xf32>,
        %mul3A_409 = arith.mulf %max3A_316, %get3A_408 : vector<16xf32>
        %add3A_410 = arith.addf %add3A_406, %mul3A_409 : vector<16xf32>
        %get3A_411 = arith.constant 32 : index
        %get3A_412 = tpu.vector_load %arg34[%get3A_411] {strides = array<i32>} : memref<1152xf32, #tpu.memory_space<vmem>>, vector<16xf32>,
        %mul3A_413 = arith.mulf %max3A_228, %get3A_412 : vector<16xf32>
        %get3A_414 = arith.constant 128 : index
        %get3A_415 = tpu.vector_load %arg34[%get3A_414] {strides = array<i32>} : memref<1152xf32, #tpu.memory_space<vmem>>, vector<16xf32>,
        %mul3A_416 = arith.mulf %max3A_236, %get3A_415 : vector<16xf32>
        %add3A_417 = arith.addf %mul3A_413, %mul3A_416 : vector<16xf32>
        %get3A_418 = arith.constant 224 : index
        %get3A_419 = tpu.vector_load %arg34[%get3A_418] {strides = array<i32>} : memref<1152xf32, #tpu.memory_space<vmem>>, vector<16xf32>,
        %mul3A_420 = arith.mulf %max3A_244, %get3A_419 : vector<16xf32>
        %add3A_421 = arith.addf %add3A_417, %mul3A_420 : vector<16xf32>
        %get3A_422 = arith.constant 320 : index
        %get3A_423 = tpu.vector_load %arg34[%get3A_422] {strides = array<i32>} : memref<1152xf32, #tpu.memory_space<vmem>>, vector<16xf32>,
        %mul3A_424 = arith.mulf %max3A_252, %get3A_423 : vector<16xf32>
        %add3A_425 = arith.addf %add3A_421, %mul3A_424 : vector<16xf32>
        %get3A_426 = arith.constant 416 : index
        %get3A_427 = tpu.vector_load %arg34[%get3A_426] {strides = array<i32>} : memref<1152xf32, #tpu.memory_space<vmem>>, vector<16xf32>,
        %mul3A_428 = arith.mulf %max3A_260, %get3A_427 : vector<16xf32>
        %add3A_429 = arith.addf %add3A_425, %mul3A_428 : vector<16xf32>
        %get3A_430 = arith.constant 512 : index
        %get3A_431 = tpu.vector_load %arg34[%get3A_430] {strides = array<i32>} : memref<1152xf32, #tpu.memory_space<vmem>>, vector<16xf32>,
        %mul3A_432 = arith.mulf %max3A_268, %get3A_431 : vector<16xf32>
        %add3A_433 = arith.addf %add3A_429, %mul3A_432 : vector<16xf32>
        %get3A_434 = arith.constant 608 : index
        %get3A_435 = tpu.vector_load %arg34[%get3A_434] {strides = array<i32>} : memref<1152xf32, #tpu.memory_space<vmem>>, vector<16xf32>,
        %mul3A_436 = arith.mulf %max3A_276, %get3A_435 : vector<16xf32>
        %add3A_437 = arith.addf %add3A_433, %mul3A_436 : vector<16xf32>
        %get3A_438 = arith.constant 704 : index
        %get3A_439 = tpu.vector_load %arg34[%get3A_438] {strides = array<i32>} : memref<1152xf32, #tpu.memory_space<vmem>>, vector<16xf32>,
        %mul3A_440 = arith.mulf %max3A_284, %get3A_439 : vector<16xf32>
        %add3A_441 = arith.addf %add3A_437, %mul3A_440 : vector<16xf32>
        %get3A_442 = arith.constant 800 : index
        %get3A_443 = tpu.vector_load %arg34[%get3A_442] {strides = array<i32>} : memref<1152xf32, #tpu.memory_space<vmem>>, vector<16xf32>,
        %mul3A_444 = arith.mulf %max3A_292, %get3A_443 : vector<16xf32>
        %add3A_445 = arith.addf %add3A_441, %mul3A_444 : vector<16xf32>
        %get3A_446 = arith.constant 896 : index
        %get3A_447 = tpu.vector_load %arg34[%get3A_446] {strides = array<i32>} : memref<1152xf32, #tpu.memory_space<vmem>>, vector<16xf32>,
        %mul3A_448 = arith.mulf %max3A_300, %get3A_447 : vector<16xf32>
        %add3A_449 = arith.addf %add3A_445, %mul3A_448 : vector<16xf32>
        %get3A_450 = arith.constant 992 : index
        %get3A_451 = tpu.vector_load %arg34[%get3A_450] {strides = array<i32>} : memref<1152xf32, #tpu.memory_space<vmem>>, vector<16xf32>,
        %mul3A_452 = arith.mulf %max3A_308, %get3A_451 : vector<16xf32>
        %add3A_453 = arith.addf %add3A_449, %mul3A_452 : vector<16xf32>
        %get3A_454 = arith.constant 1088 : index
        %get3A_455 = tpu.vector_load %arg34[%get3A_454] {strides = array<i32>} : memref<1152xf32, #tpu.memory_space<vmem>>, vector<16xf32>,
        %mul3A_456 = arith.mulf %max3A_316, %get3A_455 : vector<16xf32>
        %add3A_457 = arith.addf %add3A_453, %mul3A_456 : vector<16xf32>
        %get3A_458 = arith.constant 48 : index
        %get3A_459 = tpu.vector_load %arg34[%get3A_458] {strides = array<i32>} : memref<1152xf32, #tpu.memory_space<vmem>>, vector<16xf32>,
        %mul3A_460 = arith.mulf %max3A_228, %get3A_459 : vector<16xf32>
        %get3A_461 = arith.constant 144 : index
        %get3A_462 = tpu.vector_load %arg34[%get3A_461] {strides = array<i32>} : memref<1152xf32, #tpu.memory_space<vmem>>, vector<16xf32>,
        %mul3A_463 = arith.mulf %max3A_236, %get3A_462 : vector<16xf32>
        %add3A_464 = arith.addf %mul3A_460, %mul3A_463 : vector<16xf32>
        %get3A_465 = arith.constant 240 : index
        %get3A_466 = tpu.vector_load %arg34[%get3A_465] {strides = array<i32>} : memref<1152xf32, #tpu.memory_space<vmem>>, vector<16xf32>,
        %mul3A_467 = arith.mulf %max3A_244, %get3A_466 : vector<16xf32>
        %add3A_468 = arith.addf %add3A_464, %mul3A_467 : vector<16xf32>
        %get3A_469 = arith.constant 336 : index
        %get3A_470 = tpu.vector_load %arg34[%get3A_469] {strides = array<i32>} : memref<1152xf32, #tpu.memory_space<vmem>>, vector<16xf32>,
        %mul3A_471 = arith.mulf %max3A_252, %get3A_470 : vector<16xf32>
        %add3A_472 = arith.addf %add3A_468, %mul3A_471 : vector<16xf32>
        %get3A_473 = arith.constant 432 : index
        %get3A_474 = tpu.vector_load %arg34[%get3A_473] {strides = array<i32>} : memref<1152xf32, #tpu.memory_space<vmem>>, vector<16xf32>,
        %mul3A_475 = arith.mulf %max3A_260, %get3A_474 : vector<16xf32>
        %add3A_476 = arith.addf %add3A_472, %mul3A_475 : vector<16xf32>
        %get3A_477 = arith.constant 528 : index
        %get3A_478 = tpu.vector_load %arg34[%get3A_477] {strides = array<i32>} : memref<1152xf32, #tpu.memory_space<vmem>>, vector<16xf32>,
        %mul3A_479 = arith.mulf %max3A_268, %get3A_478 : vector<16xf32>
        %add3A_480 = arith.addf %add3A_476, %mul3A_479 : vector<16xf32>
        %get3A_481 = arith.constant 624 : index
        %get3A_482 = tpu.vector_load %arg34[%get3A_481] {strides = array<i32>} : memref<1152xf32, #tpu.memory_space<vmem>>, vector<16xf32>,
        %mul3A_483 = arith.mulf %max3A_276, %get3A_482 : vector<16xf32>
        %add3A_484 = arith.addf %add3A_480, %mul3A_483 : vector<16xf32>
        %get3A_485 = arith.constant 720 : index
        %get3A_486 = tpu.vector_load %arg34[%get3A_485] {strides = array<i32>} : memref<1152xf32, #tpu.memory_space<vmem>>, vector<16xf32>,
        %mul3A_487 = arith.mulf %max3A_284, %get3A_486 : vector<16xf32>
        %add3A_488 = arith.addf %add3A_484, %mul3A_487 : vector<16xf32>
        %get3A_489 = arith.constant 816 : index
        %get3A_490 = tpu.vector_load %arg34[%get3A_489] {strides = array<i32>} : memref<1152xf32, #tpu.memory_space<vmem>>, vector<16xf32>,
        %mul3A_491 = arith.mulf %max3A_292, %get3A_490 : vector<16xf32>
        %add3A_492 = arith.addf %add3A_488, %mul3A_491 : vector<16xf32>
        %get3A_493 = arith.constant 912 : index
        %get3A_494 = tpu.vector_load %arg34[%get3A_493] {strides = array<i32>} : memref<1152xf32, #tpu.memory_space<vmem>>, vector<16xf32>,
        %mul3A_495 = arith.mulf %max3A_300, %get3A_494 : vector<16xf32>
        %add3A_496 = arith.addf %add3A_492, %mul3A_495 : vector<16xf32>
        %get3A_497 = arith.constant 1008 : index
        %get3A_498 = tpu.vector_load %arg34[%get3A_497] {strides = array<i32>} : memref<1152xf32, #tpu.memory_space<vmem>>, vector<16xf32>,
        %mul3A_499 = arith.mulf %max3A_308, %get3A_498 : vector<16xf32>
        %add3A_500 = arith.addf %add3A_496, %mul3A_499 : vector<16xf32>
        %get3A_501 = arith.constant 1104 : index
        %get3A_502 = tpu.vector_load %arg34[%get3A_501] {strides = array<i32>} : memref<1152xf32, #tpu.memory_space<vmem>>, vector<16xf32>,
        %mul3A_503 = arith.mulf %max3A_316, %get3A_502 : vector<16xf32>
        %add3A_504 = arith.addf %add3A_500, %mul3A_503 : vector<16xf32>
        %get3A_505 = arith.constant 64 : index
        %get3A_506 = tpu.vector_load %arg34[%get3A_505] {strides = array<i32>} : memref<1152xf32, #tpu.memory_space<vmem>>, vector<16xf32>,
        %mul3A_507 = arith.mulf %max3A_228, %get3A_506 : vector<16xf32>
        %get3A_508 = arith.constant 160 : index
        %get3A_509 = tpu.vector_load %arg34[%get3A_508] {strides = array<i32>} : memref<1152xf32, #tpu.memory_space<vmem>>, vector<16xf32>,
        %mul3A_510 = arith.mulf %max3A_236, %get3A_509 : vector<16xf32>
        %add3A_511 = arith.addf %mul3A_507, %mul3A_510 : vector<16xf32>
        %get3A_512 = arith.constant 256 : index
        %get3A_513 = tpu.vector_load %arg34[%get3A_512] {strides = array<i32>} : memref<1152xf32, #tpu.memory_space<vmem>>, vector<16xf32>,
        %mul3A_514 = arith.mulf %max3A_244, %get3A_513 : vector<16xf32>
        %add3A_515 = arith.addf %add3A_511, %mul3A_514 : vector<16xf32>
        %get3A_516 = arith.constant 352 : index
        %get3A_517 = tpu.vector_load %arg34[%get3A_516] {strides = array<i32>} : memref<1152xf32, #tpu.memory_space<vmem>>, vector<16xf32>,
        %mul3A_518 = arith.mulf %max3A_252, %get3A_517 : vector<16xf32>
        %add3A_519 = arith.addf %add3A_515, %mul3A_518 : vector<16xf32>
        %get3A_520 = arith.constant 448 : index
        %get3A_521 = tpu.vector_load %arg34[%get3A_520] {strides = array<i32>} : memref<1152xf32, #tpu.memory_space<vmem>>, vector<16xf32>,
        %mul3A_522 = arith.mulf %max3A_260, %get3A_521 : vector<16xf32>
        %add3A_523 = arith.addf %add3A_519, %mul3A_522 : vector<16xf32>
        %get3A_524 = arith.constant 544 : index
        %get3A_525 = tpu.vector_load %arg34[%get3A_524] {strides = array<i32>} : memref<1152xf32, #tpu.memory_space<vmem>>, vector<16xf32>,
        %mul3A_526 = arith.mulf %max3A_268, %get3A_525 : vector<16xf32>
        %add3A_527 = arith.addf %add3A_523, %mul3A_526 : vector<16xf32>
        %get3A_528 = arith.constant 640 : index
        %get3A_529 = tpu.vector_load %arg34[%get3A_528] {strides = array<i32>} : memref<1152xf32, #tpu.memory_space<vmem>>, vector<16xf32>,
        %mul3A_530 = arith.mulf %max3A_276, %get3A_529 : vector<16xf32>
        %add3A_531 = arith.addf %add3A_527, %mul3A_530 : vector<16xf32>
        %get3A_532 = arith.constant 736 : index
        %get3A_533 = tpu.vector_load %arg34[%get3A_532] {strides = array<i32>} : memref<1152xf32, #tpu.memory_space<vmem>>, vector<16xf32>,
        %mul3A_534 = arith.mulf %max3A_284, %get3A_533 : vector<16xf32>
        %add3A_535 = arith.addf %add3A_531, %mul3A_534 : vector<16xf32>
        %get3A_536 = arith.constant 832 : index
        %get3A_537 = tpu.vector_load %arg34[%get3A_536] {strides = array<i32>} : memref<1152xf32, #tpu.memory_space<vmem>>, vector<16xf32>,
        %mul3A_538 = arith.mulf %max3A_292, %get3A_537 : vector<16xf32>
        %add3A_539 = arith.addf %add3A_535, %mul3A_538 : vector<16xf32>
        %get3A_540 = arith.constant 928 : index
        %get3A_541 = tpu.vector_load %arg34[%get3A_540] {strides = array<i32>} : memref<1152xf32, #tpu.memory_space<vmem>>, vector<16xf32>,
        %mul3A_542 = arith.mulf %max3A_300, %get3A_541 : vector<16xf32>
        %add3A_543 = arith.addf %add3A_539, %mul3A_542 : vector<16xf32>
        %get3A_544 = arith.constant 1024 : index
        %get3A_545 = tpu.vector_load %arg34[%get3A_544] {strides = array<i32>} : memref<1152xf32, #tpu.memory_space<vmem>>, vector<16xf32>,
        %mul3A_546 = arith.mulf %max3A_308, %get3A_545 : vector<16xf32>
        %add3A_547 = arith.addf %add3A_543, %mul3A_546 : vector<16xf32>
        %get3A_548 = arith.constant 1120 : index
        %get3A_549 = tpu.vector_load %arg34[%get3A_548] {strides = array<i32>} : memref<1152xf32, #tpu.memory_space<vmem>>, vector<16xf32>,
        %mul3A_550 = arith.mulf %max3A_316, %get3A_549 : vector<16xf32>
        %add3A_551 = arith.addf %add3A_547, %mul3A_550 : vector<16xf32>
        %get3A_552 = arith.constant 80 : index
        %get3A_553 = tpu.vector_load %arg34[%get3A_552] {strides = array<i32>} : memref<1152xf32, #tpu.memory_space<vmem>>, vector<16xf32>,
        %mul3A_554 = arith.mulf %max3A_228, %get3A_553 : vector<16xf32>
        %get3A_555 = arith.constant 176 : index
        %get3A_556 = tpu.vector_load %arg34[%get3A_555] {strides = array<i32>} : memref<1152xf32, #tpu.memory_space<vmem>>, vector<16xf32>,
        %mul3A_557 = arith.mulf %max3A_236, %get3A_556 : vector<16xf32>
        %add3A_558 = arith.addf %mul3A_554, %mul3A_557 : vector<16xf32>
        %get3A_559 = arith.constant 272 : index
        %get3A_560 = tpu.vector_load %arg34[%get3A_559] {strides = array<i32>} : memref<1152xf32, #tpu.memory_space<vmem>>, vector<16xf32>,
        %mul3A_561 = arith.mulf %max3A_244, %get3A_560 : vector<16xf32>
        %add3A_562 = arith.addf %add3A_558, %mul3A_561 : vector<16xf32>
        %get3A_563 = arith.constant 368 : index
        %get3A_564 = tpu.vector_load %arg34[%get3A_563] {strides = array<i32>} : memref<1152xf32, #tpu.memory_space<vmem>>, vector<16xf32>,
        %mul3A_565 = arith.mulf %max3A_252, %get3A_564 : vector<16xf32>
        %add3A_566 = arith.addf %add3A_562, %mul3A_565 : vector<16xf32>
        %get3A_567 = arith.constant 464 : index
        %get3A_568 = tpu.vector_load %arg34[%get3A_567] {strides = array<i32>} : memref<1152xf32, #tpu.memory_space<vmem>>, vector<16xf32>,
        %mul3A_569 = arith.mulf %max3A_260, %get3A_568 : vector<16xf32>
        %add3A_570 = arith.addf %add3A_566, %mul3A_569 : vector<16xf32>
        %get3A_571 = arith.constant 560 : index
        %get3A_572 = tpu.vector_load %arg34[%get3A_571] {strides = array<i32>} : memref<1152xf32, #tpu.memory_space<vmem>>, vector<16xf32>,
        %mul3A_573 = arith.mulf %max3A_268, %get3A_572 : vector<16xf32>
        %add3A_574 = arith.addf %add3A_570, %mul3A_573 : vector<16xf32>
        %get3A_575 = arith.constant 656 : index
        %get3A_576 = tpu.vector_load %arg34[%get3A_575] {strides = array<i32>} : memref<1152xf32, #tpu.memory_space<vmem>>, vector<16xf32>,
        %mul3A_577 = arith.mulf %max3A_276, %get3A_576 : vector<16xf32>
        %add3A_578 = arith.addf %add3A_574, %mul3A_577 : vector<16xf32>
        %get3A_579 = arith.constant 752 : index
        %get3A_580 = tpu.vector_load %arg34[%get3A_579] {strides = array<i32>} : memref<1152xf32, #tpu.memory_space<vmem>>, vector<16xf32>,
        %mul3A_581 = arith.mulf %max3A_284, %get3A_580 : vector<16xf32>
        %add3A_582 = arith.addf %add3A_578, %mul3A_581 : vector<16xf32>
        %get3A_583 = arith.constant 848 : index
        %get3A_584 = tpu.vector_load %arg34[%get3A_583] {strides = array<i32>} : memref<1152xf32, #tpu.memory_space<vmem>>, vector<16xf32>,
        %mul3A_585 = arith.mulf %max3A_292, %get3A_584 : vector<16xf32>
        %add3A_586 = arith.addf %add3A_582, %mul3A_585 : vector<16xf32>
        %get3A_587 = arith.constant 944 : index
        %get3A_588 = tpu.vector_load %arg34[%get3A_587] {strides = array<i32>} : memref<1152xf32, #tpu.memory_space<vmem>>, vector<16xf32>,
        %mul3A_589 = arith.mulf %max3A_300, %get3A_588 : vector<16xf32>
        %add3A_590 = arith.addf %add3A_586, %mul3A_589 : vector<16xf32>
        %get3A_591 = arith.constant 1040 : index
        %get3A_592 = tpu.vector_load %arg34[%get3A_591] {strides = array<i32>} : memref<1152xf32, #tpu.memory_space<vmem>>, vector<16xf32>,
        %mul3A_593 = arith.mulf %max3A_308, %get3A_592 : vector<16xf32>
        %add3A_594 = arith.addf %add3A_590, %mul3A_593 : vector<16xf32>
        %get3A_595 = arith.constant 1136 : index
        %get3A_596 = tpu.vector_load %arg34[%get3A_595] {strides = array<i32>} : memref<1152xf32, #tpu.memory_space<vmem>>, vector<16xf32>,
        %mul3A_597 = arith.mulf %max3A_316, %get3A_596 : vector<16xf32>
        %add3A_598 = arith.addf %add3A_594, %mul3A_597 : vector<16xf32>
        %iota3A = tpu.iota {dimensions = array<i32: 0>} : vector<16xi32>
        %broadcast_in_dim3A_599 = arith.constant 0 : i32
        %broadcast_in_dim3A_600 = vector.broadcast %broadcast_in_dim3A_599 : i32 to vector<16xi32>
        %slice3A = vector.extract_strided_slice %get3A_221 {offsets = [0], sizes = [1], strides = [1]} : vector<16xi32> to vector<1xi32>
        %squeeze3A = vector.extract %slice3A[0] : i32 from vector<1xi32>
        %eq3A = vector.broadcast %squeeze3A : i32 to vector<16xi32>
        %eq3A_601 = arith.cmpi eq, %get3A_221, %eq3A : vector<16xi32>
        %gt3A = arith.constant 0 : i32
        %gt3A_602 = vector.broadcast %gt3A : i32 to vector<16xi32>
        %gt3A_603 = arith.cmpi sgt, %iota3A, %gt3A_602 : vector<16xi32>
        %and3A = arith.andi %eq3A_601, %gt3A_603 : vector<16xi1>
        %convert_element_type3A = arith.extui %and3A : vector<16xi1> to vector<16xi32>
        %add3A_604 = arith.addi %broadcast_in_dim3A_600, %convert_element_type3A : vector<16xi32>
        %slice3A_605 = vector.extract_strided_slice %get3A_221 {offsets = [1], sizes = [1], strides = [1]} : vector<16xi32> to vector<1xi32>
        %squeeze3A_606 = vector.extract %slice3A_605[0] : i32 from vector<1xi32>
        %eq3A_607 = vector.broadcast %squeeze3A_606 : i32 to vector<16xi32>
        %eq3A_608 = arith.cmpi eq, %get3A_221, %eq3A_607 : vector<16xi32>
        %gt3A_609 = arith.constant 1 : i32
        %gt3A_610 = vector.broadcast %gt3A_609 : i32 to vector<16xi32>
        %gt3A_611 = arith.cmpi sgt, %iota3A, %gt3A_610 : vector<16xi32>
        %and3A_612 = arith.andi %eq3A_608, %gt3A_611 : vector<16xi1>
        %convert_element_type3A_613 = arith.extui %and3A_612 : vector<16xi1> to vector<16xi32>
        %add3A_614 = arith.addi %add3A_604, %convert_element_type3A_613 : vector<16xi32>
        %slice3A_615 = vector.extract_strided_slice %get3A_221 {offsets = [2], sizes = [1], strides = [1]} : vector<16xi32> to vector<1xi32>
        %squeeze3A_616 = vector.extract %slice3A_615[0] : i32 from vector<1xi32>
        %eq3A_617 = vector.broadcast %squeeze3A_616 : i32 to vector<16xi32>
        %eq3A_618 = arith.cmpi eq, %get3A_221, %eq3A_617 : vector<16xi32>
        %gt3A_619 = arith.constant 2 : i32
        %gt3A_620 = vector.broadcast %gt3A_619 : i32 to vector<16xi32>
        %gt3A_621 = arith.cmpi sgt, %iota3A, %gt3A_620 : vector<16xi32>
        %and3A_622 = arith.andi %eq3A_618, %gt3A_621 : vector<16xi1>
        %convert_element_type3A_623 = arith.extui %and3A_622 : vector<16xi1> to vector<16xi32>
        %add3A_624 = arith.addi %add3A_614, %convert_element_type3A_623 : vector<16xi32>
        %slice3A_625 = vector.extract_strided_slice %get3A_221 {offsets = [3], sizes = [1], strides = [1]} : vector<16xi32> to vector<1xi32>
        %squeeze3A_626 = vector.extract %slice3A_625[0] : i32 from vector<1xi32>
        %eq3A_627 = vector.broadcast %squeeze3A_626 : i32 to vector<16xi32>
        %eq3A_628 = arith.cmpi eq, %get3A_221, %eq3A_627 : vector<16xi32>
        %gt3A_629 = arith.constant 3 : i32
        %gt3A_630 = vector.broadcast %gt3A_629 : i32 to vector<16xi32>
        %gt3A_631 = arith.cmpi sgt, %iota3A, %gt3A_630 : vector<16xi32>
        %and3A_632 = arith.andi %eq3A_628, %gt3A_631 : vector<16xi1>
        %convert_element_type3A_633 = arith.extui %and3A_632 : vector<16xi1> to vector<16xi32>
        %add3A_634 = arith.addi %add3A_624, %convert_element_type3A_633 : vector<16xi32>
        %slice3A_635 = vector.extract_strided_slice %get3A_221 {offsets = [4], sizes = [1], strides = [1]} : vector<16xi32> to vector<1xi32>
        %squeeze3A_636 = vector.extract %slice3A_635[0] : i32 from vector<1xi32>
        %eq3A_637 = vector.broadcast %squeeze3A_636 : i32 to vector<16xi32>
        %eq3A_638 = arith.cmpi eq, %get3A_221, %eq3A_637 : vector<16xi32>
        %gt3A_639 = arith.constant 4 : i32
        %gt3A_640 = vector.broadcast %gt3A_639 : i32 to vector<16xi32>
        %gt3A_641 = arith.cmpi sgt, %iota3A, %gt3A_640 : vector<16xi32>
        %and3A_642 = arith.andi %eq3A_638, %gt3A_641 : vector<16xi1>
        %convert_element_type3A_643 = arith.extui %and3A_642 : vector<16xi1> to vector<16xi32>
        %add3A_644 = arith.addi %add3A_634, %convert_element_type3A_643 : vector<16xi32>
        %slice3A_645 = vector.extract_strided_slice %get3A_221 {offsets = [5], sizes = [1], strides = [1]} : vector<16xi32> to vector<1xi32>
        %squeeze3A_646 = vector.extract %slice3A_645[0] : i32 from vector<1xi32>
        %eq3A_647 = vector.broadcast %squeeze3A_646 : i32 to vector<16xi32>
        %eq3A_648 = arith.cmpi eq, %get3A_221, %eq3A_647 : vector<16xi32>
        %gt3A_649 = arith.constant 5 : i32
        %gt3A_650 = vector.broadcast %gt3A_649 : i32 to vector<16xi32>
        %gt3A_651 = arith.cmpi sgt, %iota3A, %gt3A_650 : vector<16xi32>
        %and3A_652 = arith.andi %eq3A_648, %gt3A_651 : vector<16xi1>
        %convert_element_type3A_653 = arith.extui %and3A_652 : vector<16xi1> to vector<16xi32>
        %add3A_654 = arith.addi %add3A_644, %convert_element_type3A_653 : vector<16xi32>
        %slice3A_655 = vector.extract_strided_slice %get3A_221 {offsets = [6], sizes = [1], strides = [1]} : vector<16xi32> to vector<1xi32>
        %squeeze3A_656 = vector.extract %slice3A_655[0] : i32 from vector<1xi32>
        %eq3A_657 = vector.broadcast %squeeze3A_656 : i32 to vector<16xi32>
        %eq3A_658 = arith.cmpi eq, %get3A_221, %eq3A_657 : vector<16xi32>
        %gt3A_659 = arith.constant 6 : i32
        %gt3A_660 = vector.broadcast %gt3A_659 : i32 to vector<16xi32>
        %gt3A_661 = arith.cmpi sgt, %iota3A, %gt3A_660 : vector<16xi32>
        %and3A_662 = arith.andi %eq3A_658, %gt3A_661 : vector<16xi1>
        %convert_element_type3A_663 = arith.extui %and3A_662 : vector<16xi1> to vector<16xi32>
        %add3A_664 = arith.addi %add3A_654, %convert_element_type3A_663 : vector<16xi32>
        %slice3A_665 = vector.extract_strided_slice %get3A_221 {offsets = [7], sizes = [1], strides = [1]} : vector<16xi32> to vector<1xi32>
        %squeeze3A_666 = vector.extract %slice3A_665[0] : i32 from vector<1xi32>
        %eq3A_667 = vector.broadcast %squeeze3A_666 : i32 to vector<16xi32>
        %eq3A_668 = arith.cmpi eq, %get3A_221, %eq3A_667 : vector<16xi32>
        %gt3A_669 = arith.constant 7 : i32
        %gt3A_670 = vector.broadcast %gt3A_669 : i32 to vector<16xi32>
        %gt3A_671 = arith.cmpi sgt, %iota3A, %gt3A_670 : vector<16xi32>
        %and3A_672 = arith.andi %eq3A_668, %gt3A_671 : vector<16xi1>
        %convert_element_type3A_673 = arith.extui %and3A_672 : vector<16xi1> to vector<16xi32>
        %add3A_674 = arith.addi %add3A_664, %convert_element_type3A_673 : vector<16xi32>
        %slice3A_675 = vector.extract_strided_slice %get3A_221 {offsets = [8], sizes = [1], strides = [1]} : vector<16xi32> to vector<1xi32>
        %squeeze3A_676 = vector.extract %slice3A_675[0] : i32 from vector<1xi32>
        %eq3A_677 = vector.broadcast %squeeze3A_676 : i32 to vector<16xi32>
        %eq3A_678 = arith.cmpi eq, %get3A_221, %eq3A_677 : vector<16xi32>
        %gt3A_679 = arith.constant 8 : i32
        %gt3A_680 = vector.broadcast %gt3A_679 : i32 to vector<16xi32>
        %gt3A_681 = arith.cmpi sgt, %iota3A, %gt3A_680 : vector<16xi32>
        %and3A_682 = arith.andi %eq3A_678, %gt3A_681 : vector<16xi1>
        %convert_element_type3A_683 = arith.extui %and3A_682 : vector<16xi1> to vector<16xi32>
        %add3A_684 = arith.addi %add3A_674, %convert_element_type3A_683 : vector<16xi32>
        %slice3A_685 = vector.extract_strided_slice %get3A_221 {offsets = [9], sizes = [1], strides = [1]} : vector<16xi32> to vector<1xi32>
        %squeeze3A_686 = vector.extract %slice3A_685[0] : i32 from vector<1xi32>
        %eq3A_687 = vector.broadcast %squeeze3A_686 : i32 to vector<16xi32>
        %eq3A_688 = arith.cmpi eq, %get3A_221, %eq3A_687 : vector<16xi32>
        %gt3A_689 = arith.constant 9 : i32
        %gt3A_690 = vector.broadcast %gt3A_689 : i32 to vector<16xi32>
        %gt3A_691 = arith.cmpi sgt, %iota3A, %gt3A_690 : vector<16xi32>
        %and3A_692 = arith.andi %eq3A_688, %gt3A_691 : vector<16xi1>
        %convert_element_type3A_693 = arith.extui %and3A_692 : vector<16xi1> to vector<16xi32>
        %add3A_694 = arith.addi %add3A_684, %convert_element_type3A_693 : vector<16xi32>
        %slice3A_695 = vector.extract_strided_slice %get3A_221 {offsets = [10], sizes = [1], strides = [1]} : vector<16xi32> to vector<1xi32>
        %squeeze3A_696 = vector.extract %slice3A_695[0] : i32 from vector<1xi32>
        %eq3A_697 = vector.broadcast %squeeze3A_696 : i32 to vector<16xi32>
        %eq3A_698 = arith.cmpi eq, %get3A_221, %eq3A_697 : vector<16xi32>
        %gt3A_699 = arith.constant 10 : i32
        %gt3A_700 = vector.broadcast %gt3A_699 : i32 to vector<16xi32>
        %gt3A_701 = arith.cmpi sgt, %iota3A, %gt3A_700 : vector<16xi32>
        %and3A_702 = arith.andi %eq3A_698, %gt3A_701 : vector<16xi1>
        %convert_element_type3A_703 = arith.extui %and3A_702 : vector<16xi1> to vector<16xi32>
        %add3A_704 = arith.addi %add3A_694, %convert_element_type3A_703 : vector<16xi32>
        %slice3A_705 = vector.extract_strided_slice %get3A_221 {offsets = [11], sizes = [1], strides = [1]} : vector<16xi32> to vector<1xi32>
        %squeeze3A_706 = vector.extract %slice3A_705[0] : i32 from vector<1xi32>
        %eq3A_707 = vector.broadcast %squeeze3A_706 : i32 to vector<16xi32>
        %eq3A_708 = arith.cmpi eq, %get3A_221, %eq3A_707 : vector<16xi32>
        %gt3A_709 = arith.constant 11 : i32
        %gt3A_710 = vector.broadcast %gt3A_709 : i32 to vector<16xi32>
        %gt3A_711 = arith.cmpi sgt, %iota3A, %gt3A_710 : vector<16xi32>
        %and3A_712 = arith.andi %eq3A_708, %gt3A_711 : vector<16xi1>
        %convert_element_type3A_713 = arith.extui %and3A_712 : vector<16xi1> to vector<16xi32>
        %add3A_714 = arith.addi %add3A_704, %convert_element_type3A_713 : vector<16xi32>
        %slice3A_715 = vector.extract_strided_slice %get3A_221 {offsets = [12], sizes = [1], strides = [1]} : vector<16xi32> to vector<1xi32>
        %squeeze3A_716 = vector.extract %slice3A_715[0] : i32 from vector<1xi32>
        %eq3A_717 = vector.broadcast %squeeze3A_716 : i32 to vector<16xi32>
        %eq3A_718 = arith.cmpi eq, %get3A_221, %eq3A_717 : vector<16xi32>
        %gt3A_719 = arith.constant 12 : i32
        %gt3A_720 = vector.broadcast %gt3A_719 : i32 to vector<16xi32>
        %gt3A_721 = arith.cmpi sgt, %iota3A, %gt3A_720 : vector<16xi32>
        %and3A_722 = arith.andi %eq3A_718, %gt3A_721 : vector<16xi1>
        %convert_element_type3A_723 = arith.extui %and3A_722 : vector<16xi1> to vector<16xi32>
        %add3A_724 = arith.addi %add3A_714, %convert_element_type3A_723 : vector<16xi32>
        %slice3A_725 = vector.extract_strided_slice %get3A_221 {offsets = [13], sizes = [1], strides = [1]} : vector<16xi32> to vector<1xi32>
        %squeeze3A_726 = vector.extract %slice3A_725[0] : i32 from vector<1xi32>
        %eq3A_727 = vector.broadcast %squeeze3A_726 : i32 to vector<16xi32>
        %eq3A_728 = arith.cmpi eq, %get3A_221, %eq3A_727 : vector<16xi32>
        %gt3A_729 = arith.constant 13 : i32
        %gt3A_730 = vector.broadcast %gt3A_729 : i32 to vector<16xi32>
        %gt3A_731 = arith.cmpi sgt, %iota3A, %gt3A_730 : vector<16xi32>
        %and3A_732 = arith.andi %eq3A_728, %gt3A_731 : vector<16xi1>
        %convert_element_type3A_733 = arith.extui %and3A_732 : vector<16xi1> to vector<16xi32>
        %add3A_734 = arith.addi %add3A_724, %convert_element_type3A_733 : vector<16xi32>
        %slice3A_735 = vector.extract_strided_slice %get3A_221 {offsets = [14], sizes = [1], strides = [1]} : vector<16xi32> to vector<1xi32>
        %squeeze3A_736 = vector.extract %slice3A_735[0] : i32 from vector<1xi32>
        %eq3A_737 = vector.broadcast %squeeze3A_736 : i32 to vector<16xi32>
        %eq3A_738 = arith.cmpi eq, %get3A_221, %eq3A_737 : vector<16xi32>
        %gt3A_739 = arith.constant 14 : i32
        %gt3A_740 = vector.broadcast %gt3A_739 : i32 to vector<16xi32>
        %gt3A_741 = arith.cmpi sgt, %iota3A, %gt3A_740 : vector<16xi32>
        %and3A_742 = arith.andi %eq3A_738, %gt3A_741 : vector<16xi1>
        %convert_element_type3A_743 = arith.extui %and3A_742 : vector<16xi1> to vector<16xi32>
        %add3A_744 = arith.addi %add3A_734, %convert_element_type3A_743 : vector<16xi32>
        %scan3A_745 = arith.constant 0 : i32
        %scan3A_746 = arith.constant 0 : i32
        %scan3A_747 = arith.constant 16 : i32
        %scan3A_748 = arith.addi %scan3A_746, %scan3A_747 : i32
        %scan3A_749 = arith.constant 1 : i32
        scf.for %scan3A_751 = %scan3A_746 to %scan3A_748 step %scan3A_749  : i32 {
          %eq3A_752 = vector.broadcast %scan3A_751 : i32 to vector<16xi32>
          %eq3A_753 = arith.cmpi eq, %add3A_744, %eq3A_752 : vector<16xi32>
          %add3A_754 = arith.constant 0 : i32
          %add3A_755 = vector.broadcast %add3A_754 : i32 to vector<16xi32>
          %add3A_756 = arith.addi %get3A_221, %add3A_755 : vector<16xi32>
          %gather3A = tpu.vector_load_idx %arg35[%add3A_756] masked %eq3A_753 : memref<61440xf32, #tpu.memory_space<vmem>>[vector<16xi32>], vector<16xf32>, vector<16xi1>
          %max3A_757 = arith.maximumf %gather3A, %add3A_363 : vector<16xf32>
          tpu.vector_store_idx %arg35[%add3A_756], %max3A_757 masked %eq3A_753 : memref<61440xf32, #tpu.memory_space<vmem>>[vector<16xi32>], vector<16xf32>, vector<16xi1>
          %add3A_758 = arith.constant 10240 : i32
          %add3A_759 = vector.broadcast %add3A_758 : i32 to vector<16xi32>
          %add3A_760 = arith.addi %get3A_221, %add3A_759 : vector<16xi32>
          %gather3A_761 = tpu.vector_load_idx %arg35[%add3A_760] masked %eq3A_753 : memref<61440xf32, #tpu.memory_space<vmem>>[vector<16xi32>], vector<16xf32>, vector<16xi1>
          %max3A_762 = arith.maximumf %gather3A_761, %add3A_410 : vector<16xf32>
          tpu.vector_store_idx %arg35[%add3A_760], %max3A_762 masked %eq3A_753 : memref<61440xf32, #tpu.memory_space<vmem>>[vector<16xi32>], vector<16xf32>, vector<16xi1>
          %add3A_763 = arith.constant 20480 : i32
          %add3A_764 = vector.broadcast %add3A_763 : i32 to vector<16xi32>
          %add3A_765 = arith.addi %get3A_221, %add3A_764 : vector<16xi32>
          %gather3A_766 = tpu.vector_load_idx %arg35[%add3A_765] masked %eq3A_753 : memref<61440xf32, #tpu.memory_space<vmem>>[vector<16xi32>], vector<16xf32>, vector<16xi1>
          %max3A_767 = arith.maximumf %gather3A_766, %add3A_457 : vector<16xf32>
          tpu.vector_store_idx %arg35[%add3A_765], %max3A_767 masked %eq3A_753 : memref<61440xf32, #tpu.memory_space<vmem>>[vector<16xi32>], vector<16xf32>, vector<16xi1>
          %add3A_768 = arith.constant 30720 : i32
          %add3A_769 = vector.broadcast %add3A_768 : i32 to vector<16xi32>
          %add3A_770 = arith.addi %get3A_221, %add3A_769 : vector<16xi32>
          %gather3A_771 = tpu.vector_load_idx %arg35[%add3A_770] masked %eq3A_753 : memref<61440xf32, #tpu.memory_space<vmem>>[vector<16xi32>], vector<16xf32>, vector<16xi1>
          %max3A_772 = arith.maximumf %gather3A_771, %add3A_504 : vector<16xf32>
          tpu.vector_store_idx %arg35[%add3A_770], %max3A_772 masked %eq3A_753 : memref<61440xf32, #tpu.memory_space<vmem>>[vector<16xi32>], vector<16xf32>, vector<16xi1>
          %add3A_773 = arith.constant 40960 : i32
          %add3A_774 = vector.broadcast %add3A_773 : i32 to vector<16xi32>
          %add3A_775 = arith.addi %get3A_221, %add3A_774 : vector<16xi32>
          %gather3A_776 = tpu.vector_load_idx %arg35[%add3A_775] masked %eq3A_753 : memref<61440xf32, #tpu.memory_space<vmem>>[vector<16xi32>], vector<16xf32>, vector<16xi1>
          %max3A_777 = arith.maximumf %gather3A_776, %add3A_551 : vector<16xf32>
          tpu.vector_store_idx %arg35[%add3A_775], %max3A_777 masked %eq3A_753 : memref<61440xf32, #tpu.memory_space<vmem>>[vector<16xi32>], vector<16xf32>, vector<16xi1>
          %add3A_778 = arith.constant 51200 : i32
          %add3A_779 = vector.broadcast %add3A_778 : i32 to vector<16xi32>
          %add3A_780 = arith.addi %get3A_221, %add3A_779 : vector<16xi32>
          %gather3A_781 = tpu.vector_load_idx %arg35[%add3A_780] masked %eq3A_753 : memref<61440xf32, #tpu.memory_space<vmem>>[vector<16xi32>], vector<16xf32>, vector<16xi1>
          %max3A_782 = arith.maximumf %gather3A_781, %add3A_598 : vector<16xf32>
          tpu.vector_store_idx %arg35[%add3A_780], %max3A_782 masked %eq3A_753 : memref<61440xf32, #tpu.memory_space<vmem>>[vector<16xi32>], vector<16xf32>, vector<16xi1>
        }
        %scan3A_750 = arith.constant 16 : i32
      }
      %scan3A_217 = arith.constant 16 : i32
    }
    %scan3A_15 = arith.constant 40 : i32
    "tpu.region"() ({
      %run_scoped3A = tpu.sem_alloc : memref<!tpu.dma_semaphore, #tpu.memory_space<semaphore_mem>>
      %dma_start3A = arith.constant 0 : i32
      %dma_start3A_16 = tpu.memref_slice %arg7[%add3A, %dma_start3A] : memref<32x61440xf32, #tpu.memory_space<hbm>> -> memref<1x61440xf32, #tpu.memory_space<hbm>>
      %dma_start3A_17 = tpu.memref_squeeze %dma_start3A_16 : memref<1x61440xf32, #tpu.memory_space<hbm>> -> memref<61440xf32, #tpu.memory_space<hbm>>
      %dma_start3A_18 = arith.constant 0 : i32
      %dma_start3A_19 = tpu.memref_slice %arg7[%add3A, %dma_start3A_18] : memref<32x61440xf32, #tpu.memory_space<hbm>> -> memref<1x61440xf32, #tpu.memory_space<hbm>>
      %dma_start3A_20 = tpu.memref_squeeze %dma_start3A_19 : memref<1x61440xf32, #tpu.memory_space<hbm>> -> memref<61440xf32, #tpu.memory_space<hbm>>
      tpu.enqueue_dma source(%arg35 : memref<61440xf32, #tpu.memory_space<vmem>>) target(%dma_start3A_20 : memref<61440xf32, #tpu.memory_space<hbm>>) target_semaphore(%run_scoped3A : memref<!tpu.dma_semaphore, #tpu.memory_space<semaphore_mem>>)
      %dma_wait3A = arith.constant 0 : i32
      %dma_wait3A_21 = tpu.memref_slice %arg7[%add3A, %dma_wait3A] : memref<32x61440xf32, #tpu.memory_space<hbm>> -> memref<1x61440xf32, #tpu.memory_space<hbm>>
      %dma_wait3A_22 = tpu.memref_squeeze %dma_wait3A_21 : memref<1x61440xf32, #tpu.memory_space<hbm>> -> memref<61440xf32, #tpu.memory_space<hbm>>
      %dma_wait3A_23 = arith.constant 0 : i32
      %dma_wait3A_24 = tpu.memref_slice %arg7[%add3A, %dma_wait3A_23] : memref<32x61440xf32, #tpu.memory_space<hbm>> -> memref<1x61440xf32, #tpu.memory_space<hbm>>
      %dma_wait3A_25 = tpu.memref_squeeze %dma_wait3A_24 : memref<1x61440xf32, #tpu.memory_space<hbm>> -> memref<61440xf32, #tpu.memory_space<hbm>>
      tpu.wait_dma2 semaphore(%run_scoped3A : memref<!tpu.dma_semaphore, #tpu.memory_space<semaphore_mem>>) src(%arg35 : memref<61440xf32, #tpu.memory_space<vmem>>) dst(%dma_wait3A_25 : memref<61440xf32, #tpu.memory_space<hbm>>)
      tpu.yield
    }) : () -> ()
    return
  }
}

module attributes {stable_mosaic.version = 14 : i64} {
  func.func @_prep0_body(%arg0: i32, %arg1: memref<3x1024xf32, #tpu.memory_space<vmem>>, %arg2: memref<6x3xf32, #tpu.memory_space<vmem>>, %arg3: memref<6x3xf32, #tpu.memory_space<vmem>>, %arg4: memref<6x1xf32, #tpu.memory_space<vmem>>, %arg5: memref<6x1024xf32, #tpu.memory_space<vmem>>, %arg6: memref<6x1024xf32, #tpu.memory_space<vmem>>) attributes {dimension_semantics = [#tpu.dimension_semantics<arbitrary>], iteration_bounds = array<i64: 10>, scalar_prefetch = 0 : i64, scratch_operands = 0 : i64, tpu.core_type = #tpu.core_type<tc>, window_params = [{transform_indices = @transform_0, window_bounds = array<i64: 3, 1024>}, {pipeline_mode = #tpu.pipeline_mode<synchronous>, transform_indices = @transform_1, window_bounds = array<i64: 6, 3>}, {pipeline_mode = #tpu.pipeline_mode<synchronous>, transform_indices = @transform_2, window_bounds = array<i64: 6, 3>}, {pipeline_mode = #tpu.pipeline_mode<synchronous>, transform_indices = @transform_3, window_bounds = array<i64: 6, 1>}, {transform_indices = @transform_4, window_bounds = array<i64: 6, 1024>}, {transform_indices = @transform_5, window_bounds = array<i64: 6, 1024>}]} {
    %get3A = arith.constant 0 : index
    %get3A_0 = arith.constant 0 : index
    %get3A_1 = vector.load %arg1[%get3A, %get3A_0] : memref<3x1024xf32, #tpu.memory_space<vmem>>, vector<3x1024xf32>
    %get3A_2 = arith.constant 0 : index
    %get3A_3 = arith.constant 0 : index
    %get3A_4 = vector.load %arg3[%get3A_2, %get3A_3] : memref<6x3xf32, #tpu.memory_space<vmem>>, vector<6x3xf32>
    %dot_general3A = arith.constant dense<0.000000e+00> : vector<6x1024xf32>
    %dot_general3A_5 = tpu.matmul %get3A_4, %get3A_1, %dot_general3A {dimension_numbers = #tpu.dot_dimension_numbers<[1], [0], [0], [1], [0, 0, 1, 1], [], []>, transpose_lhs_hint = false} : vector<6x3xf32>, vector<3x1024xf32>, vector<6x1024xf32> -> vector<6x1024xf32>
    %get3A_6 = arith.constant 0 : index
    %get3A_7 = arith.constant 0 : index
    %get3A_8 = vector.load %arg2[%get3A_6, %get3A_7] : memref<6x3xf32, #tpu.memory_space<vmem>>, vector<6x3xf32>
    %dot_general3A_9 = arith.constant dense<0.000000e+00> : vector<6x1024xf32>
    %dot_general3A_10 = tpu.matmul %get3A_8, %get3A_1, %dot_general3A_9 {dimension_numbers = #tpu.dot_dimension_numbers<[1], [0], [0], [1], [0, 0, 1, 1], [], []>, transpose_lhs_hint = false} : vector<6x3xf32>, vector<3x1024xf32>, vector<6x1024xf32> -> vector<6x1024xf32>
    %get3A_11 = arith.constant 0 : index
    %get3A_12 = arith.constant 0 : index
    %get3A_13 = vector.load %arg4[%get3A_11, %get3A_12] : memref<6x1xf32, #tpu.memory_space<vmem>>, vector<6x1xf32>
    %add3A = vector.broadcast %get3A_13 : vector<6x1xf32> to vector<6x1024xf32>
    %add3A_14 = arith.addf %dot_general3A_10, %add3A : vector<6x1024xf32>
    %swap3A = arith.constant 0 : index
    %swap3A_15 = arith.constant 0 : index
    %swap3A_16 = vector.load %arg5[%swap3A, %swap3A_15] : memref<6x1024xf32, #tpu.memory_space<vmem>>, vector<6x1024xf32>
    tpu.vector_store %arg5[%swap3A, %swap3A_15], %add3A_14 {strides = array<i32>} : memref<6x1024xf32, #tpu.memory_space<vmem>>, vector<6x1024xf32>,
    %swap3A_17 = arith.constant 0 : index
    %swap3A_18 = arith.constant 0 : index
    %swap3A_19 = vector.load %arg6[%swap3A_17, %swap3A_18] : memref<6x1024xf32, #tpu.memory_space<vmem>>, vector<6x1024xf32>
    tpu.vector_store %arg6[%swap3A_17, %swap3A_18], %dot_general3A_5 {strides = array<i32>} : memref<6x1024xf32, #tpu.memory_space<vmem>>, vector<6x1024xf32>,
    return
  }
  func.func @transform_0(%arg0: i32) -> (i32, i32) {
    %c0_i32 = arith.constant 0 : i32
    %c0_i32_0 = arith.constant 0 : i32
    return %c0_i32, %arg0 : i32, i32
  }
  func.func @transform_1(%arg0: i32) -> (i32, i32) {
    %c0_i32 = arith.constant 0 : i32
    %c0_i32_0 = arith.constant 0 : i32
    %c0_i32_1 = arith.constant 0 : i32
    return %c0_i32, %c0_i32_0 : i32, i32
  }
  func.func @transform_2(%arg0: i32) -> (i32, i32) {
    %c0_i32 = arith.constant 0 : i32
    %c0_i32_0 = arith.constant 0 : i32
    %c0_i32_1 = arith.constant 0 : i32
    return %c0_i32, %c0_i32_0 : i32, i32
  }
  func.func @transform_3(%arg0: i32) -> (i32, i32) {
    %c0_i32 = arith.constant 0 : i32
    %c0_i32_0 = arith.constant 0 : i32
    %c0_i32_1 = arith.constant 0 : i32
    return %c0_i32, %c0_i32_0 : i32, i32
  }
  func.func @transform_4(%arg0: i32) -> (i32, i32) {
    %c0_i32 = arith.constant 0 : i32
    %c0_i32_0 = arith.constant 0 : i32
    return %c0_i32, %arg0 : i32, i32
  }
  func.func @transform_5(%arg0: i32) -> (i32, i32) {
    %c0_i32 = arith.constant 0 : i32
    %c0_i32_0 = arith.constant 0 : i32
    return %c0_i32, %arg0 : i32, i32
  }
}

module attributes {stable_mosaic.version = 14 : i64} {
  func.func @_prep_body(%arg0: i32, %arg1: memref<32x3x1024xf32, #tpu.memory_space<vmem>>, %arg2: memref<3x1024xf32, #tpu.memory_space<vmem>>, %arg3: memref<12x3xf32, #tpu.memory_space<vmem>>, %arg4: memref<12x3xf32, #tpu.memory_space<vmem>>, %arg5: memref<12x1xf32, #tpu.memory_space<vmem>>, %arg6: memref<3x1xf32, #tpu.memory_space<vmem>>, %arg7: memref<12x1024xf32, #tpu.memory_space<vmem>>, %arg8: memref<12x1024xf32, #tpu.memory_space<vmem>>) attributes {dimension_semantics = [#tpu.dimension_semantics<arbitrary>], iteration_bounds = array<i64: 10>, scalar_prefetch = 0 : i64, scratch_operands = 0 : i64, tpu.core_type = #tpu.core_type<tc>, window_params = [{transform_indices = @transform_0, window_bounds = array<i64: 32, 3, 1024>}, {transform_indices = @transform_1, window_bounds = array<i64: 3, 1024>}, {pipeline_mode = #tpu.pipeline_mode<synchronous>, transform_indices = @transform_2, window_bounds = array<i64: 12, 3>}, {pipeline_mode = #tpu.pipeline_mode<synchronous>, transform_indices = @transform_3, window_bounds = array<i64: 12, 3>}, {pipeline_mode = #tpu.pipeline_mode<synchronous>, transform_indices = @transform_4, window_bounds = array<i64: 12, 1>}, {pipeline_mode = #tpu.pipeline_mode<synchronous>, transform_indices = @transform_5, window_bounds = array<i64: 3, 1>}, {transform_indices = @transform_6, window_bounds = array<i64: 12, 1024>}, {transform_indices = @transform_7, window_bounds = array<i64: 12, 1024>}]} {
    %get3A = arith.constant 0 : index
    %get3A_0 = arith.constant 0 : index
    %get3A_1 = arith.constant 0 : index
    %get3A_2 = vector.load %arg1[%get3A, %get3A_0, %get3A_1] : memref<32x3x1024xf32, #tpu.memory_space<vmem>>, vector<32x3x1024xf32>
    %reduce_max3A = arith.constant dense<0xFF800000> : vector<3x1024xf32>
    %reduce_max3A_3 = vector.multi_reduction <maximumf>, %get3A_2, %reduce_max3A [0] : vector<32x3x1024xf32> to vector<3x1024xf32>
    %get3A_4 = arith.constant 0 : index
    %get3A_5 = arith.constant 0 : index
    %get3A_6 = vector.load %arg6[%get3A_4, %get3A_5] : memref<3x1xf32, #tpu.memory_space<vmem>>, vector<3x1xf32>
    %add3A = vector.broadcast %get3A_6 : vector<3x1xf32> to vector<3x1024xf32>
    %add3A_7 = arith.addf %reduce_max3A_3, %add3A : vector<3x1024xf32>
    %max3A = arith.constant 0.000000e+00 : f32
    %max3A_8 = vector.broadcast %max3A : f32 to vector<3x1024xf32>
    %max3A_9 = arith.maximumf %add3A_7, %max3A_8 : vector<3x1024xf32>
    %get3A_10 = arith.constant 0 : index
    %get3A_11 = arith.constant 0 : index
    %get3A_12 = vector.load %arg2[%get3A_10, %get3A_11] : memref<3x1024xf32, #tpu.memory_space<vmem>>, vector<3x1024xf32>
    %get3A_13 = arith.constant 0 : index
    %get3A_14 = arith.constant 0 : index
    %get3A_15 = vector.load %arg4[%get3A_13, %get3A_14] : memref<12x3xf32, #tpu.memory_space<vmem>>, vector<12x3xf32>
    %dot_general3A = arith.constant dense<0.000000e+00> : vector<12x1024xf32>
    %dot_general3A_16 = tpu.matmul %get3A_15, %get3A_12, %dot_general3A {dimension_numbers = #tpu.dot_dimension_numbers<[1], [0], [0], [1], [0, 0, 1, 1], [], []>, transpose_lhs_hint = false} : vector<12x3xf32>, vector<3x1024xf32>, vector<12x1024xf32> -> vector<12x1024xf32>
    %get3A_17 = arith.constant 0 : index
    %get3A_18 = arith.constant 0 : index
    %get3A_19 = vector.load %arg3[%get3A_17, %get3A_18] : memref<12x3xf32, #tpu.memory_space<vmem>>, vector<12x3xf32>
    %dot_general3A_20 = arith.constant dense<0.000000e+00> : vector<12x1024xf32>
    %dot_general3A_21 = tpu.matmul %get3A_19, %max3A_9, %dot_general3A_20 {dimension_numbers = #tpu.dot_dimension_numbers<[1], [0], [0], [1], [0, 0, 1, 1], [], []>, transpose_lhs_hint = false} : vector<12x3xf32>, vector<3x1024xf32>, vector<12x1024xf32> -> vector<12x1024xf32>
    %add3A_22 = arith.addf %dot_general3A_21, %dot_general3A_16 : vector<12x1024xf32>
    %get3A_23 = arith.constant 0 : index
    %get3A_24 = arith.constant 0 : index
    %get3A_25 = vector.load %arg5[%get3A_23, %get3A_24] : memref<12x1xf32, #tpu.memory_space<vmem>>, vector<12x1xf32>
    %add3A_26 = vector.broadcast %get3A_25 : vector<12x1xf32> to vector<12x1024xf32>
    %add3A_27 = arith.addf %add3A_22, %add3A_26 : vector<12x1024xf32>
    %swap3A = arith.constant 0 : index
    %swap3A_28 = arith.constant 0 : index
    %swap3A_29 = vector.load %arg7[%swap3A, %swap3A_28] : memref<12x1024xf32, #tpu.memory_space<vmem>>, vector<12x1024xf32>
    tpu.vector_store %arg7[%swap3A, %swap3A_28], %add3A_27 {strides = array<i32>} : memref<12x1024xf32, #tpu.memory_space<vmem>>, vector<12x1024xf32>,
    %swap3A_30 = arith.constant 0 : index
    %swap3A_31 = arith.constant 0 : index
    %swap3A_32 = vector.load %arg8[%swap3A_30, %swap3A_31] : memref<12x1024xf32, #tpu.memory_space<vmem>>, vector<12x1024xf32>
    tpu.vector_store %arg8[%swap3A_30, %swap3A_31], %dot_general3A_16 {strides = array<i32>} : memref<12x1024xf32, #tpu.memory_space<vmem>>, vector<12x1024xf32>,
    return
  }
  func.func @transform_0(%arg0: i32) -> (i32, i32, i32) {
    %c0_i32 = arith.constant 0 : i32
    %c0_i32_0 = arith.constant 0 : i32
    %c0_i32_1 = arith.constant 0 : i32
    return %c0_i32, %c0_i32_0, %arg0 : i32, i32, i32
  }
  func.func @transform_1(%arg0: i32) -> (i32, i32) {
    %c0_i32 = arith.constant 0 : i32
    %c0_i32_0 = arith.constant 0 : i32
    return %c0_i32, %arg0 : i32, i32
  }
  func.func @transform_2(%arg0: i32) -> (i32, i32) {
    %c0_i32 = arith.constant 0 : i32
    %c0_i32_0 = arith.constant 0 : i32
    %c0_i32_1 = arith.constant 0 : i32
    return %c0_i32, %c0_i32_0 : i32, i32
  }
  func.func @transform_3(%arg0: i32) -> (i32, i32) {
    %c0_i32 = arith.constant 0 : i32
    %c0_i32_0 = arith.constant 0 : i32
    %c0_i32_1 = arith.constant 0 : i32
    return %c0_i32, %c0_i32_0 : i32, i32
  }
  func.func @transform_4(%arg0: i32) -> (i32, i32) {
    %c0_i32 = arith.constant 0 : i32
    %c0_i32_0 = arith.constant 0 : i32
    %c0_i32_1 = arith.constant 0 : i32
    return %c0_i32, %c0_i32_0 : i32, i32
  }
  func.func @transform_5(%arg0: i32) -> (i32, i32) {
    %c0_i32 = arith.constant 0 : i32
    %c0_i32_0 = arith.constant 0 : i32
    %c0_i32_1 = arith.constant 0 : i32
    return %c0_i32, %c0_i32_0 : i32, i32
  }
  func.func @transform_6(%arg0: i32) -> (i32, i32) {
    %c0_i32 = arith.constant 0 : i32
    %c0_i32_0 = arith.constant 0 : i32
    return %c0_i32, %arg0 : i32, i32
  }
  func.func @transform_7(%arg0: i32) -> (i32, i32) {
    %c0_i32 = arith.constant 0 : i32
    %c0_i32_0 = arith.constant 0 : i32
    return %c0_i32, %arg0 : i32, i32
  }
}

module attributes {stable_mosaic.version = 14 : i64} {
  func.func @_prep_body(%arg0: i32, %arg1: memref<32x6x1024xf32, #tpu.memory_space<vmem>>, %arg2: memref<3x1024xf32, #tpu.memory_space<vmem>>, %arg3: memref<18x6xf32, #tpu.memory_space<vmem>>, %arg4: memref<18x3xf32, #tpu.memory_space<vmem>>, %arg5: memref<18x1xf32, #tpu.memory_space<vmem>>, %arg6: memref<6x1xf32, #tpu.memory_space<vmem>>, %arg7: memref<18x1024xf32, #tpu.memory_space<vmem>>, %arg8: memref<18x1024xf32, #tpu.memory_space<vmem>>) attributes {dimension_semantics = [#tpu.dimension_semantics<arbitrary>], iteration_bounds = array<i64: 10>, scalar_prefetch = 0 : i64, scratch_operands = 0 : i64, tpu.core_type = #tpu.core_type<tc>, window_params = [{transform_indices = @transform_0, window_bounds = array<i64: 32, 6, 1024>}, {transform_indices = @transform_1, window_bounds = array<i64: 3, 1024>}, {pipeline_mode = #tpu.pipeline_mode<synchronous>, transform_indices = @transform_2, window_bounds = array<i64: 18, 6>}, {pipeline_mode = #tpu.pipeline_mode<synchronous>, transform_indices = @transform_3, window_bounds = array<i64: 18, 3>}, {pipeline_mode = #tpu.pipeline_mode<synchronous>, transform_indices = @transform_4, window_bounds = array<i64: 18, 1>}, {pipeline_mode = #tpu.pipeline_mode<synchronous>, transform_indices = @transform_5, window_bounds = array<i64: 6, 1>}, {transform_indices = @transform_6, window_bounds = array<i64: 18, 1024>}, {transform_indices = @transform_7, window_bounds = array<i64: 18, 1024>}]} {
    %get3A = arith.constant 0 : index
    %get3A_0 = arith.constant 0 : index
    %get3A_1 = arith.constant 0 : index
    %get3A_2 = vector.load %arg1[%get3A, %get3A_0, %get3A_1] : memref<32x6x1024xf32, #tpu.memory_space<vmem>>, vector<32x6x1024xf32>
    %reduce_max3A = arith.constant dense<0xFF800000> : vector<6x1024xf32>
    %reduce_max3A_3 = vector.multi_reduction <maximumf>, %get3A_2, %reduce_max3A [0] : vector<32x6x1024xf32> to vector<6x1024xf32>
    %get3A_4 = arith.constant 0 : index
    %get3A_5 = arith.constant 0 : index
    %get3A_6 = vector.load %arg6[%get3A_4, %get3A_5] : memref<6x1xf32, #tpu.memory_space<vmem>>, vector<6x1xf32>
    %add3A = vector.broadcast %get3A_6 : vector<6x1xf32> to vector<6x1024xf32>
    %add3A_7 = arith.addf %reduce_max3A_3, %add3A : vector<6x1024xf32>
    %max3A = arith.constant 0.000000e+00 : f32
    %max3A_8 = vector.broadcast %max3A : f32 to vector<6x1024xf32>
    %max3A_9 = arith.maximumf %add3A_7, %max3A_8 : vector<6x1024xf32>
    %get3A_10 = arith.constant 0 : index
    %get3A_11 = arith.constant 0 : index
    %get3A_12 = vector.load %arg2[%get3A_10, %get3A_11] : memref<3x1024xf32, #tpu.memory_space<vmem>>, vector<3x1024xf32>
    %get3A_13 = arith.constant 0 : index
    %get3A_14 = arith.constant 0 : index
    %get3A_15 = vector.load %arg4[%get3A_13, %get3A_14] : memref<18x3xf32, #tpu.memory_space<vmem>>, vector<18x3xf32>
    %dot_general3A = arith.constant dense<0.000000e+00> : vector<18x1024xf32>
    %dot_general3A_16 = tpu.matmul %get3A_15, %get3A_12, %dot_general3A {dimension_numbers = #tpu.dot_dimension_numbers<[1], [0], [0], [1], [0, 0, 1, 1], [], []>, transpose_lhs_hint = false} : vector<18x3xf32>, vector<3x1024xf32>, vector<18x1024xf32> -> vector<18x1024xf32>
    %get3A_17 = arith.constant 0 : index
    %get3A_18 = arith.constant 0 : index
    %get3A_19 = vector.load %arg3[%get3A_17, %get3A_18] : memref<18x6xf32, #tpu.memory_space<vmem>>, vector<18x6xf32>
    %dot_general3A_20 = arith.constant dense<0.000000e+00> : vector<18x1024xf32>
    %dot_general3A_21 = tpu.matmul %get3A_19, %max3A_9, %dot_general3A_20 {dimension_numbers = #tpu.dot_dimension_numbers<[1], [0], [0], [1], [0, 0, 1, 1], [], []>, transpose_lhs_hint = false} : vector<18x6xf32>, vector<6x1024xf32>, vector<18x1024xf32> -> vector<18x1024xf32>
    %add3A_22 = arith.addf %dot_general3A_21, %dot_general3A_16 : vector<18x1024xf32>
    %get3A_23 = arith.constant 0 : index
    %get3A_24 = arith.constant 0 : index
    %get3A_25 = vector.load %arg5[%get3A_23, %get3A_24] : memref<18x1xf32, #tpu.memory_space<vmem>>, vector<18x1xf32>
    %add3A_26 = vector.broadcast %get3A_25 : vector<18x1xf32> to vector<18x1024xf32>
    %add3A_27 = arith.addf %add3A_22, %add3A_26 : vector<18x1024xf32>
    %swap3A = arith.constant 0 : index
    %swap3A_28 = arith.constant 0 : index
    %swap3A_29 = vector.load %arg7[%swap3A, %swap3A_28] : memref<18x1024xf32, #tpu.memory_space<vmem>>, vector<18x1024xf32>
    tpu.vector_store %arg7[%swap3A, %swap3A_28], %add3A_27 {strides = array<i32>} : memref<18x1024xf32, #tpu.memory_space<vmem>>, vector<18x1024xf32>,
    %swap3A_30 = arith.constant 0 : index
    %swap3A_31 = arith.constant 0 : index
    %swap3A_32 = vector.load %arg8[%swap3A_30, %swap3A_31] : memref<18x1024xf32, #tpu.memory_space<vmem>>, vector<18x1024xf32>
    tpu.vector_store %arg8[%swap3A_30, %swap3A_31], %dot_general3A_16 {strides = array<i32>} : memref<18x1024xf32, #tpu.memory_space<vmem>>, vector<18x1024xf32>,
    return
  }
  func.func @transform_0(%arg0: i32) -> (i32, i32, i32) {
    %c0_i32 = arith.constant 0 : i32
    %c0_i32_0 = arith.constant 0 : i32
    %c0_i32_1 = arith.constant 0 : i32
    return %c0_i32, %c0_i32_0, %arg0 : i32, i32, i32
  }
  func.func @transform_1(%arg0: i32) -> (i32, i32) {
    %c0_i32 = arith.constant 0 : i32
    %c0_i32_0 = arith.constant 0 : i32
    return %c0_i32, %arg0 : i32, i32
  }
  func.func @transform_2(%arg0: i32) -> (i32, i32) {
    %c0_i32 = arith.constant 0 : i32
    %c0_i32_0 = arith.constant 0 : i32
    %c0_i32_1 = arith.constant 0 : i32
    return %c0_i32, %c0_i32_0 : i32, i32
  }
  func.func @transform_3(%arg0: i32) -> (i32, i32) {
    %c0_i32 = arith.constant 0 : i32
    %c0_i32_0 = arith.constant 0 : i32
    %c0_i32_1 = arith.constant 0 : i32
    return %c0_i32, %c0_i32_0 : i32, i32
  }
  func.func @transform_4(%arg0: i32) -> (i32, i32) {
    %c0_i32 = arith.constant 0 : i32
    %c0_i32_0 = arith.constant 0 : i32
    %c0_i32_1 = arith.constant 0 : i32
    return %c0_i32, %c0_i32_0 : i32, i32
  }
  func.func @transform_5(%arg0: i32) -> (i32, i32) {
    %c0_i32 = arith.constant 0 : i32
    %c0_i32_0 = arith.constant 0 : i32
    %c0_i32_1 = arith.constant 0 : i32
    return %c0_i32, %c0_i32_0 : i32, i32
  }
  func.func @transform_6(%arg0: i32) -> (i32, i32) {
    %c0_i32 = arith.constant 0 : i32
    %c0_i32_0 = arith.constant 0 : i32
    return %c0_i32, %arg0 : i32, i32
  }
  func.func @transform_7(%arg0: i32) -> (i32, i32) {
    %c0_i32 = arith.constant 0 : i32
    %c0_i32_0 = arith.constant 0 : i32
    return %c0_i32, %arg0 : i32, i32
  }
}

module attributes {stable_mosaic.version = 14 : i64} {
  func.func @_head_body(%arg0: i32, %arg1: memref<32x9x1024xf32, #tpu.memory_space<vmem>>, %arg2: memref<9x1xf32, #tpu.memory_space<vmem>>, %arg3: memref<6x9xf32, #tpu.memory_space<vmem>>, %arg4: memref<6x1xf32, #tpu.memory_space<vmem>>, %arg5: memref<40x6xf32, #tpu.memory_space<vmem>>, %arg6: memref<40x1xf32, #tpu.memory_space<vmem>>, %arg7: memref<40x1xf32, #tpu.memory_space<vmem>>, %arg8: memref<16x128xf32, #tpu.memory_space<vmem>>) attributes {dimension_semantics = [#tpu.dimension_semantics<arbitrary>], iteration_bounds = array<i64: 10>, scalar_prefetch = 0 : i64, scratch_operands = 1 : i64, tpu.core_type = #tpu.core_type<tc>, window_params = [{transform_indices = @transform_0, window_bounds = array<i64: 32, 9, 1024>}, {pipeline_mode = #tpu.pipeline_mode<synchronous>, transform_indices = @transform_1, window_bounds = array<i64: 9, 1>}, {pipeline_mode = #tpu.pipeline_mode<synchronous>, transform_indices = @transform_2, window_bounds = array<i64: 6, 9>}, {pipeline_mode = #tpu.pipeline_mode<synchronous>, transform_indices = @transform_3, window_bounds = array<i64: 6, 1>}, {pipeline_mode = #tpu.pipeline_mode<synchronous>, transform_indices = @transform_4, window_bounds = array<i64: 40, 6>}, {pipeline_mode = #tpu.pipeline_mode<synchronous>, transform_indices = @transform_5, window_bounds = array<i64: 40, 1>}, {pipeline_mode = #tpu.pipeline_mode<synchronous>, transform_indices = @transform_6, window_bounds = array<i64: 40, 1>}]} {
    %get3A = arith.constant 0 : index
    %get3A_0 = arith.constant 0 : index
    %get3A_1 = arith.constant 0 : index
    %get3A_2 = vector.load %arg1[%get3A, %get3A_0, %get3A_1] : memref<32x9x1024xf32, #tpu.memory_space<vmem>>, vector<32x9x1024xf32>
    %reduce_max3A = arith.constant dense<0xFF800000> : vector<9x1024xf32>
    %reduce_max3A_3 = vector.multi_reduction <maximumf>, %get3A_2, %reduce_max3A [0] : vector<32x9x1024xf32> to vector<9x1024xf32>
    %get3A_4 = arith.constant 0 : index
    %get3A_5 = arith.constant 0 : index
    %get3A_6 = vector.load %arg2[%get3A_4, %get3A_5] : memref<9x1xf32, #tpu.memory_space<vmem>>, vector<9x1xf32>
    %add3A = vector.broadcast %get3A_6 : vector<9x1xf32> to vector<9x1024xf32>
    %add3A_7 = arith.addf %reduce_max3A_3, %add3A : vector<9x1024xf32>
    %max3A = arith.constant 0.000000e+00 : f32
    %max3A_8 = vector.broadcast %max3A : f32 to vector<9x1024xf32>
    %max3A_9 = arith.maximumf %add3A_7, %max3A_8 : vector<9x1024xf32>
    %reduce_max3A_10 = arith.constant dense<0xFF800000> : vector<9xf32>
    %reduce_max3A_11 = vector.multi_reduction <maximumf>, %max3A_9, %reduce_max3A_10 [1] : vector<9x1024xf32> to vector<9xf32>
    %broadcast_in_dim3A = vector.shape_cast %reduce_max3A_11 : vector<9xf32> to vector<9x1xf32>
    %eq3A = arith.constant 0 : i32
    %eq3A_12 = arith.cmpi eq, %arg0, %eq3A : i32
    %convert_element_type3A = arith.extui %eq3A_12 : i1 to i32
    %cond3A = arith.constant 0 : i32
    %cond3A_13 = arith.cmpi ne, %convert_element_type3A, %cond3A : i32
    scf.if %cond3A_13 {
      %swap3A_50 = arith.constant 0 : index
      %swap3A_51 = arith.constant 0 : index
      %swap3A_52 = vector.load %arg8[%swap3A_50, %swap3A_51] : memref<16x128xf32, #tpu.memory_space<vmem>>, vector<9x1xf32>
      tpu.vector_store %arg8[%swap3A_50, %swap3A_51], %broadcast_in_dim3A {strides = array<i32>} : memref<16x128xf32, #tpu.memory_space<vmem>>, vector<9x1xf32>,
    } else {
    }
    %gt3A = arith.constant 0 : i32
    %gt3A_14 = arith.cmpi sgt, %arg0, %gt3A : i32
    %convert_element_type3A_15 = arith.extui %gt3A_14 : i1 to i32
    %cond3A_16 = arith.constant 0 : i32
    %cond3A_17 = arith.cmpi ne, %convert_element_type3A_15, %cond3A_16 : i32
    scf.if %cond3A_17 {
      %get3A_50 = arith.constant 0 : index
      %get3A_51 = arith.constant 0 : index
      %get3A_52 = vector.load %arg8[%get3A_50, %get3A_51] : memref<16x128xf32, #tpu.memory_space<vmem>>, vector<9x1xf32>
      %max3A_53 = arith.maximumf %get3A_52, %broadcast_in_dim3A : vector<9x1xf32>
      %swap3A_54 = arith.constant 0 : index
      %swap3A_55 = arith.constant 0 : index
      %swap3A_56 = vector.load %arg8[%swap3A_54, %swap3A_55] : memref<16x128xf32, #tpu.memory_space<vmem>>, vector<9x1xf32>
      tpu.vector_store %arg8[%swap3A_54, %swap3A_55], %max3A_53 {strides = array<i32>} : memref<16x128xf32, #tpu.memory_space<vmem>>, vector<9x1xf32>,
    } else {
    }
    %get3A_18 = arith.constant 0 : index
    %get3A_19 = arith.constant 0 : index
    %get3A_20 = vector.load %arg8[%get3A_18, %get3A_19] : memref<16x128xf32, #tpu.memory_space<vmem>>, vector<9x1xf32>
    %get3A_21 = arith.constant 0 : index
    %get3A_22 = arith.constant 0 : index
    %get3A_23 = vector.load %arg3[%get3A_21, %get3A_22] : memref<6x9xf32, #tpu.memory_space<vmem>>, vector<6x9xf32>
    %dot_general3A = arith.constant dense<0.000000e+00> : vector<6x1xf32>
    %dot_general3A_24 = tpu.matmul %get3A_23, %get3A_20, %dot_general3A {dimension_numbers = #tpu.dot_dimension_numbers<[1], [0], [0], [1], [0, 0, 1, 1], [], []>, transpose_lhs_hint = false} : vector<6x9xf32>, vector<9x1xf32>, vector<6x1xf32> -> vector<6x1xf32>
    %get3A_25 = arith.constant 0 : index
    %get3A_26 = arith.constant 0 : index
    %get3A_27 = vector.load %arg4[%get3A_25, %get3A_26] : memref<6x1xf32, #tpu.memory_space<vmem>>, vector<6x1xf32>
    %add3A_28 = arith.addf %dot_general3A_24, %get3A_27 : vector<6x1xf32>
    %max3A_29 = arith.constant 0.000000e+00 : f32
    %max3A_30 = vector.broadcast %max3A_29 : f32 to vector<6x1xf32>
    %max3A_31 = arith.maximumf %add3A_28, %max3A_30 : vector<6x1xf32>
    %get3A_32 = arith.constant 0 : index
    %get3A_33 = arith.constant 0 : index
    %get3A_34 = vector.load %arg5[%get3A_32, %get3A_33] : memref<40x6xf32, #tpu.memory_space<vmem>>, vector<40x6xf32>
    %dot_general3A_35 = arith.constant dense<0.000000e+00> : vector<40x1xf32>
    %dot_general3A_36 = tpu.matmul %get3A_34, %max3A_31, %dot_general3A_35 {dimension_numbers = #tpu.dot_dimension_numbers<[1], [0], [0], [1], [0, 0, 1, 1], [], []>, transpose_lhs_hint = false} : vector<40x6xf32>, vector<6x1xf32>, vector<40x1xf32> -> vector<40x1xf32>
    %get3A_37 = arith.constant 0 : index
    %get3A_38 = arith.constant 0 : index
    %get3A_39 = vector.load %arg6[%get3A_37, %get3A_38] : memref<40x1xf32, #tpu.memory_space<vmem>>, vector<40x1xf32>
    %add3A_40 = arith.addf %dot_general3A_36, %get3A_39 : vector<40x1xf32>
    %reduce_max3A_41 = arith.constant dense<0xFF800000> : vector<1xf32>
    %reduce_max3A_42 = vector.multi_reduction <maximumf>, %add3A_40, %reduce_max3A_41 [0] : vector<40x1xf32> to vector<1xf32>
    %broadcast_in_dim3A_43 = vector.shape_cast %reduce_max3A_42 : vector<1xf32> to vector<1x1xf32>
    %sub3A = vector.broadcast %broadcast_in_dim3A_43 : vector<1x1xf32> to vector<40x1xf32>
    %sub3A_44 = arith.subf %add3A_40, %sub3A : vector<40x1xf32>
    %exp3A = math.exp %sub3A_44 : vector<40x1xf32>
    %reduce_sum3A = arith.constant dense<0.000000e+00> : vector<1xf32>
    %reduce_sum3A_45 = vector.multi_reduction <add>, %exp3A, %reduce_sum3A [0] : vector<40x1xf32> to vector<1xf32>
    %broadcast_in_dim3A_46 = vector.shape_cast %reduce_sum3A_45 : vector<1xf32> to vector<1x1xf32>
    %div3A = vector.broadcast %broadcast_in_dim3A_46 : vector<1x1xf32> to vector<40x1xf32>
    %div3A_47 = arith.divf %exp3A, %div3A : vector<40x1xf32>
    %swap3A = arith.constant 0 : index
    %swap3A_48 = arith.constant 0 : index
    %swap3A_49 = vector.load %arg7[%swap3A, %swap3A_48] : memref<40x1xf32, #tpu.memory_space<vmem>>, vector<40x1xf32>
    tpu.vector_store %arg7[%swap3A, %swap3A_48], %div3A_47 {strides = array<i32>} : memref<40x1xf32, #tpu.memory_space<vmem>>, vector<40x1xf32>,
    return
  }
  func.func @transform_0(%arg0: i32) -> (i32, i32, i32) {
    %c0_i32 = arith.constant 0 : i32
    %c0_i32_0 = arith.constant 0 : i32
    %c0_i32_1 = arith.constant 0 : i32
    return %c0_i32, %c0_i32_0, %arg0 : i32, i32, i32
  }
  func.func @transform_1(%arg0: i32) -> (i32, i32) {
    %c0_i32 = arith.constant 0 : i32
    %c0_i32_0 = arith.constant 0 : i32
    %c0_i32_1 = arith.constant 0 : i32
    return %c0_i32, %c0_i32_0 : i32, i32
  }
  func.func @transform_2(%arg0: i32) -> (i32, i32) {
    %c0_i32 = arith.constant 0 : i32
    %c0_i32_0 = arith.constant 0 : i32
    %c0_i32_1 = arith.constant 0 : i32
    return %c0_i32, %c0_i32_0 : i32, i32
  }
  func.func @transform_3(%arg0: i32) -> (i32, i32) {
    %c0_i32 = arith.constant 0 : i32
    %c0_i32_0 = arith.constant 0 : i32
    %c0_i32_1 = arith.constant 0 : i32
    return %c0_i32, %c0_i32_0 : i32, i32
  }
  func.func @transform_4(%arg0: i32) -> (i32, i32) {
    %c0_i32 = arith.constant 0 : i32
    %c0_i32_0 = arith.constant 0 : i32
    %c0_i32_1 = arith.constant 0 : i32
    return %c0_i32, %c0_i32_0 : i32, i32
  }
  func.func @transform_5(%arg0: i32) -> (i32, i32) {
    %c0_i32 = arith.constant 0 : i32
    %c0_i32_0 = arith.constant 0 : i32
    %c0_i32_1 = arith.constant 0 : i32
    return %c0_i32, %c0_i32_0 : i32, i32
  }
  func.func @transform_6(%arg0: i32) -> (i32, i32) {
    %c0_i32 = arith.constant 0 : i32
    %c0_i32_0 = arith.constant 0 : i32
    %c0_i32_1 = arith.constant 0 : i32
    return %c0_i32, %c0_i32_0 : i32, i32
  }
}

</mosaic_0001>

<sc_bundles>
// kernel: kernel.12.cloned.1.call-start
scs
__scs_entry_jumppad:
0x0: {  	(pc) =	sbr.rel $0x88, $3  }
0x1: {  	(tag) =	ssettag $0x0;
	lr =	simm.s32 $0x1  }
0x2: {  	[smem:$0x3F8C] =	sst lr;
	_ =	strace $0xD0000000  }
0x3: {  	_ = 	snop  }
0x4: {  	_ = 	snop  }
0x5: {  	_ = 	snop  }
0x6: {  	_ = 	snop  }
0x7: {  	_ = 	snop  }
__scs_overlays_trampoline_lowered:
0x8: {  	[smem:$0x3F9B] =	sst s0  }
0x9: {  	[smem:$0x3F9C] =	sst s1  }
0xa: {  	[smem:$0x3F9D] =	sst s2  }
0xb: {  	[smem:$0x3F9E] =	sst s3  }
0xc: {  	[smem:$0x3F9F] =	sst s4  }
0xd: {  	[smem:$0x3FA0] =	sst s5  }
0xe: {  	[smem:$0x3FA1] =	sst s6  }
0xf: {  	[smem:$0x3FA2] =	sst s7  }
0x10: {  	[smem:$0x3FA3] =	sst s8  }
0x11: {  	[smem:$0x3FA4] =	sst s9;
	s0 =	simm.s32 @!p0 $0x0  }
0x12: {  	s1 =	sld [smem:$0x3F8A];
	s0 =	simm.s32 @p0 $0x1  }
0x13: {  	[smem:$0x3FA5] =	sst s0;
	s0 =	simm.s32 @!p1 $0x0  }
0x14: {  	s2 =	sld [smem:$0x3F89];
	s0 =	simm.s32 @p1 $0x1  }
0x15: {  	[smem:$0x3FA6] =	sst s0;
	s0 =	simm.s32 @!p2 $0x0  }
0x16: {  	s3 =	sld [smem:$0x3FDB];
	s0 =	simm.s32 @p2 $0x1  }
0x17: {  	s4 =	simm.s32 $0x1BF5;
	[smem:$0x3FA8] =	sst s0  }
0x18: {  	s0 =	sld [smem:$0x3F8B];
	_ =	swait.ge [sflag:s4], $0x0  }
0x19: {  	s7 =	sld [smem:$0x3F8C]  }
0x1a: {  	s8 =	sadd.s32 $0xFFFFE003, lr  }
0x1b: {  	s9 =	sadd.s32 $0xFFFFFEF7, lr;
	s5 =	simm.s32 $0xFFFFFFFF;
	p2 =	slt.u32 s8, $0xFFFFF086  }
0x1c: {  	p1 =	slt.u32 s9, $0xF7A;
	s5 =	simm.s32 @!p2 $0x0  }
0x1d: {  	s5 =	simm.s32 @p1 $0x1;
	p0 =	seq.s32 s7, s2  }
0x1e: {  	s7 =	smul.u32 @!p0 $0xF7A, s2;
	p2 =	seq.s32 @!p0 s5, $0x0  }
0x1f: {  	s9 =	smul.u32 $0xF7A, s1;
	s8 =	simm.s32 @!p0 $0x1BF5;
	p2 =	por !p2, p0  }
0x20: {  	[sflag:s8] =	ssyncset.s32 @!p0 $0xFFFFF086;
	s6 =	sadd.s32 @!p0 s3, s7;
	s7 =	simm.s32 @!p0 $0x108  }
0x21: {  	s3 =	sadd.s32 s3, s9;
	s6 =	sadd.s32 @!p0 $0x88, s6;
	s7 =	simm.s32 @p2 $0x1082  }
0x22: {  	[simem:s7], [sflag:s8] =	dma.local @!p0 [hbm:s6], $0xF7A  }
0x23: {  	s9 =	sor.u32 $0xD0000000, s2;
	s6 =	simm.s32 $0x108;
	_ =	swait.ge @!p0 [sflag:s8], $0x0  }
0x24: {  	s3 =	sadd.s32 $0x88, s3;
	s6 =	simm.s32 @!p1 $0x1082;
	[sflag:s4] =	ssyncset.s32 $0xFFFFF086  }
0x25: {  	[simem:s6], [sflag:s4] =	dma.local [hbm:s3], $0xF7A  }
0x26: {  	[smem:$0x3F8C] =	sst s1;
	(tag) =	ssettag s2;
	_ =	strace s9  }
0x27: {  	s1 =	sld [smem:$0x3F9C]  }
0x28: {  	s2 =	sld [smem:$0x3F9D]  }
0x29: {  	s4 =	sld [smem:$0x3F9F]  }
0x2a: {  	p0 =	seq.s32 s5, $0x0;
	s5 =	sld [smem:$0x3FA0]  }
0x2b: {  	s6 =	sld [smem:$0x3FA1]  }
0x2c: {  	s7 =	sld [smem:$0x3FA2]  }
0x2d: {  	s3 =	simm.s32 $0x108;
	s8 =	sld [smem:$0x3FA3]  }
0x2e: {  	s3 =	simm.s32 @!p0 $0x1082;
	s9 =	sld [smem:$0x3FA4]  }
0x2f: {  	lr =	sadd.s32 s0, s3;
	s0 =	sld [smem:$0x3F9B]  }
0x30: {  	s3 =	sld [smem:$0x3F9E]  }
0x31: {  	[smem:$0x3FA7] =	sst s10  }
0x32: {  	s10 =	sld [smem:$0x3FA5];
	_ =	sdelay $0x3  }
0x33: {  	p0 =	seq.s32 s10, $0x1;
	s10 =	sld [smem:$0x3FA7];
	_ =	sdelay $0x3  }
0x34: {  	[smem:$0x3FA7] =	sst s10  }
0x35: {  	s10 =	sld [smem:$0x3FA6];
	_ =	sdelay $0x3  }
0x36: {  	p1 =	seq.s32 s10, $0x1;
	s10 =	sld [smem:$0x3FA7];
	_ =	sdelay $0x3  }
0x37: {  	[smem:$0x3FA7] =	sst s10  }
0x38: {  	s10 =	sld [smem:$0x3FA8]  }
0x39: {  	_ = 	snop;
	(pc) =	sbr.ind lr, $3  }
0x3a: {  	_ = 	snop  }
0x3b: {  	_ = 	snop  }
0x3c: {  	p2 =	seq.s32 s10, $0x1;
	s10 =	sld [smem:$0x3FA7]  }
0x3d: {  	_ =	shalt  }
0x3e: {  	_ =	shalt  }
0x3f: {  	_ =	shalt  }
0x40: {  	_ =	shalt  }
0x41: {  	_ =	shalt  }
0x42: {  	_ =	shalt  }
0x43: {  	_ =	shalt  }
0x44: {  	_ =	shalt  }
0x45: {  	_ =	shalt  }
0x46: {  	_ =	shalt  }
0x47: {  	_ =	shalt  }
0x48: {  	_ =	shalt  }
0x49: {  	_ =	shalt  }
0x4a: {  	_ =	shalt  }
0x4b: {  	_ =	shalt  }
0x4c: {  	_ =	shalt  }
0x4d: {  	_ =	shalt  }
0x4e: {  	_ =	shalt  }
0x4f: {  	_ =	shalt  }
0x50: {  	_ =	shalt  }
0x51: {  	_ =	shalt  }
0x52: {  	_ =	shalt  }
0x53: {  	_ =	shalt  }
0x54: {  	_ =	shalt  }
0x55: {  	_ =	shalt  }
0x56: {  	_ =	shalt  }
0x57: {  	_ =	shalt  }
0x58: {  	_ =	shalt  }
0x59: {  	_ =	shalt  }
0x5a: {  	_ =	shalt  }
0x5b: {  	_ =	shalt  }
0x5c: {  	_ =	shalt  }
0x5d: {  	_ =	shalt  }
0x5e: {  	_ =	shalt  }
0x5f: {  	_ =	shalt  }
0x60: {  	_ =	shalt  }
0x61: {  	_ =	shalt  }
0x62: {  	_ =	shalt  }
0x63: {  	_ =	shalt  }
0x64: {  	_ =	shalt  }
0x65: {  	_ =	shalt  }
0x66: {  	_ =	shalt  }
0x67: {  	_ =	shalt  }
0x68: {  	_ =	shalt  }
0x69: {  	_ =	shalt  }
0x6a: {  	_ =	shalt  }
0x6b: {  	_ =	shalt  }
0x6c: {  	_ =	shalt  }
0x6d: {  	_ =	shalt  }
0x6e: {  	_ =	shalt  }
0x6f: {  	_ =	shalt  }
0x70: {  	_ =	shalt  }
0x71: {  	_ =	shalt  }
0x72: {  	_ =	shalt  }
0x73: {  	_ =	shalt  }
0x74: {  	_ =	shalt  }
0x75: {  	_ =	shalt  }
0x76: {  	_ =	shalt  }
0x77: {  	_ =	shalt  }
0x78: {  	_ =	shalt  }
0x79: {  	_ =	shalt  }
0x7a: {  	_ =	shalt  }
0x7b: {  	_ =	shalt  }
0x7c: {  	_ =	shalt  }
0x7d: {  	_ =	shalt  }
0x7e: {  	_ =	shalt  }
0x7f: {  	_ =	shalt  }
0x80: {  	_ =	shalt  }
0x81: {  	_ =	shalt  }
0x82: {  	_ =	shalt  }
0x83: {  	_ =	shalt  }
0x84: {  	_ =	shalt  }
0x85: {  	_ =	shalt  }
0x86: {  	_ =	shalt  }
0x87: {  	_ =	shalt  }
.Lfunc_end0:
.L_simem_size_0:
called_computation.1_lowered:
.L_overlay_start_0:
0x88: {  	s2 =	sld [smem:$0x3FD9]  }
0x89: {  	s3 =	sld [smem:$0x3FFE];
	_ =	sdelay $0x1  }
0x8a: {  	s1 =	srdreg.scid  }
0x8b: {  	s0 =	sand.u32 $0x1, s1  }
0x8c: {  	s16 =	sshll.u32 s0, $0xA;
	s2 =	sadd.s32 s3, s2  }
0x8d: {  	s2 =	sadd.s32 s2, s16  }
0x8e: {  	[smem:$0x3FB3] =	sst s2  }
0x8f: {  	_ = 	snop  }
0x90: {  	(tm) =	ssettm $0x1  }
0x91: {  	s17 =	sld [smem:$0x3FFB];
	_ =	sdelay $0x3  }
0x92: {  	_ =	strace s17  }
0x93: {  	s2 =	sld [smem:$0x3FFC];
	_ =	sdelay $0x3  }
0x94: {  	_ =	strace s2  }
0x95: {  	s2 =	sld [smem:$0x3FFD];
	_ =	sdelay $0x3  }
0x96: {  	_ =	strace s2  }
0x97: {  	_ =	strace $0x8FFFFFFF  }
0x98: {  	s18 =	sld [smem:$0x3FDB];
	_ =	sdelay $0x1  }
0x99: {  	s19 =	simm.s32 $_scs_section_size  }
0x9a: {  	s4 =	simm.s32 $_size__tile_overlayer_lowered;
	s5 =	simm.s32 $_tile_overlayer_lowered  }
0x9b: {  	s22 =	simm.s32 $0x1BFF;
	s21 =	sshll.u32 s5, $0x1;
	s2 =	sadd.s32 s19, s18  }
0x9c: {  	s6 =	simm.s32 $0x0;
	s20 =	sshll.u32 s4, $0x1;
	s4 =	sadd.s32 s21, s2  }
0x9d: {  	[timem:s6], [sflag:s22] =	dma.local [hbm:s4], s20  }
0x9e: {  	_ =	swait.ge [sflag:s22], s20  }
0x9f: {  	s3 =	ssub.s32 $0x0, s20;
	[sflag:s22] =	ssyncset.done $0x0  }
0xa0: {  	[sflag:s22] =	ssyncadd.s32 s3;
	_ =	sdelay $0x1  }
0xa1: {  	s23 =	simm.s32 $0x1B8B  }
0xa2: {  	_ =	swait.ge [sflag:s23], $0x1  }
0xa3: {  	[sflag:s23] =	ssyncset.done $0x0  }
0xa4: {  	s25 =	simm.s32 $0x1B8E;
	s24 =	sld [smem:$0x3FFE];
	[sflag:s23] =	ssyncadd.s32 $0xFFFFFFFF  }
0xa5: {  	s26 =	simm.s32 $execute0_lowered;
	[smem:$0x3FD2] =	sst s25  }
0xa6: {  	s4 =	sshll.u32 s26, $0x1;
	_ =	strace $0x80000049;
	[dreg:$0x1] =	wrdreg $0xFFFFFFFF  }
0xa7: {  	s28 =	simm.s32 $_size_execute0_lowered;
	s2 =	sadd.s32 s2, s4;
	[dreg:$0x0] =	wrdreg $0x0  }
0xa8: {  	s4 =	sshll.u32 s28, $0x1;
	[dreg:$0x2] =	wrdreg s2  }
0xa9: {  	[dreg:$0x3] =	wrdreg s4  }
0xaa: {  	[dreg:$0x4] =	wrdreg $0xC0  }
0xab: {  	_ =	task [dreg:s6], $0x5FFFF  }
0xac: {  	[dreg:$0x1] =	wrdreg $0xFFFFFFFF  }
0xad: {  	[dreg:$0x0] =	wrdreg $0x60  }
0xae: {  	[dreg:$0x2] =	wrdreg s24  }
0xaf: {  	[dreg:$0x3] =	wrdreg $0x9  }
0xb0: {  	_ =	task.clear_ibuf [dreg:s6], $0x4FFFF;
	_ =	strace $0x90000049  }
0xb1: {  	s29 =	simm.s32 $0x9;
	_ =	strace $0x8000004B  }
0xb2: {  	_ =	swait.ge [sflag:s29], $0x1  }
0xb3: {  	[sflag:s29] =	ssyncadd.s32 $0xFFFFFFFF  }
0xb4: {  	_ =	strace $0x9000004B  }
0xb5: {  	_ =	sfence  }
0xb6: {  	s30 =	sld [smem:$0x0];
	_ =	sdelay $0x2  }
0xb7: {  	s31 =	sshll.u32 s1, $0xD;
	s1 =	sshrl.u32 s1, $0x2  }
0xb8: {  	s3 =	sand.u32 $0x4000, s31;
	s1 =	sadd.s32 s1, s30  }
0xb9: {  	s0 =	sor.u32 s3, s0;
	s1 =	sshll.u32 s1, $0x11  }
0xba: {  	s0 =	sor.u32 s1, s0  }
0xbb: {  	s0 =	sadd.s32 $0x8F2B, s0  }
0xbc: {  	[sflag:s0] =	ssyncadd.remote.s32 $0x1  }
0xbd: {  	_ =	sfence.sel $0xFFFF  }
0xbe: {  	[dreg:$0x0] =	wrdreg $0xFFFFFFFF;
	(pc) =	sbr.abs _section_cstart, $3  }
0xbf: {  	[dreg:$0x1] =	wrdreg $0xFFFFFFFF  }
0xc0: {  	_ =	task.clear_ibuf [dreg:s6], $0x2FFFF;
	_ =	strace $0x9FFFFFFF  }
0xc1: {  	(tm) =	ssettm $0x7FFFFFFF  }
tec
execute0_lowered:
.L_overlay_start_1:
0x0: {  	(tag) =	ssettag $0x1  }
0x1: {  	s0 =	rddreg [dreg:$0x0];
	s1 =	srdreg.scid  }
0x2: {  	s3 =	stileid.u32;
	s4 =	simm.s32 $0x0;
	s1 =	sand.u32 $0x1, s1  }
0x3: {  	s2 =	sshll.u32 s3, $0x1;
	s3 =	sshrl.u32 s3, $0x2;
	[smem:$0x7FF] =	sst s4  }
0x4: {  	s5 =	sadd.s32 $0x3000, s0;
	s24 =	sadd.s32 $0x1B000, s0;
	s25 =	sadd.s32 $0x7000, s0  }
0x5: {  	s26 =	sadd.s32 $0x11000, s0;
	s9 =	sadd.s32 $0x3500, s0;
	s10 =	sadd.s32 $0x1B500, s0  }
0x6: {  	s11 =	sadd.s32 $0x3A00, s0;
	s12 =	sadd.s32 $0x1BA00, s0;
	s13 =	sadd.s32 $0x3F00, s0  }
0x7: {  	s14 =	sadd.s32 $0x1BF00, s0;
	s15 =	sadd.s32 $0x4400, s0;
	s16 =	sadd.s32 $0x1C400, s0  }
0x8: {  	s17 =	sadd.s32 $0x4900, s0;
	s18 =	sadd.s32 $0x1C900, s0;
	s19 =	sadd.s32 $0x4E00, s0  }
0x9: {  	s20 =	sadd.s32 $0x1CE00, s0;
	s21 =	sadd.s32 $0x5300, s0;
	s22 =	sadd.s32 $0x1D300, s0  }
0xa: {  	s28 =	sadd.s32 $0x6200, s0;
	_ =	strace $0x8000004A;
	[dreg:$0x2] =	wrdreg s5  }
0xb: {  	s29 =	sadd.s32 $0x1E200, s0;
	s30 =	sadd.s32 $0x6700, s0;
	[dreg:$0x3] =	wrdreg s24  }
0xc: {  	s31 =	sadd.s32 $0x1E700, s0;
	s2 =	sor.u32 s1, s2;
	[dreg:$0x4] =	wrdreg s25  }
0xd: {  	s3 =	smul.u32 $0x78000, s3;
	[dreg:$0x5] =	wrdreg s26;
	s1 =	ssub.s32 $0x2, s1  }
0xe: {  	s5 =	sadd.s32 $0x39000, s0;
	s24 =	sadd.s32 $0x1D800, s0;
	s25 =	sadd.s32 $0x5D00, s0  }
0xf: {  	s26 =	sadd.s32 $0x1DD00, s0;
	s23 =	sshll.u32 s2, $0x7;
	[dreg:$0x6] =	wrdreg s5  }
0x10: {  	v0 =	vimm.f32 $-1.000000020e+30;
	v1 =	vimm.s32 $0xFFFFFFFF;
	s6 =	sshrl.u32 s1, $0x1;
	s2 =	smul.u32 $0x2800, s2;
	s4 =	sand.u32 $0x380, s23  }
0x11: {  	v2 =	vimm.s32 $0x0;
	vm1 =	vcmask $0x3F08;
	vm2 =	vcmask $0x3F0C;
	s1 =	ssub.s32 s1, s6;
	s23 =	sadd.s32 $0x5800, s0;
	s3 =	sor.u32 s3, s4  }
0x12: {  	vm3 =	vcmask $0x3F10;
	vm4 =	vcmask $0x3F14;
	vm5 =	vcmask $0x3F18;
	[dreg:$0x7] =	wrdreg s2;
	s8 =	smax.u32 s1, $0x1;
	s3 =	sshrl.u32 s3, $0x3  }
0x13: {  	vm6 =	vcmask $0x3F1C;
	vm7 =	vcmask $0x3F20;
	vm8 =	vcmask $0x3F24;
	s2 =	simm.s32 $0x2;
	s1 =	simm.s32 $0x1;
	s3 =	sadd.s32 s3, s0  }
0x14: {  	vm9 =	vcmask $0x3F28;
	vm10 =	vcmask $0x3F2C;
	vm11 =	vcmask $0x3F30;
	s4 =	simm.s32 $0x0;
	[dreg:$0x9] =	wrdreg s8;
	s7 =	sadd.s32 $0x39200, s3  }
0x15: {  	vm12 =	vcmask $0x3F34;
	vm13 =	vcmask $0x3F38;
	vm14 =	vcmask $0x3F3C;
	s0 =	simm.s32 $0x1E80;
	[dreg:$0x8] =	wrdreg s7;
	s7 =	simm.s32 $0x100  }
.LBB2_1:
0x16: {  	[dreg:$0xa] =	wrdreg s4  }
0x17: {  	s3 =	simm.s32 $0x0;
	s8 =	rddreg [dreg:$0x6];
	s5 =	simm.s32 $0x1A00  }
0x18: {  	[tilespmem:s5], [sflag:$0x2] =	stream.linear.gather [hbm4b:s8+s3], $0x480, $0x38;
	[tilespmem:$0x10F00] =	vst v63  }
0x19: {  	_ =	swait.ge [sflag:s2], $0x480  }
0x1a: {  	[sflag:s2] =	ssyncset.done $0x0  }
0x1b: {  	[sflag:s2] =	ssyncadd.s32 $0xFFFFFB80  }
0x1c: {  	s4 =	simm.s32 $0x0;
	s3 =	simm.s32 $0x40;
	[tilespmem:$0x10E80] =	vst v1  }
.LBB2_2:
0x1d: {  	p0 =	sne.s32 s3, $0x3BFC0;
	[tilespmem:s4+$0x1E80] =	vst v0;
	s4 =	smov.u32 s3;
	s3 =	sadd.s32 $0x40, s3  }
.Ltmp0:
0x1e: {  	(pc) =	sbr.rel @p0 .LBB2_2-.Ltmp0, $2  }
0x1f: {  	_ =	sdelay $0x2  }
0x20: {  	s4 =	sshra.s32 s4, $0x2  }
0x21: {  	[tilespmem:s4+$0x1E80] =	vst v0;
	s3 =	simm.s32 $0x0;
	s4 =	simm.s32 $0x0  }
.LBB2_4:
0x22: {  	s5 =	sshll.u32 s4, $0x8;
	s6 =	rddreg [dreg:$0x7]  }
0x23: {  	s5 =	sadd.s32 s6, s5  }
0x24: {  	s8 =	rddreg [dreg:$0x4];
	s5 =	sshrl.u32 s5, $0x3  }
0x25: {  	s6 =	sadd.s32 s8, s5  }
0x26: {  	[tilespmem:s3], [sflag:$0x2] =	stream.linear.gather [hbm4b:s6+s3], $0x100, $0x38;
	[tilespmem:$0x10F00] =	vst v63  }
0x27: {  	_ =	swait.ge [sflag:s2], $0x100  }
0x28: {  	[sflag:s2] =	ssyncset.done $0x0;
	s8 =	rddreg [dreg:$0x5]  }
0x29: {  	[sflag:s2] =	ssyncadd.s32 $0xFFFFFF00;
	s5 =	sadd.s32 s8, s5  }
0x2a: {  	[tilespmem:s7], [sflag:$0x2] =	stream.linear.gather [hbm4b:s5+s3], $0x100, $0x38;
	[tilespmem:$0x10F00] =	vst v63  }
0x2b: {  	_ =	swait.ge [sflag:s2], $0x100  }
0x2c: {  	[sflag:s2] =	ssyncset.done $0x0  }
0x2d: {  	s8 =	simm.s32 $0x200;
	s6 =	rddreg [dreg:$0x2];
	[sflag:s2] =	ssyncadd.s32 $0xFFFFFF00  }
0x2e: {  	[tilespmem:s8], [sflag:$0x1] =	stream.indirect.gather [hbm4b:s6+s7], $0x1, s3, s7, $0xb8;
	[tilespmem:$0x10F00] =	vst v63  }
0x2f: {  	s6 =	rddreg [dreg:$0x3];
	s8 =	simm.s32 $0xE00  }
0x30: {  	[tilespmem:s8], [sflag:$0x1] =	stream.indirect.gather [hbm4b:s6+s7], $0x1, s7, s7, $0xb8;
	[tilespmem:$0x10F00] =	vst v63  }
0x31: {  	s6 =	simm.s32 $0x300  }
0x32: {  	[tilespmem:s6], [sflag:$0x1] =	stream.indirect.gather [hbm4b:s9+s7], $0x1, s3, s7, $0xb8;
	[tilespmem:$0x10F00] =	vst v63  }
0x33: {  	s8 =	simm.s32 $0xF00  }
0x34: {  	[tilespmem:s8], [sflag:$0x1] =	stream.indirect.gather [hbm4b:s10+s7], $0x1, s7, s7, $0xb8;
	[tilespmem:$0x10F00] =	vst v63  }
0x35: {  	s6 =	simm.s32 $0x400  }
0x36: {  	[tilespmem:s6], [sflag:$0x1] =	stream.indirect.gather [hbm4b:s11+s7], $0x1, s3, s7, $0xb8;
	[tilespmem:$0x10F00] =	vst v63  }
0x37: {  	s8 =	simm.s32 $0x1000  }
0x38: {  	[tilespmem:s8], [sflag:$0x1] =	stream.indirect.gather [hbm4b:s12+s7], $0x1, s7, s7, $0xb8;
	[tilespmem:$0x10F00] =	vst v63  }
0x39: {  	s6 =	simm.s32 $0x500  }
0x3a: {  	[tilespmem:s6], [sflag:$0x1] =	stream.indirect.gather [hbm4b:s13+s7], $0x1, s3, s7, $0xb8;
	[tilespmem:$0x10F00] =	vst v63  }
0x3b: {  	s8 =	simm.s32 $0x1100  }
0x3c: {  	[tilespmem:s8], [sflag:$0x1] =	stream.indirect.gather [hbm4b:s14+s7], $0x1, s7, s7, $0xb8;
	[tilespmem:$0x10F00] =	vst v63  }
0x3d: {  	s6 =	simm.s32 $0x600  }
0x3e: {  	[tilespmem:s6], [sflag:$0x1] =	stream.indirect.gather [hbm4b:s15+s7], $0x1, s3, s7, $0xb8;
	[tilespmem:$0x10F00] =	vst v63  }
0x3f: {  	s8 =	simm.s32 $0x1200  }
0x40: {  	[tilespmem:s8], [sflag:$0x1] =	stream.indirect.gather [hbm4b:s16+s7], $0x1, s7, s7, $0xb8;
	[tilespmem:$0x10F00] =	vst v63  }
0x41: {  	s6 =	simm.s32 $0x700  }
0x42: {  	[tilespmem:s6], [sflag:$0x1] =	stream.indirect.gather [hbm4b:s17+s7], $0x1, s3, s7, $0xb8;
	[tilespmem:$0x10F00] =	vst v63  }
0x43: {  	s8 =	simm.s32 $0x1300  }
0x44: {  	[tilespmem:s8], [sflag:$0x1] =	stream.indirect.gather [hbm4b:s18+s7], $0x1, s7, s7, $0xb8;
	[tilespmem:$0x10F00] =	vst v63  }
0x45: {  	s6 =	simm.s32 $0x800  }
0x46: {  	[tilespmem:s6], [sflag:$0x1] =	stream.indirect.gather [hbm4b:s19+s7], $0x1, s3, s7, $0xb8;
	[tilespmem:$0x10F00] =	vst v63  }
0x47: {  	s8 =	simm.s32 $0x1400  }
0x48: {  	[tilespmem:s8], [sflag:$0x1] =	stream.indirect.gather [hbm4b:s20+s7], $0x1, s7, s7, $0xb8;
	[tilespmem:$0x10F00] =	vst v63  }
0x49: {  	s6 =	simm.s32 $0x900  }
0x4a: {  	[tilespmem:s6], [sflag:$0x1] =	stream.indirect.gather [hbm4b:s21+s7], $0x1, s3, s7, $0xb8;
	[tilespmem:$0x10F00] =	vst v63  }
0x4b: {  	s8 =	simm.s32 $0x1500  }
0x4c: {  	[tilespmem:s8], [sflag:$0x1] =	stream.indirect.gather [hbm4b:s22+s7], $0x1, s7, s7, $0xb8;
	[tilespmem:$0x10F00] =	vst v63  }
0x4d: {  	s6 =	simm.s32 $0xA00  }
0x4e: {  	[tilespmem:s6], [sflag:$0x1] =	stream.indirect.gather [hbm4b:s23+s7], $0x1, s3, s7, $0xb8;
	[tilespmem:$0x10F00] =	vst v63  }
0x4f: {  	s8 =	simm.s32 $0x1600  }
0x50: {  	[tilespmem:s8], [sflag:$0x1] =	stream.indirect.gather [hbm4b:s24+s7], $0x1, s7, s7, $0xb8;
	[tilespmem:$0x10F00] =	vst v63  }
0x51: {  	s6 =	simm.s32 $0xB00  }
0x52: {  	[tilespmem:s6], [sflag:$0x1] =	stream.indirect.gather [hbm4b:s25+s7], $0x1, s3, s7, $0xb8;
	[tilespmem:$0x10F00] =	vst v63  }
0x53: {  	s8 =	simm.s32 $0x1700  }
0x54: {  	[tilespmem:s8], [sflag:$0x1] =	stream.indirect.gather [hbm4b:s26+s7], $0x1, s7, s7, $0xb8;
	[tilespmem:$0x10F00] =	vst v63  }
0x55: {  	s6 =	simm.s32 $0xC00  }
0x56: {  	[tilespmem:s6], [sflag:$0x1] =	stream.indirect.gather [hbm4b:s28+s7], $0x1, s3, s7, $0xb8;
	[tilespmem:$0x10F00] =	vst v63  }
0x57: {  	s8 =	simm.s32 $0x1800  }
0x58: {  	[tilespmem:s8], [sflag:$0x1] =	stream.indirect.gather [hbm4b:s29+s7], $0x1, s7, s7, $0xb8;
	[tilespmem:$0x10F00] =	vst v63  }
0x59: {  	s6 =	simm.s32 $0xD00  }
0x5a: {  	[tilespmem:s6], [sflag:$0x1] =	stream.indirect.gather [hbm4b:s30+s7], $0x1, s3, s7, $0xb8;
	[tilespmem:$0x10F00] =	vst v63  }
0x5b: {  	s8 =	simm.s32 $0x1900  }
0x5c: {  	[tilespmem:s8], [sflag:$0x1] =	stream.indirect.gather [hbm4b:s31+s7], $0x1, s7, s7, $0xb8;
	[tilespmem:$0x10F00] =	vst v63  }
0x5d: {  	_ =	swait.ge [sflag:s1], $0x100  }
0x5e: {  	[sflag:s1] =	ssyncset.done $0x0  }
0x5f: {  	[sflag:s1] =	ssyncadd.s32 $0xFFFFFF00  }
0x60: {  	_ =	swait.ge [sflag:s1], $0x100  }
0x61: {  	[sflag:s1] =	ssyncset.done $0x0  }
0x62: {  	[sflag:s1] =	ssyncadd.s32 $0xFFFFFF00  }
0x63: {  	_ =	swait.ge [sflag:s1], $0x100  }
0x64: {  	[sflag:s1] =	ssyncset.done $0x0  }
0x65: {  	[sflag:s1] =	ssyncadd.s32 $0xFFFFFF00  }
0x66: {  	_ =	swait.ge [sflag:s1], $0x100  }
0x67: {  	[sflag:s1] =	ssyncset.done $0x0  }
0x68: {  	[sflag:s1] =	ssyncadd.s32 $0xFFFFFF00  }
0x69: {  	_ =	swait.ge [sflag:s1], $0x100  }
0x6a: {  	[sflag:s1] =	ssyncset.done $0x0  }
0x6b: {  	[sflag:s1] =	ssyncadd.s32 $0xFFFFFF00  }
0x6c: {  	_ =	swait.ge [sflag:s1], $0x100  }
0x6d: {  	[sflag:s1] =	ssyncset.done $0x0  }
0x6e: {  	[sflag:s1] =	ssyncadd.s32 $0xFFFFFF00  }
0x6f: {  	_ =	swait.ge [sflag:s1], $0x100  }
0x70: {  	[sflag:s1] =	ssyncset.done $0x0  }
0x71: {  	[sflag:s1] =	ssyncadd.s32 $0xFFFFFF00  }
0x72: {  	_ =	swait.ge [sflag:s1], $0x100  }
0x73: {  	[sflag:s1] =	ssyncset.done $0x0  }
0x74: {  	[sflag:s1] =	ssyncadd.s32 $0xFFFFFF00  }
0x75: {  	_ =	swait.ge [sflag:s1], $0x100  }
0x76: {  	[sflag:s1] =	ssyncset.done $0x0  }
0x77: {  	[sflag:s1] =	ssyncadd.s32 $0xFFFFFF00  }
0x78: {  	_ =	swait.ge [sflag:s1], $0x100  }
0x79: {  	[sflag:s1] =	ssyncset.done $0x0  }
0x7a: {  	[sflag:s1] =	ssyncadd.s32 $0xFFFFFF00  }
0x7b: {  	_ =	swait.ge [sflag:s1], $0x100  }
0x7c: {  	[sflag:s1] =	ssyncset.done $0x0  }
0x7d: {  	[sflag:s1] =	ssyncadd.s32 $0xFFFFFF00  }
0x7e: {  	_ =	swait.ge [sflag:s1], $0x100  }
0x7f: {  	[sflag:s1] =	ssyncset.done $0x0  }
0x80: {  	[sflag:s1] =	ssyncadd.s32 $0xFFFFFF00  }
0x81: {  	_ =	swait.ge [sflag:s1], $0x100  }
0x82: {  	[sflag:s1] =	ssyncset.done $0x0  }
0x83: {  	[sflag:s1] =	ssyncadd.s32 $0xFFFFFF00  }
0x84: {  	_ =	swait.ge [sflag:s1], $0x100  }
0x85: {  	[sflag:s1] =	ssyncset.done $0x0  }
0x86: {  	[sflag:s1] =	ssyncadd.s32 $0xFFFFFF00  }
0x87: {  	_ =	swait.ge [sflag:s1], $0x100  }
0x88: {  	[sflag:s1] =	ssyncset.done $0x0  }
0x89: {  	[sflag:s1] =	ssyncadd.s32 $0xFFFFFF00  }
0x8a: {  	_ =	swait.ge [sflag:s1], $0x100  }
0x8b: {  	[sflag:s1] =	ssyncset.done $0x0  }
0x8c: {  	[sflag:s1] =	ssyncadd.s32 $0xFFFFFF00  }
0x8d: {  	_ =	swait.ge [sflag:s1], $0x100  }
0x8e: {  	[sflag:s1] =	ssyncset.done $0x0  }
0x8f: {  	[sflag:s1] =	ssyncadd.s32 $0xFFFFFF00  }
0x90: {  	_ =	swait.ge [sflag:s1], $0x100  }
0x91: {  	[sflag:s1] =	ssyncset.done $0x0  }
0x92: {  	[sflag:s1] =	ssyncadd.s32 $0xFFFFFF00  }
0x93: {  	_ =	swait.ge [sflag:s1], $0x100  }
0x94: {  	[sflag:s1] =	ssyncset.done $0x0  }
0x95: {  	[sflag:s1] =	ssyncadd.s32 $0xFFFFFF00  }
0x96: {  	_ =	swait.ge [sflag:s1], $0x100  }
0x97: {  	[sflag:s1] =	ssyncset.done $0x0  }
0x98: {  	[sflag:s1] =	ssyncadd.s32 $0xFFFFFF00  }
0x99: {  	_ =	swait.ge [sflag:s1], $0x100  }
0x9a: {  	[sflag:s1] =	ssyncset.done $0x0  }
0x9b: {  	[sflag:s1] =	ssyncadd.s32 $0xFFFFFF00  }
0x9c: {  	_ =	swait.ge [sflag:s1], $0x100  }
0x9d: {  	[sflag:s1] =	ssyncset.done $0x0  }
0x9e: {  	[sflag:s1] =	ssyncadd.s32 $0xFFFFFF00  }
0x9f: {  	_ =	swait.ge [sflag:s1], $0x100  }
0xa0: {  	[sflag:s1] =	ssyncset.done $0x0  }
0xa1: {  	[sflag:s1] =	ssyncadd.s32 $0xFFFFFF00  }
0xa2: {  	_ =	swait.ge [sflag:s1], $0x100  }
0xa3: {  	[sflag:s1] =	ssyncset.done $0x0  }
0xa4: {  	s5 =	simm.s32 $0x0;
	[sflag:s1] =	ssyncadd.s32 $0xFFFFFF00  }
.LBB2_5:
0xa5: {  	v16 =	vld [tilespmem:$0x1A00]  }
0xa6: {  	v22 =	vld [tilespmem:$0x1A60]  }
0xa7: {  	v29 =	vld [tilespmem:$0x1AC0]  }
0xa8: {  	v31 =	vld [tilespmem:$0x1B20]  }
0xa9: {  	v33 =	vld [tilespmem:$0x1B80]  }
0xaa: {  	v34 =	vld [tilespmem:$0x1BE0]  }
0xab: {  	v35 =	vld [tilespmem:$0x1C40]  }
0xac: {  	v36 =	vld [tilespmem:$0x1CA0]  }
0xad: {  	v37 =	vld [tilespmem:$0x1D00]  }
0xae: {  	v38 =	vld [tilespmem:$0x1D60]  }
0xaf: {  	v39 =	vld [tilespmem:$0x1DC0]  }
0xb0: {  	v40 =	vld [tilespmem:$0x1A10]  }
0xb1: {  	v59 =	vld [tilespmem:$0x1A70]  }
0xb2: {  	v41 =	vld [tilespmem:$0x1AD0]  }
0xb3: {  	v42 =	vld [tilespmem:$0x1B30]  }
0xb4: {  	v43 =	vld [tilespmem:$0x1B90]  }
0xb5: {  	v44 =	vld [tilespmem:$0x1BF0]  }
0xb6: {  	v45 =	vld [tilespmem:$0x1C50]  }
0xb7: {  	v46 =	vld [tilespmem:$0x1CB0]  }
0xb8: {  	v60 =	vld [tilespmem:$0x1A20]  }
0xb9: {  	s6 =	sshll.u32 s5, $0x4;
	v61 =	vld [tilespmem:$0x1A80]  }
0xba: {  	v3 =	vld [tilespmem:s6+$0x100]  }
0xbb: {  	v4 =	vld [tilespmem:s6+$0x200]  }
0xbc: {  	v5 =	vld [tilespmem:s6+$0xE00]  }
0xbd: {  	v6 =	vld [tilespmem:s6+$0x300]  }
0xbe: {  	v7 =	vld [tilespmem:s6+$0xF00]  }
0xbf: {  	v8 =	vld [tilespmem:s6+$0x400]  }
0xc0: {  	v9 =	vld [tilespmem:s6+$0x1000]  }
0xc1: {  	v10 =	vld [tilespmem:s6+$0x500]  }
0xc2: {  	v11 =	vld [tilespmem:s6+$0x1100]  }
0xc3: {  	v12 =	vld [tilespmem:s6+$0x600]  }
0xc4: {  	v14 =	vld [tilespmem:s6+$0x1200]  }
0xc5: {  	v15 =	vld [tilespmem:s6+$0x700]  }
0xc6: {  	v17 =	vld [tilespmem:s6+$0x1300]  }
0xc7: {  	v18 =	vld [tilespmem:s6+$0x800];
	v4 =	vsub.f32 v4, v5;
	v5 =	vsub.f32 v6, v7  }
0xc8: {  	v19 =	vld [tilespmem:s6+$0x1400];
	v63 =	vbroadcast v3, $0x0;
	v47 =	vbroadcast v3, $0x3  }
0xc9: {  	v20 =	vld [tilespmem:s6+$0x900];
	v13 =	vmax.f32 v4, $0.0e+00;
	v5 =	vmax.f32 v5, $0.0e+00;
	v4 =	vsub.f32 v8, v9  }
0xca: {  	vm15 =	vcmask $0x3F04;
	v21 =	vld [tilespmem:s6+$0x1500];
	v7 =	vmul.f32 v16, v13;
	v8 =	vmul.f32 v22, v5  }
0xcb: {  	v23 =	vld [tilespmem:s6+$0xA00];
	v50 =	vbroadcast v3, $0x4;
	v6 =	vmax.f32 v4, $0.0e+00;
	v4 =	vsub.f32 v10, v11  }
0xcc: {  	v24 =	vld [tilespmem:s6+$0x1600];
	v53 =	vbroadcast v3, $0x5;
	v7 =	vadd.f32 v8, v7;
	v9 =	vmul.f32 v29, v6  }
0xcd: {  	v25 =	vld [tilespmem:s6+$0xB00];
	v55 =	vbroadcast v3, $0x6;
	v8 =	vmax.f32 v4, $0.0e+00;
	v4 =	vsub.f32 v12, v14  }
0xce: {  	v26 =	vld [tilespmem:s6+$0x1700];
	v56 =	vbroadcast v3, $0x7;
	v9 =	vadd.f32 v9, v7;
	v10 =	vmul.f32 v31, v8  }
0xcf: {  	v27 =	vld [tilespmem:s6+$0xC00];
	v58 =	vbroadcast v3, $0x9;
	v7 =	vmax.f32 v4, $0.0e+00;
	v4 =	vsub.f32 v15, v17  }
0xd0: {  	v28 =	vld [tilespmem:s6+$0x1800];
	vm0 =	veq.s32 v3, v63;
	v9 =	vadd.f32 v10, v9;
	v10 =	vmul.f32 v33, v7  }
0xd1: {  	v30 =	vld [tilespmem:s6+$0xD00];
	v63 =	vbroadcast v3, $0xE;
	v11 =	vsub.f32 v18, v19;
	v4 =	vmax.f32 v4, $0.0e+00  }
0xd2: {  	v32 =	vld [tilespmem:s6+$0x1900];
	vm0 =	vmand vm0, vm15;
	v10 =	vadd.f32 v10, v9;
	v12 =	vmul.f32 v34, v4  }
0xd3: {  	v16 =	vld [tilespmem:$0x1E20];
	v9 =	vmax.f32 v11, $0.0e+00;
	v11 =	vsub.f32 v20, v21;
	v21 =	vmul.f32 v40, v13  }
0xd4: {  	v22 =	vld [tilespmem:$0x1D70];
	v18 =	vsub.f32 v25, v26;
	v34 =	vbroadcast v3, $0x1;
	v40 =	vbroadcast v3, $0x2  }
0xd5: {  	v19 =	vld [tilespmem:$0x1DD0];
	v51 =	vmul.f32 v44, v4;
	v14 =	vmul.f32 v35, v9;
	v12 =	vadd.f32 v12, v10  }
0xd6: {  	v26 =	vld [tilespmem:$0x1CC0];
	v45 =	vmul.f32 v45, v9;
	v10 =	vmax.f32 v11, $0.0e+00;
	v11 =	vsub.f32 v23, v24  }
0xd7: {  	v29 =	vld [tilespmem:$0x1C00];
	v35 =	vmul.f32 v60, v13;
	v20 =	vmul.f32 v36, v10;
	v14 =	vadd.f32 v14, v12  }
0xd8: {  	v31 =	vld [tilespmem:$0x1BA0];
	v60 =	vbroadcast v3, $0xB;
	v23 =	vmul.f32 v59, v5;
	v12 =	vmax.f32 v11, $0.0e+00  }
0xd9: {  	v33 =	vld [tilespmem:$0x1B40];
	v11 =	vmax.f32 v18, $0.0e+00;
	v18 =	vmul.f32 v37, v12;
	v14 =	vadd.f32 v20, v14  }
0xda: {  	v15 =	vld [tilespmem:$0x1D10];
	vm15 =	veq.s32 v3, v34;
	v59 =	vbroadcast v3, $0xA;
	v20 =	vsub.f32 v27, v28  }
0xdb: {  	v17 =	vld [tilespmem:$0x1E30];
	v46 =	vmul.f32 v46, v10;
	v36 =	vmul.f32 v61, v5;
	v18 =	vadd.f32 v18, v14  }
0xdc: {  	v44 =	vld [tilespmem:$0x1C10];
	v14 =	vmax.f32 v20, $0.0e+00;
	v20 =	vadd.f32 v23, v21;
	v21 =	vmul.f32 v41, v6  }
0xdd: {  	v34 =	vld [tilespmem:$0x1CD0];
	v61 =	vbroadcast v3, $0xC;
	v62 =	vmul.f32 v38, v11;
	v38 =	vsub.f32 v30, v32  }
0xde: {  	v33 =	vmul.f32 v33, v8;
	v37 =	vld [tilespmem:$0x1AE0];
	v35 =	vadd.f32 v36, v35;
	v20 =	vadd.f32 v21, v20  }
0xdf: {  	v24 =	vld [tilespmem:$0x1E50];
	v21 =	vmul.f32 v42, v8;
	v42 =	vsel vm0, $0x1, v2;
	vm0 =	vmand vm15, vm1  }
0xe0: {  	v32 =	vld [tilespmem:$0x1D30];
	v41 =	vmul.f32 v43, v7;
	v43 =	vsel vm0, $0x1, v2;
	vm0 =	veq.s32 v3, v40  }
0xe1: {  	v36 =	vld [tilespmem:$0x1BC0];
	v23 =	vmul.f32 v39, v14;
	v18 =	vadd.f32 v62, v18;
	vm0 =	vmand vm0, vm2  }
0xe2: {  	v27 =	vld [tilespmem:$0x1C60];
	v62 =	vbroadcast v3, $0xD;
	v49 =	vsel vm0, $0x1, v2;
	vm0 =	veq.s32 v3, v47  }
0xe3: {  	v37 =	vmul.f32 v37, v6;
	v40 =	vld [tilespmem:$0x1A90];
	v25 =	vadd.f32 v23, v18;
	vm0 =	vmand vm0, vm3  }
0xe4: {  	v39 =	vadd.f32 v21, v20;
	v23 =	vld [tilespmem:$0x1D20];
	v52 =	vsel vm0, $0x1, v2;
	vm0 =	veq.s32 v3, v50  }
0xe5: {  	v21 =	vld [tilespmem:$0x1D80];
	v48 =	vadd.s32 v43, v42;
	vm15 =	veq.s32 v3, v62;
	vm0 =	vmand vm0, vm4  }
0xe6: {  	v20 =	vld [tilespmem:$0x1DE0];
	v62 =	vmul.f32 v15, v12;
	v54 =	vsel vm0, $0x1, v2;
	vm0 =	veq.s32 v3, v53  }
0xe7: {  	v18 =	vld [tilespmem:$0x1E40];
	v35 =	vadd.f32 v37, v35;
	v28 =	vadd.f32 v41, v39;
	vm0 =	vmand vm0, vm5  }
0xe8: {  	v39 =	vld [tilespmem:$0x1A30];
	v30 =	vadd.s32 v49, v48;
	v48 =	vsel vm0, $0x1, v2;
	vm0 =	veq.s32 v3, v55  }
0xe9: {  	v42 =	vld [tilespmem:$0x1B50];
	v33 =	vadd.f32 v33, v35;
	v50 =	vbroadcast v3, $0x8;
	vm0 =	vmand vm0, vm6  }
0xea: {  	v43 =	vld [tilespmem:$0x1BB0];
	v28 =	vadd.f32 v51, v28;
	v49 =	vsel vm0, $0x1, v2;
	vm0 =	veq.s32 v3, v56  }
0xeb: {  	v37 =	vld [tilespmem:$0x1AB0];
	v30 =	vadd.s32 v52, v30;
	v40 =	vmul.f32 v40, v5;
	vm0 =	vmand vm0, vm7  }
0xec: {  	v41 =	vld [tilespmem:$0x1AF0];
	v30 =	vadd.s32 v54, v30;
	v57 =	vsel vm0, $0x1, v2;
	vm0 =	veq.s32 v3, v50  }
0xed: {  	v47 =	vld [tilespmem:$0x1C70];
	v45 =	vadd.f32 v45, v28;
	v39 =	vmul.f32 v39, v13;
	vm0 =	vmand vm0, vm8  }
0xee: {  	v35 =	vld [tilespmem:$0x1B70];
	v48 =	vadd.s32 v48, v30;
	v52 =	vsel vm0, $0x1, v2;
	vm0 =	veq.s32 v3, v58  }
0xef: {  	v51 =	vld [tilespmem:$0x1A40];
	v45 =	vadd.f32 v46, v45;
	v39 =	vadd.f32 v40, v39;
	vm0 =	vmand vm0, vm9  }
0xf0: {  	v53 =	vld [tilespmem:$0x1B00];
	v48 =	vadd.s32 v49, v48;
	v54 =	vsel vm0, $0x1, v2;
	vm0 =	veq.s32 v3, v59  }
0xf1: {  	v28 =	vld [tilespmem:$0x1DF0];
	v40 =	vmul.f32 v41, v6;
	v48 =	vadd.s32 v57, v48;
	vm0 =	vmand vm0, vm10  }
0xf2: {  	v30 =	vld [tilespmem:$0x1D90];
	v48 =	vadd.s32 v52, v48;
	v55 =	vsel vm0, $0x1, v2;
	vm0 =	veq.s32 v3, v60  }
0xf3: {  	v46 =	vld [tilespmem:$0x1B10];
	v45 =	vadd.f32 v62, v45;
	v48 =	vadd.s32 v54, v48;
	vm0 =	vmand vm0, vm11  }
0xf4: {  	v56 =	vld [tilespmem:$0x1C80];
	v48 =	vadd.s32 v55, v48;
	v58 =	vsel vm0, $0x1, v2;
	vm0 =	veq.s32 v3, v61  }
0xf5: {  	v41 =	vld [tilespmem:$0x1BD0];
	v62 =	vmul.f32 v43, v7;
	v48 =	vadd.s32 v58, v48;
	vm0 =	vmand vm0, vm12  }
0xf6: {  	v49 =	vld [tilespmem:$0x1AA0];
	v60 =	vsel vm0, $0x1, v2;
	vm0 =	vmand vm15, vm13;
	vm15 =	veq.s32 v3, v63  }
0xf7: {  	v43 =	vld [tilespmem:$0x1CF0];
	v48 =	vadd.s32 v60, v48;
	v61 =	vsel vm0, $0x1, v2;
	vm0 =	vmand vm15, vm14  }
0xf8: {  	v50 =	vld [tilespmem:$0x1E00];
	v48 =	vadd.s32 v61, v48;
	v60 =	vsel vm0, $0x1, v2  }
0xf9: {  	s8 =	simm.s32 $0x0;
	v57 =	vld [tilespmem:$0x1CE0];
	v15 =	vadd.s32 v60, v48  }
0xfa: {  	v52 =	vld [tilespmem:$0x1B60];
	vm0 =	veq.s32 v15, s8  }
0xfb: {  	v59 =	vld [tilespmem:$0x1D40]  }
0xfc: {  	v31 =	vmul.f32 v31, v7;
	v54 =	vld [tilespmem:$0x1C20]  }
0xfd: {  	v38 =	vmax.f32 v38, $0.0e+00;
	v55 =	vld [tilespmem:$0x1DA0]  }
0xfe: {  	v29 =	vmul.f32 v29, v4;
	v58 =	vld [tilespmem:$0x1E60];
	v60 =	vmul.f32 v16, v38;
	v16 =	vadd.f32 v31, v33  }
0xff: {  	v22 =	vmul.f32 v22, v11;
	v63 =	vadd.f32 v40, v39;
	v40 =	vld [tilespmem:$0x1C90]  }
0x100: {  	v27 =	vmul.f32 v27, v9;
	v16 =	vadd.f32 v29, v16;
	v29 =	vld.idx.msk [tilespmem:v3+s0+$0x0], vm0  }
0x101: {  	v26 =	vmul.f32 v26, v10;
	v22 =	vadd.f32 v22, v45;
	v45 =	vmul.f32 v42, v8;
	v39 =	vld [tilespmem:$0x1DB0]  }
0x102: {  	v44 =	vmul.f32 v44, v4;
	v48 =	vld [tilespmem:$0x1A50];
	v27 =	vadd.f32 v27, v16;
	v16 =	vadd.s32 $0x2800, v3  }
0x103: {  	v61 =	vmul.f32 v19, v14;
	v31 =	vld [tilespmem:$0x1C30];
	v33 =	vadd.f32 v45, v63;
	v19 =	vadd.f32 v60, v25  }
0x104: {  	v23 =	vmul.f32 v23, v12;
	v51 =	vmul.f32 v51, v13;
	v45 =	vld [tilespmem:$0x1D50]  }
0x105: {  	v22 =	vadd.f32 v61, v22;
	v63 =	vadd.f32 v62, v33;
	v33 =	vld [tilespmem:$0x1E70];
	v29 =	vmax.f32 v29, v19  }
0x106: {  	v60 =	vmul.f32 v49, v5;
	v26 =	vadd.f32 v26, v27;
	v27 =	vld [tilespmem:$0x1E10];
	[tilespmem:v3+s0+$0x0] =	vst.idx.msk vm0, v29  }
0x107: {  	v25 =	vadd.f32 v44, v63;
	v29 =	vmul.f32 v17, v38;
	v17 =	vmul.f32 v47, v9;
	v61 =	vld.idx.msk [tilespmem:v16+s0+$0x0], vm0  }
0x108: {  	v63 =	vmul.f32 v53, v6;
	v23 =	vadd.f32 v23, v26  }
0x109: {  	v26 =	vadd.f32 v60, v51;
	v25 =	vadd.f32 v17, v25;
	v17 =	vadd.s32 $0x5000, v3  }
0x10a: {  	v34 =	vmul.f32 v34, v10;
	v62 =	vmul.f32 v21, v11;
	v21 =	vadd.f32 v29, v22  }
0x10b: {  	v20 =	vmul.f32 v20, v14;
	v54 =	vmul.f32 v54, v4;
	v42 =	vadd.f32 v63, v26  }
0x10c: {  	v47 =	vmul.f32 v52, v8;
	v22 =	vadd.f32 v62, v23;
	v51 =	vmax.f32 v61, v21  }
0x10d: {  	vm15 =	vmmov vm0;
	v49 =	vmul.f32 v32, v12;
	v23 =	vadd.f32 v34, v25;
	[tilespmem:v16+s0+$0x0] =	vst.idx.msk vm0, v51  }
0x10e: {  	v52 =	vmul.f32 v36, v7;
	v25 =	vadd.f32 v47, v42;
	v20 =	vadd.f32 v20, v22;
	v53 =	vld.idx.msk [tilespmem:v17+s0+$0x0], vm0  }
0x10f: {  	v22 =	vadd.f32 v49, v23;
	v23 =	vmul.f32 v48, v13;
	v13 =	vmul.f32 v18, v38  }
0x110: {  	v60 =	vmul.f32 v37, v5;
	v5 =	vadd.s32 $0x7800, v3;
	v18 =	vmul.f32 v30, v11  }
0x111: {  	v6 =	vmul.f32 v46, v6;
	v25 =	vadd.f32 v52, v25;
	v13 =	vadd.f32 v13, v20  }
0x112: {  	v61 =	vmul.f32 v56, v9;
	v18 =	vadd.f32 v18, v22;
	v22 =	vadd.f32 v60, v23  }
0x113: {  	v20 =	vadd.f32 v54, v25;
	v23 =	vmul.f32 v28, v14;
	v62 =	vmax.f32 v53, v13  }
0x114: {  	v8 =	vmul.f32 v35, v8;
	v6 =	vadd.f32 v6, v22;
	[tilespmem:v17+s0+$0x0] =	vst.idx.msk vm15, v62  }
0x115: {  	v18 =	vadd.f32 v23, v18;
	v20 =	vadd.f32 v61, v20;
	v22 =	vmul.f32 v57, v10;
	v23 =	vld.idx.msk [tilespmem:v5+s0+$0x0], vm15  }
0x116: {  	v63 =	vmul.f32 v41, v7;
	v7 =	vmul.f32 v24, v38;
	v8 =	vadd.f32 v8, v6  }
0x117: {  	v20 =	vadd.f32 v22, v20;
	v22 =	vmul.f32 v59, v12;
	v6 =	vadd.s32 $0xA000, v3  }
0x118: {  	v4 =	vmul.f32 v31, v4;
	v7 =	vadd.f32 v7, v18;
	v8 =	vadd.f32 v63, v8  }
0x119: {  	v18 =	vadd.f32 v22, v20;
	v20 =	vmul.f32 v55, v11  }
0x11a: {  	v4 =	vadd.f32 v4, v8;
	v8 =	vmul.f32 v40, v9;
	v9 =	vmax.f32 v23, v7  }
0x11b: {  	v18 =	vadd.f32 v20, v18;
	[tilespmem:v5+s0+$0x0] =	vst.idx.msk vm15, v9;
	v9 =	vmul.f32 v50, v14  }
0x11c: {  	v4 =	vadd.f32 v8, v4;
	v8 =	vmul.f32 v43, v10;
	v10 =	vld.idx.msk [tilespmem:v6+s0+$0x0], vm15  }
0x11d: {  	v9 =	vadd.f32 v9, v18;
	v18 =	vmul.f32 v58, v38  }
0x11e: {  	v12 =	vmul.f32 v45, v12;
	v20 =	vadd.f32 v8, v4;
	v4 =	vadd.s32 $0xC800, v3  }
0x11f: {  	v8 =	vadd.f32 v18, v9  }
0x120: {  	v11 =	vmul.f32 v39, v11;
	v9 =	vadd.f32 v12, v20  }
0x121: {  	v10 =	vmax.f32 v10, v8  }
0x122: {  	v9 =	vadd.f32 v11, v9;
	v11 =	vmul.f32 v27, v14;
	[tilespmem:v6+s0+$0x0] =	vst.idx.msk vm15, v10  }
0x123: {  	v10 =	vld.idx.msk [tilespmem:v4+s0+$0x0], vm15  }
0x124: {  	v9 =	vadd.f32 v11, v9;
	v11 =	vmul.f32 v33, v38;
	_ =	sdelay $0x1  }
0x125: {  	v9 =	vadd.f32 v11, v9  }
0x126: {  	s8 =	simm.s32 $0x1  }
0x127: {  	s6 =	simm.s32 $0x2;
	vm0 =	veq.s32 v15, s8;
	v10 =	vmax.f32 v10, v9  }
.LBB2_6:
0x128: {  	p0 =	sne.s32 s6, $0xF;
	[tilespmem:v4+s0+$0x0] =	vst.idx.msk vm15, v10;
	vm15 =	vmmov vm0;
	s8 =	smov.u32 s6;
	s6 =	sadd.s32 $0x1, s6  }
0x129: {  	v10 =	vld.idx.msk [tilespmem:v3+s0+$0x0], vm0;
	_ =	sdelay $0x5  }
0x12a: {  	v10 =	vmax.f32 v10, v19  }
0x12b: {  	[tilespmem:v3+s0+$0x0] =	vst.idx.msk vm0, v10  }
0x12c: {  	v10 =	vld.idx.msk [tilespmem:v16+s0+$0x0], vm0;
	_ =	sdelay $0x5  }
0x12d: {  	v10 =	vmax.f32 v10, v21  }
0x12e: {  	[tilespmem:v16+s0+$0x0] =	vst.idx.msk vm0, v10  }
0x12f: {  	v10 =	vld.idx.msk [tilespmem:v17+s0+$0x0], vm0;
	_ =	sdelay $0x5  }
0x130: {  	v10 =	vmax.f32 v10, v13  }
0x131: {  	[tilespmem:v17+s0+$0x0] =	vst.idx.msk vm0, v10  }
0x132: {  	v10 =	vld.idx.msk [tilespmem:v5+s0+$0x0], vm0;
	_ =	sdelay $0x5  }
0x133: {  	v10 =	vmax.f32 v10, v7  }
0x134: {  	[tilespmem:v5+s0+$0x0] =	vst.idx.msk vm0, v10  }
0x135: {  	v10 =	vld.idx.msk [tilespmem:v6+s0+$0x0], vm0;
	_ =	sdelay $0x5  }
0x136: {  	v10 =	vmax.f32 v10, v8  }
0x137: {  	[tilespmem:v6+s0+$0x0] =	vst.idx.msk vm15, v10  }
0x138: {  	v10 =	vld.idx.msk [tilespmem:v4+s0+$0x0], vm15;
	_ =	sdelay $0x1  }
.Ltmp1:
0x139: {  	vm0 =	veq.s32 v15, s8;
	(pc) =	sbr.rel @p0 .LBB2_6-.Ltmp1, $2  }
0x13a: {  	_ =	sdelay $0x2  }
0x13b: {  	v10 =	vmax.f32 v10, v9  }
0x13c: {  	_ =	sdelay $0x4  }
0x13d: {  	[tilespmem:v4+s0+$0x0] =	vst.idx.msk vm15, v10  }
0x13e: {  	v10 =	vld.idx.msk [tilespmem:v3+s0+$0x0], vm0;
	_ =	sdelay $0x4  }
0x13f: {  	v10 =	vmax.f32 v10, v19  }
0x140: {  	[tilespmem:v3+s0+$0x0] =	vst.idx.msk vm0, v10  }
0x141: {  	v3 =	vld.idx.msk [tilespmem:v16+s0+$0x0], vm0;
	_ =	sdelay $0x4  }
0x142: {  	v3 =	vmax.f32 v3, v21  }
0x143: {  	[tilespmem:v16+s0+$0x0] =	vst.idx.msk vm0, v3  }
0x144: {  	v3 =	vld.idx.msk [tilespmem:v17+s0+$0x0], vm0;
	_ =	sdelay $0x4  }
0x145: {  	v3 =	vmax.f32 v3, v13  }
0x146: {  	[tilespmem:v17+s0+$0x0] =	vst.idx.msk vm0, v3  }
0x147: {  	v3 =	vld.idx.msk [tilespmem:v5+s0+$0x0], vm0;
	_ =	sdelay $0x4  }
0x148: {  	v3 =	vmax.f32 v3, v7  }
0x149: {  	[tilespmem:v5+s0+$0x0] =	vst.idx.msk vm0, v3  }
0x14a: {  	v3 =	vld.idx.msk [tilespmem:v6+s0+$0x0], vm0;
	_ =	sdelay $0x4  }
0x14b: {  	v3 =	vmax.f32 v3, v8  }
0x14c: {  	[tilespmem:v6+s0+$0x0] =	vst.idx.msk vm0, v3  }
0x14d: {  	s5 =	sadd.s32 $0x1, s5;
	v3 =	vld.idx.msk [tilespmem:v4+s0+$0x0], vm0  }
0x14e: {  	p0 =	sne.s32 s5, $0x10  }
.Ltmp2:
0x14f: {  	_ = 	snop;
	(pc) =	sbr.rel @p0 .LBB2_5-.Ltmp2, $3  }
0x150: {  	_ =	sdelay $0x1  }
0x151: {  	v3 =	vmax.f32 v3, v9  }
0x152: {  	vm15 =	vmmov vm0;
	[tilespmem:v4+s0+$0x0] =	vst.idx.msk vm0, v3  }
0x153: {  	s4 =	sadd.s32 $0x1, s4  }
0x154: {  	p0 =	sne.s32 s4, $0x28  }
.Ltmp3:
0x155: {  	_ = 	snop;
	(pc) =	sbr.rel @p0 .LBB2_4-.Ltmp3, $1  }
0x156: {  	_ =	sdelay $0x3  }
0x157: {  	s3 =	rddreg [dreg:$0x8];
	s4 =	simm.s32 $0x400;
	s5 =	simm.s32 $0x80  }
0x158: {  	[hbm4b:s3+s5] =	stream.strided.scatter [tilespmem:s0], [sflag:$0x2], $0xF000, s4, s5, $0x38;
	[tilespmem:$0x10F00] =	vst v63  }
0x159: {  	_ =	swait.ge [sflag:s2], $0xF000  }
0x15a: {  	s6 =	rddreg [dreg:$0xa]  }
0x15b: {  	s8 =	rddreg [dreg:$0x9];
	s4 =	sadd.s32 $0x1, s6  }
0x15c: {  	p0 =	sne.s32 s4, s8  }
.Ltmp4:
0x15d: {  	_ = 	snop;
	(pc) =	sbr.rel @p0 .LBB2_1-.Ltmp4, $3  }
0x15e: {  	_ =	sdelay $0x1  }
0x15f: {  	[sflag:s2] =	ssyncset.done $0x0  }
0x160: {  	[sflag:s2] =	ssyncadd.s32 $0xFFFF1000  }
0x161: {  	_ =	sfence.sel $0x180000  }
0x162: {  	[bflag:$0x0] =	sbarrier.arrive $0xFFFF  }
0x163: {  	_ =	strace $0x9000004A  }
0x164: {  	s0 =	stileid.u32;
	[bflag:$0x2] =	sbarrier.arrive $0xFFFF  }
0x165: {  	p0 =	sne.s32 s0, $0x0;
	s0 =	rddreg [dreg:$0x1]  }
0x166: {  	s0 =	sadd.s32 @!p0 $0x100000, s0  }
0x167: {  	[sflag:s0] =	ssyncadd.tile.s32 @!p0 $0x1;
	_ =	shalt  }
.Lfunc_end2:
_tile_overlayer_lowered:
.L_overlay_start_2:
0x168: {  	(tag) =	ssettag $0x2  }
0x169: {  	s0 =	rddreg [dreg:$0x0];
	s2 =	stileid.u32  }
0x16a: {  	s1 =	rddreg [dreg:$0x1];
	p0 =	sne.s32 s2, $0x0  }
0x16b: {  	s3 =	rddreg [dreg:$0x2];
	[bflag:$0x3] =	sbarrier.arrive $0xFFFF;
	s2 =	simm.s32 @!p0 $0x1C02  }
0x16c: {  	[timem:s3], [sflag:s2] =	dma.local @!p0 [hbm:s0], s1  }
0x16d: {  	s0 =	simm.s32 @!p0 $0x2  }
0x16e: {  	_ =	swait.ge @!p0 [sflag:s0], s1  }
0x16f: {  	s1 =	ssub.s32 @!p0 $0x0, s1;
	[sflag:s0] =	ssyncset.done @!p0 $0x0  }
0x170: {  	[sflag:s0] =	ssyncadd.s32 @!p0 s1  }
0x171: {  	[bflag:$0x3] =	sbarrier.arrive $0xFFFF  }
0x172: {  	_ =	shalt  }

// kernel: kernel.15.cloned.1.call-start
scs
__scs_entry_jumppad:
0x0: {  	(pc) =	sbr.rel $0x88, $3  }
0x1: {  	(tag) =	ssettag $0x0;
	lr =	simm.s32 $0x1  }
0x2: {  	[smem:$0x3F8C] =	sst lr;
	_ =	strace $0xD0000000  }
0x3: {  	_ = 	snop  }
0x4: {  	_ = 	snop  }
0x5: {  	_ = 	snop  }
0x6: {  	_ = 	snop  }
0x7: {  	_ = 	snop  }
__scs_overlays_trampoline_lowered:
0x8: {  	[smem:$0x3F9B] =	sst s0  }
0x9: {  	[smem:$0x3F9C] =	sst s1  }
0xa: {  	[smem:$0x3F9D] =	sst s2  }
0xb: {  	[smem:$0x3F9E] =	sst s3  }
0xc: {  	[smem:$0x3F9F] =	sst s4  }
0xd: {  	[smem:$0x3FA0] =	sst s5  }
0xe: {  	[smem:$0x3FA1] =	sst s6  }
0xf: {  	[smem:$0x3FA2] =	sst s7  }
0x10: {  	[smem:$0x3FA3] =	sst s8  }
0x11: {  	[smem:$0x3FA4] =	sst s9;
	s0 =	simm.s32 @!p0 $0x0  }
0x12: {  	s1 =	sld [smem:$0x3F8A];
	s0 =	simm.s32 @p0 $0x1  }
0x13: {  	[smem:$0x3FA5] =	sst s0;
	s0 =	simm.s32 @!p1 $0x0  }
0x14: {  	s2 =	sld [smem:$0x3F89];
	s0 =	simm.s32 @p1 $0x1  }
0x15: {  	[smem:$0x3FA6] =	sst s0;
	s0 =	simm.s32 @!p2 $0x0  }
0x16: {  	s3 =	sld [smem:$0x3FDB];
	s0 =	simm.s32 @p2 $0x1  }
0x17: {  	s4 =	simm.s32 $0x1BF5;
	[smem:$0x3FA8] =	sst s0  }
0x18: {  	s0 =	sld [smem:$0x3F8B];
	_ =	swait.ge [sflag:s4], $0x0  }
0x19: {  	s7 =	sld [smem:$0x3F8C]  }
0x1a: {  	s8 =	sadd.s32 $0xFFFFE003, lr  }
0x1b: {  	s9 =	sadd.s32 $0xFFFFFEF7, lr;
	s5 =	simm.s32 $0xFFFFFFFF;
	p2 =	slt.u32 s8, $0xFFFFF086  }
0x1c: {  	p1 =	slt.u32 s9, $0xF7A;
	s5 =	simm.s32 @!p2 $0x0  }
0x1d: {  	s5 =	simm.s32 @p1 $0x1;
	p0 =	seq.s32 s7, s2  }
0x1e: {  	s7 =	smul.u32 @!p0 $0xF7A, s2;
	p2 =	seq.s32 @!p0 s5, $0x0  }
0x1f: {  	s9 =	smul.u32 $0xF7A, s1;
	s8 =	simm.s32 @!p0 $0x1BF5;
	p2 =	por !p2, p0  }
0x20: {  	[sflag:s8] =	ssyncset.s32 @!p0 $0xFFFFF086;
	s6 =	sadd.s32 @!p0 s3, s7;
	s7 =	simm.s32 @!p0 $0x108  }
0x21: {  	s3 =	sadd.s32 s3, s9;
	s6 =	sadd.s32 @!p0 $0x88, s6;
	s7 =	simm.s32 @p2 $0x1082  }
0x22: {  	[simem:s7], [sflag:s8] =	dma.local @!p0 [hbm:s6], $0xF7A  }
0x23: {  	s9 =	sor.u32 $0xD0000000, s2;
	s6 =	simm.s32 $0x108;
	_ =	swait.ge @!p0 [sflag:s8], $0x0  }
0x24: {  	s3 =	sadd.s32 $0x88, s3;
	s6 =	simm.s32 @!p1 $0x1082;
	[sflag:s4] =	ssyncset.s32 $0xFFFFF086  }
0x25: {  	[simem:s6], [sflag:s4] =	dma.local [hbm:s3], $0xF7A  }
0x26: {  	[smem:$0x3F8C] =	sst s1;
	(tag) =	ssettag s2;
	_ =	strace s9  }
0x27: {  	s1 =	sld [smem:$0x3F9C]  }
0x28: {  	s2 =	sld [smem:$0x3F9D]  }
0x29: {  	s4 =	sld [smem:$0x3F9F]  }
0x2a: {  	p0 =	seq.s32 s5, $0x0;
	s5 =	sld [smem:$0x3FA0]  }
0x2b: {  	s6 =	sld [smem:$0x3FA1]  }
0x2c: {  	s7 =	sld [smem:$0x3FA2]  }
0x2d: {  	s3 =	simm.s32 $0x108;
	s8 =	sld [smem:$0x3FA3]  }
0x2e: {  	s3 =	simm.s32 @!p0 $0x1082;
	s9 =	sld [smem:$0x3FA4]  }
0x2f: {  	lr =	sadd.s32 s0, s3;
	s0 =	sld [smem:$0x3F9B]  }
0x30: {  	s3 =	sld [smem:$0x3F9E]  }
0x31: {  	[smem:$0x3FA7] =	sst s10  }
0x32: {  	s10 =	sld [smem:$0x3FA5];
	_ =	sdelay $0x3  }
0x33: {  	p0 =	seq.s32 s10, $0x1;
	s10 =	sld [smem:$0x3FA7];
	_ =	sdelay $0x3  }
0x34: {  	[smem:$0x3FA7] =	sst s10  }
0x35: {  	s10 =	sld [smem:$0x3FA6];
	_ =	sdelay $0x3  }
0x36: {  	p1 =	seq.s32 s10, $0x1;
	s10 =	sld [smem:$0x3FA7];
	_ =	sdelay $0x3  }
0x37: {  	[smem:$0x3FA7] =	sst s10  }
0x38: {  	s10 =	sld [smem:$0x3FA8]  }
0x39: {  	_ = 	snop;
	(pc) =	sbr.ind lr, $3  }
0x3a: {  	_ = 	snop  }
0x3b: {  	_ = 	snop  }
0x3c: {  	p2 =	seq.s32 s10, $0x1;
	s10 =	sld [smem:$0x3FA7]  }
0x3d: {  	_ =	shalt  }
0x3e: {  	_ =	shalt  }
0x3f: {  	_ =	shalt  }
0x40: {  	_ =	shalt  }
0x41: {  	_ =	shalt  }
0x42: {  	_ =	shalt  }
0x43: {  	_ =	shalt  }
0x44: {  	_ =	shalt  }
0x45: {  	_ =	shalt  }
0x46: {  	_ =	shalt  }
0x47: {  	_ =	shalt  }
0x48: {  	_ =	shalt  }
0x49: {  	_ =	shalt  }
0x4a: {  	_ =	shalt  }
0x4b: {  	_ =	shalt  }
0x4c: {  	_ =	shalt  }
0x4d: {  	_ =	shalt  }
0x4e: {  	_ =	shalt  }
0x4f: {  	_ =	shalt  }
0x50: {  	_ =	shalt  }
0x51: {  	_ =	shalt  }
0x52: {  	_ =	shalt  }
0x53: {  	_ =	shalt  }
0x54: {  	_ =	shalt  }
0x55: {  	_ =	shalt  }
0x56: {  	_ =	shalt  }
0x57: {  	_ =	shalt  }
0x58: {  	_ =	shalt  }
0x59: {  	_ =	shalt  }
0x5a: {  	_ =	shalt  }
0x5b: {  	_ =	shalt  }
0x5c: {  	_ =	shalt  }
0x5d: {  	_ =	shalt  }
0x5e: {  	_ =	shalt  }
0x5f: {  	_ =	shalt  }
0x60: {  	_ =	shalt  }
0x61: {  	_ =	shalt  }
0x62: {  	_ =	shalt  }
0x63: {  	_ =	shalt  }
0x64: {  	_ =	shalt  }
0x65: {  	_ =	shalt  }
0x66: {  	_ =	shalt  }
0x67: {  	_ =	shalt  }
0x68: {  	_ =	shalt  }
0x69: {  	_ =	shalt  }
0x6a: {  	_ =	shalt  }
0x6b: {  	_ =	shalt  }
0x6c: {  	_ =	shalt  }
0x6d: {  	_ =	shalt  }
0x6e: {  	_ =	shalt  }
0x6f: {  	_ =	shalt  }
0x70: {  	_ =	shalt  }
0x71: {  	_ =	shalt  }
0x72: {  	_ =	shalt  }
0x73: {  	_ =	shalt  }
0x74: {  	_ =	shalt  }
0x75: {  	_ =	shalt  }
0x76: {  	_ =	shalt  }
0x77: {  	_ =	shalt  }
0x78: {  	_ =	shalt  }
0x79: {  	_ =	shalt  }
0x7a: {  	_ =	shalt  }
0x7b: {  	_ =	shalt  }
0x7c: {  	_ =	shalt  }
0x7d: {  	_ =	shalt  }
0x7e: {  	_ =	shalt  }
0x7f: {  	_ =	shalt  }
0x80: {  	_ =	shalt  }
0x81: {  	_ =	shalt  }
0x82: {  	_ =	shalt  }
0x83: {  	_ =	shalt  }
0x84: {  	_ =	shalt  }
0x85: {  	_ =	shalt  }
0x86: {  	_ =	shalt  }
0x87: {  	_ =	shalt  }
.Lfunc_end0:
.L_simem_size_0:
called_computation.2_lowered:
.L_overlay_start_0:
0x88: {  	s2 =	sld [smem:$0x3FD9]  }
0x89: {  	s3 =	sld [smem:$0x3FFE];
	_ =	sdelay $0x1  }
0x8a: {  	s1 =	srdreg.scid  }
0x8b: {  	s0 =	sand.u32 $0x1, s1  }
0x8c: {  	s16 =	sshll.u32 s0, $0xA;
	s2 =	sadd.s32 s3, s2  }
0x8d: {  	s2 =	sadd.s32 s2, s16  }
0x8e: {  	[smem:$0x3FB3] =	sst s2  }
0x8f: {  	_ = 	snop  }
0x90: {  	(tm) =	ssettm $0x1  }
0x91: {  	s17 =	sld [smem:$0x3FFB];
	_ =	sdelay $0x3  }
0x92: {  	_ =	strace s17  }
0x93: {  	s2 =	sld [smem:$0x3FFC];
	_ =	sdelay $0x3  }
0x94: {  	_ =	strace s2  }
0x95: {  	s2 =	sld [smem:$0x3FFD];
	_ =	sdelay $0x3  }
0x96: {  	_ =	strace s2  }
0x97: {  	_ =	strace $0x8FFFFFFF  }
0x98: {  	s18 =	sld [smem:$0x3FDB];
	_ =	sdelay $0x1  }
0x99: {  	s19 =	simm.s32 $_scs_section_size  }
0x9a: {  	s4 =	simm.s32 $_size__tile_overlayer_lowered;
	s5 =	simm.s32 $_tile_overlayer_lowered  }
0x9b: {  	s22 =	simm.s32 $0x1BFF;
	s21 =	sshll.u32 s5, $0x1;
	s2 =	sadd.s32 s19, s18  }
0x9c: {  	s6 =	simm.s32 $0x0;
	s20 =	sshll.u32 s4, $0x1;
	s4 =	sadd.s32 s21, s2  }
0x9d: {  	[timem:s6], [sflag:s22] =	dma.local [hbm:s4], s20  }
0x9e: {  	_ =	swait.ge [sflag:s22], s20  }
0x9f: {  	s3 =	ssub.s32 $0x0, s20;
	[sflag:s22] =	ssyncset.done $0x0  }
0xa0: {  	[sflag:s22] =	ssyncadd.s32 s3;
	_ =	sdelay $0x1  }
0xa1: {  	s23 =	simm.s32 $0x1B8B  }
0xa2: {  	_ =	swait.ge [sflag:s23], $0x1  }
0xa3: {  	[sflag:s23] =	ssyncset.done $0x0  }
0xa4: {  	s25 =	simm.s32 $0x1B8E;
	s24 =	sld [smem:$0x3FFE];
	[sflag:s23] =	ssyncadd.s32 $0xFFFFFFFF  }
0xa5: {  	s26 =	simm.s32 $execute0_lowered;
	[smem:$0x3FD2] =	sst s25  }
0xa6: {  	s4 =	sshll.u32 s26, $0x1;
	_ =	strace $0x8000004C;
	[dreg:$0x1] =	wrdreg $0xFFFFFFFF  }
0xa7: {  	s28 =	simm.s32 $_size_execute0_lowered;
	s2 =	sadd.s32 s2, s4;
	[dreg:$0x0] =	wrdreg $0x0  }
0xa8: {  	s4 =	sshll.u32 s28, $0x1;
	[dreg:$0x2] =	wrdreg s2  }
0xa9: {  	[dreg:$0x3] =	wrdreg s4  }
0xaa: {  	[dreg:$0x4] =	wrdreg $0xC0  }
0xab: {  	_ =	task [dreg:s6], $0x5FFFF  }
0xac: {  	[dreg:$0x1] =	wrdreg $0xFFFFFFFF  }
0xad: {  	[dreg:$0x0] =	wrdreg $0x60  }
0xae: {  	[dreg:$0x2] =	wrdreg s24  }
0xaf: {  	[dreg:$0x3] =	wrdreg $0x9  }
0xb0: {  	_ =	task.clear_ibuf [dreg:s6], $0x4FFFF;
	_ =	strace $0x9000004C  }
0xb1: {  	s29 =	simm.s32 $0x9;
	_ =	strace $0x8000004E  }
0xb2: {  	_ =	swait.ge [sflag:s29], $0x1  }
0xb3: {  	[sflag:s29] =	ssyncadd.s32 $0xFFFFFFFF  }
0xb4: {  	_ =	strace $0x9000004E  }
0xb5: {  	_ =	sfence  }
0xb6: {  	s30 =	sld [smem:$0x0];
	_ =	sdelay $0x2  }
0xb7: {  	s31 =	sshll.u32 s1, $0xD;
	s1 =	sshrl.u32 s1, $0x2  }
0xb8: {  	s3 =	sand.u32 $0x4000, s31;
	s1 =	sadd.s32 s1, s30  }
0xb9: {  	s0 =	sor.u32 s3, s0;
	s1 =	sshll.u32 s1, $0x11  }
0xba: {  	s0 =	sor.u32 s1, s0  }
0xbb: {  	s0 =	sadd.s32 $0x8F2B, s0  }
0xbc: {  	[sflag:s0] =	ssyncadd.remote.s32 $0x1  }
0xbd: {  	_ =	sfence.sel $0xFFFF  }
0xbe: {  	[dreg:$0x0] =	wrdreg $0xFFFFFFFF;
	(pc) =	sbr.abs _section_cstart, $3  }
0xbf: {  	[dreg:$0x1] =	wrdreg $0xFFFFFFFF  }
0xc0: {  	_ =	task.clear_ibuf [dreg:s6], $0x2FFFF;
	_ =	strace $0x9FFFFFFF  }
0xc1: {  	(tm) =	ssettm $0x7FFFFFFF  }
tec
execute0_lowered:
.L_overlay_start_1:
0x0: {  	(tag) =	ssettag $0x1  }
0x1: {  	s11 =	rddreg [dreg:$0x0];
	s3 =	simm.s32 $0x0  }
0x2: {  	[smem:$0x7FF] =	sst s3;
	s4 =	sadd.s32 $0x1B000, s11  }
0x3: {  	s23 =	sadd.s32 $0x20A00, s11;
	_ =	strace $0x8000004D;
	[dreg:$0x2] =	wrdreg s4  }
0x4: {  	s24 =	sadd.s32 $0x7000, s11;
	[dreg:$0x3] =	wrdreg s23  }
0x5: {  	s25 =	sadd.s32 $0x11000, s11;
	[dreg:$0x4] =	wrdreg s24  }
0x6: {  	s0 =	srdreg.scid;
	s26 =	sadd.s32 $0x6C00, s11;
	[dreg:$0x5] =	wrdreg s25  }
0x7: {  	s2 =	stileid.u32;
	s5 =	sadd.s32 $0x1B500, s11;
	[dreg:$0x6] =	wrdreg s26  }
0x8: {  	s0 =	sand.u32 $0x1, s0;
	s6 =	sadd.s32 $0x20F00, s11;
	[dreg:$0x8] =	wrdreg s5  }
0x9: {  	s1 =	sshll.u32 s2, $0x1;
	s7 =	sadd.s32 $0x1BA00, s11;
	[dreg:$0x9] =	wrdreg s6  }
0xa: {  	s2 =	sshrl.u32 s2, $0x2;
	s8 =	sadd.s32 $0x21400, s11;
	[dreg:$0xa] =	wrdreg s7  }
0xb: {  	s9 =	sadd.s32 $0x1BF00, s11;
	s10 =	sadd.s32 $0x21900, s11;
	[dreg:$0xb] =	wrdreg s8  }
0xc: {  	s14 =	sadd.s32 $0x1C400, s11;
	s15 =	sadd.s32 $0x21E00, s11;
	[dreg:$0xc] =	wrdreg s9  }
0xd: {  	s16 =	sadd.s32 $0x1C900, s11;
	s17 =	sadd.s32 $0x22300, s11;
	[dreg:$0xd] =	wrdreg s10  }
0xe: {  	s18 =	sadd.s32 $0x1CE00, s11;
	s19 =	sadd.s32 $0x22800, s11;
	[dreg:$0xe] =	wrdreg s14  }
0xf: {  	s21 =	sadd.s32 $0x1D300, s11;
	s28 =	sadd.s32 $0x1E200, s11;
	[dreg:$0xf] =	wrdreg s15  }
0x10: {  	s29 =	sadd.s32 $0x23C00, s11;
	s30 =	sadd.s32 $0x1E700, s11;
	[dreg:$0x10] =	wrdreg s16  }
0x11: {  	s31 =	sadd.s32 $0x24100, s11;
	s1 =	sor.u32 s0, s1;
	[dreg:$0x11] =	wrdreg s17  }
0x12: {  	s2 =	smul.u32 $0xB4000, s2;
	s0 =	ssub.s32 $0x2, s0;
	[dreg:$0x12] =	wrdreg s18  }
0x13: {  	[dreg:$0x13] =	wrdreg s19;
	s23 =	sadd.s32 $0x1D800, s11;
	s24 =	sadd.s32 $0x23200, s11  }
0x14: {  	s25 =	sadd.s32 $0x1DD00, s11;
	s26 =	sadd.s32 $0x23700, s11;
	s7 =	sadd.s32 $0x24B00, s11  }
0x15: {  	s5 =	sadd.s32 $0x1FB00, s11;
	s6 =	sadd.s32 $0x25500, s11;
	s8 =	sadd.s32 $0x20000, s11  }
0x16: {  	s9 =	sadd.s32 $0x25A00, s11;
	s10 =	sadd.s32 $0x20500, s11;
	s14 =	simm.s32 $0x1  }
0x17: {  	s15 =	simm.s32 $0x3080;
	s17 =	simm.s32 $0x0;
	s22 =	sshll.u32 s1, $0x7  }
0x18: {  	s4 =	smul.u32 $0x2800, s1;
	s1 =	sadd.s32 $0x24600, s11;
	s3 =	sand.u32 $0x380, s22  }
0x19: {  	s22 =	sadd.s32 $0x22D00, s11;
	s2 =	sor.u32 s2, s3;
	s3 =	sshrl.u32 s0, $0x1  }
0x1a: {  	v0 =	vimm.f32 $-1.000000020e+30;
	[dreg:$0x7] =	wrdreg s4;
	s4 =	sadd.s32 $0x25000, s11;
	s2 =	sshrl.u32 s2, $0x3  }
0x1b: {  	vm3 =	vcmask $0x3F10;
	vm4 =	vcmask $0x3F14;
	vm5 =	vcmask $0x3F18;
	s13 =	ssub.s32 s0, s3;
	s0 =	sadd.s32 $0x1EC00, s11;
	s3 =	sadd.s32 $0x1F600, s11  }
0x1c: {  	vm6 =	vcmask $0x3F1C;
	vm7 =	vcmask $0x3F20;
	vm8 =	vcmask $0x3F24;
	s12 =	sadd.s32 s2, s11;
	s2 =	sadd.s32 $0x1F100, s11;
	s20 =	smax.u32 s13, $0x1  }
0x1d: {  	vm9 =	vcmask $0x3F28;
	vm10 =	vcmask $0x3F2C;
	vm11 =	vcmask $0x3F30;
	s11 =	sadd.s32 $0x25F00, s11;
	s12 =	sadd.s32 $0x26400, s12;
	[dreg:$0x15] =	wrdreg s20  }
0x1e: {  	vm12 =	vcmask $0x3F34;
	vm13 =	vcmask $0x3F38;
	vm14 =	vcmask $0x3F3C;
	s13 =	simm.s32 $0x100;
	[dreg:$0x14] =	wrdreg s12;
	s12 =	simm.s32 $0x2  }
.LBB2_1:
0x1f: {  	[dreg:$0x16] =	wrdreg s17  }
0x20: {  	s16 =	simm.s32 $0x0;
	s20 =	rddreg [dreg:$0x6];
	s18 =	simm.s32 $0x2600  }
0x21: {  	[tilespmem:s18], [sflag:$0x2] =	stream.linear.gather [hbm4b:s20+s16], $0xA80, $0x38;
	[tilespmem:$0x19900] =	vst v63  }
0x22: {  	_ =	swait.ge [sflag:s12], $0xA80  }
0x23: {  	[sflag:s12] =	ssyncset.done $0x0  }
0x24: {  	v1 =	vimm.s32 $0xFFFFFFFF;
	[sflag:s12] =	ssyncadd.s32 $0xFFFFF580  }
0x25: {  	s17 =	simm.s32 $0x0;
	s16 =	simm.s32 $0x40;
	[tilespmem:$0x19880] =	vst v1  }
.LBB2_2:
0x26: {  	p0 =	sne.s32 s16, $0x59FC0;
	[tilespmem:s17+$0x3080] =	vst v0;
	s17 =	smov.u32 s16;
	s16 =	sadd.s32 $0x40, s16  }
.Ltmp0:
0x27: {  	(pc) =	sbr.rel @p0 .LBB2_2-.Ltmp0, $2  }
0x28: {  	_ =	sdelay $0x2  }
0x29: {  	s17 =	sshra.s32 s17, $0x2  }
0x2a: {  	[tilespmem:s17+$0x3080] =	vst v0;
	s16 =	simm.s32 $0x0;
	s17 =	simm.s32 $0x0  }
.LBB2_4:
0x2b: {  	s18 =	sshll.u32 s17, $0x8;
	s19 =	rddreg [dreg:$0x7]  }
0x2c: {  	s18 =	sadd.s32 s19, s18  }
0x2d: {  	s20 =	rddreg [dreg:$0x4];
	s18 =	sshrl.u32 s18, $0x3  }
0x2e: {  	s19 =	sadd.s32 s20, s18  }
0x2f: {  	[tilespmem:s16], [sflag:$0x2] =	stream.linear.gather [hbm4b:s19+s16], $0x100, $0x38;
	[tilespmem:$0x19900] =	vst v63  }
0x30: {  	_ =	swait.ge [sflag:s12], $0x100  }
0x31: {  	[sflag:s12] =	ssyncset.done $0x0;
	s20 =	rddreg [dreg:$0x5]  }
0x32: {  	[sflag:s12] =	ssyncadd.s32 $0xFFFFFF00;
	s18 =	sadd.s32 s20, s18  }
0x33: {  	[tilespmem:s13], [sflag:$0x2] =	stream.linear.gather [hbm4b:s18+s16], $0x100, $0x38;
	[tilespmem:$0x19900] =	vst v63  }
0x34: {  	_ =	swait.ge [sflag:s12], $0x100  }
0x35: {  	[sflag:s12] =	ssyncset.done $0x0  }
0x36: {  	s20 =	simm.s32 $0x200;
	s19 =	rddreg [dreg:$0x2];
	[sflag:s12] =	ssyncadd.s32 $0xFFFFFF00  }
0x37: {  	[tilespmem:s20], [sflag:$0x1] =	stream.indirect.gather [hbm4b:s19+s13], $0x1, s16, s13, $0xb8;
	[tilespmem:$0x19900] =	vst v63  }
0x38: {  	s19 =	rddreg [dreg:$0x3];
	s20 =	simm.s32 $0x1400  }
0x39: {  	[tilespmem:s20], [sflag:$0x1] =	stream.indirect.gather [hbm4b:s19+s13], $0x1, s13, s13, $0xb8;
	[tilespmem:$0x19900] =	vst v63  }
0x3a: {  	s19 =	rddreg [dreg:$0x8];
	s20 =	simm.s32 $0x300  }
0x3b: {  	[tilespmem:s20], [sflag:$0x1] =	stream.indirect.gather [hbm4b:s19+s13], $0x1, s16, s13, $0xb8;
	[tilespmem:$0x19900] =	vst v63  }
0x3c: {  	s19 =	rddreg [dreg:$0x9];
	s20 =	simm.s32 $0x1500  }
0x3d: {  	[tilespmem:s20], [sflag:$0x1] =	stream.indirect.gather [hbm4b:s19+s13], $0x1, s13, s13, $0xb8;
	[tilespmem:$0x19900] =	vst v63  }
0x3e: {  	s19 =	rddreg [dreg:$0xa];
	s20 =	simm.s32 $0x400  }
0x3f: {  	[tilespmem:s20], [sflag:$0x1] =	stream.indirect.gather [hbm4b:s19+s13], $0x1, s16, s13, $0xb8;
	[tilespmem:$0x19900] =	vst v63  }
0x40: {  	s19 =	rddreg [dreg:$0xb];
	s20 =	simm.s32 $0x1600  }
0x41: {  	[tilespmem:s20], [sflag:$0x1] =	stream.indirect.gather [hbm4b:s19+s13], $0x1, s13, s13, $0xb8;
	[tilespmem:$0x19900] =	vst v63  }
0x42: {  	s19 =	rddreg [dreg:$0xc];
	s20 =	simm.s32 $0x500  }
0x43: {  	[tilespmem:s20], [sflag:$0x1] =	stream.indirect.gather [hbm4b:s19+s13], $0x1, s16, s13, $0xb8;
	[tilespmem:$0x19900] =	vst v63  }
0x44: {  	s19 =	rddreg [dreg:$0xd];
	s20 =	simm.s32 $0x1700  }
0x45: {  	[tilespmem:s20], [sflag:$0x1] =	stream.indirect.gather [hbm4b:s19+s13], $0x1, s13, s13, $0xb8;
	[tilespmem:$0x19900] =	vst v63  }
0x46: {  	s19 =	rddreg [dreg:$0xe];
	s20 =	simm.s32 $0x600  }
0x47: {  	[tilespmem:s20], [sflag:$0x1] =	stream.indirect.gather [hbm4b:s19+s13], $0x1, s16, s13, $0xb8;
	[tilespmem:$0x19900] =	vst v63  }
0x48: {  	s19 =	rddreg [dreg:$0xf];
	s20 =	simm.s32 $0x1800  }
0x49: {  	[tilespmem:s20], [sflag:$0x1] =	stream.indirect.gather [hbm4b:s19+s13], $0x1, s13, s13, $0xb8;
	[tilespmem:$0x19900] =	vst v63  }
0x4a: {  	s19 =	rddreg [dreg:$0x10];
	s20 =	simm.s32 $0x700  }
0x4b: {  	[tilespmem:s20], [sflag:$0x1] =	stream.indirect.gather [hbm4b:s19+s13], $0x1, s16, s13, $0xb8;
	[tilespmem:$0x19900] =	vst v63  }
0x4c: {  	s19 =	rddreg [dreg:$0x11];
	s20 =	simm.s32 $0x1900  }
0x4d: {  	[tilespmem:s20], [sflag:$0x1] =	stream.indirect.gather [hbm4b:s19+s13], $0x1, s13, s13, $0xb8;
	[tilespmem:$0x19900] =	vst v63  }
0x4e: {  	s19 =	rddreg [dreg:$0x12];
	s20 =	simm.s32 $0x800  }
0x4f: {  	[tilespmem:s20], [sflag:$0x1] =	stream.indirect.gather [hbm4b:s19+s13], $0x1, s16, s13, $0xb8;
	[tilespmem:$0x19900] =	vst v63  }
0x50: {  	s19 =	rddreg [dreg:$0x13];
	s20 =	simm.s32 $0x1A00  }
0x51: {  	[tilespmem:s20], [sflag:$0x1] =	stream.indirect.gather [hbm4b:s19+s13], $0x1, s13, s13, $0xb8;
	[tilespmem:$0x19900] =	vst v63  }
0x52: {  	s19 =	simm.s32 $0x900  }
0x53: {  	[tilespmem:s19], [sflag:$0x1] =	stream.indirect.gather [hbm4b:s21+s13], $0x1, s16, s13, $0xb8;
	[tilespmem:$0x19900] =	vst v63  }
0x54: {  	s20 =	simm.s32 $0x1B00  }
0x55: {  	[tilespmem:s20], [sflag:$0x1] =	stream.indirect.gather [hbm4b:s22+s13], $0x1, s13, s13, $0xb8;
	[tilespmem:$0x19900] =	vst v63  }
0x56: {  	s19 =	simm.s32 $0xA00  }
0x57: {  	[tilespmem:s19], [sflag:$0x1] =	stream.indirect.gather [hbm4b:s23+s13], $0x1, s16, s13, $0xb8;
	[tilespmem:$0x19900] =	vst v63  }
0x58: {  	s20 =	simm.s32 $0x1C00  }
0x59: {  	[tilespmem:s20], [sflag:$0x1] =	stream.indirect.gather [hbm4b:s24+s13], $0x1, s13, s13, $0xb8;
	[tilespmem:$0x19900] =	vst v63  }
0x5a: {  	s19 =	simm.s32 $0xB00  }
0x5b: {  	[tilespmem:s19], [sflag:$0x1] =	stream.indirect.gather [hbm4b:s25+s13], $0x1, s16, s13, $0xb8;
	[tilespmem:$0x19900] =	vst v63  }
0x5c: {  	s20 =	simm.s32 $0x1D00  }
0x5d: {  	[tilespmem:s20], [sflag:$0x1] =	stream.indirect.gather [hbm4b:s26+s13], $0x1, s13, s13, $0xb8;
	[tilespmem:$0x19900] =	vst v63  }
0x5e: {  	s19 =	simm.s32 $0xC00  }
0x5f: {  	[tilespmem:s19], [sflag:$0x1] =	stream.indirect.gather [hbm4b:s28+s13], $0x1, s16, s13, $0xb8;
	[tilespmem:$0x19900] =	vst v63  }
0x60: {  	s20 =	simm.s32 $0x1E00  }
0x61: {  	[tilespmem:s20], [sflag:$0x1] =	stream.indirect.gather [hbm4b:s29+s13], $0x1, s13, s13, $0xb8;
	[tilespmem:$0x19900] =	vst v63  }
0x62: {  	s19 =	simm.s32 $0xD00  }
0x63: {  	[tilespmem:s19], [sflag:$0x1] =	stream.indirect.gather [hbm4b:s30+s13], $0x1, s16, s13, $0xb8;
	[tilespmem:$0x19900] =	vst v63  }
0x64: {  	s20 =	simm.s32 $0x1F00  }
0x65: {  	[tilespmem:s20], [sflag:$0x1] =	stream.indirect.gather [hbm4b:s31+s13], $0x1, s13, s13, $0xb8;
	[tilespmem:$0x19900] =	vst v63  }
0x66: {  	s19 =	simm.s32 $0xE00  }
0x67: {  	[tilespmem:s19], [sflag:$0x1] =	stream.indirect.gather [hbm4b:s0+s13], $0x1, s16, s13, $0xb8;
	[tilespmem:$0x19900] =	vst v63  }
0x68: {  	s20 =	simm.s32 $0x2000  }
0x69: {  	[tilespmem:s20], [sflag:$0x1] =	stream.indirect.gather [hbm4b:s1+s13], $0x1, s13, s13, $0xb8;
	[tilespmem:$0x19900] =	vst v63  }
0x6a: {  	s19 =	simm.s32 $0xF00  }
0x6b: {  	[tilespmem:s19], [sflag:$0x1] =	stream.indirect.gather [hbm4b:s2+s13], $0x1, s16, s13, $0xb8;
	[tilespmem:$0x19900] =	vst v63  }
0x6c: {  	s20 =	simm.s32 $0x2100  }
0x6d: {  	[tilespmem:s20], [sflag:$0x1] =	stream.indirect.gather [hbm4b:s7+s13], $0x1, s13, s13, $0xb8;
	[tilespmem:$0x19900] =	vst v63  }
0x6e: {  	s19 =	simm.s32 $0x1000  }
0x6f: {  	[tilespmem:s19], [sflag:$0x1] =	stream.indirect.gather [hbm4b:s3+s13], $0x1, s16, s13, $0xb8;
	[tilespmem:$0x19900] =	vst v63  }
0x70: {  	s20 =	simm.s32 $0x2200  }
0x71: {  	[tilespmem:s20], [sflag:$0x1] =	stream.indirect.gather [hbm4b:s4+s13], $0x1, s13, s13, $0xb8;
	[tilespmem:$0x19900] =	vst v63  }
0x72: {  	s19 =	simm.s32 $0x1100  }
0x73: {  	[tilespmem:s19], [sflag:$0x1] =	stream.indirect.gather [hbm4b:s5+s13], $0x1, s16, s13, $0xb8;
	[tilespmem:$0x19900] =	vst v63  }
0x74: {  	s20 =	simm.s32 $0x2300  }
0x75: {  	[tilespmem:s20], [sflag:$0x1] =	stream.indirect.gather [hbm4b:s6+s13], $0x1, s13, s13, $0xb8;
	[tilespmem:$0x19900] =	vst v63  }
0x76: {  	s19 =	simm.s32 $0x1200  }
0x77: {  	[tilespmem:s19], [sflag:$0x1] =	stream.indirect.gather [hbm4b:s8+s13], $0x1, s16, s13, $0xb8;
	[tilespmem:$0x19900] =	vst v63  }
0x78: {  	s20 =	simm.s32 $0x2400  }
0x79: {  	[tilespmem:s20], [sflag:$0x1] =	stream.indirect.gather [hbm4b:s9+s13], $0x1, s13, s13, $0xb8;
	[tilespmem:$0x19900] =	vst v63  }
0x7a: {  	s19 =	simm.s32 $0x1300  }
0x7b: {  	[tilespmem:s19], [sflag:$0x1] =	stream.indirect.gather [hbm4b:s10+s13], $0x1, s16, s13, $0xb8;
	[tilespmem:$0x19900] =	vst v63  }
0x7c: {  	s20 =	simm.s32 $0x2500  }
0x7d: {  	[tilespmem:s20], [sflag:$0x1] =	stream.indirect.gather [hbm4b:s11+s13], $0x1, s13, s13, $0xb8;
	[tilespmem:$0x19900] =	vst v63  }
0x7e: {  	_ =	swait.ge [sflag:s14], $0x100  }
0x7f: {  	[sflag:s14] =	ssyncset.done $0x0  }
0x80: {  	[sflag:s14] =	ssyncadd.s32 $0xFFFFFF00  }
0x81: {  	_ =	swait.ge [sflag:s14], $0x100  }
0x82: {  	[sflag:s14] =	ssyncset.done $0x0  }
0x83: {  	[sflag:s14] =	ssyncadd.s32 $0xFFFFFF00  }
0x84: {  	_ =	swait.ge [sflag:s14], $0x100  }
0x85: {  	[sflag:s14] =	ssyncset.done $0x0  }
0x86: {  	[sflag:s14] =	ssyncadd.s32 $0xFFFFFF00  }
0x87: {  	_ =	swait.ge [sflag:s14], $0x100  }
0x88: {  	[sflag:s14] =	ssyncset.done $0x0  }
0x89: {  	[sflag:s14] =	ssyncadd.s32 $0xFFFFFF00  }
0x8a: {  	_ =	swait.ge [sflag:s14], $0x100  }
0x8b: {  	[sflag:s14] =	ssyncset.done $0x0  }
0x8c: {  	[sflag:s14] =	ssyncadd.s32 $0xFFFFFF00  }
0x8d: {  	_ =	swait.ge [sflag:s14], $0x100  }
0x8e: {  	[sflag:s14] =	ssyncset.done $0x0  }
0x8f: {  	[sflag:s14] =	ssyncadd.s32 $0xFFFFFF00  }
0x90: {  	_ =	swait.ge [sflag:s14], $0x100  }
0x91: {  	[sflag:s14] =	ssyncset.done $0x0  }
0x92: {  	[sflag:s14] =	ssyncadd.s32 $0xFFFFFF00  }
0x93: {  	_ =	swait.ge [sflag:s14], $0x100  }
0x94: {  	[sflag:s14] =	ssyncset.done $0x0  }
0x95: {  	[sflag:s14] =	ssyncadd.s32 $0xFFFFFF00  }
0x96: {  	_ =	swait.ge [sflag:s14], $0x100  }
0x97: {  	[sflag:s14] =	ssyncset.done $0x0  }
0x98: {  	[sflag:s14] =	ssyncadd.s32 $0xFFFFFF00  }
0x99: {  	_ =	swait.ge [sflag:s14], $0x100  }
0x9a: {  	[sflag:s14] =	ssyncset.done $0x0  }
0x9b: {  	[sflag:s14] =	ssyncadd.s32 $0xFFFFFF00  }
0x9c: {  	_ =	swait.ge [sflag:s14], $0x100  }
0x9d: {  	[sflag:s14] =	ssyncset.done $0x0  }
0x9e: {  	[sflag:s14] =	ssyncadd.s32 $0xFFFFFF00  }
0x9f: {  	_ =	swait.ge [sflag:s14], $0x100  }
0xa0: {  	[sflag:s14] =	ssyncset.done $0x0  }
0xa1: {  	[sflag:s14] =	ssyncadd.s32 $0xFFFFFF00  }
0xa2: {  	_ =	swait.ge [sflag:s14], $0x100  }
0xa3: {  	[sflag:s14] =	ssyncset.done $0x0  }
0xa4: {  	[sflag:s14] =	ssyncadd.s32 $0xFFFFFF00  }
0xa5: {  	_ =	swait.ge [sflag:s14], $0x100  }
0xa6: {  	[sflag:s14] =	ssyncset.done $0x0  }
0xa7: {  	[sflag:s14] =	ssyncadd.s32 $0xFFFFFF00  }
0xa8: {  	_ =	swait.ge [sflag:s14], $0x100  }
0xa9: {  	[sflag:s14] =	ssyncset.done $0x0  }
0xaa: {  	[sflag:s14] =	ssyncadd.s32 $0xFFFFFF00  }
0xab: {  	_ =	swait.ge [sflag:s14], $0x100  }
0xac: {  	[sflag:s14] =	ssyncset.done $0x0  }
0xad: {  	[sflag:s14] =	ssyncadd.s32 $0xFFFFFF00  }
0xae: {  	_ =	swait.ge [sflag:s14], $0x100  }
0xaf: {  	[sflag:s14] =	ssyncset.done $0x0  }
0xb0: {  	[sflag:s14] =	ssyncadd.s32 $0xFFFFFF00  }
0xb1: {  	_ =	swait.ge [sflag:s14], $0x100  }
0xb2: {  	[sflag:s14] =	ssyncset.done $0x0  }
0xb3: {  	[sflag:s14] =	ssyncadd.s32 $0xFFFFFF00  }
0xb4: {  	_ =	swait.ge [sflag:s14], $0x100  }
0xb5: {  	[sflag:s14] =	ssyncset.done $0x0  }
0xb6: {  	[sflag:s14] =	ssyncadd.s32 $0xFFFFFF00  }
0xb7: {  	_ =	swait.ge [sflag:s14], $0x100  }
0xb8: {  	[sflag:s14] =	ssyncset.done $0x0  }
0xb9: {  	[sflag:s14] =	ssyncadd.s32 $0xFFFFFF00  }
0xba: {  	_ =	swait.ge [sflag:s14], $0x100  }
0xbb: {  	[sflag:s14] =	ssyncset.done $0x0  }
0xbc: {  	[sflag:s14] =	ssyncadd.s32 $0xFFFFFF00  }
0xbd: {  	_ =	swait.ge [sflag:s14], $0x100  }
0xbe: {  	[sflag:s14] =	ssyncset.done $0x0  }
0xbf: {  	[sflag:s14] =	ssyncadd.s32 $0xFFFFFF00  }
0xc0: {  	_ =	swait.ge [sflag:s14], $0x100  }
0xc1: {  	[sflag:s14] =	ssyncset.done $0x0  }
0xc2: {  	[sflag:s14] =	ssyncadd.s32 $0xFFFFFF00  }
0xc3: {  	_ =	swait.ge [sflag:s14], $0x100  }
0xc4: {  	[sflag:s14] =	ssyncset.done $0x0  }
0xc5: {  	[sflag:s14] =	ssyncadd.s32 $0xFFFFFF00  }
0xc6: {  	_ =	swait.ge [sflag:s14], $0x100  }
0xc7: {  	[sflag:s14] =	ssyncset.done $0x0  }
0xc8: {  	[sflag:s14] =	ssyncadd.s32 $0xFFFFFF00  }
0xc9: {  	_ =	swait.ge [sflag:s14], $0x100  }
0xca: {  	[sflag:s14] =	ssyncset.done $0x0  }
0xcb: {  	[sflag:s14] =	ssyncadd.s32 $0xFFFFFF00  }
0xcc: {  	_ =	swait.ge [sflag:s14], $0x100  }
0xcd: {  	[sflag:s14] =	ssyncset.done $0x0  }
0xce: {  	[sflag:s14] =	ssyncadd.s32 $0xFFFFFF00  }
0xcf: {  	_ =	swait.ge [sflag:s14], $0x100  }
0xd0: {  	[sflag:s14] =	ssyncset.done $0x0  }
0xd1: {  	[sflag:s14] =	ssyncadd.s32 $0xFFFFFF00  }
0xd2: {  	_ =	swait.ge [sflag:s14], $0x100  }
0xd3: {  	[sflag:s14] =	ssyncset.done $0x0  }
0xd4: {  	[sflag:s14] =	ssyncadd.s32 $0xFFFFFF00  }
0xd5: {  	_ =	swait.ge [sflag:s14], $0x100  }
0xd6: {  	[sflag:s14] =	ssyncset.done $0x0  }
0xd7: {  	[sflag:s14] =	ssyncadd.s32 $0xFFFFFF00  }
0xd8: {  	_ =	swait.ge [sflag:s14], $0x100  }
0xd9: {  	[sflag:s14] =	ssyncset.done $0x0  }
0xda: {  	[sflag:s14] =	ssyncadd.s32 $0xFFFFFF00  }
0xdb: {  	_ =	swait.ge [sflag:s14], $0x100  }
0xdc: {  	[sflag:s14] =	ssyncset.done $0x0  }
0xdd: {  	[sflag:s14] =	ssyncadd.s32 $0xFFFFFF00  }
0xde: {  	_ =	swait.ge [sflag:s14], $0x100  }
0xdf: {  	[sflag:s14] =	ssyncset.done $0x0  }
0xe0: {  	[sflag:s14] =	ssyncadd.s32 $0xFFFFFF00  }
0xe1: {  	_ =	swait.ge [sflag:s14], $0x100  }
0xe2: {  	[sflag:s14] =	ssyncset.done $0x0  }
0xe3: {  	[sflag:s14] =	ssyncadd.s32 $0xFFFFFF00  }
0xe4: {  	_ =	swait.ge [sflag:s14], $0x100  }
0xe5: {  	[sflag:s14] =	ssyncset.done $0x0  }
0xe6: {  	[sflag:s14] =	ssyncadd.s32 $0xFFFFFF00  }
0xe7: {  	_ =	swait.ge [sflag:s14], $0x100  }
0xe8: {  	[sflag:s14] =	ssyncset.done $0x0  }
0xe9: {  	s18 =	simm.s32 $0x0;
	[sflag:s14] =	ssyncadd.s32 $0xFFFFFF00  }
.LBB2_5:
0xea: {  	v15 =	vld [tilespmem:$0x2BB0];
	_ =	sdelay $0x4  }
0xeb: {  	[tilespmem:$0x1FC20] =	vst v15;
	v15 =	vld [tilespmem:$0x2C40];
	_ =	sdelay $0x4  }
0xec: {  	[tilespmem:$0x1FC40] =	vst v15;
	v15 =	vld [tilespmem:$0x2CD0];
	_ =	sdelay $0x4  }
0xed: {  	[tilespmem:$0x1FC70] =	vst v15;
	v15 =	vld [tilespmem:$0x2D60];
	_ =	sdelay $0x4  }
0xee: {  	[tilespmem:$0x1FCC0] =	vst v15;
	v15 =	vld [tilespmem:$0x2DF0];
	_ =	sdelay $0x4  }
0xef: {  	[tilespmem:$0x1FD00] =	vst v15;
	v15 =	vld [tilespmem:$0x2E80];
	_ =	sdelay $0x4  }
0xf0: {  	[tilespmem:$0x1FD30] =	vst v15;
	v15 =	vld [tilespmem:$0x2F10];
	_ =	sdelay $0x4  }
0xf1: {  	[tilespmem:$0x1FD60] =	vst v15;
	v15 =	vld [tilespmem:$0x2FA0];
	_ =	sdelay $0x4  }
0xf2: {  	[tilespmem:$0x1FD80] =	vst v15;
	v15 =	vld [tilespmem:$0x2980];
	_ =	sdelay $0x4  }
0xf3: {  	[tilespmem:$0x1FC50] =	vst v15;
	v15 =	vld [tilespmem:$0x2A10];
	_ =	sdelay $0x4  }
0xf4: {  	[tilespmem:$0x1FC80] =	vst v15;
	v15 =	vld [tilespmem:$0x2AA0];
	_ =	sdelay $0x2  }
0xf5: {  	v14 =	vld [tilespmem:$0x2600]  }
0xf6: {  	v27 =	vld [tilespmem:$0x2690]  }
0xf7: {  	[tilespmem:$0x1FC90] =	vst v15;
	v15 =	vld [tilespmem:$0x2B30]  }
0xf8: {  	v30 =	vld [tilespmem:$0x2720]  }
0xf9: {  	v38 =	vld [tilespmem:$0x27B0]  }
0xfa: {  	v20 =	vld [tilespmem:$0x2840]  }
0xfb: {  	v11 =	vld [tilespmem:$0x28D0]  }
0xfc: {  	[tilespmem:$0x1FCB0] =	vst v15;
	v15 =	vld [tilespmem:$0x2BC0]  }
0xfd: {  	v12 =	vld [tilespmem:$0x2960]  }
0xfe: {  	v16 =	vld [tilespmem:$0x29F0]  }
0xff: {  	s19 =	sshll.u32 s18, $0x4;
	v18 =	vld [tilespmem:$0x2A80]  }
0x100: {  	v0 =	vld [tilespmem:s19+$0x1000]  }
0x101: {  	[tilespmem:$0x1FCD0] =	vst v15;
	v15 =	vld [tilespmem:$0x2C50]  }
0x102: {  	v21 =	vld [tilespmem:$0x2B10]  }
0x103: {  	v25 =	vld [tilespmem:$0x2BA0]  }
0x104: {  	v40 =	vld [tilespmem:$0x2C30]  }
0x105: {  	[tilespmem:$0x1FBC0] =	vst v0;
	v0 =	vld [tilespmem:s19+$0x1200]  }
0x106: {  	[tilespmem:$0x1FCE0] =	vst v15;
	v15 =	vld [tilespmem:$0x2CE0]  }
0x107: {  	v13 =	vld [tilespmem:s19+$0x200]  }
0x108: {  	v5 =	vld [tilespmem:s19+$0x300]  }
0x109: {  	v6 =	vld [tilespmem:s19+$0x1500]  }
0x10a: {  	[tilespmem:$0x1FBD0] =	vst v0;
	v0 =	vld [tilespmem:s19+$0x2400]  }
0x10b: {  	[tilespmem:$0x1FD10] =	vst v15;
	v15 =	vld [tilespmem:$0x2D70]  }
0x10c: {  	v4 =	vld [tilespmem:s19+$0x1400]  }
0x10d: {  	v7 =	vld [tilespmem:s19+$0x400]  }
0x10e: {  	v5 =	vsub.f32 v5, v6;
	v6 =	vld [tilespmem:$0x2F20]  }
0x10f: {  	[tilespmem:$0x1FBE0] =	vst v0;
	v0 =	vld [tilespmem:s19+$0x1300]  }
0x110: {  	[tilespmem:$0x1FD20] =	vst v15;
	v15 =	vld [tilespmem:$0x2E00]  }
0x111: {  	v8 =	vld [tilespmem:s19+$0x1600]  }
0x112: {  	v9 =	vld [tilespmem:s19+$0x500]  }
0x113: {  	[tilespmem:$0x1FD90] =	vst v6;
	v6 =	vld [tilespmem:$0x2FB0]  }
0x114: {  	[tilespmem:$0x1FC00] =	vst v0;
	v0 =	vld [tilespmem:s19+$0x2500]  }
0x115: {  	[tilespmem:$0x1FD40] =	vst v15;
	v15 =	vld [tilespmem:$0x2E90]  }
0x116: {  	v10 =	vld [tilespmem:s19+$0x1700]  }
0x117: {  	v45 =	vld [tilespmem:s19+$0x600]  }
0x118: {  	v60 =	vld [tilespmem:s19+$0x1800];
	v4 =	vsub.f32 v13, v4;
	[tilespmem:$0x1FDA0] =	vst v6  }
0x119: {  	[tilespmem:$0x1FC10] =	vst v0;
	v0 =	vld [tilespmem:$0x2D50]  }
0x11a: {  	v41 =	vld [tilespmem:s19+$0x700];
	v13 =	vmax.f32 v5, $0.0e+00;
	v6 =	vsub.f32 v7, v8;
	[tilespmem:$0x1FD70] =	vst v15;
	v15 =	vmax.f32 v4, $0.0e+00  }
0x11b: {  	v33 =	vld [tilespmem:s19+$0x1900];
	v7 =	vmul.f32 v27, v13;
	v5 =	vmul.f32 v14, v15  }
0x11c: {  	v22 =	vld [tilespmem:s19+$0x800];
	v8 =	vsub.f32 v9, v10;
	v10 =	vmax.f32 v6, $0.0e+00  }
0x11d: {  	v37 =	vld [tilespmem:s19+$0x1A00];
	v6 =	vmul.f32 v30, v10;
	v5 =	vadd.f32 v7, v5  }
0x11e: {  	[tilespmem:$0x1FBF0] =	vst v0;
	v0 =	vld [tilespmem:$0x2DE0];
	v14 =	vmax.f32 v8, $0.0e+00;
	v7 =	vsub.f32 v45, v60  }
0x11f: {  	v61 =	vld [tilespmem:$0x2CC0];
	v5 =	vadd.f32 v6, v5;
	v6 =	vmul.f32 v38, v14  }
0x120: {  	v1 =	vld [tilespmem:$0x26A0];
	v8 =	vsub.f32 v41, v33;
	v35 =	vmax.f32 v7, $0.0e+00  }
0x121: {  	v2 =	vld [tilespmem:$0x2730];
	v5 =	vadd.f32 v6, v5;
	v6 =	vmul.f32 v20, v35  }
0x122: {  	v17 =	vld [tilespmem:$0x27C0];
	v9 =	vsub.f32 v22, v37;
	v8 =	vmax.f32 v8, $0.0e+00  }
0x123: {  	[tilespmem:$0x1FC30] =	vst v0;
	v0 =	vld [tilespmem:$0x2E70];
	v5 =	vadd.f32 v6, v5;
	v6 =	vmul.f32 v11, v8  }
0x124: {  	v19 =	vld [tilespmem:$0x2850];
	v9 =	vmax.f32 v9, $0.0e+00  }
0x125: {  	v24 =	vld [tilespmem:$0x28E0];
	v12 =	vmul.f32 v12, v9;
	v6 =	vadd.f32 v6, v5  }
0x126: {  	v42 =	vld [tilespmem:s19+$0x900]  }
0x127: {  	v12 =	vadd.f32 v12, v6;
	v6 =	vld [tilespmem:$0x2E10]  }
0x128: {  	[tilespmem:$0x1FC60] =	vst v0;
	v0 =	vld [tilespmem:$0x2F00]  }
0x129: {  	v46 =	vld [tilespmem:s19+$0x1B00]  }
0x12a: {  	v49 =	vld [tilespmem:s19+$0xA00]  }
0x12b: {  	v51 =	vld [tilespmem:s19+$0x1C00]  }
0x12c: {  	[tilespmem:$0x1FDB0] =	vst v6;
	v6 =	vld [tilespmem:$0x2EA0]  }
0x12d: {  	[tilespmem:$0x1FCA0] =	vst v0;
	v0 =	vld [tilespmem:$0x2F90]  }
0x12e: {  	v31 =	vld [tilespmem:s19+$0xB00]  }
0x12f: {  	v26 =	vld [tilespmem:s19+$0x1D00]  }
0x130: {  	v11 =	vld [tilespmem:$0x2B40]  }
0x131: {  	[tilespmem:$0x1FDD0] =	vst v6;
	v6 =	vld [tilespmem:$0x2FC0]  }
0x132: {  	[tilespmem:$0x1FCF0] =	vst v0;
	v0 =	vld [tilespmem:$0x2610]  }
0x133: {  	v50 =	vld [tilespmem:s19+$0xD00]  }
0x134: {  	v48 =	vld [tilespmem:s19+$0x1F00]  }
0x135: {  	v58 =	vld [tilespmem:s19+$0x2200];
	[tilespmem:$0x1FD50] =	vst v11;
	v11 =	vsub.f32 v42, v46  }
0x136: {  	[tilespmem:$0x1FE10] =	vst v6;
	v6 =	vld [tilespmem:$0x1FBC0]  }
0x137: {  	v36 =	vld [tilespmem:s19+$0xC00];
	v1 =	vmul.f32 v1, v13;
	v0 =	vmul.f32 v0, v15;
	v41 =	vmax.f32 v11, $0.0e+00  }
0x138: {  	v34 =	vld [tilespmem:s19+$0x1E00];
	v20 =	vsub.f32 v49, v51;
	v16 =	vmul.f32 v16, v41  }
0x139: {  	v0 =	vadd.f32 v1, v0;
	v1 =	vmul.f32 v2, v10;
	v2 =	vld [tilespmem:$0x2F30]  }
0x13a: {  	v37 =	vmax.f32 v20, $0.0e+00;
	v11 =	vsub.f32 v31, v26;
	v31 =	vld [tilespmem:$0x1FBE0];
	v12 =	vadd.f32 v16, v12  }
0x13b: {  	v16 =	vmul.f32 v18, v37;
	v18 =	vsub.f32 v50, v48;
	v50 =	vsub.f32 v6, v58;
	v6 =	vld [tilespmem:$0x1FBD0]  }
0x13c: {  	v32 =	vld [tilespmem:$0x2970]  }
0x13d: {  	v23 =	vld [tilespmem:$0x26B0];
	v20 =	vsub.f32 v36, v34;
	v11 =	vmax.f32 v11, $0.0e+00  }
0x13e: {  	v54 =	vld [tilespmem:s19+$0xE00];
	[tilespmem:$0x1FDF0] =	vst v2;
	v2 =	vadd.f32 v16, v12;
	v16 =	vmul.f32 v21, v11  }
0x13f: {  	v52 =	vld [tilespmem:s19+$0x2000];
	v17 =	vmul.f32 v17, v14;
	v1 =	vadd.f32 v1, v0;
	v12 =	vmax.f32 v20, $0.0e+00  }
0x140: {  	v2 =	vadd.f32 v16, v2;
	v16 =	vmul.f32 v25, v12;
	v31 =	vsub.f32 v6, v31;
	v6 =	vld [tilespmem:$0x2C70]  }
0x141: {  	v57 =	vld [tilespmem:s19+$0xF00];
	v19 =	vmul.f32 v19, v35;
	v17 =	vadd.f32 v17, v1  }
0x142: {  	v55 =	vld [tilespmem:s19+$0x2100];
	v26 =	vadd.f32 v16, v2;
	v16 =	vmax.f32 v18, $0.0e+00  }
0x143: {  	v24 =	vmul.f32 v24, v8;
	v17 =	vadd.f32 v19, v17;
	v19 =	vmul.f32 v40, v16  }
0x144: {  	v21 =	vsub.f32 v54, v52  }
0x145: {  	v24 =	vadd.f32 v24, v17;
	v19 =	vadd.f32 v19, v26;
	v26 =	vmul.f32 v32, v9;
	[tilespmem:$0x1FDC0] =	vst v6;
	v6 =	vld [tilespmem:$0x1FBF0]  }
0x146: {  	v22 =	vmul.f32 v23, v13;
	v17 =	vmax.f32 v21, $0.0e+00  }
0x147: {  	v25 =	vsub.f32 v57, v55;
	v23 =	vadd.f32 v26, v24;
	v24 =	vmul.f32 v61, v17;
	_ =	sdelay $0x1  }
0x148: {  	v24 =	vadd.f32 v24, v19;
	v19 =	vmax.f32 v25, $0.0e+00  }
0x149: {  	v25 =	vmul.f32 v6, v19;
	v6 =	vld [tilespmem:$0x2D00];
	_ =	sdelay $0x3  }
0x14a: {  	v55 =	vld [tilespmem:$0x1FC10]  }
0x14b: {  	[tilespmem:$0x1FDE0] =	vst v6;
	v6 =	vld [tilespmem:$0x1FC00];
	_ =	sdelay $0x4  }
0x14c: {  	v40 =	vsub.f32 v6, v55;
	v6 =	vld [tilespmem:$0x2D90];
	_ =	sdelay $0x4  }
0x14d: {  	[tilespmem:$0x1FE00] =	vst v6;
	v6 =	vld [tilespmem:$0x1FC20];
	_ =	sdelay $0x3  }
0x14e: {  	v43 =	vld [tilespmem:$0x2A00]  }
0x14f: {  	v24 =	vadd.f32 v25, v24;
	v25 =	vmul.f32 v6, v12;
	v6 =	vld [tilespmem:$0x2E20]  }
0x150: {  	v28 =	vld [tilespmem:$0x2620]  }
0x151: {  	v47 =	vld [tilespmem:$0x2A90]  }
0x152: {  	v29 =	vld [tilespmem:$0x2740]  }
0x153: {  	v39 =	vld [tilespmem:$0x27D0]  }
0x154: {  	[tilespmem:$0x1FE20] =	vst v6;
	v6 =	vld [tilespmem:$0x2EB0]  }
0x155: {  	v59 =	vld [tilespmem:$0x2B20];
	v21 =	vmul.f32 v28, v15  }
0x156: {  	v44 =	vld [tilespmem:$0x2860];
	v26 =	vmul.f32 v43, v41  }
0x157: {  	v21 =	vadd.f32 v22, v21;
	v22 =	vmul.f32 v29, v10  }
0x158: {  	v29 =	vmul.f32 v47, v37;
	v23 =	vadd.f32 v26, v23  }
0x159: {  	v21 =	vadd.f32 v22, v21;
	v22 =	vmul.f32 v39, v14;
	[tilespmem:$0x1FE40] =	vst v6;
	v6 =	vld [tilespmem:$0x1FC30]  }
0x15a: {  	v23 =	vadd.f32 v29, v23;
	v29 =	vmul.f32 v59, v11  }
0x15b: {  	v21 =	vadd.f32 v22, v21;
	v22 =	vmul.f32 v44, v35  }
0x15c: {  	v23 =	vadd.f32 v29, v23  }
0x15d: {  	v22 =	vadd.f32 v22, v21;
	v21 =	vmax.f32 v50, $0.0e+00  }
0x15e: {  	v23 =	vadd.f32 v25, v23;
	v25 =	vmul.f32 v6, v21;
	v6 =	vld [tilespmem:$0x1FC40];
	_ =	sdelay $0x4  }
0x15f: {  	v57 =	vmul.f32 v6, v16;
	v6 =	vld [tilespmem:$0x2F40];
	_ =	sdelay $0x4  }
0x160: {  	[tilespmem:$0x1FE70] =	vst v6;
	v6 =	vld [tilespmem:$0x1FC50];
	_ =	sdelay $0x3  }
0x161: {  	v53 =	vld [tilespmem:$0x28F0]  }
0x162: {  	v59 =	vmul.f32 v6, v9;
	v6 =	vld [tilespmem:$0x2FD0]  }
0x163: {  	v62 =	vld [tilespmem:s19+$0x1100]  }
0x164: {  	v63 =	vld [tilespmem:s19+$0x2300];
	_ =	sdelay $0x2  }
0x165: {  	[tilespmem:$0x1FEC0] =	vst v6;
	v6 =	vld [tilespmem:$0x1FC60];
	_ =	sdelay $0x1  }
0x166: {  	v51 =	vsub.f32 v62, v63;
	v29 =	vmul.f32 v53, v8;
	_ =	sdelay $0x1  }
0x167: {  	v58 =	vadd.f32 v29, v22;
	v22 =	vmax.f32 v51, $0.0e+00  }
0x168: {  	v24 =	vadd.f32 v25, v24;
	v25 =	vmul.f32 v6, v22;
	v6 =	vld [tilespmem:$0x1FC70];
	_ =	sdelay $0x4  }
0x169: {  	v50 =	vmul.f32 v6, v17;
	v6 =	vld [tilespmem:$0x1FC80];
	_ =	sdelay $0x3  }
0x16a: {  	v56 =	vld [tilespmem:$0x2630]  }
0x16b: {  	v51 =	vmul.f32 v6, v41;
	v6 =	vld [tilespmem:$0x1FC90];
	_ =	sdelay $0x1  }
0x16c: {  	v7 =	vld [tilespmem:$0x2990]  }
0x16d: {  	v62 =	vadd.f32 v59, v58  }
0x16e: {  	v23 =	vadd.f32 v57, v23  }
0x16f: {  	v53 =	vmul.f32 v56, v15;
	v34 =	vadd.f32 v51, v62;
	v56 =	vmul.f32 v6, v37  }
0x170: {  	v36 =	vadd.f32 v50, v23  }
0x171: {  	v23 =	vmax.f32 v31, $0.0e+00;
	v31 =	vadd.f32 v56, v34;
	v56 =	vmul.f32 v7, v9;
	v7 =	vld [tilespmem:$0x2D10];
	_ =	sdelay $0x2  }
0x172: {  	v24 =	vadd.f32 v25, v24;
	v25 =	vld [tilespmem:$0x1FCA0];
	_ =	sdelay $0x1  }
0x173: {  	[tilespmem:$0x1FEA0] =	vst v7;
	v7 =	vld [tilespmem:$0x1FD20];
	_ =	sdelay $0x2  }
0x174: {  	v57 =	vmul.f32 v25, v23;
	v25 =	vld [tilespmem:$0x1FCB0]  }
0x175: {  	v4 =	vld [tilespmem:$0x26C0]  }
0x176: {  	v34 =	vadd.f32 v57, v24;
	v57 =	vmul.f32 v7, v19;
	v7 =	vld [tilespmem:$0x2DA0]  }
0x177: {  	v27 =	vld [tilespmem:$0x2750];
	_ =	sdelay $0x1  }
0x178: {  	v58 =	vmul.f32 v25, v11;
	v25 =	vld [tilespmem:$0x1FCC0]  }
0x179: {  	v4 =	vmul.f32 v4, v13  }
0x17a: {  	[tilespmem:$0x1FED0] =	vst v7;
	v7 =	vld [tilespmem:$0x1FD30]  }
0x17b: {  	v27 =	vmul.f32 v27, v10;
	v4 =	vadd.f32 v4, v53;
	_ =	sdelay $0x1  }
0x17c: {  	v4 =	vadd.f32 v27, v4;
	v27 =	vmul.f32 v25, v19;
	v25 =	vld [tilespmem:$0x1FCD0];
	_ =	sdelay $0x1  }
0x17d: {  	v24 =	vadd.f32 v58, v31;
	v58 =	vmul.f32 v7, v22;
	v7 =	vld [tilespmem:$0x2E30];
	_ =	sdelay $0x2  }
0x17e: {  	v31 =	vmul.f32 v25, v12;
	v25 =	vld [tilespmem:$0x1FCE0];
	_ =	sdelay $0x1  }
0x17f: {  	[tilespmem:$0x1FEF0] =	vst v7;
	v7 =	vld [tilespmem:$0x2EC0];
	_ =	sdelay $0x2  }
0x180: {  	v62 =	vmul.f32 v25, v16;
	v25 =	vld [tilespmem:$0x2B60]  }
0x181: {  	v30 =	vld [tilespmem:$0x27E0]  }
0x182: {  	[tilespmem:$0x1FF10] =	vst v7;
	v7 =	vld [tilespmem:$0x1FD40]  }
0x183: {  	v33 =	vld [tilespmem:$0x2AB0]  }
0x184: {  	v60 =	vld [tilespmem:$0x2870]  }
0x185: {  	v31 =	vadd.f32 v31, v24;
	[tilespmem:$0x1FE30] =	vst v25;
	v25 =	vld [tilespmem:$0x2BF0]  }
0x186: {  	v45 =	vld [tilespmem:$0x2900]  }
0x187: {  	v31 =	vadd.f32 v62, v31;
	v62 =	vmul.f32 v7, v21;
	v7 =	vld [tilespmem:$0x2F50]  }
0x188: {  	v0 =	vld [tilespmem:$0x2640]  }
0x189: {  	v48 =	vld [tilespmem:$0x26D0]  }
0x18a: {  	[tilespmem:$0x1FE50] =	vst v25;
	v25 =	vld [tilespmem:$0x1FD00]  }
0x18b: {  	v1 =	vld [tilespmem:$0x2760]  }
0x18c: {  	v30 =	vmul.f32 v30, v14;
	[tilespmem:$0x1FF40] =	vst v7;
	v7 =	vld [tilespmem:$0x2FE0]  }
0x18d: {  	v2 =	vld [tilespmem:$0x27F0]  }
0x18e: {  	v0 =	vmul.f32 v0, v15;
	v5 =	vld [tilespmem:$0x2CF0];
	v4 =	vadd.f32 v30, v4;
	v30 =	vmul.f32 v60, v35  }
0x18f: {  	v20 =	vld [tilespmem:$0x2880];
	v60 =	vmul.f32 v48, v13;
	v27 =	vadd.f32 v27, v36;
	v50 =	vmul.f32 v25, v21  }
0x190: {  	v25 =	vld [tilespmem:$0x1FD10]  }
0x191: {  	v1 =	vmul.f32 v1, v10;
	v0 =	vadd.f32 v60, v0;
	v27 =	vadd.f32 v50, v27;
	[tilespmem:$0x1FF70] =	vst v7;
	v7 =	vld [tilespmem:$0x1FD50]  }
0x192: {  	v38 =	vld [tilespmem:$0x2A20];
	v2 =	vmul.f32 v2, v14  }
0x193: {  	v0 =	vadd.f32 v1, v0;
	v27 =	vadd.f32 v58, v27;
	v58 =	vmul.f32 v5, v17;
	v5 =	vld [tilespmem:$0x29C0]  }
0x194: {  	v45 =	vmul.f32 v45, v8;
	v18 =	vld [tilespmem:$0x2910];
	v30 =	vadd.f32 v30, v4  }
0x195: {  	v1 =	vld [tilespmem:$0x1FD60];
	v0 =	vadd.f32 v2, v0;
	v2 =	vmul.f32 v20, v35;
	v51 =	vmul.f32 v25, v17  }
0x196: {  	v30 =	vadd.f32 v45, v30;
	v24 =	vmax.f32 v40, $0.0e+00;
	v40 =	vmul.f32 v7, v11;
	v7 =	vld [tilespmem:$0x1FD70]  }
0x197: {  	v0 =	vadd.f32 v2, v0;
	v2 =	vld [tilespmem:$0x1FD80];
	v31 =	vadd.f32 v51, v31  }
0x198: {  	v38 =	vmul.f32 v38, v41;
	v30 =	vadd.f32 v56, v30;
	[tilespmem:$0x1FE60] =	vst v5;
	v5 =	vld [tilespmem:$0x2AE0]  }
0x199: {  	v46 =	vld [tilespmem:$0x2BD0];
	v31 =	vadd.f32 v57, v31  }
0x19a: {  	v63 =	vld [tilespmem:$0x29A0];
	v33 =	vmul.f32 v33, v37;
	v30 =	vadd.f32 v38, v30  }
0x19b: {  	v1 =	vmul.f32 v1, v23;
	v31 =	vadd.f32 v62, v31;
	v43 =	vmul.f32 v7, v22  }
0x19c: {  	v42 =	vld [tilespmem:$0x2C60];
	v30 =	vadd.f32 v33, v30;
	v2 =	vmul.f32 v2, v24  }
0x19d: {  	v1 =	vadd.f32 v1, v27;
	[tilespmem:$0x1FEB0] =	vst v5;
	v5 =	vld [tilespmem:$0x2B70];
	v20 =	vadd.f32 v43, v31;
	v31 =	vmul.f32 v18, v8  }
0x19e: {  	v57 =	vmul.f32 v46, v12;
	v30 =	vadd.f32 v40, v30;
	v7 =	vld [tilespmem:$0x1FD90]  }
0x19f: {  	v49 =	vld [tilespmem:$0x2D80];
	v18 =	vadd.f32 v2, v1;
	v1 =	vmul.f32 v63, v9;
	v0 =	vadd.f32 v31, v0  }
0x1a0: {  	v2 =	vld [tilespmem:$0x2A50]  }
0x1a1: {  	v27 =	vadd.f32 v57, v30;
	v30 =	vmul.f32 v42, v16;
	v0 =	vadd.f32 v1, v0;
	v1 =	vld [tilespmem:$0x1FDA0]  }
0x1a2: {  	[tilespmem:$0x1FEE0] =	vst v5;
	v5 =	vld [tilespmem:$0x1FDB0]  }
0x1a3: {  	v27 =	vadd.f32 v30, v27;
	v30 =	vmul.f32 v7, v23;
	_ =	sdelay $0x1  }
0x1a4: {  	v54 =	vld [tilespmem:$0x2A30];
	[tilespmem:$0x1FE90] =	vst v2;
	v2 =	vadd.f32 v30, v20  }
0x1a5: {  	v3 =	vld [tilespmem:s19+$0x100];
	v20 =	vadd.f32 v58, v27;
	v27 =	vmul.f32 v49, v19;
	v1 =	vmul.f32 v1, v24  }
0x1a6: {  	v31 =	vmul.f32 v5, v21;
	v5 =	vld [tilespmem:$0x2C00]  }
0x1a7: {  	v27 =	vadd.f32 v27, v20;
	v20 =	vadd.f32 v1, v2;
	v2 =	vld [tilespmem:$0x2DB0]  }
0x1a8: {  	v28 =	vld [tilespmem:$0x2AC0]  }
0x1a9: {  	v30 =	vmul.f32 v54, v41;
	v1 =	vld [tilespmem:$0x2D20]  }
0x1aa: {  	v61 =	vld [tilespmem:$0x2B50]  }
0x1ab: {  	v62 =	vbroadcast v3, $0x1;
	[tilespmem:$0x1FF00] =	vst v5;
	v0 =	vadd.f32 v30, v0;
	v5 =	vld [tilespmem:$0x2C90];
	v30 =	vbroadcast v3, $0x0  }
0x1ac: {  	vm2 =	vcmask $0x3F04;
	[tilespmem:$0x1FF50] =	vst v2;
	v2 =	vld [tilespmem:$0x2E40]  }
0x1ad: {  	v28 =	vmul.f32 v28, v37;
	vm15 =	veq.s32 v3, v62;
	vm0 =	veq.s32 v3, v30  }
0x1ae: {  	vm0 =	vmand vm0, vm2;
	vm2 =	vcmask $0x3F08;
	[tilespmem:$0x1FF30] =	vst v1;
	v1 =	vbroadcast v3, $0x2  }
0x1af: {  	v0 =	vadd.f32 v28, v0;
	vm15 =	vmand vm15, vm2  }
0x1b0: {  	[tilespmem:$0x1FF20] =	vst v5;
	v5 =	vimm.s32 $0x0;
	vm1 =	veq.s32 v3, v1;
	v1 =	vmul.f32 v61, v11  }
0x1b1: {  	v31 =	vadd.f32 v31, v27;
	v27 =	vsel vm15, $0x1, v5;
	[tilespmem:$0x1FF60] =	vst v2;
	v2 =	vsel vm0, $0x1, v5  }
0x1b2: {  	v0 =	vadd.f32 v1, v0;
	v1 =	vadd.s32 v27, v2;
	v2 =	vld [tilespmem:$0x2FF0]  }
0x1b3: {  	v26 =	vld [tilespmem:$0x2BE0]  }
0x1b4: {  	v29 =	vld [tilespmem:$0x2650];
	v28 =	vbroadcast v3, $0x3  }
0x1b5: {  	v25 =	vld [tilespmem:$0x2C80];
	vm2 =	vcmask $0x3F0C  }
0x1b6: {  	v55 =	vld [tilespmem:$0x26E0];
	v30 =	vbroadcast v3, $0x4;
	vm1 =	vmand vm1, vm2;
	vm0 =	veq.s32 v3, v28  }
0x1b7: {  	vm0 =	vmand vm0, vm3;
	[tilespmem:$0x1FFB0] =	vst v2;
	v2 =	vsel vm1, $0x1, v5  }
0x1b8: {  	v59 =	vld [tilespmem:$0x2770];
	vm1 =	veq.s32 v3, v30;
	v1 =	vadd.s32 v2, v1;
	v2 =	vmul.f32 v26, v12  }
0x1b9: {  	vm1 =	vmand vm1, vm4;
	v26 =	vsel vm0, $0x1, v5  }
0x1ba: {  	[tilespmem:$0x1FE80] =	vst v25;
	v25 =	vadd.f32 v2, v0;
	v0 =	vadd.s32 v26, v1;
	v1 =	vsel vm1, $0x1, v5  }
0x1bb: {  	v26 =	vmul.f32 v55, v13;
	v0 =	vadd.s32 v1, v0;
	v1 =	vmul.f32 v29, v15;
	_ =	sdelay $0x1  }
0x1bc: {  	v1 =	vadd.f32 v26, v1;
	v26 =	vmul.f32 v59, v10  }
0x1bd: {  	v4 =	vld [tilespmem:$0x1FCF0]  }
0x1be: {  	v2 =	vadd.f32 v26, v1;
	v1 =	vld [tilespmem:$0x2D30];
	_ =	sdelay $0x3  }
0x1bf: {  	v4 =	vmul.f32 v4, v24;
	v30 =	vbroadcast v3, $0x5  }
0x1c0: {  	v63 =	vbroadcast v3, $0x6;
	[tilespmem:$0x1FFA0] =	vst v1;
	v1 =	vld [tilespmem:$0x2E50]  }
0x1c1: {  	v36 =	vbroadcast v3, $0xA;
	v4 =	vadd.f32 v4, v34;
	vm0 =	veq.s32 v3, v30  }
0x1c2: {  	v30 =	vbroadcast v3, $0x7;
	vm1 =	veq.s32 v3, v63;
	vm0 =	vmand vm0, vm5  }
0x1c3: {  	v34 =	vbroadcast v3, $0x8;
	vm1 =	vmand vm1, vm6;
	v29 =	vsel vm0, $0x1, v5  }
0x1c4: {  	v6 =	vld [tilespmem:$0x2800];
	vm0 =	veq.s32 v3, v30;
	v30 =	vbroadcast v3, $0x9;
	v0 =	vadd.s32 v29, v0  }
0x1c5: {  	v29 =	vsel vm1, $0x1, v5;
	vm1 =	veq.s32 v3, v34;
	vm0 =	vmand vm0, vm7;
	[tilespmem:$0x1FFC0] =	vst v1;
	v1 =	vld [tilespmem:$0x2EE0]  }
0x1c6: {  	v0 =	vadd.s32 v29, v0;
	vm1 =	vmand vm1, vm8;
	v29 =	vsel vm0, $0x1, v5  }
0x1c7: {  	vm0 =	veq.s32 v3, v30;
	v30 =	vbroadcast v3, $0xB;
	v0 =	vadd.s32 v29, v0  }
0x1c8: {  	v39 =	vld [tilespmem:$0x2890];
	v29 =	vsel vm1, $0x1, v5;
	vm1 =	veq.s32 v3, v36;
	vm0 =	vmand vm0, vm9  }
0x1c9: {  	v0 =	vadd.s32 v29, v0;
	v26 =	vmul.f32 v6, v14;
	vm1 =	vmand vm1, vm10  }
0x1ca: {  	v29 =	vsel vm0, $0x1, v5;
	vm0 =	veq.s32 v3, v30;
	[tilespmem:$0x1FFD0] =	vst v1;
	v1 =	vbroadcast v3, $0xC  }
0x1cb: {  	v52 =	vld [tilespmem:$0x2A40];
	v0 =	vadd.s32 v29, v0;
	v29 =	vsel vm1, $0x1, v5;
	vm0 =	vmand vm0, vm11  }
0x1cc: {  	v47 =	vld [tilespmem:$0x2920];
	v2 =	vadd.f32 v26, v2;
	v0 =	vadd.s32 v29, v0;
	vm1 =	veq.s32 v3, v1  }
0x1cd: {  	v32 =	vld [tilespmem:$0x2710];
	v26 =	vsel vm0, $0x1, v5;
	v1 =	vmul.f32 v39, v35;
	vm1 =	vmand vm1, vm12  }
0x1ce: {  	v44 =	vld [tilespmem:$0x2AD0];
	v0 =	vadd.s32 v26, v0;
	v26 =	vsel vm1, $0x1, v5  }
0x1cf: {  	v1 =	vadd.f32 v1, v2;
	v2 =	vadd.s32 v26, v0;
	v0 =	vld [tilespmem:$0x1FDC0]  }
0x1d0: {  	v53 =	vld [tilespmem:$0x29B0]  }
0x1d1: {  	v48 =	vld [tilespmem:$0x2820]  }
0x1d2: {  	v60 =	vld [tilespmem:$0x2930]  }
0x1d3: {  	v45 =	vld [tilespmem:$0x2780];
	v30 =	vbroadcast v3, $0xD  }
0x1d4: {  	v40 =	vbroadcast v3, $0xE;
	v26 =	vmul.f32 v0, v16;
	v0 =	vld [tilespmem:$0x1FDD0]  }
0x1d5: {  	v56 =	vld [tilespmem:$0x26F0];
	vm0 =	veq.s32 v3, v30  }
0x1d6: {  	v38 =	vld [tilespmem:$0x2660];
	vm0 =	vmand vm0, vm13;
	vm1 =	veq.s32 v3, v40  }
0x1d7: {  	v33 =	vld [tilespmem:$0x2830];
	v30 =	vmul.f32 v47, v8;
	v42 =	vsel vm0, $0x1, v5;
	vm1 =	vmand vm1, vm14  }
0x1d8: {  	v50 =	vld [tilespmem:$0x2810];
	v43 =	vsel vm1, $0x1, v5;
	v25 =	vadd.f32 v26, v25;
	v26 =	vadd.s32 v42, v2  }
0x1d9: {  	v47 =	vadd.f32 v30, v1;
	v30 =	vadd.s32 v43, v26;
	v26 =	vmul.f32 v0, v22;
	v0 =	vld [tilespmem:$0x1FDE0]  }
0x1da: {  	v51 =	vld [tilespmem:$0x28A0]  }
0x1db: {  	v46 =	vld [tilespmem:$0x2790]  }
0x1dc: {  	v62 =	vld [tilespmem:$0x2C10]  }
0x1dd: {  	v57 =	vld [tilespmem:$0x2A60]  }
0x1de: {  	v7 =	vld [tilespmem:$0x2ED0];
	v0 =	vmul.f32 v0, v17  }
0x1df: {  	v49 =	vld [tilespmem:$0x28B0]  }
0x1e0: {  	v1 =	vadd.f32 v0, v25;
	v0 =	vld [tilespmem:$0x1FDF0]  }
0x1e1: {  	v54 =	vld [tilespmem:$0x2940]  }
0x1e2: {  	v58 =	vld [tilespmem:$0x2AF0]  }
0x1e3: {  	[tilespmem:$0x1FF80] =	vst v7;
	v7 =	vld [tilespmem:$0x2F60];
	v26 =	vadd.f32 v26, v31;
	v31 =	vmul.f32 v38, v15;
	v38 =	vmul.f32 v56, v13  }
0x1e4: {  	v61 =	vld [tilespmem:$0x2B80]  }
0x1e5: {  	v31 =	vadd.f32 v38, v31;
	v38 =	vmul.f32 v0, v23;
	v0 =	vld [tilespmem:$0x1FE00]  }
0x1e6: {  	v53 =	vmul.f32 v53, v9;
	v28 =	vld [tilespmem:$0x2670]  }
0x1e7: {  	v27 =	vld [tilespmem:$0x2700]  }
0x1e8: {  	v55 =	vld [tilespmem:$0x29D0];
	v25 =	vadd.f32 v53, v47;
	v47 =	vmul.f32 v52, v41  }
0x1e9: {  	v63 =	vld [tilespmem:$0x2CA0]  }
0x1ea: {  	v34 =	vld [tilespmem:$0x29E0];
	v25 =	vadd.f32 v47, v25;
	v47 =	vmul.f32 v0, v19;
	v0 =	vmul.f32 v44, v37  }
0x1eb: {  	v6 =	vld [tilespmem:$0x2F70]  }
0x1ec: {  	v2 =	vadd.f32 v0, v25;
	v0 =	vld [tilespmem:$0x1FE10]  }
0x1ed: {  	v59 =	vld [tilespmem:$0x2DC0]  }
0x1ee: {  	v36 =	vld [tilespmem:$0x27A0]  }
0x1ef: {  	v29 =	vld [tilespmem:$0x2680]  }
0x1f0: {  	[tilespmem:$0x1FFE0] =	vst v6;
	v6 =	vld [tilespmem:$0x3000]  }
0x1f1: {  	v25 =	vmul.f32 v0, v24;
	v0 =	vld [tilespmem:$0x1FE20]  }
0x1f2: {  	v39 =	vld [tilespmem:$0x28C0]  }
0x1f3: {  	s20 =	simm.s32 $0x0;
	v40 =	vld [tilespmem:$0x2950];
	v52 =	vmul.f32 v45, v10  }
0x1f4: {  	v42 =	vld [tilespmem:$0x2A70];
	vm0 =	veq.s32 v30, s20  }
0x1f5: {  	v43 =	vld [tilespmem:$0x2B00];
	v5 =	vadd.f32 v38, v26;
	v26 =	vadd.f32 v52, v31  }
0x1f6: {  	v31 =	vmul.f32 v50, v14;
	v50 =	vadd.f32 v47, v1;
	v1 =	vld [tilespmem:$0x1FE30];
	v0 =	vmul.f32 v0, v21  }
0x1f7: {  	v56 =	vld [tilespmem:$0x2B90]  }
0x1f8: {  	[tilespmem:$0x1FFF0] =	vst v6;
	v6 =	vadd.f32 v0, v50;
	v0 =	vld [tilespmem:$0x1FE40]  }
0x1f9: {  	v53 =	vld [tilespmem:$0x2C20]  }
0x1fa: {  	v45 =	vld.idx.msk [tilespmem:v3+s15+$0x0], vm0  }
0x1fb: {  	v51 =	vmul.f32 v51, v35;
	v38 =	vld [tilespmem:$0x2D40];
	v31 =	vadd.f32 v31, v26;
	v1 =	vmul.f32 v1, v11  }
0x1fc: {  	v52 =	vld [tilespmem:$0x2DD0]  }
0x1fd: {  	v1 =	vadd.f32 v1, v2;
	v2 =	vadd.f32 v51, v31;
	v31 =	vmul.f32 v0, v22;
	v0 =	vld [tilespmem:$0x1FE50]  }
0x1fe: {  	v44 =	vld [tilespmem:$0x2CB0]  }
0x1ff: {  	v47 =	vld [tilespmem:$0x2E60]  }
0x200: {  	v51 =	vld [tilespmem:$0x2F80]  }
0x201: {  	v25 =	vadd.f32 v25, v5;
	v50 =	vld [tilespmem:$0x2EF0]  }
0x202: {  	v5 =	vmul.f32 v60, v8;
	v60 =	vmul.f32 v0, v12;
	v0 =	vmax.f32 v45, v4;
	v45 =	vld [tilespmem:$0x3010]  }
0x203: {  	[tilespmem:v3+s15+$0x0] =	vst.idx.msk vm0, v0;
	v0 =	vld [tilespmem:$0x1FE60];
	_ =	sdelay $0x1  }
0x204: {  	[tilespmem:$0x1FF90] =	vst v7;
	v7 =	vadd.f32 v60, v1;
	v1 =	vld [tilespmem:$0x1FE70];
	_ =	sdelay $0x2  }
0x205: {  	v2 =	vadd.f32 v5, v2;
	v0 =	vmul.f32 v0, v9;
	_ =	sdelay $0x1  }
0x206: {  	v5 =	vadd.f32 v31, v6;
	v6 =	vmul.f32 v1, v23;
	v1 =	vadd.f32 v0, v2;
	v0 =	vld [tilespmem:$0x1FE80];
	_ =	sdelay $0x4  }
0x207: {  	v2 =	vmul.f32 v0, v16;
	v0 =	vld [tilespmem:$0x1FE90];
	_ =	sdelay $0x3  }
0x208: {  	v28 =	vmul.f32 v28, v15  }
0x209: {  	v60 =	vmul.f32 v0, v41;
	v0 =	vmul.f32 v27, v13;
	_ =	sdelay $0x1  }
0x20a: {  	v0 =	vadd.f32 v0, v28;
	v28 =	vld [tilespmem:$0x1FEB0];
	_ =	sdelay $0x4  }
0x20b: {  	v1 =	vadd.f32 v60, v1;
	v28 =	vmul.f32 v28, v37  }
0x20c: {  	v5 =	vadd.f32 v6, v5;
	v6 =	vmul.f32 v46, v10  }
0x20d: {  	v1 =	vadd.f32 v28, v1;
	v28 =	vld [tilespmem:$0x1FED0]  }
0x20e: {  	v0 =	vadd.f32 v6, v0;
	v6 =	vmul.f32 v48, v14;
	_ =	sdelay $0x1  }
0x20f: {  	v26 =	vadd.s32 $0x2800, v3;
	v0 =	vadd.f32 v6, v0;
	v6 =	vld [tilespmem:$0x1FEC0];
	_ =	sdelay $0x1  }
0x210: {  	v46 =	vmul.f32 v28, v19;
	v28 =	vld [tilespmem:$0x1FEE0];
	_ =	sdelay $0x1  }
0x211: {  	v49 =	vmul.f32 v49, v35;
	v2 =	vadd.f32 v2, v7;
	v7 =	vld [tilespmem:$0x1FEA0]  }
0x212: {  	vm15 =	vmmov vm0;
	v31 =	vld.idx.msk [tilespmem:v26+s15+$0x0], vm0;
	v6 =	vmul.f32 v6, v24  }
0x213: {  	v27 =	vadd.s32 $0x5000, v3;
	v0 =	vadd.f32 v49, v0  }
0x214: {  	v60 =	vmul.f32 v28, v11;
	v28 =	vadd.f32 v6, v5;
	v5 =	vmul.f32 v54, v8  }
0x215: {  	v6 =	vld [tilespmem:$0x1FEF0]  }
0x216: {  	v7 =	vmul.f32 v7, v17;
	v0 =	vadd.f32 v5, v0;
	v5 =	vmul.f32 v55, v9  }
0x217: {  	v31 =	vmax.f32 v31, v18  }
0x218: {  	[tilespmem:v26+s15+$0x0] =	vst.idx.msk vm15, v31;
	v2 =	vadd.f32 v7, v2;
	v0 =	vadd.f32 v5, v0;
	v5 =	vld [tilespmem:$0x1FF10]  }
0x219: {  	v7 =	vld.idx.msk [tilespmem:v27+s15+$0x0], vm15  }
0x21a: {  	v2 =	vadd.f32 v46, v2;
	v6 =	vmul.f32 v6, v21;
	_ =	sdelay $0x1  }
0x21b: {  	v31 =	vadd.s32 $0x7800, v3;
	v2 =	vadd.f32 v6, v2;
	v6 =	vmul.f32 v29, v15  }
0x21c: {  	v29 =	vmul.f32 v32, v13;
	v5 =	vmul.f32 v5, v22  }
0x21d: {  	v7 =	vmax.f32 v7, v20  }
0x21e: {  	v2 =	vadd.f32 v5, v2;
	v5 =	vadd.f32 v29, v6;
	v6 =	vmul.f32 v36, v10  }
0x21f: {  	[tilespmem:v27+s15+$0x0] =	vst.idx.msk vm15, v7;
	v54 =	vld [tilespmem:$0x1FF00]  }
0x220: {  	v7 =	vld.idx.msk [tilespmem:v31+s15+$0x0], vm15;
	v5 =	vadd.f32 v6, v5;
	v6 =	vmul.f32 v33, v14  }
0x221: {  	v15 =	vld [tilespmem:$0x1FF20]  }
0x222: {  	v5 =	vadd.f32 v6, v5;
	v6 =	vld [tilespmem:$0x1FF40];
	_ =	sdelay $0x1  }
0x223: {  	v1 =	vadd.f32 v60, v1;
	v46 =	vmul.f32 v54, v12  }
0x224: {  	v7 =	vmax.f32 v7, v25;
	v10 =	vld [tilespmem:$0x1FF30]  }
0x225: {  	v60 =	vmul.f32 v57, v41;
	v1 =	vadd.f32 v46, v1;
	v15 =	vmul.f32 v15, v16  }
0x226: {  	[tilespmem:v31+s15+$0x0] =	vst.idx.msk vm15, v7;
	v7 =	vld [tilespmem:$0x1FF50];
	v6 =	vmul.f32 v6, v23  }
0x227: {  	v0 =	vadd.f32 v60, v0;
	v1 =	vadd.f32 v15, v1  }
0x228: {  	v15 =	vmul.f32 v58, v37;
	v2 =	vadd.f32 v6, v2;
	v6 =	vmul.f32 v40, v8;
	v8 =	vld [tilespmem:$0x1FF60]  }
0x229: {  	v10 =	vmul.f32 v10, v17  }
0x22a: {  	v0 =	vadd.f32 v15, v0;
	v15 =	vmul.f32 v61, v11  }
0x22b: {  	v14 =	vmul.f32 v7, v19;
	v1 =	vadd.f32 v10, v1  }
0x22c: {  	v13 =	vadd.s32 $0xA000, v3;
	v0 =	vadd.f32 v15, v0  }
0x22d: {  	v1 =	vadd.f32 v14, v1;
	v14 =	vmul.f32 v62, v12;
	v8 =	vmul.f32 v8, v21  }
0x22e: {  	v29 =	vmul.f32 v39, v35  }
0x22f: {  	v1 =	vadd.f32 v8, v1;
	v8 =	vadd.f32 v14, v0;
	v0 =	vld [tilespmem:$0x1FF70]  }
0x230: {  	v5 =	vadd.f32 v29, v5;
	_ =	sdelay $0x1  }
0x231: {  	v10 =	vld.idx.msk [tilespmem:v13+s15+$0x0], vm15;
	v5 =	vadd.f32 v6, v5;
	v6 =	vmul.f32 v34, v9;
	_ =	sdelay $0x1  }
0x232: {  	v7 =	vadd.s32 $0xC800, v3;
	v5 =	vadd.f32 v6, v5;
	v6 =	vmul.f32 v0, v24;
	v0 =	vld [tilespmem:$0x1FF80];
	_ =	sdelay $0x2  }
0x233: {  	v15 =	vmul.f32 v42, v41;
	v10 =	vmax.f32 v10, v28  }
0x234: {  	[tilespmem:v13+s15+$0x0] =	vst.idx.msk vm15, v10;
	v14 =	vmul.f32 v63, v16  }
0x235: {  	v9 =	vld.idx.msk [tilespmem:v7+s15+$0x0], vm15;
	v5 =	vadd.f32 v15, v5;
	v10 =	vmul.f32 v0, v22  }
0x236: {  	v2 =	vadd.f32 v6, v2;
	v6 =	vadd.f32 v14, v8;
	v8 =	vmul.f32 v43, v37;
	v14 =	vld [tilespmem:$0x1FFA0]  }
0x237: {  	v1 =	vadd.f32 v10, v1;
	v10 =	vld [tilespmem:$0x1FF90]  }
0x238: {  	v5 =	vadd.f32 v8, v5;
	v8 =	vmul.f32 v56, v11  }
0x239: {  	v0 =	vadd.s32 $0xF000, v3  }
0x23a: {  	v8 =	vadd.f32 v8, v5;
	v5 =	vld [tilespmem:$0x1FFB0];
	_ =	sdelay $0x1  }
0x23b: {  	v9 =	vmax.f32 v9, v2;
	v14 =	vmul.f32 v14, v17;
	v10 =	vmul.f32 v10, v23  }
0x23c: {  	[tilespmem:v7+s15+$0x0] =	vst.idx.msk vm15, v9  }
0x23d: {  	v9 =	vadd.f32 v10, v1;
	v1 =	vadd.f32 v14, v6;
	v6 =	vmul.f32 v59, v19;
	v10 =	vld.idx.msk [tilespmem:v0+s15+$0x0], vm15  }
0x23e: {  	v5 =	vmul.f32 v5, v24  }
0x23f: {  	v11 =	vmul.f32 v53, v12;
	v6 =	vadd.f32 v6, v1;
	v1 =	vld [tilespmem:$0x1FFC0]  }
0x240: {  	v5 =	vadd.f32 v5, v9  }
0x241: {  	v8 =	vadd.f32 v11, v8;
	v11 =	vld [tilespmem:$0x1FFD0]  }
0x242: {  	v10 =	vmax.f32 v10, v5  }
0x243: {  	[tilespmem:v0+s15+$0x0] =	vst.idx.msk vm15, v10;
	v10 =	vld [tilespmem:$0x1FFE0]  }
0x244: {  	v12 =	vmul.f32 v1, v21;
	_ =	sdelay $0x1  }
0x245: {  	v11 =	vmul.f32 v11, v22;
	v6 =	vadd.f32 v12, v6;
	_ =	sdelay $0x1  }
0x246: {  	v6 =	vadd.f32 v11, v6;
	v10 =	vmul.f32 v10, v23  }
0x247: {  	v1 =	vadd.s32 $0x11800, v3  }
0x248: {  	v9 =	vmul.f32 v44, v16;
	v10 =	vadd.f32 v10, v6;
	v6 =	vld [tilespmem:$0x1FFF0];
	_ =	sdelay $0x1  }
0x249: {  	v8 =	vadd.f32 v9, v8;
	v9 =	vmul.f32 v38, v17;
	_ =	sdelay $0x1  }
0x24a: {  	v8 =	vadd.f32 v9, v8;
	v9 =	vmul.f32 v52, v19;
	v11 =	vld.idx.msk [tilespmem:v1+s15+$0x0], vm15  }
0x24b: {  	v12 =	vmul.f32 v6, v24  }
0x24c: {  	v14 =	vmul.f32 v47, v21;
	v9 =	vadd.f32 v9, v8;
	v6 =	vadd.s32 $0x14000, v3  }
0x24d: {  	v8 =	vadd.f32 v12, v10  }
0x24e: {  	v9 =	vadd.f32 v14, v9;
	v10 =	vmul.f32 v50, v22  }
0x24f: {  	v11 =	vmax.f32 v11, v8  }
0x250: {  	v9 =	vadd.f32 v10, v9;
	v10 =	vmul.f32 v51, v23;
	[tilespmem:v1+s15+$0x0] =	vst.idx.msk vm15, v11  }
0x251: {  	v11 =	vld.idx.msk [tilespmem:v6+s15+$0x0], vm15  }
0x252: {  	v9 =	vadd.f32 v10, v9;
	v10 =	vmul.f32 v45, v24;
	_ =	sdelay $0x1  }
0x253: {  	v9 =	vadd.f32 v10, v9  }
0x254: {  	s20 =	simm.s32 $0x1  }
0x255: {  	s19 =	simm.s32 $0x2;
	vm0 =	veq.s32 v30, s20;
	v10 =	vmax.f32 v11, v9  }
.LBB2_6:
0x256: {  	p0 =	sne.s32 s19, $0xF;
	[tilespmem:v6+s15+$0x0] =	vst.idx.msk vm15, v10;
	vm15 =	vmmov vm0;
	s20 =	smov.u32 s19;
	s19 =	sadd.s32 $0x1, s19  }
0x257: {  	v10 =	vld.idx.msk [tilespmem:v3+s15+$0x0], vm0;
	_ =	sdelay $0x5  }
0x258: {  	v10 =	vmax.f32 v10, v4  }
0x259: {  	[tilespmem:v3+s15+$0x0] =	vst.idx.msk vm0, v10  }
0x25a: {  	v10 =	vld.idx.msk [tilespmem:v26+s15+$0x0], vm0;
	_ =	sdelay $0x5  }
0x25b: {  	v10 =	vmax.f32 v10, v18  }
0x25c: {  	[tilespmem:v26+s15+$0x0] =	vst.idx.msk vm0, v10  }
0x25d: {  	v10 =	vld.idx.msk [tilespmem:v27+s15+$0x0], vm0;
	_ =	sdelay $0x5  }
0x25e: {  	v10 =	vmax.f32 v10, v20  }
0x25f: {  	[tilespmem:v27+s15+$0x0] =	vst.idx.msk vm0, v10  }
0x260: {  	v10 =	vld.idx.msk [tilespmem:v31+s15+$0x0], vm0;
	_ =	sdelay $0x5  }
0x261: {  	v10 =	vmax.f32 v10, v25  }
0x262: {  	[tilespmem:v31+s15+$0x0] =	vst.idx.msk vm0, v10  }
0x263: {  	v10 =	vld.idx.msk [tilespmem:v13+s15+$0x0], vm0;
	_ =	sdelay $0x5  }
0x264: {  	v10 =	vmax.f32 v10, v28  }
0x265: {  	[tilespmem:v13+s15+$0x0] =	vst.idx.msk vm15, v10  }
0x266: {  	v10 =	vld.idx.msk [tilespmem:v7+s15+$0x0], vm15;
	_ =	sdelay $0x5  }
0x267: {  	v10 =	vmax.f32 v10, v2  }
0x268: {  	[tilespmem:v7+s15+$0x0] =	vst.idx.msk vm15, v10  }
0x269: {  	v10 =	vld.idx.msk [tilespmem:v0+s15+$0x0], vm15;
	_ =	sdelay $0x5  }
0x26a: {  	v10 =	vmax.f32 v10, v5  }
0x26b: {  	[tilespmem:v0+s15+$0x0] =	vst.idx.msk vm15, v10  }
0x26c: {  	v10 =	vld.idx.msk [tilespmem:v1+s15+$0x0], vm15;
	_ =	sdelay $0x5  }
0x26d: {  	v10 =	vmax.f32 v10, v8  }
0x26e: {  	[tilespmem:v1+s15+$0x0] =	vst.idx.msk vm15, v10  }
0x26f: {  	v10 =	vld.idx.msk [tilespmem:v6+s15+$0x0], vm15;
	_ =	sdelay $0x1  }
.Ltmp1:
0x270: {  	vm0 =	veq.s32 v30, s20;
	(pc) =	sbr.rel @p0 .LBB2_6-.Ltmp1, $2  }
0x271: {  	_ =	sdelay $0x2  }
0x272: {  	v10 =	vmax.f32 v10, v9  }
0x273: {  	_ =	sdelay $0x4  }
0x274: {  	[tilespmem:v6+s15+$0x0] =	vst.idx.msk vm15, v10  }
0x275: {  	v10 =	vld.idx.msk [tilespmem:v3+s15+$0x0], vm0;
	_ =	sdelay $0x4  }
0x276: {  	v4 =	vmax.f32 v10, v4  }
0x277: {  	[tilespmem:v3+s15+$0x0] =	vst.idx.msk vm0, v4  }
0x278: {  	v3 =	vld.idx.msk [tilespmem:v26+s15+$0x0], vm0;
	_ =	sdelay $0x4  }
0x279: {  	v3 =	vmax.f32 v3, v18  }
0x27a: {  	[tilespmem:v26+s15+$0x0] =	vst.idx.msk vm0, v3  }
0x27b: {  	v3 =	vld.idx.msk [tilespmem:v27+s15+$0x0], vm0;
	_ =	sdelay $0x4  }
0x27c: {  	v3 =	vmax.f32 v3, v20  }
0x27d: {  	[tilespmem:v27+s15+$0x0] =	vst.idx.msk vm0, v3  }
0x27e: {  	v3 =	vld.idx.msk [tilespmem:v31+s15+$0x0], vm0;
	_ =	sdelay $0x4  }
0x27f: {  	v3 =	vmax.f32 v3, v25  }
0x280: {  	[tilespmem:v31+s15+$0x0] =	vst.idx.msk vm0, v3  }
0x281: {  	v3 =	vld.idx.msk [tilespmem:v13+s15+$0x0], vm0;
	_ =	sdelay $0x4  }
0x282: {  	v3 =	vmax.f32 v3, v28  }
0x283: {  	[tilespmem:v13+s15+$0x0] =	vst.idx.msk vm0, v3  }
0x284: {  	v3 =	vld.idx.msk [tilespmem:v7+s15+$0x0], vm0;
	_ =	sdelay $0x4  }
0x285: {  	v2 =	vmax.f32 v3, v2  }
0x286: {  	[tilespmem:v7+s15+$0x0] =	vst.idx.msk vm0, v2  }
0x287: {  	v2 =	vld.idx.msk [tilespmem:v0+s15+$0x0], vm0;
	_ =	sdelay $0x4  }
0x288: {  	v2 =	vmax.f32 v2, v5  }
0x289: {  	[tilespmem:v0+s15+$0x0] =	vst.idx.msk vm0, v2  }
0x28a: {  	v0 =	vld.idx.msk [tilespmem:v1+s15+$0x0], vm0;
	_ =	sdelay $0x4  }
0x28b: {  	v0 =	vmax.f32 v0, v8  }
0x28c: {  	[tilespmem:v1+s15+$0x0] =	vst.idx.msk vm0, v0  }
0x28d: {  	s18 =	sadd.s32 $0x1, s18;
	v0 =	vld.idx.msk [tilespmem:v6+s15+$0x0], vm0  }
0x28e: {  	p0 =	sne.s32 s18, $0x10  }
.Ltmp2:
0x28f: {  	_ = 	snop;
	(pc) =	sbr.rel @p0 .LBB2_5-.Ltmp2, $3  }
0x290: {  	_ =	sdelay $0x1  }
0x291: {  	v0 =	vmax.f32 v0, v9  }
0x292: {  	vm1 =	vmmov vm0;
	[tilespmem:v6+s15+$0x0] =	vst.idx.msk vm0, v0  }
0x293: {  	s17 =	sadd.s32 $0x1, s17  }
0x294: {  	p0 =	sne.s32 s17, $0x28  }
.Ltmp3:
0x295: {  	_ = 	snop;
	(pc) =	sbr.rel @p0 .LBB2_4-.Ltmp3, $1  }
0x296: {  	_ =	sdelay $0x3  }
0x297: {  	s16 =	rddreg [dreg:$0x14];
	s17 =	simm.s32 $0x400;
	s18 =	simm.s32 $0x80  }
0x298: {  	[hbm4b:s16+s18] =	stream.strided.scatter [tilespmem:s15], [sflag:$0x2], $0x16800, s17, s18, $0x38;
	[tilespmem:$0x19900] =	vst v63  }
0x299: {  	_ =	swait.ge [sflag:s12], $0x16800  }
0x29a: {  	s19 =	rddreg [dreg:$0x16]  }
0x29b: {  	s20 =	rddreg [dreg:$0x15];
	s17 =	sadd.s32 $0x1, s19  }
0x29c: {  	p0 =	sne.s32 s17, s20  }
.Ltmp4:
0x29d: {  	_ = 	snop;
	(pc) =	sbr.rel @p0 .LBB2_1-.Ltmp4, $3  }
0x29e: {  	_ =	sdelay $0x1  }
0x29f: {  	[sflag:s12] =	ssyncset.done $0x0  }
0x2a0: {  	v0 =	vimm.f32 $-1.000000020e+30;
	[sflag:s12] =	ssyncadd.s32 $0xFFFE9800  }
0x2a1: {  	_ =	sfence.sel $0x180000  }
0x2a2: {  	[bflag:$0x0] =	sbarrier.arrive $0xFFFF  }
0x2a3: {  	_ =	strace $0x9000004D  }
0x2a4: {  	s0 =	stileid.u32;
	[bflag:$0x2] =	sbarrier.arrive $0xFFFF  }
0x2a5: {  	p0 =	sne.s32 s0, $0x0;
	s0 =	rddreg [dreg:$0x1]  }
0x2a6: {  	s0 =	sadd.s32 @!p0 $0x100000, s0  }
0x2a7: {  	[sflag:s0] =	ssyncadd.tile.s32 @!p0 $0x1;
	_ =	shalt  }
.Lfunc_end2:
_tile_overlayer_lowered:
.L_overlay_start_2:
0x2a8: {  	(tag) =	ssettag $0x2  }
0x2a9: {  	s0 =	rddreg [dreg:$0x0];
	s2 =	stileid.u32  }
0x2aa: {  	s1 =	rddreg [dreg:$0x1];
	p0 =	sne.s32 s2, $0x0  }
0x2ab: {  	s3 =	rddreg [dreg:$0x2];
	[bflag:$0x3] =	sbarrier.arrive $0xFFFF;
	s2 =	simm.s32 @!p0 $0x1C02  }
0x2ac: {  	[timem:s3], [sflag:s2] =	dma.local @!p0 [hbm:s0], s1  }
0x2ad: {  	s0 =	simm.s32 @!p0 $0x2  }
0x2ae: {  	_ =	swait.ge @!p0 [sflag:s0], s1  }
0x2af: {  	s1 =	ssub.s32 @!p0 $0x0, s1;
	[sflag:s0] =	ssyncset.done @!p0 $0x0  }
0x2b0: {  	[sflag:s0] =	ssyncadd.s32 @!p0 s1  }
0x2b1: {  	[bflag:$0x3] =	sbarrier.arrive $0xFFFF  }
0x2b2: {  	_ =	shalt  }

// kernel: kernel.9.cloned.1.call-start
scs
__scs_entry_jumppad:
0x0: {  	(pc) =	sbr.rel $0x88, $3  }
0x1: {  	(tag) =	ssettag $0x0;
	lr =	simm.s32 $0x1  }
0x2: {  	[smem:$0x3F8C] =	sst lr;
	_ =	strace $0xD0000000  }
0x3: {  	_ = 	snop  }
0x4: {  	_ = 	snop  }
0x5: {  	_ = 	snop  }
0x6: {  	_ = 	snop  }
0x7: {  	_ = 	snop  }
__scs_overlays_trampoline_lowered:
0x8: {  	[smem:$0x3F9B] =	sst s0  }
0x9: {  	[smem:$0x3F9C] =	sst s1  }
0xa: {  	[smem:$0x3F9D] =	sst s2  }
0xb: {  	[smem:$0x3F9E] =	sst s3  }
0xc: {  	[smem:$0x3F9F] =	sst s4  }
0xd: {  	[smem:$0x3FA0] =	sst s5  }
0xe: {  	[smem:$0x3FA1] =	sst s6  }
0xf: {  	[smem:$0x3FA2] =	sst s7  }
0x10: {  	[smem:$0x3FA3] =	sst s8  }
0x11: {  	[smem:$0x3FA4] =	sst s9;
	s0 =	simm.s32 @!p0 $0x0  }
0x12: {  	s1 =	sld [smem:$0x3F8A];
	s0 =	simm.s32 @p0 $0x1  }
0x13: {  	[smem:$0x3FA5] =	sst s0;
	s0 =	simm.s32 @!p1 $0x0  }
0x14: {  	s2 =	sld [smem:$0x3F89];
	s0 =	simm.s32 @p1 $0x1  }
0x15: {  	[smem:$0x3FA6] =	sst s0;
	s0 =	simm.s32 @!p2 $0x0  }
0x16: {  	s3 =	sld [smem:$0x3FDB];
	s0 =	simm.s32 @p2 $0x1  }
0x17: {  	s4 =	simm.s32 $0x1BF5;
	[smem:$0x3FA8] =	sst s0  }
0x18: {  	s0 =	sld [smem:$0x3F8B];
	_ =	swait.ge [sflag:s4], $0x0  }
0x19: {  	s7 =	sld [smem:$0x3F8C]  }
0x1a: {  	s8 =	sadd.s32 $0xFFFFE003, lr  }
0x1b: {  	s9 =	sadd.s32 $0xFFFFFEF7, lr;
	s5 =	simm.s32 $0xFFFFFFFF;
	p2 =	slt.u32 s8, $0xFFFFF086  }
0x1c: {  	p1 =	slt.u32 s9, $0xF7A;
	s5 =	simm.s32 @!p2 $0x0  }
0x1d: {  	s5 =	simm.s32 @p1 $0x1;
	p0 =	seq.s32 s7, s2  }
0x1e: {  	s7 =	smul.u32 @!p0 $0xF7A, s2;
	p2 =	seq.s32 @!p0 s5, $0x0  }
0x1f: {  	s9 =	smul.u32 $0xF7A, s1;
	s8 =	simm.s32 @!p0 $0x1BF5;
	p2 =	por !p2, p0  }
0x20: {  	[sflag:s8] =	ssyncset.s32 @!p0 $0xFFFFF086;
	s6 =	sadd.s32 @!p0 s3, s7;
	s7 =	simm.s32 @!p0 $0x108  }
0x21: {  	s3 =	sadd.s32 s3, s9;
	s6 =	sadd.s32 @!p0 $0x88, s6;
	s7 =	simm.s32 @p2 $0x1082  }
0x22: {  	[simem:s7], [sflag:s8] =	dma.local @!p0 [hbm:s6], $0xF7A  }
0x23: {  	s9 =	sor.u32 $0xD0000000, s2;
	s6 =	simm.s32 $0x108;
	_ =	swait.ge @!p0 [sflag:s8], $0x0  }
0x24: {  	s3 =	sadd.s32 $0x88, s3;
	s6 =	simm.s32 @!p1 $0x1082;
	[sflag:s4] =	ssyncset.s32 $0xFFFFF086  }
0x25: {  	[simem:s6], [sflag:s4] =	dma.local [hbm:s3], $0xF7A  }
0x26: {  	[smem:$0x3F8C] =	sst s1;
	(tag) =	ssettag s2;
	_ =	strace s9  }
0x27: {  	s1 =	sld [smem:$0x3F9C]  }
0x28: {  	s2 =	sld [smem:$0x3F9D]  }
0x29: {  	s4 =	sld [smem:$0x3F9F]  }
0x2a: {  	p0 =	seq.s32 s5, $0x0;
	s5 =	sld [smem:$0x3FA0]  }
0x2b: {  	s6 =	sld [smem:$0x3FA1]  }
0x2c: {  	s7 =	sld [smem:$0x3FA2]  }
0x2d: {  	s3 =	simm.s32 $0x108;
	s8 =	sld [smem:$0x3FA3]  }
0x2e: {  	s3 =	simm.s32 @!p0 $0x1082;
	s9 =	sld [smem:$0x3FA4]  }
0x2f: {  	lr =	sadd.s32 s0, s3;
	s0 =	sld [smem:$0x3F9B]  }
0x30: {  	s3 =	sld [smem:$0x3F9E]  }
0x31: {  	[smem:$0x3FA7] =	sst s10  }
0x32: {  	s10 =	sld [smem:$0x3FA5];
	_ =	sdelay $0x3  }
0x33: {  	p0 =	seq.s32 s10, $0x1;
	s10 =	sld [smem:$0x3FA7];
	_ =	sdelay $0x3  }
0x34: {  	[smem:$0x3FA7] =	sst s10  }
0x35: {  	s10 =	sld [smem:$0x3FA6];
	_ =	sdelay $0x3  }
0x36: {  	p1 =	seq.s32 s10, $0x1;
	s10 =	sld [smem:$0x3FA7];
	_ =	sdelay $0x3  }
0x37: {  	[smem:$0x3FA7] =	sst s10  }
0x38: {  	s10 =	sld [smem:$0x3FA8]  }
0x39: {  	_ = 	snop;
	(pc) =	sbr.ind lr, $3  }
0x3a: {  	_ = 	snop  }
0x3b: {  	_ = 	snop  }
0x3c: {  	p2 =	seq.s32 s10, $0x1;
	s10 =	sld [smem:$0x3FA7]  }
0x3d: {  	_ =	shalt  }
0x3e: {  	_ =	shalt  }
0x3f: {  	_ =	shalt  }
0x40: {  	_ =	shalt  }
0x41: {  	_ =	shalt  }
0x42: {  	_ =	shalt  }
0x43: {  	_ =	shalt  }
0x44: {  	_ =	shalt  }
0x45: {  	_ =	shalt  }
0x46: {  	_ =	shalt  }
0x47: {  	_ =	shalt  }
0x48: {  	_ =	shalt  }
0x49: {  	_ =	shalt  }
0x4a: {  	_ =	shalt  }
0x4b: {  	_ =	shalt  }
0x4c: {  	_ =	shalt  }
0x4d: {  	_ =	shalt  }
0x4e: {  	_ =	shalt  }
0x4f: {  	_ =	shalt  }
0x50: {  	_ =	shalt  }
0x51: {  	_ =	shalt  }
0x52: {  	_ =	shalt  }
0x53: {  	_ =	shalt  }
0x54: {  	_ =	shalt  }
0x55: {  	_ =	shalt  }
0x56: {  	_ =	shalt  }
0x57: {  	_ =	shalt  }
0x58: {  	_ =	shalt  }
0x59: {  	_ =	shalt  }
0x5a: {  	_ =	shalt  }
0x5b: {  	_ =	shalt  }
0x5c: {  	_ =	shalt  }
0x5d: {  	_ =	shalt  }
0x5e: {  	_ =	shalt  }
0x5f: {  	_ =	shalt  }
0x60: {  	_ =	shalt  }
0x61: {  	_ =	shalt  }
0x62: {  	_ =	shalt  }
0x63: {  	_ =	shalt  }
0x64: {  	_ =	shalt  }
0x65: {  	_ =	shalt  }
0x66: {  	_ =	shalt  }
0x67: {  	_ =	shalt  }
0x68: {  	_ =	shalt  }
0x69: {  	_ =	shalt  }
0x6a: {  	_ =	shalt  }
0x6b: {  	_ =	shalt  }
0x6c: {  	_ =	shalt  }
0x6d: {  	_ =	shalt  }
0x6e: {  	_ =	shalt  }
0x6f: {  	_ =	shalt  }
0x70: {  	_ =	shalt  }
0x71: {  	_ =	shalt  }
0x72: {  	_ =	shalt  }
0x73: {  	_ =	shalt  }
0x74: {  	_ =	shalt  }
0x75: {  	_ =	shalt  }
0x76: {  	_ =	shalt  }
0x77: {  	_ =	shalt  }
0x78: {  	_ =	shalt  }
0x79: {  	_ =	shalt  }
0x7a: {  	_ =	shalt  }
0x7b: {  	_ =	shalt  }
0x7c: {  	_ =	shalt  }
0x7d: {  	_ =	shalt  }
0x7e: {  	_ =	shalt  }
0x7f: {  	_ =	shalt  }
0x80: {  	_ =	shalt  }
0x81: {  	_ =	shalt  }
0x82: {  	_ =	shalt  }
0x83: {  	_ =	shalt  }
0x84: {  	_ =	shalt  }
0x85: {  	_ =	shalt  }
0x86: {  	_ =	shalt  }
0x87: {  	_ =	shalt  }
.Lfunc_end0:
.L_simem_size_0:
called_computation_lowered:
.L_overlay_start_0:
0x88: {  	s2 =	sld [smem:$0x3FD9]  }
0x89: {  	s3 =	sld [smem:$0x3FFE];
	_ =	sdelay $0x1  }
0x8a: {  	s1 =	srdreg.scid  }
0x8b: {  	s0 =	sand.u32 $0x1, s1  }
0x8c: {  	s16 =	sshll.u32 s0, $0xA;
	s2 =	sadd.s32 s3, s2  }
0x8d: {  	s2 =	sadd.s32 s2, s16  }
0x8e: {  	[smem:$0x3FB3] =	sst s2  }
0x8f: {  	_ = 	snop  }
0x90: {  	(tm) =	ssettm $0x1  }
0x91: {  	s17 =	sld [smem:$0x3FFB];
	_ =	sdelay $0x3  }
0x92: {  	_ =	strace s17  }
0x93: {  	s2 =	sld [smem:$0x3FFC];
	_ =	sdelay $0x3  }
0x94: {  	_ =	strace s2  }
0x95: {  	s2 =	sld [smem:$0x3FFD];
	_ =	sdelay $0x3  }
0x96: {  	_ =	strace s2  }
0x97: {  	_ =	strace $0x8FFFFFFF  }
0x98: {  	s18 =	sld [smem:$0x3FDB];
	_ =	sdelay $0x1  }
0x99: {  	s19 =	simm.s32 $_scs_section_size  }
0x9a: {  	s4 =	simm.s32 $_size__tile_overlayer_lowered;
	s5 =	simm.s32 $_tile_overlayer_lowered  }
0x9b: {  	s22 =	simm.s32 $0x1BFF;
	s21 =	sshll.u32 s5, $0x1;
	s2 =	sadd.s32 s19, s18  }
0x9c: {  	s6 =	simm.s32 $0x0;
	s20 =	sshll.u32 s4, $0x1;
	s4 =	sadd.s32 s21, s2  }
0x9d: {  	[timem:s6], [sflag:s22] =	dma.local [hbm:s4], s20  }
0x9e: {  	_ =	swait.ge [sflag:s22], s20  }
0x9f: {  	s3 =	ssub.s32 $0x0, s20;
	[sflag:s22] =	ssyncset.done $0x0  }
0xa0: {  	[sflag:s22] =	ssyncadd.s32 s3;
	_ =	sdelay $0x1  }
0xa1: {  	s23 =	simm.s32 $0x1B8B  }
0xa2: {  	_ =	swait.ge [sflag:s23], $0x1  }
0xa3: {  	[sflag:s23] =	ssyncset.done $0x0  }
0xa4: {  	s25 =	simm.s32 $0x1B8E;
	s24 =	sld [smem:$0x3FFE];
	[sflag:s23] =	ssyncadd.s32 $0xFFFFFFFF  }
0xa5: {  	s26 =	simm.s32 $execute0_lowered;
	[smem:$0x3FD2] =	sst s25  }
0xa6: {  	s4 =	sshll.u32 s26, $0x1;
	_ =	strace $0x80000046;
	[dreg:$0x1] =	wrdreg $0xFFFFFFFF  }
0xa7: {  	s28 =	simm.s32 $_size_execute0_lowered;
	s2 =	sadd.s32 s2, s4;
	[dreg:$0x0] =	wrdreg $0x0  }
0xa8: {  	s4 =	sshll.u32 s28, $0x1;
	[dreg:$0x2] =	wrdreg s2  }
0xa9: {  	[dreg:$0x3] =	wrdreg s4  }
0xaa: {  	[dreg:$0x4] =	wrdreg $0xC0  }
0xab: {  	_ =	task [dreg:s6], $0x5FFFF  }
0xac: {  	[dreg:$0x1] =	wrdreg $0xFFFFFFFF  }
0xad: {  	[dreg:$0x0] =	wrdreg $0x60  }
0xae: {  	[dreg:$0x2] =	wrdreg s24  }
0xaf: {  	[dreg:$0x3] =	wrdreg $0x9  }
0xb0: {  	_ =	task.clear_ibuf [dreg:s6], $0x4FFFF;
	_ =	strace $0x90000046  }
0xb1: {  	s29 =	simm.s32 $0x9;
	_ =	strace $0x80000048  }
0xb2: {  	_ =	swait.ge [sflag:s29], $0x1  }
0xb3: {  	[sflag:s29] =	ssyncadd.s32 $0xFFFFFFFF  }
0xb4: {  	_ =	strace $0x90000048  }
0xb5: {  	_ =	sfence  }
0xb6: {  	s30 =	sld [smem:$0x0];
	_ =	sdelay $0x2  }
0xb7: {  	s31 =	sshll.u32 s1, $0xD;
	s1 =	sshrl.u32 s1, $0x2  }
0xb8: {  	s3 =	sand.u32 $0x4000, s31;
	s1 =	sadd.s32 s1, s30  }
0xb9: {  	s0 =	sor.u32 s3, s0;
	s1 =	sshll.u32 s1, $0x11  }
0xba: {  	s0 =	sor.u32 s1, s0  }
0xbb: {  	s0 =	sadd.s32 $0x8F2B, s0  }
0xbc: {  	[sflag:s0] =	ssyncadd.remote.s32 $0x1  }
0xbd: {  	_ =	sfence.sel $0xFFFF  }
0xbe: {  	[dreg:$0x0] =	wrdreg $0xFFFFFFFF;
	(pc) =	sbr.abs _section_cstart, $3  }
0xbf: {  	[dreg:$0x1] =	wrdreg $0xFFFFFFFF  }
0xc0: {  	_ =	task.clear_ibuf [dreg:s6], $0x2FFFF;
	_ =	strace $0x9FFFFFFF  }
0xc1: {  	(tm) =	ssettm $0x7FFFFFFF  }
tec
execute0_lowered:
.L_overlay_start_1:
0x0: {  	(tag) =	ssettag $0x1  }
0x1: {  	s0 =	rddreg [dreg:$0x0]  }
0x2: {  	s1 =	srdreg.scid;
	s3 =	stileid.u32;
	s4 =	simm.s32 $0x0  }
0x3: {  	s22 =	simm.s32 $0x2;
	s23 =	simm.s32 $0x100;
	s29 =	simm.s32 $0x400  }
0x4: {  	s31 =	simm.s32 $0x500;
	s21 =	simm.s32 $0x700;
	s19 =	simm.s32 $0x1  }
0x5: {  	s20 =	simm.s32 $0xF80;
	s1 =	sand.u32 $0x1, s1;
	s2 =	sshll.u32 s3, $0x1  }
0x6: {  	s3 =	sshrl.u32 s3, $0x2;
	[smem:$0x7FF] =	sst s4;
	s4 =	sadd.s32 $0x5000, s0  }
0x7: {  	s5 =	sadd.s32 $0x7000, s0;
	s8 =	sadd.s32 $0x6E00, s0;
	s9 =	sadd.s32 $0x3700, s0  }
0x8: {  	s10 =	sadd.s32 $0x5500, s0;
	s11 =	sadd.s32 $0x3C00, s0;
	s12 =	sadd.s32 $0x5A00, s0  }
0x9: {  	s13 =	sadd.s32 $0x4100, s0;
	s14 =	sadd.s32 $0x5F00, s0;
	s15 =	sadd.s32 $0x4600, s0  }
0xa: {  	s16 =	sadd.s32 $0x6400, s0;
	s17 =	sadd.s32 $0x4B00, s0;
	s18 =	sadd.s32 $0x6900, s0  }
0xb: {  	s2 =	sor.u32 s1, s2;
	s6 =	smul.u32 $0x3C000, s3;
	_ =	strace $0x80000047  }
0xc: {  	s3 =	sadd.s32 $0x3200, s0;
	s1 =	ssub.s32 $0x2, s1;
	s25 =	sshll.u32 s2, $0x7  }
0xd: {  	v0 =	vimm.s32 $0xFFFFFFFF;
	v1 =	vimm.f32 $-1.000000020e+30;
	[dreg:$0x2] =	wrdreg s8;
	s26 =	sshrl.u32 s1, $0x1;
	s7 =	sand.u32 $0x380, s25  }
0xe: {  	v2 =	vimm.s32 $0x0;
	vm1 =	vcmask $0x3F08;
	vm2 =	vcmask $0x3F0C;
	s8 =	smul.u32 $0x2800, s2;
	s2 =	simm.s32 $0xC00;
	s7 =	sor.u32 s6, s7  }
0xf: {  	vm3 =	vcmask $0x3F10;
	vm4 =	vcmask $0x3F14;
	vm5 =	vcmask $0x3F18;
	s1 =	ssub.s32 s1, s26;
	s25 =	simm.s32 $0x0;
	s7 =	sshrl.u32 s7, $0x3  }
0x10: {  	vm6 =	vcmask $0x3F1C;
	vm7 =	vcmask $0x3F20;
	vm8 =	vcmask $0x3F24;
	s6 =	sadd.s32 $0x11000, s0;
	s30 =	smax.u32 s1, $0x1;
	s7 =	sadd.s32 s7, s0  }
0x11: {  	vm9 =	vcmask $0x3F28;
	vm10 =	vcmask $0x3F2C;
	vm11 =	vcmask $0x3F30;
	s1 =	simm.s32 $0x600;
	[dreg:$0x4] =	wrdreg s30;
	s28 =	sadd.s32 $0x1B000, s7  }
0x12: {  	vm12 =	vcmask $0x3F34;
	vm13 =	vcmask $0x3F38;
	vm14 =	vcmask $0x3F3C;
	s0 =	simm.s32 $0xB00;
	s7 =	simm.s32 $0xD00;
	[dreg:$0x3] =	wrdreg s28  }
.LBB2_1:
0x13: {  	[dreg:$0x5] =	wrdreg s25  }
0x14: {  	s24 =	simm.s32 $0x0;
	s30 =	rddreg [dreg:$0x2];
	s26 =	simm.s32 $0xE00  }
0x15: {  	[tilespmem:s26], [sflag:$0x2] =	stream.linear.gather [hbm4b:s30+s24], $0x180, $0x38;
	[tilespmem:$0x8800] =	vst v63  }
0x16: {  	_ =	swait.ge [sflag:s22], $0x180  }
0x17: {  	[sflag:s22] =	ssyncset.done $0x0  }
0x18: {  	[sflag:s22] =	ssyncadd.s32 $0xFFFFFE80  }
0x19: {  	s25 =	simm.s32 $0x0;
	s24 =	simm.s32 $0x40;
	[tilespmem:$0x8780] =	vst v0  }
.LBB2_2:
0x1a: {  	p0 =	sne.s32 s24, $0x1DFC0;
	[tilespmem:s25+$0xF80] =	vst v1;
	s25 =	smov.u32 s24;
	s24 =	sadd.s32 $0x40, s24  }
.Ltmp0:
0x1b: {  	(pc) =	sbr.rel @p0 .LBB2_2-.Ltmp0, $2  }
0x1c: {  	_ =	sdelay $0x2  }
0x1d: {  	s25 =	sshra.s32 s25, $0x2  }
0x1e: {  	[tilespmem:s25+$0xF80] =	vst v1;
	s24 =	simm.s32 $0x0;
	s25 =	simm.s32 $0x0  }
.LBB2_4:
0x1f: {  	s26 =	sshll.u32 s25, $0x8  }
0x20: {  	s26 =	sadd.s32 s8, s26  }
0x21: {  	s26 =	sshrl.u32 s26, $0x3  }
0x22: {  	s28 =	sadd.s32 s5, s26  }
0x23: {  	[tilespmem:s24], [sflag:$0x2] =	stream.linear.gather [hbm4b:s28+s24], $0x100, $0x38;
	[tilespmem:$0x8800] =	vst v63  }
0x24: {  	_ =	swait.ge [sflag:s22], $0x100  }
0x25: {  	[sflag:s22] =	ssyncset.done $0x0  }
0x26: {  	s26 =	sadd.s32 s6, s26;
	[sflag:s22] =	ssyncadd.s32 $0xFFFFFF00  }
0x27: {  	[tilespmem:s23], [sflag:$0x2] =	stream.linear.gather [hbm4b:s26+s24], $0x100, $0x38;
	[tilespmem:$0x8800] =	vst v63  }
0x28: {  	_ =	swait.ge [sflag:s22], $0x100  }
0x29: {  	[sflag:s22] =	ssyncset.done $0x0  }
0x2a: {  	s30 =	simm.s32 $0x200;
	[sflag:s22] =	ssyncadd.s32 $0xFFFFFF00  }
0x2b: {  	[tilespmem:s30], [sflag:$0x1] =	stream.indirect.gather [hbm4b:s3+s23], $0x1, s24, s23, $0xb8;
	[tilespmem:$0x8800] =	vst v63  }
0x2c: {  	s28 =	simm.s32 $0x800  }
0x2d: {  	[tilespmem:s28], [sflag:$0x1] =	stream.indirect.gather [hbm4b:s4+s23], $0x1, s23, s23, $0xb8;
	[tilespmem:$0x8800] =	vst v63  }
0x2e: {  	s30 =	simm.s32 $0x300  }
0x2f: {  	[tilespmem:s30], [sflag:$0x1] =	stream.indirect.gather [hbm4b:s9+s23], $0x1, s24, s23, $0xb8;
	[tilespmem:$0x8800] =	vst v63  }
0x30: {  	s28 =	simm.s32 $0x900  }
0x31: {  	[tilespmem:s28], [sflag:$0x1] =	stream.indirect.gather [hbm4b:s10+s23], $0x1, s23, s23, $0xb8;
	[tilespmem:$0x8800] =	vst v63  }
0x32: {  	_ = 	snop  }
0x33: {  	[tilespmem:s29], [sflag:$0x1] =	stream.indirect.gather [hbm4b:s11+s23], $0x1, s24, s23, $0xb8;
	[tilespmem:$0x8800] =	vst v63  }
0x34: {  	s30 =	simm.s32 $0xA00  }
0x35: {  	[tilespmem:s30], [sflag:$0x1] =	stream.indirect.gather [hbm4b:s12+s23], $0x1, s23, s23, $0xb8;
	[tilespmem:$0x8800] =	vst v63  }
0x36: {  	_ = 	snop  }
0x37: {  	[tilespmem:s31], [sflag:$0x1] =	stream.indirect.gather [hbm4b:s13+s23], $0x1, s24, s23, $0xb8;
	[tilespmem:$0x8800] =	vst v63  }
0x38: {  	_ = 	snop  }
0x39: {  	[tilespmem:s0], [sflag:$0x1] =	stream.indirect.gather [hbm4b:s14+s23], $0x1, s23, s23, $0xb8;
	[tilespmem:$0x8800] =	vst v63  }
0x3a: {  	_ = 	snop  }
0x3b: {  	[tilespmem:s1], [sflag:$0x1] =	stream.indirect.gather [hbm4b:s15+s23], $0x1, s24, s23, $0xb8;
	[tilespmem:$0x8800] =	vst v63  }
0x3c: {  	_ = 	snop  }
0x3d: {  	[tilespmem:s2], [sflag:$0x1] =	stream.indirect.gather [hbm4b:s16+s23], $0x1, s23, s23, $0xb8;
	[tilespmem:$0x8800] =	vst v63  }
0x3e: {  	_ = 	snop  }
0x3f: {  	[tilespmem:s21], [sflag:$0x1] =	stream.indirect.gather [hbm4b:s17+s23], $0x1, s24, s23, $0xb8;
	[tilespmem:$0x8800] =	vst v63  }
0x40: {  	_ = 	snop  }
0x41: {  	[tilespmem:s7], [sflag:$0x1] =	stream.indirect.gather [hbm4b:s18+s23], $0x1, s23, s23, $0xb8;
	[tilespmem:$0x8800] =	vst v63  }
0x42: {  	_ =	swait.ge [sflag:s19], $0x100  }
0x43: {  	[sflag:s19] =	ssyncset.done $0x0  }
0x44: {  	[sflag:s19] =	ssyncadd.s32 $0xFFFFFF00  }
0x45: {  	_ =	swait.ge [sflag:s19], $0x100  }
0x46: {  	[sflag:s19] =	ssyncset.done $0x0  }
0x47: {  	[sflag:s19] =	ssyncadd.s32 $0xFFFFFF00  }
0x48: {  	_ =	swait.ge [sflag:s19], $0x100  }
0x49: {  	[sflag:s19] =	ssyncset.done $0x0  }
0x4a: {  	[sflag:s19] =	ssyncadd.s32 $0xFFFFFF00  }
0x4b: {  	_ =	swait.ge [sflag:s19], $0x100  }
0x4c: {  	[sflag:s19] =	ssyncset.done $0x0  }
0x4d: {  	[sflag:s19] =	ssyncadd.s32 $0xFFFFFF00  }
0x4e: {  	_ =	swait.ge [sflag:s19], $0x100  }
0x4f: {  	[sflag:s19] =	ssyncset.done $0x0  }
0x50: {  	[sflag:s19] =	ssyncadd.s32 $0xFFFFFF00  }
0x51: {  	_ =	swait.ge [sflag:s19], $0x100  }
0x52: {  	[sflag:s19] =	ssyncset.done $0x0  }
0x53: {  	[sflag:s19] =	ssyncadd.s32 $0xFFFFFF00  }
0x54: {  	_ =	swait.ge [sflag:s19], $0x100  }
0x55: {  	[sflag:s19] =	ssyncset.done $0x0  }
0x56: {  	[sflag:s19] =	ssyncadd.s32 $0xFFFFFF00  }
0x57: {  	_ =	swait.ge [sflag:s19], $0x100  }
0x58: {  	[sflag:s19] =	ssyncset.done $0x0  }
0x59: {  	[sflag:s19] =	ssyncadd.s32 $0xFFFFFF00  }
0x5a: {  	_ =	swait.ge [sflag:s19], $0x100  }
0x5b: {  	[sflag:s19] =	ssyncset.done $0x0  }
0x5c: {  	[sflag:s19] =	ssyncadd.s32 $0xFFFFFF00  }
0x5d: {  	_ =	swait.ge [sflag:s19], $0x100  }
0x5e: {  	[sflag:s19] =	ssyncset.done $0x0  }
0x5f: {  	[sflag:s19] =	ssyncadd.s32 $0xFFFFFF00  }
0x60: {  	_ =	swait.ge [sflag:s19], $0x100  }
0x61: {  	[sflag:s19] =	ssyncset.done $0x0  }
0x62: {  	[sflag:s19] =	ssyncadd.s32 $0xFFFFFF00  }
0x63: {  	_ =	swait.ge [sflag:s19], $0x100  }
0x64: {  	[sflag:s19] =	ssyncset.done $0x0  }
0x65: {  	s26 =	simm.s32 $0x0;
	[sflag:s19] =	ssyncadd.s32 $0xFFFFFF00  }
.LBB2_5:
0x66: {  	s28 =	sshll.u32 s26, $0x4  }
0x67: {  	v3 =	vld [tilespmem:s28+$0x100];
	_ =	sdelay $0x4  }
0x68: {  	v4 =	vbroadcast v3, $0x0  }
0x69: {  	v5 =	vbroadcast v3, $0x1  }
0x6a: {  	vm15 =	vcmask $0x3F04;
	vm0 =	veq.s32 v3, v4  }
0x6b: {  	v4 =	vbroadcast v3, $0x2;
	vm0 =	vmand vm0, vm15;
	vm15 =	veq.s32 v3, v5  }
0x6c: {  	v5 =	vsel vm0, $0x1, v2;
	vm0 =	vmand vm15, vm1  }
0x6d: {  	v6 =	vsel vm0, $0x1, v2;
	vm0 =	veq.s32 v3, v4;
	v4 =	vbroadcast v3, $0x3  }
0x6e: {  	v5 =	vadd.s32 v6, v5;
	vm0 =	vmand vm0, vm2  }
0x6f: {  	v6 =	vsel vm0, $0x1, v2;
	vm0 =	veq.s32 v3, v4;
	v4 =	vbroadcast v3, $0x4  }
0x70: {  	v5 =	vadd.s32 v6, v5;
	vm0 =	vmand vm0, vm3  }
0x71: {  	v6 =	vsel vm0, $0x1, v2;
	vm0 =	veq.s32 v3, v4;
	v4 =	vbroadcast v3, $0x5  }
0x72: {  	v5 =	vadd.s32 v6, v5;
	vm0 =	vmand vm0, vm4  }
0x73: {  	v8 =	vsel vm0, $0x1, v2;
	vm0 =	veq.s32 v3, v4;
	v4 =	vbroadcast v3, $0x6  }
0x74: {  	v5 =	vadd.s32 v8, v5;
	vm0 =	vmand vm0, vm5  }
0x75: {  	v17 =	vld [tilespmem:$0xE00];
	v8 =	vsel vm0, $0x1, v2;
	vm0 =	veq.s32 v3, v4;
	v4 =	vbroadcast v3, $0x7  }
0x76: {  	v7 =	vld [tilespmem:s28+$0x200];
	v5 =	vadd.s32 v8, v5;
	vm0 =	vmand vm0, vm6  }
0x77: {  	v6 =	vld [tilespmem:s28+$0x800];
	v10 =	vsel vm0, $0x1, v2;
	vm0 =	veq.s32 v3, v4;
	v4 =	vbroadcast v3, $0x8  }
0x78: {  	v18 =	vld [tilespmem:$0xE30];
	v46 =	vbroadcast v3, $0xD;
	v5 =	vadd.s32 v10, v5;
	vm0 =	vmand vm0, vm7  }
0x79: {  	v20 =	vld [tilespmem:$0xE60];
	v11 =	vsel vm0, $0x1, v2;
	vm0 =	veq.s32 v3, v4;
	v4 =	vbroadcast v3, $0x9  }
0x7a: {  	v9 =	vld [tilespmem:s28+$0x300];
	vm15 =	veq.s32 v3, v46;
	v5 =	vadd.s32 v11, v5;
	vm0 =	vmand vm0, vm8  }
0x7b: {  	v8 =	vld [tilespmem:s28+$0x900];
	v13 =	vsel vm0, $0x1, v2;
	vm0 =	veq.s32 v3, v4;
	v4 =	vbroadcast v3, $0xA  }
0x7c: {  	v47 =	vld [tilespmem:$0xE90];
	v6 =	vsub.f32 v7, v6;
	v5 =	vadd.s32 v13, v5;
	vm0 =	vmand vm0, vm9  }
0x7d: {  	v21 =	vld [tilespmem:$0xEC0];
	v14 =	vsel vm0, $0x1, v2;
	vm0 =	veq.s32 v3, v4;
	v4 =	vbroadcast v3, $0xB  }
0x7e: {  	v49 =	vld [tilespmem:$0xE10];
	v12 =	vmax.f32 v6, $0.0e+00;
	v5 =	vadd.s32 v14, v5;
	vm0 =	vmand vm0, vm10  }
0x7f: {  	v7 =	vld [tilespmem:s28+$0x400];
	v16 =	vsel vm0, $0x1, v2;
	vm0 =	veq.s32 v3, v4;
	v4 =	vbroadcast v3, $0xC  }
0x80: {  	v10 =	vld [tilespmem:s28+$0xA00];
	v8 =	vsub.f32 v9, v8;
	v5 =	vadd.s32 v16, v5;
	vm0 =	vmand vm0, vm11  }
0x81: {  	v6 =	vld [tilespmem:s28+$0x500];
	v19 =	vsel vm0, $0x1, v2;
	vm0 =	veq.s32 v3, v4;
	v4 =	vbroadcast v3, $0xE  }
0x82: {  	v11 =	vld [tilespmem:s28+$0xB00];
	v8 =	vmax.f32 v8, $0.0e+00;
	v5 =	vadd.s32 v19, v5;
	vm0 =	vmand vm0, vm12  }
0x83: {  	v44 =	vld [tilespmem:s28+$0xC00];
	v48 =	vsel vm0, $0x1, v2;
	vm0 =	vmand vm15, vm13;
	vm15 =	veq.s32 v3, v4  }
0x84: {  	v9 =	vld [tilespmem:s28+$0x600];
	v4 =	vadd.s32 v48, v5;
	v5 =	vsel vm0, $0x1, v2;
	vm0 =	vmand vm15, vm14  }
0x85: {  	v15 =	vld [tilespmem:s28+$0x700];
	v7 =	vsub.f32 v7, v10;
	v4 =	vadd.s32 v5, v4;
	v5 =	vsel vm0, $0x1, v2  }
0x86: {  	v45 =	vld [tilespmem:s28+$0xD00];
	v17 =	vmul.f32 v17, v12;
	s28 =	simm.s32 $0x0;
	v18 =	vmul.f32 v18, v8;
	v4 =	vadd.s32 v5, v4  }
0x87: {  	v51 =	vld [tilespmem:$0xE70];
	v7 =	vmax.f32 v7, $0.0e+00;
	v5 =	vsub.f32 v6, v11;
	vm0 =	veq.s32 v4, s28  }
0x88: {  	v50 =	vmul.f32 v20, v7;
	v6 =	vld [tilespmem:$0xE40];
	v11 =	vadd.f32 v18, v17  }
0x89: {  	v10 =	vld [tilespmem:$0xEF0];
	v52 =	vmax.f32 v5, $0.0e+00;
	v5 =	vsub.f32 v9, v44  }
0x8a: {  	v55 =	vld [tilespmem:$0xED0];
	v11 =	vadd.f32 v50, v11;
	v54 =	vmul.f32 v47, v52  }
0x8b: {  	v57 =	vld [tilespmem:$0xF00];
	v53 =	vsub.f32 v15, v45;
	v56 =	vmax.f32 v5, $0.0e+00  }
0x8c: {  	v9 =	vld [tilespmem:$0xEA0];
	v5 =	vadd.f32 v54, v11;
	v11 =	vmul.f32 v21, v56  }
0x8d: {  	v13 =	vmax.f32 v53, $0.0e+00;
	v19 =	vmul.f32 v49, v12;
	v6 =	vmul.f32 v6, v8;
	v59 =	vld.idx.msk [tilespmem:v3+s20+$0x0], vm0  }
0x8e: {  	v58 =	vld [tilespmem:$0xE20];
	v10 =	vmul.f32 v10, v13;
	v11 =	vadd.f32 v11, v5  }
0x8f: {  	v22 =	vld [tilespmem:$0xE50];
	v18 =	vmul.f32 v51, v7;
	v19 =	vadd.f32 v6, v19;
	v5 =	vadd.s32 $0x2800, v3  }
0x90: {  	v23 =	vld [tilespmem:$0xE80];
	v6 =	vadd.f32 v10, v11  }
0x91: {  	v60 =	vld [tilespmem:$0xEE0];
	v9 =	vmul.f32 v9, v52;
	v11 =	vadd.f32 v18, v19  }
0x92: {  	v61 =	vld [tilespmem:$0xF10];
	v21 =	vmax.f32 v59, v6  }
0x93: {  	v10 =	vld [tilespmem:$0xEB0];
	v9 =	vadd.f32 v9, v11;
	v11 =	vmul.f32 v55, v56;
	[tilespmem:v3+s20+$0x0] =	vst.idx.msk vm0, v21  }
0x94: {  	v12 =	vmul.f32 v58, v12;
	v8 =	vmul.f32 v22, v8;
	v62 =	vld.idx.msk [tilespmem:v5+s20+$0x0], vm0  }
0x95: {  	v9 =	vadd.f32 v11, v9;
	v11 =	vmul.f32 v57, v13  }
0x96: {  	v63 =	vmul.f32 v23, v7;
	v7 =	vadd.s32 $0x5000, v3;
	v12 =	vadd.f32 v8, v12  }
0x97: {  	v8 =	vadd.f32 v11, v9  }
0x98: {  	v10 =	vmul.f32 v10, v52;
	v9 =	vadd.f32 v63, v12  }
0x99: {  	v11 =	vmax.f32 v62, v8  }
0x9a: {  	v9 =	vadd.f32 v10, v9;
	v10 =	vmul.f32 v60, v56;
	[tilespmem:v5+s20+$0x0] =	vst.idx.msk vm0, v11  }
0x9b: {  	vm15 =	vmmov vm0;
	v11 =	vld.idx.msk [tilespmem:v7+s20+$0x0], vm0  }
0x9c: {  	v9 =	vadd.f32 v10, v9;
	v10 =	vmul.f32 v61, v13;
	_ =	sdelay $0x1  }
0x9d: {  	v9 =	vadd.f32 v10, v9  }
0x9e: {  	s30 =	simm.s32 $0x1  }
0x9f: {  	s28 =	simm.s32 $0x2;
	vm0 =	veq.s32 v4, s30;
	v10 =	vmax.f32 v11, v9  }
.LBB2_6:
0xa0: {  	p0 =	sne.s32 s28, $0xF;
	[tilespmem:v7+s20+$0x0] =	vst.idx.msk vm15, v10;
	vm15 =	vmmov vm0;
	s30 =	smov.u32 s28;
	s28 =	sadd.s32 $0x1, s28  }
0xa1: {  	v10 =	vld.idx.msk [tilespmem:v3+s20+$0x0], vm0;
	_ =	sdelay $0x5  }
0xa2: {  	v10 =	vmax.f32 v10, v6  }
0xa3: {  	[tilespmem:v3+s20+$0x0] =	vst.idx.msk vm0, v10  }
0xa4: {  	v10 =	vld.idx.msk [tilespmem:v5+s20+$0x0], vm0;
	_ =	sdelay $0x5  }
0xa5: {  	v10 =	vmax.f32 v10, v8  }
0xa6: {  	[tilespmem:v5+s20+$0x0] =	vst.idx.msk vm0, v10  }
0xa7: {  	v10 =	vld.idx.msk [tilespmem:v7+s20+$0x0], vm0;
	_ =	sdelay $0x1  }
.Ltmp1:
0xa8: {  	vm0 =	veq.s32 v4, s30;
	(pc) =	sbr.rel @p0 .LBB2_6-.Ltmp1, $2  }
0xa9: {  	_ =	sdelay $0x2  }
0xaa: {  	v10 =	vmax.f32 v10, v9  }
0xab: {  	_ =	sdelay $0x4  }
0xac: {  	[tilespmem:v7+s20+$0x0] =	vst.idx.msk vm15, v10  }
0xad: {  	v4 =	vld.idx.msk [tilespmem:v3+s20+$0x0], vm0;
	_ =	sdelay $0x4  }
0xae: {  	v4 =	vmax.f32 v4, v6  }
0xaf: {  	[tilespmem:v3+s20+$0x0] =	vst.idx.msk vm0, v4  }
0xb0: {  	v3 =	vld.idx.msk [tilespmem:v5+s20+$0x0], vm0;
	_ =	sdelay $0x4  }
0xb1: {  	v3 =	vmax.f32 v3, v8  }
0xb2: {  	[tilespmem:v5+s20+$0x0] =	vst.idx.msk vm0, v3  }
0xb3: {  	s26 =	sadd.s32 $0x1, s26;
	v3 =	vld.idx.msk [tilespmem:v7+s20+$0x0], vm0  }
0xb4: {  	p0 =	sne.s32 s26, $0x10  }
.Ltmp2:
0xb5: {  	_ = 	snop;
	(pc) =	sbr.rel @p0 .LBB2_5-.Ltmp2, $3  }
0xb6: {  	_ =	sdelay $0x1  }
0xb7: {  	v3 =	vmax.f32 v3, v9  }
0xb8: {  	vm15 =	vmmov vm0;
	[tilespmem:v7+s20+$0x0] =	vst.idx.msk vm0, v3  }
0xb9: {  	s25 =	sadd.s32 $0x1, s25  }
0xba: {  	p0 =	sne.s32 s25, $0x28  }
.Ltmp3:
0xbb: {  	_ = 	snop;
	(pc) =	sbr.rel @p0 .LBB2_4-.Ltmp3, $1  }
0xbc: {  	_ =	sdelay $0x3  }
0xbd: {  	s24 =	rddreg [dreg:$0x3];
	s25 =	simm.s32 $0x80  }
0xbe: {  	[hbm4b:s24+s25] =	stream.strided.scatter [tilespmem:s20], [sflag:$0x2], $0x7800, s29, s25, $0x38;
	[tilespmem:$0x8800] =	vst v63  }
0xbf: {  	_ =	swait.ge [sflag:s22], $0x7800  }
0xc0: {  	s28 =	rddreg [dreg:$0x5]  }
0xc1: {  	s30 =	rddreg [dreg:$0x4];
	s25 =	sadd.s32 $0x1, s28  }
0xc2: {  	p0 =	sne.s32 s25, s30  }
.Ltmp4:
0xc3: {  	_ = 	snop;
	(pc) =	sbr.rel @p0 .LBB2_1-.Ltmp4, $3  }
0xc4: {  	_ =	sdelay $0x1  }
0xc5: {  	[sflag:s22] =	ssyncset.done $0x0  }
0xc6: {  	[sflag:s22] =	ssyncadd.s32 $0xFFFF8800  }
0xc7: {  	_ =	sfence.sel $0x180000  }
0xc8: {  	[bflag:$0x0] =	sbarrier.arrive $0xFFFF  }
0xc9: {  	_ =	strace $0x90000047  }
0xca: {  	s0 =	stileid.u32;
	[bflag:$0x2] =	sbarrier.arrive $0xFFFF  }
0xcb: {  	p0 =	sne.s32 s0, $0x0;
	s0 =	rddreg [dreg:$0x1]  }
0xcc: {  	s0 =	sadd.s32 @!p0 $0x100000, s0  }
0xcd: {  	[sflag:s0] =	ssyncadd.tile.s32 @!p0 $0x1;
	_ =	shalt  }
.Lfunc_end2:
_tile_overlayer_lowered:
.L_overlay_start_2:
0xce: {  	(tag) =	ssettag $0x2  }
0xcf: {  	s0 =	rddreg [dreg:$0x0];
	s2 =	stileid.u32  }
0xd0: {  	s1 =	rddreg [dreg:$0x1];
	p0 =	sne.s32 s2, $0x0  }
0xd1: {  	s3 =	rddreg [dreg:$0x2];
	[bflag:$0x3] =	sbarrier.arrive $0xFFFF;
	s2 =	simm.s32 @!p0 $0x1C02  }
0xd2: {  	[timem:s3], [sflag:s2] =	dma.local @!p0 [hbm:s0], s1  }
0xd3: {  	s0 =	simm.s32 @!p0 $0x2  }
0xd4: {  	_ =	swait.ge @!p0 [sflag:s0], s1  }
0xd5: {  	s1 =	ssub.s32 @!p0 $0x0, s1;
	[sflag:s0] =	ssyncset.done @!p0 $0x0  }
0xd6: {  	[sflag:s0] =	ssyncadd.s32 @!p0 s1  }
0xd7: {  	[bflag:$0x3] =	sbarrier.arrive $0xFFFF  }
0xd8: {  	_ =	shalt  }

</sc_bundles>
